<compile_context>
chip_gen: v7x
topology: tpu7x:2x2x1
jax: 0.10.2.dev20260603
libtpu: 0.0.44.dev20260713+nightly
codegen_flags: <defaults>
</compile_context>

<pallas_src>
import functools

import jax
import jax.numpy as jnp
from jax import lax
from jax.experimental import pallas as pl
from jax.experimental.pallas import tpu as pltpu
from jax.experimental.pallas import tpu_sc as plsc

VOCAB = 1000000
DIM = 32
B = 4096
L = 50
NC = 2
NS = 16
NW = NC * NS
CH = B // NW
STEPS = L

TBLK = 4096

_mesh = plsc.VectorSubcoreMesh(core_axis_name="c", subcore_axis_name="s")


def _tr_body(st, it, jt, kt, so, io, jo, ko):
    so[...] = jnp.transpose(st[...])
    io[...] = jnp.transpose(it[...])
    jo[...] = jnp.transpose(jt[...])
    ko[...] = jnp.transpose(kt[...])


_transpose_tables = pl.pallas_call(
    _tr_body,
    grid=(pl.cdiv(VOCAB, TBLK),),
    in_specs=[pl.BlockSpec((DIM, TBLK), lambda i: (0, i))] * 4,
    out_specs=[pl.BlockSpec((TBLK, DIM), lambda i: (i, 0))] * 4,
    out_shape=[jax.ShapeDtypeStruct((VOCAB, DIM), jnp.float32)] * 4,
)


@functools.partial(
    pl.kernel,
    out_type=jax.ShapeDtypeStruct((L, DIM, 4 * B), jnp.float32),
    mesh=_mesh,
    scratch_types=[
        pltpu.VMEM((CH,), jnp.int32),
        [[pltpu.VMEM((CH // 2, DIM), jnp.float32) for _ in range(4)]
         for _ in range(2)],
        pltpu.VMEM((DIM, 4, CH), jnp.float32),
        [pltpu.SemaphoreType.DMA for _ in range(2)],
        pltpu.SemaphoreType.DMA,
    ],
    compiler_params=pltpu.CompilerParams(needs_layout_passes=False),
)
def _emb(x_hbm, s_hbm, vi_hbm, vj_hbm, vk_hbm, out_hbm,
         idxb, rbufs, obuf, gsems, osem):
    wid = lax.axis_index("s") * NC + lax.axis_index("c")
    woff = pl.multiple_of(wid * CH, CH)
    lanes = lax.iota(jnp.int32, 16)
    tables = (s_hbm, vi_hbm, vj_hbm, vk_hbm)
    dvecs = [16 * h + lanes for h in range(2)]
    qvecs = [jnp.full((16,), q, jnp.int32) for q in range(4)]

    HC = CH // 2

    def fire_half(half, bset):
        def grp(g, carry):
            vec = idxb[pl.ds(half * HC + g * 16, 16)]
            for l in range(16):
                v = vec[l]
                for q in range(4):
                    pltpu.make_async_copy(
                        tables[q].at[pl.ds(v, 1)],
                        rbufs[bset][q].at[pl.ds(g * 16 + l, 1)],
                        gsems[bset]).start()
            return carry

        lax.fori_loop(0, HC // 16, grp, 0)

    def gwait(bset):
        for q in range(4):
            pltpu.make_async_copy(
                tables[q].at[pl.ds(0, HC)], rbufs[bset][q],
                gsems[bset]).wait()

    def interleave(half, bset):
        rbuf = rbufs[bset]

        def row(r, carry2):
            s_vec = jnp.full((16,), half * HC + r, jnp.int32)
            for q in range(4):
                for h in range(2):
                    v = rbuf[q][r, pl.ds(16 * h, 16)]
                    plsc.store_scatter(
                        obuf, [dvecs[h], qvecs[q], s_vec], v)
            return carry2

        lax.fori_loop(0, HC, row, 0, unroll=4)

    def owait():
        for q in range(4):
            pltpu.make_async_copy(
                obuf.at[:, q], out_hbm.at[0, :, pl.ds(0, CH)],
                osem).wait()

    pltpu.sync_copy(x_hbm.at[0, pl.ds(woff, CH)], idxb)
    fire_half(0, 0)

    def l_body(t, carry):
        gwait(0)

        @pl.when(t > 0)
        def _():
            owait()

        fire_half(1, 1)
        interleave(0, 0)

        gwait(1)

        @pl.when(t + 1 < STEPS)
        def _():
            pltpu.sync_copy(x_hbm.at[t + 1, pl.ds(woff, CH)], idxb)
            fire_half(0, 0)

        interleave(1, 1)

        for q in range(4):
            pltpu.make_async_copy(
                obuf.at[:, q],
                out_hbm.at[t, :, pl.ds(q * B + woff, CH)],
                osem).start()
        return carry

    lax.fori_loop(0, STEPS, l_body, 0)
    owait()


def kernel(x, scalar, vector_i, vector_j, vector_k):
    xt = jnp.transpose(x).astype(jnp.int32)
    tabs = _transpose_tables(
        jnp.transpose(scalar), jnp.transpose(vector_i),
        jnp.transpose(vector_j), jnp.transpose(vector_k))
    out = _emb(xt, *tabs)
    out = out.reshape(L, DIM, 4, B)
    return jnp.transpose(out, (3, 0, 1, 2))

# --- scband reference (transcript-rebuilt; emitter-appended) ---
"""Pipeline reference for scband-quaternion-embedding-7361573945754 (READ-ONLY COPY).

The authoritative reference and input builder live on the scoring server;
editing this copy changes nothing except your own understanding.
"""

import jax, jax.numpy as jnp
import numpy as np

VOCAB = 1000000
DIM = 32
B = 4096
L = 50

def setup_inputs(seed: int = 0) -> dict:
    key = jax.random.key(seed)
    k_x, k_s, k_i, k_j, k_k = jax.random.split(key, 5)
    x = jax.random.randint(k_x, (B, L), 0, VOCAB, dtype=jnp.int64 if jax.config.jax_enable_x64 else jnp.int32)
    scalar = jax.random.normal(k_s, (VOCAB, DIM), dtype=jnp.float32)
    vector_i = jax.random.normal(k_i, (VOCAB, DIM), dtype=jnp.float32)
    vector_j = jax.random.normal(k_j, (VOCAB, DIM), dtype=jnp.float32)
    vector_k = jax.random.normal(k_k, (VOCAB, DIM), dtype=jnp.float32)
    return {"x": x, "scalar": scalar, "vector_i": vector_i, "vector_j": vector_j, "vector_k": vector_k}

def reference(x, scalar, vector_i, vector_j, vector_k):
    a = jnp.take(scalar, x, axis=0)
    b = jnp.take(vector_i, x, axis=0)
    c = jnp.take(vector_j, x, axis=0)
    d = jnp.take(vector_k, x, axis=0)
    return jnp.stack([a, b, c, d], axis=-1)

if __name__ == "__main__":
    import jax
    _d = setup_inputs()
    print(jax.jit(kernel)(*tuple(_d.values())))

</pallas_src>

<mosaic_0001>
#map = affine_map<(d0, d1) -> (0, 0)>
#map1 = affine_map<(d0, d1) -> (0, 0, 0)>
module attributes {stable_mosaic.version = 14 : i64} {
  func.func @_emb(%arg0: i32, %arg1: i32, %arg2: memref<50x4096xi32, #tpu.memory_space<hbm>>, %arg3: memref<1000000x32xf32, #tpu.memory_space<hbm>>, %arg4: memref<1000000x32xf32, #tpu.memory_space<hbm>>, %arg5: memref<1000000x32xf32, #tpu.memory_space<hbm>>, %arg6: memref<1000000x32xf32, #tpu.memory_space<hbm>>, %arg7: memref<50x32x16384xf32, #tpu.memory_space<hbm>>, %arg8: memref<128xi32, #tpu.memory_space<vmem>>, %arg9: memref<64x32xf32, #tpu.memory_space<vmem>>, %arg10: memref<64x32xf32, #tpu.memory_space<vmem>>, %arg11: memref<64x32xf32, #tpu.memory_space<vmem>>, %arg12: memref<64x32xf32, #tpu.memory_space<vmem>>, %arg13: memref<64x32xf32, #tpu.memory_space<vmem>>, %arg14: memref<64x32xf32, #tpu.memory_space<vmem>>, %arg15: memref<64x32xf32, #tpu.memory_space<vmem>>, %arg16: memref<64x32xf32, #tpu.memory_space<vmem>>, %arg17: memref<32x4x128xf32, #tpu.memory_space<vmem>>, %arg18: memref<!tpu.dma_semaphore, #tpu.memory_space<semaphore_mem>>, %arg19: memref<!tpu.dma_semaphore, #tpu.memory_space<semaphore_mem>>, %arg20: memref<!tpu.dma_semaphore, #tpu.memory_space<semaphore_mem>>) attributes {dimension_semantics = [#tpu.dimension_semantics<core_parallel>, #tpu.dimension_semantics<subcore_parallel>], iteration_bounds = array<i64: 2, 16>, scalar_prefetch = 0 : i64, scratch_operands = 13 : i64, tpu.core_type = #tpu.core_type<sc_vector_subcore>, window_params = [{transform_indices = #map}, {transform_indices = #map}, {transform_indices = #map}, {transform_indices = #map}, {transform_indices = #map}, {transform_indices = #map1}]} {
    %mul3A = arith.constant 2 : i32
    %mul3A_0 = arith.muli %arg1, %mul3A : i32
    %add3A = arith.addi %mul3A_0, %arg0 : i32
    %mul3A_1 = arith.constant 128 : i32
    %mul3A_2 = arith.muli %add3A, %mul3A_1 : i32
    %multiple_of3A = tpu.assume_multiple %mul3A_2, 128 : i32
    %iota3A = tpu.iota {dimensions = array<i32: 0>} : vector<16xi32>
    %add3A_3 = arith.constant 0 : i32
    %add3A_4 = vector.broadcast %add3A_3 : i32 to vector<16xi32>
    %add3A_5 = arith.addi %add3A_4, %iota3A : vector<16xi32>
    %add3A_6 = arith.constant 16 : i32
    %add3A_7 = vector.broadcast %add3A_6 : i32 to vector<16xi32>
    %add3A_8 = arith.addi %add3A_7, %iota3A : vector<16xi32>
    %broadcast_in_dim3A = arith.constant 0 : i32
    %broadcast_in_dim3A_9 = vector.broadcast %broadcast_in_dim3A : i32 to vector<16xi32>
    %broadcast_in_dim3A_10 = arith.constant 1 : i32
    %broadcast_in_dim3A_11 = vector.broadcast %broadcast_in_dim3A_10 : i32 to vector<16xi32>
    %broadcast_in_dim3A_12 = arith.constant 2 : i32
    %broadcast_in_dim3A_13 = vector.broadcast %broadcast_in_dim3A_12 : i32 to vector<16xi32>
    %broadcast_in_dim3A_14 = arith.constant 3 : i32
    %broadcast_in_dim3A_15 = vector.broadcast %broadcast_in_dim3A_14 : i32 to vector<16xi32>
    %run_scoped3A = arith.constant 0 : i32
    "tpu.region"() ({
      %run_scoped3A_98 = tpu.sem_alloc : memref<!tpu.dma_semaphore, #tpu.memory_space<semaphore_mem>>
      %dma_start3A = tpu.memref_slice %arg2[%run_scoped3A, %multiple_of3A] : memref<50x4096xi32, #tpu.memory_space<hbm>> -> memref<1x128xi32, #tpu.memory_space<hbm>>
      %dma_start3A_99 = tpu.memref_squeeze %dma_start3A : memref<1x128xi32, #tpu.memory_space<hbm>> -> memref<128xi32, #tpu.memory_space<hbm>>
      %dma_start3A_100 = tpu.memref_slice %arg2[%run_scoped3A, %multiple_of3A] : memref<50x4096xi32, #tpu.memory_space<hbm>> -> memref<1x128xi32, #tpu.memory_space<hbm>>
      %dma_start3A_101 = tpu.memref_squeeze %dma_start3A_100 : memref<1x128xi32, #tpu.memory_space<hbm>> -> memref<128xi32, #tpu.memory_space<hbm>>
      tpu.enqueue_dma source(%dma_start3A_101 : memref<128xi32, #tpu.memory_space<hbm>>) target(%arg8 : memref<128xi32, #tpu.memory_space<vmem>>) target_semaphore(%run_scoped3A_98 : memref<!tpu.dma_semaphore, #tpu.memory_space<semaphore_mem>>)
      %dma_wait3A_102 = tpu.memref_slice %arg2[%run_scoped3A, %multiple_of3A] : memref<50x4096xi32, #tpu.memory_space<hbm>> -> memref<1x128xi32, #tpu.memory_space<hbm>>
      %dma_wait3A_103 = tpu.memref_squeeze %dma_wait3A_102 : memref<1x128xi32, #tpu.memory_space<hbm>> -> memref<128xi32, #tpu.memory_space<hbm>>
      %dma_wait3A_104 = tpu.memref_slice %arg2[%run_scoped3A, %multiple_of3A] : memref<50x4096xi32, #tpu.memory_space<hbm>> -> memref<1x128xi32, #tpu.memory_space<hbm>>
      %dma_wait3A_105 = tpu.memref_squeeze %dma_wait3A_104 : memref<1x128xi32, #tpu.memory_space<hbm>> -> memref<128xi32, #tpu.memory_space<hbm>>
      tpu.wait_dma2 semaphore(%run_scoped3A_98 : memref<!tpu.dma_semaphore, #tpu.memory_space<semaphore_mem>>) src(%dma_wait3A_105 : memref<128xi32, #tpu.memory_space<hbm>>) dst(%arg8 : memref<128xi32, #tpu.memory_space<vmem>>)
      tpu.yield
    }) : () -> ()
    %scan3A = arith.constant 0 : i32
    %scan3A_16 = arith.constant 0 : i32
    %scan3A_17 = arith.constant 4 : i32
    %scan3A_18 = arith.addi %scan3A_16, %scan3A_17 : i32
    %scan3A_19 = arith.constant 1 : i32
    scf.for %scan3A_98 = %scan3A_16 to %scan3A_18 step %scan3A_19  : i32 {
      %mul3A_99 = arith.constant 16 : i32
      %mul3A_100 = arith.muli %scan3A_98, %mul3A_99 : i32
      %add3A_101 = arith.constant 0 : i32
      %add3A_102 = arith.addi %add3A_101, %mul3A_100 : i32
      %get3A = arith.index_cast %add3A_102 : i32 to index
      %get3A_103 = tpu.vector_load %arg8[%get3A] {strides = array<i32>} : memref<128xi32, #tpu.memory_space<vmem>>, vector<16xi32>,
      %slice3A = vector.extract_strided_slice %get3A_103 {offsets = [0], sizes = [1], strides = [1]} : vector<16xi32> to vector<1xi32>
      %squeeze3A = vector.extract %slice3A[0] : i32 from vector<1xi32>
      %mul3A_104 = arith.constant 16 : i32
      %mul3A_105 = arith.muli %scan3A_98, %mul3A_104 : i32
      %add3A_106 = arith.constant 0 : i32
      %add3A_107 = arith.addi %mul3A_105, %add3A_106 : i32
      %dma_start3A = arith.constant 0 : i32
      %dma_start3A_108 = tpu.memref_slice %arg9[%add3A_107, %dma_start3A] : memref<64x32xf32, #tpu.memory_space<vmem>> -> memref<1x32xf32, #tpu.memory_space<vmem>>
      %dma_start3A_109 = arith.constant 0 : i32
      %dma_start3A_110 = tpu.memref_slice %arg3[%squeeze3A, %dma_start3A_109] : memref<1000000x32xf32, #tpu.memory_space<hbm>> -> memref<1x32xf32, #tpu.memory_space<hbm>>
      %dma_start3A_111 = arith.constant 0 : i32
      %dma_start3A_112 = tpu.memref_slice %arg9[%add3A_107, %dma_start3A_111] : memref<64x32xf32, #tpu.memory_space<vmem>> -> memref<1x32xf32, #tpu.memory_space<vmem>>
      %dma_start3A_113 = arith.constant 0 : i32
      %dma_start3A_114 = tpu.memref_slice %arg3[%squeeze3A, %dma_start3A_113] : memref<1000000x32xf32, #tpu.memory_space<hbm>> -> memref<1x32xf32, #tpu.memory_space<hbm>>
      tpu.enqueue_dma source(%dma_start3A_114 : memref<1x32xf32, #tpu.memory_space<hbm>>) target(%dma_start3A_112 : memref<1x32xf32, #tpu.memory_space<vmem>>) target_semaphore(%arg18 : memref<!tpu.dma_semaphore, #tpu.memory_space<semaphore_mem>>)
      %mul3A_115 = arith.constant 16 : i32
      %mul3A_116 = arith.muli %scan3A_98, %mul3A_115 : i32
      %add3A_117 = arith.constant 0 : i32
      %add3A_118 = arith.addi %mul3A_116, %add3A_117 : i32
      %dma_start3A_119 = arith.constant 0 : i32
      %dma_start3A_120 = tpu.memref_slice %arg10[%add3A_118, %dma_start3A_119] : memref<64x32xf32, #tpu.memory_space<vmem>> -> memref<1x32xf32, #tpu.memory_space<vmem>>
      %dma_start3A_121 = arith.constant 0 : i32
      %dma_start3A_122 = tpu.memref_slice %arg4[%squeeze3A, %dma_start3A_121] : memref<1000000x32xf32, #tpu.memory_space<hbm>> -> memref<1x32xf32, #tpu.memory_space<hbm>>
      %dma_start3A_123 = arith.constant 0 : i32
      %dma_start3A_124 = tpu.memref_slice %arg10[%add3A_118, %dma_start3A_123] : memref<64x32xf32, #tpu.memory_space<vmem>> -> memref<1x32xf32, #tpu.memory_space<vmem>>
      %dma_start3A_125 = arith.constant 0 : i32
      %dma_start3A_126 = tpu.memref_slice %arg4[%squeeze3A, %dma_start3A_125] : memref<1000000x32xf32, #tpu.memory_space<hbm>> -> memref<1x32xf32, #tpu.memory_space<hbm>>
      tpu.enqueue_dma source(%dma_start3A_126 : memref<1x32xf32, #tpu.memory_space<hbm>>) target(%dma_start3A_124 : memref<1x32xf32, #tpu.memory_space<vmem>>) target_semaphore(%arg18 : memref<!tpu.dma_semaphore, #tpu.memory_space<semaphore_mem>>)
      %mul3A_127 = arith.constant 16 : i32
      %mul3A_128 = arith.muli %scan3A_98, %mul3A_127 : i32
      %add3A_129 = arith.constant 0 : i32
      %add3A_130 = arith.addi %mul3A_128, %add3A_129 : i32
      %dma_start3A_131 = arith.constant 0 : i32
      %dma_start3A_132 = tpu.memref_slice %arg11[%add3A_130, %dma_start3A_131] : memref<64x32xf32, #tpu.memory_space<vmem>> -> memref<1x32xf32, #tpu.memory_space<vmem>>
      %dma_start3A_133 = arith.constant 0 : i32
      %dma_start3A_134 = tpu.memref_slice %arg5[%squeeze3A, %dma_start3A_133] : memref<1000000x32xf32, #tpu.memory_space<hbm>> -> memref<1x32xf32, #tpu.memory_space<hbm>>
      %dma_start3A_135 = arith.constant 0 : i32
      %dma_start3A_136 = tpu.memref_slice %arg11[%add3A_130, %dma_start3A_135] : memref<64x32xf32, #tpu.memory_space<vmem>> -> memref<1x32xf32, #tpu.memory_space<vmem>>
      %dma_start3A_137 = arith.constant 0 : i32
      %dma_start3A_138 = tpu.memref_slice %arg5[%squeeze3A, %dma_start3A_137] : memref<1000000x32xf32, #tpu.memory_space<hbm>> -> memref<1x32xf32, #tpu.memory_space<hbm>>
      tpu.enqueue_dma source(%dma_start3A_138 : memref<1x32xf32, #tpu.memory_space<hbm>>) target(%dma_start3A_136 : memref<1x32xf32, #tpu.memory_space<vmem>>) target_semaphore(%arg18 : memref<!tpu.dma_semaphore, #tpu.memory_space<semaphore_mem>>)
      %mul3A_139 = arith.constant 16 : i32
      %mul3A_140 = arith.muli %scan3A_98, %mul3A_139 : i32
      %add3A_141 = arith.constant 0 : i32
      %add3A_142 = arith.addi %mul3A_140, %add3A_141 : i32
      %dma_start3A_143 = arith.constant 0 : i32
      %dma_start3A_144 = tpu.memref_slice %arg12[%add3A_142, %dma_start3A_143] : memref<64x32xf32, #tpu.memory_space<vmem>> -> memref<1x32xf32, #tpu.memory_space<vmem>>
      %dma_start3A_145 = arith.constant 0 : i32
      %dma_start3A_146 = tpu.memref_slice %arg6[%squeeze3A, %dma_start3A_145] : memref<1000000x32xf32, #tpu.memory_space<hbm>> -> memref<1x32xf32, #tpu.memory_space<hbm>>
      %dma_start3A_147 = arith.constant 0 : i32
      %dma_start3A_148 = tpu.memref_slice %arg12[%add3A_142, %dma_start3A_147] : memref<64x32xf32, #tpu.memory_space<vmem>> -> memref<1x32xf32, #tpu.memory_space<vmem>>
      %dma_start3A_149 = arith.constant 0 : i32
      %dma_start3A_150 = tpu.memref_slice %arg6[%squeeze3A, %dma_start3A_149] : memref<1000000x32xf32, #tpu.memory_space<hbm>> -> memref<1x32xf32, #tpu.memory_space<hbm>>
      tpu.enqueue_dma source(%dma_start3A_150 : memref<1x32xf32, #tpu.memory_space<hbm>>) target(%dma_start3A_148 : memref<1x32xf32, #tpu.memory_space<vmem>>) target_semaphore(%arg18 : memref<!tpu.dma_semaphore, #tpu.memory_space<semaphore_mem>>)
      %slice3A_151 = vector.extract_strided_slice %get3A_103 {offsets = [1], sizes = [1], strides = [1]} : vector<16xi32> to vector<1xi32>
      %squeeze3A_152 = vector.extract %slice3A_151[0] : i32 from vector<1xi32>
      %mul3A_153 = arith.constant 16 : i32
      %mul3A_154 = arith.muli %scan3A_98, %mul3A_153 : i32
      %add3A_155 = arith.constant 1 : i32
      %add3A_156 = arith.addi %mul3A_154, %add3A_155 : i32
      %dma_start3A_157 = arith.constant 0 : i32
      %dma_start3A_158 = tpu.memref_slice %arg9[%add3A_156, %dma_start3A_157] : memref<64x32xf32, #tpu.memory_space<vmem>> -> memref<1x32xf32, #tpu.memory_space<vmem>>
      %dma_start3A_159 = arith.constant 0 : i32
      %dma_start3A_160 = tpu.memref_slice %arg3[%squeeze3A_152, %dma_start3A_159] : memref<1000000x32xf32, #tpu.memory_space<hbm>> -> memref<1x32xf32, #tpu.memory_space<hbm>>
      %dma_start3A_161 = arith.constant 0 : i32
      %dma_start3A_162 = tpu.memref_slice %arg9[%add3A_156, %dma_start3A_161] : memref<64x32xf32, #tpu.memory_space<vmem>> -> memref<1x32xf32, #tpu.memory_space<vmem>>
      %dma_start3A_163 = arith.constant 0 : i32
      %dma_start3A_164 = tpu.memref_slice %arg3[%squeeze3A_152, %dma_start3A_163] : memref<1000000x32xf32, #tpu.memory_space<hbm>> -> memref<1x32xf32, #tpu.memory_space<hbm>>
      tpu.enqueue_dma source(%dma_start3A_164 : memref<1x32xf32, #tpu.memory_space<hbm>>) target(%dma_start3A_162 : memref<1x32xf32, #tpu.memory_space<vmem>>) target_semaphore(%arg18 : memref<!tpu.dma_semaphore, #tpu.memory_space<semaphore_mem>>)
      %mul3A_165 = arith.constant 16 : i32
      %mul3A_166 = arith.muli %scan3A_98, %mul3A_165 : i32
      %add3A_167 = arith.constant 1 : i32
      %add3A_168 = arith.addi %mul3A_166, %add3A_167 : i32
      %dma_start3A_169 = arith.constant 0 : i32
      %dma_start3A_170 = tpu.memref_slice %arg10[%add3A_168, %dma_start3A_169] : memref<64x32xf32, #tpu.memory_space<vmem>> -> memref<1x32xf32, #tpu.memory_space<vmem>>
      %dma_start3A_171 = arith.constant 0 : i32
      %dma_start3A_172 = tpu.memref_slice %arg4[%squeeze3A_152, %dma_start3A_171] : memref<1000000x32xf32, #tpu.memory_space<hbm>> -> memref<1x32xf32, #tpu.memory_space<hbm>>
      %dma_start3A_173 = arith.constant 0 : i32
      %dma_start3A_174 = tpu.memref_slice %arg10[%add3A_168, %dma_start3A_173] : memref<64x32xf32, #tpu.memory_space<vmem>> -> memref<1x32xf32, #tpu.memory_space<vmem>>
      %dma_start3A_175 = arith.constant 0 : i32
      %dma_start3A_176 = tpu.memref_slice %arg4[%squeeze3A_152, %dma_start3A_175] : memref<1000000x32xf32, #tpu.memory_space<hbm>> -> memref<1x32xf32, #tpu.memory_space<hbm>>
      tpu.enqueue_dma source(%dma_start3A_176 : memref<1x32xf32, #tpu.memory_space<hbm>>) target(%dma_start3A_174 : memref<1x32xf32, #tpu.memory_space<vmem>>) target_semaphore(%arg18 : memref<!tpu.dma_semaphore, #tpu.memory_space<semaphore_mem>>)
      %mul3A_177 = arith.constant 16 : i32
      %mul3A_178 = arith.muli %scan3A_98, %mul3A_177 : i32
      %add3A_179 = arith.constant 1 : i32
      %add3A_180 = arith.addi %mul3A_178, %add3A_179 : i32
      %dma_start3A_181 = arith.constant 0 : i32
      %dma_start3A_182 = tpu.memref_slice %arg11[%add3A_180, %dma_start3A_181] : memref<64x32xf32, #tpu.memory_space<vmem>> -> memref<1x32xf32, #tpu.memory_space<vmem>>
      %dma_start3A_183 = arith.constant 0 : i32
      %dma_start3A_184 = tpu.memref_slice %arg5[%squeeze3A_152, %dma_start3A_183] : memref<1000000x32xf32, #tpu.memory_space<hbm>> -> memref<1x32xf32, #tpu.memory_space<hbm>>
      %dma_start3A_185 = arith.constant 0 : i32
      %dma_start3A_186 = tpu.memref_slice %arg11[%add3A_180, %dma_start3A_185] : memref<64x32xf32, #tpu.memory_space<vmem>> -> memref<1x32xf32, #tpu.memory_space<vmem>>
      %dma_start3A_187 = arith.constant 0 : i32
      %dma_start3A_188 = tpu.memref_slice %arg5[%squeeze3A_152, %dma_start3A_187] : memref<1000000x32xf32, #tpu.memory_space<hbm>> -> memref<1x32xf32, #tpu.memory_space<hbm>>
      tpu.enqueue_dma source(%dma_start3A_188 : memref<1x32xf32, #tpu.memory_space<hbm>>) target(%dma_start3A_186 : memref<1x32xf32, #tpu.memory_space<vmem>>) target_semaphore(%arg18 : memref<!tpu.dma_semaphore, #tpu.memory_space<semaphore_mem>>)
      %mul3A_189 = arith.constant 16 : i32
      %mul3A_190 = arith.muli %scan3A_98, %mul3A_189 : i32
      %add3A_191 = arith.constant 1 : i32
      %add3A_192 = arith.addi %mul3A_190, %add3A_191 : i32
      %dma_start3A_193 = arith.constant 0 : i32
      %dma_start3A_194 = tpu.memref_slice %arg12[%add3A_192, %dma_start3A_193] : memref<64x32xf32, #tpu.memory_space<vmem>> -> memref<1x32xf32, #tpu.memory_space<vmem>>
      %dma_start3A_195 = arith.constant 0 : i32
      %dma_start3A_196 = tpu.memref_slice %arg6[%squeeze3A_152, %dma_start3A_195] : memref<1000000x32xf32, #tpu.memory_space<hbm>> -> memref<1x32xf32, #tpu.memory_space<hbm>>
      %dma_start3A_197 = arith.constant 0 : i32
      %dma_start3A_198 = tpu.memref_slice %arg12[%add3A_192, %dma_start3A_197] : memref<64x32xf32, #tpu.memory_space<vmem>> -> memref<1x32xf32, #tpu.memory_space<vmem>>
      %dma_start3A_199 = arith.constant 0 : i32
      %dma_start3A_200 = tpu.memref_slice %arg6[%squeeze3A_152, %dma_start3A_199] : memref<1000000x32xf32, #tpu.memory_space<hbm>> -> memref<1x32xf32, #tpu.memory_space<hbm>>
      tpu.enqueue_dma source(%dma_start3A_200 : memref<1x32xf32, #tpu.memory_space<hbm>>) target(%dma_start3A_198 : memref<1x32xf32, #tpu.memory_space<vmem>>) target_semaphore(%arg18 : memref<!tpu.dma_semaphore, #tpu.memory_space<semaphore_mem>>)
      %slice3A_201 = vector.extract_strided_slice %get3A_103 {offsets = [2], sizes = [1], strides = [1]} : vector<16xi32> to vector<1xi32>
      %squeeze3A_202 = vector.extract %slice3A_201[0] : i32 from vector<1xi32>
      %mul3A_203 = arith.constant 16 : i32
      %mul3A_204 = arith.muli %scan3A_98, %mul3A_203 : i32
      %add3A_205 = arith.constant 2 : i32
      %add3A_206 = arith.addi %mul3A_204, %add3A_205 : i32
      %dma_start3A_207 = arith.constant 0 : i32
      %dma_start3A_208 = tpu.memref_slice %arg9[%add3A_206, %dma_start3A_207] : memref<64x32xf32, #tpu.memory_space<vmem>> -> memref<1x32xf32, #tpu.memory_space<vmem>>
      %dma_start3A_209 = arith.constant 0 : i32
      %dma_start3A_210 = tpu.memref_slice %arg3[%squeeze3A_202, %dma_start3A_209] : memref<1000000x32xf32, #tpu.memory_space<hbm>> -> memref<1x32xf32, #tpu.memory_space<hbm>>
      %dma_start3A_211 = arith.constant 0 : i32
      %dma_start3A_212 = tpu.memref_slice %arg9[%add3A_206, %dma_start3A_211] : memref<64x32xf32, #tpu.memory_space<vmem>> -> memref<1x32xf32, #tpu.memory_space<vmem>>
      %dma_start3A_213 = arith.constant 0 : i32
      %dma_start3A_214 = tpu.memref_slice %arg3[%squeeze3A_202, %dma_start3A_213] : memref<1000000x32xf32, #tpu.memory_space<hbm>> -> memref<1x32xf32, #tpu.memory_space<hbm>>
      tpu.enqueue_dma source(%dma_start3A_214 : memref<1x32xf32, #tpu.memory_space<hbm>>) target(%dma_start3A_212 : memref<1x32xf32, #tpu.memory_space<vmem>>) target_semaphore(%arg18 : memref<!tpu.dma_semaphore, #tpu.memory_space<semaphore_mem>>)
      %mul3A_215 = arith.constant 16 : i32
      %mul3A_216 = arith.muli %scan3A_98, %mul3A_215 : i32
      %add3A_217 = arith.constant 2 : i32
      %add3A_218 = arith.addi %mul3A_216, %add3A_217 : i32
      %dma_start3A_219 = arith.constant 0 : i32
      %dma_start3A_220 = tpu.memref_slice %arg10[%add3A_218, %dma_start3A_219] : memref<64x32xf32, #tpu.memory_space<vmem>> -> memref<1x32xf32, #tpu.memory_space<vmem>>
      %dma_start3A_221 = arith.constant 0 : i32
      %dma_start3A_222 = tpu.memref_slice %arg4[%squeeze3A_202, %dma_start3A_221] : memref<1000000x32xf32, #tpu.memory_space<hbm>> -> memref<1x32xf32, #tpu.memory_space<hbm>>
      %dma_start3A_223 = arith.constant 0 : i32
      %dma_start3A_224 = tpu.memref_slice %arg10[%add3A_218, %dma_start3A_223] : memref<64x32xf32, #tpu.memory_space<vmem>> -> memref<1x32xf32, #tpu.memory_space<vmem>>
      %dma_start3A_225 = arith.constant 0 : i32
      %dma_start3A_226 = tpu.memref_slice %arg4[%squeeze3A_202, %dma_start3A_225] : memref<1000000x32xf32, #tpu.memory_space<hbm>> -> memref<1x32xf32, #tpu.memory_space<hbm>>
      tpu.enqueue_dma source(%dma_start3A_226 : memref<1x32xf32, #tpu.memory_space<hbm>>) target(%dma_start3A_224 : memref<1x32xf32, #tpu.memory_space<vmem>>) target_semaphore(%arg18 : memref<!tpu.dma_semaphore, #tpu.memory_space<semaphore_mem>>)
      %mul3A_227 = arith.constant 16 : i32
      %mul3A_228 = arith.muli %scan3A_98, %mul3A_227 : i32
      %add3A_229 = arith.constant 2 : i32
      %add3A_230 = arith.addi %mul3A_228, %add3A_229 : i32
      %dma_start3A_231 = arith.constant 0 : i32
      %dma_start3A_232 = tpu.memref_slice %arg11[%add3A_230, %dma_start3A_231] : memref<64x32xf32, #tpu.memory_space<vmem>> -> memref<1x32xf32, #tpu.memory_space<vmem>>
      %dma_start3A_233 = arith.constant 0 : i32
      %dma_start3A_234 = tpu.memref_slice %arg5[%squeeze3A_202, %dma_start3A_233] : memref<1000000x32xf32, #tpu.memory_space<hbm>> -> memref<1x32xf32, #tpu.memory_space<hbm>>
      %dma_start3A_235 = arith.constant 0 : i32
      %dma_start3A_236 = tpu.memref_slice %arg11[%add3A_230, %dma_start3A_235] : memref<64x32xf32, #tpu.memory_space<vmem>> -> memref<1x32xf32, #tpu.memory_space<vmem>>
      %dma_start3A_237 = arith.constant 0 : i32
      %dma_start3A_238 = tpu.memref_slice %arg5[%squeeze3A_202, %dma_start3A_237] : memref<1000000x32xf32, #tpu.memory_space<hbm>> -> memref<1x32xf32, #tpu.memory_space<hbm>>
      tpu.enqueue_dma source(%dma_start3A_238 : memref<1x32xf32, #tpu.memory_space<hbm>>) target(%dma_start3A_236 : memref<1x32xf32, #tpu.memory_space<vmem>>) target_semaphore(%arg18 : memref<!tpu.dma_semaphore, #tpu.memory_space<semaphore_mem>>)
      %mul3A_239 = arith.constant 16 : i32
      %mul3A_240 = arith.muli %scan3A_98, %mul3A_239 : i32
      %add3A_241 = arith.constant 2 : i32
      %add3A_242 = arith.addi %mul3A_240, %add3A_241 : i32
      %dma_start3A_243 = arith.constant 0 : i32
      %dma_start3A_244 = tpu.memref_slice %arg12[%add3A_242, %dma_start3A_243] : memref<64x32xf32, #tpu.memory_space<vmem>> -> memref<1x32xf32, #tpu.memory_space<vmem>>
      %dma_start3A_245 = arith.constant 0 : i32
      %dma_start3A_246 = tpu.memref_slice %arg6[%squeeze3A_202, %dma_start3A_245] : memref<1000000x32xf32, #tpu.memory_space<hbm>> -> memref<1x32xf32, #tpu.memory_space<hbm>>
      %dma_start3A_247 = arith.constant 0 : i32
      %dma_start3A_248 = tpu.memref_slice %arg12[%add3A_242, %dma_start3A_247] : memref<64x32xf32, #tpu.memory_space<vmem>> -> memref<1x32xf32, #tpu.memory_space<vmem>>
      %dma_start3A_249 = arith.constant 0 : i32
      %dma_start3A_250 = tpu.memref_slice %arg6[%squeeze3A_202, %dma_start3A_249] : memref<1000000x32xf32, #tpu.memory_space<hbm>> -> memref<1x32xf32, #tpu.memory_space<hbm>>
      tpu.enqueue_dma source(%dma_start3A_250 : memref<1x32xf32, #tpu.memory_space<hbm>>) target(%dma_start3A_248 : memref<1x32xf32, #tpu.memory_space<vmem>>) target_semaphore(%arg18 : memref<!tpu.dma_semaphore, #tpu.memory_space<semaphore_mem>>)
      %slice3A_251 = vector.extract_strided_slice %get3A_103 {offsets = [3], sizes = [1], strides = [1]} : vector<16xi32> to vector<1xi32>
      %squeeze3A_252 = vector.extract %slice3A_251[0] : i32 from vector<1xi32>
      %mul3A_253 = arith.constant 16 : i32
      %mul3A_254 = arith.muli %scan3A_98, %mul3A_253 : i32
      %add3A_255 = arith.constant 3 : i32
      %add3A_256 = arith.addi %mul3A_254, %add3A_255 : i32
      %dma_start3A_257 = arith.constant 0 : i32
      %dma_start3A_258 = tpu.memref_slice %arg9[%add3A_256, %dma_start3A_257] : memref<64x32xf32, #tpu.memory_space<vmem>> -> memref<1x32xf32, #tpu.memory_space<vmem>>
      %dma_start3A_259 = arith.constant 0 : i32
      %dma_start3A_260 = tpu.memref_slice %arg3[%squeeze3A_252, %dma_start3A_259] : memref<1000000x32xf32, #tpu.memory_space<hbm>> -> memref<1x32xf32, #tpu.memory_space<hbm>>
      %dma_start3A_261 = arith.constant 0 : i32
      %dma_start3A_262 = tpu.memref_slice %arg9[%add3A_256, %dma_start3A_261] : memref<64x32xf32, #tpu.memory_space<vmem>> -> memref<1x32xf32, #tpu.memory_space<vmem>>
      %dma_start3A_263 = arith.constant 0 : i32
      %dma_start3A_264 = tpu.memref_slice %arg3[%squeeze3A_252, %dma_start3A_263] : memref<1000000x32xf32, #tpu.memory_space<hbm>> -> memref<1x32xf32, #tpu.memory_space<hbm>>
      tpu.enqueue_dma source(%dma_start3A_264 : memref<1x32xf32, #tpu.memory_space<hbm>>) target(%dma_start3A_262 : memref<1x32xf32, #tpu.memory_space<vmem>>) target_semaphore(%arg18 : memref<!tpu.dma_semaphore, #tpu.memory_space<semaphore_mem>>)
      %mul3A_265 = arith.constant 16 : i32
      %mul3A_266 = arith.muli %scan3A_98, %mul3A_265 : i32
      %add3A_267 = arith.constant 3 : i32
      %add3A_268 = arith.addi %mul3A_266, %add3A_267 : i32
      %dma_start3A_269 = arith.constant 0 : i32
      %dma_start3A_270 = tpu.memref_slice %arg10[%add3A_268, %dma_start3A_269] : memref<64x32xf32, #tpu.memory_space<vmem>> -> memref<1x32xf32, #tpu.memory_space<vmem>>
      %dma_start3A_271 = arith.constant 0 : i32
      %dma_start3A_272 = tpu.memref_slice %arg4[%squeeze3A_252, %dma_start3A_271] : memref<1000000x32xf32, #tpu.memory_space<hbm>> -> memref<1x32xf32, #tpu.memory_space<hbm>>
      %dma_start3A_273 = arith.constant 0 : i32
      %dma_start3A_274 = tpu.memref_slice %arg10[%add3A_268, %dma_start3A_273] : memref<64x32xf32, #tpu.memory_space<vmem>> -> memref<1x32xf32, #tpu.memory_space<vmem>>
      %dma_start3A_275 = arith.constant 0 : i32
      %dma_start3A_276 = tpu.memref_slice %arg4[%squeeze3A_252, %dma_start3A_275] : memref<1000000x32xf32, #tpu.memory_space<hbm>> -> memref<1x32xf32, #tpu.memory_space<hbm>>
      tpu.enqueue_dma source(%dma_start3A_276 : memref<1x32xf32, #tpu.memory_space<hbm>>) target(%dma_start3A_274 : memref<1x32xf32, #tpu.memory_space<vmem>>) target_semaphore(%arg18 : memref<!tpu.dma_semaphore, #tpu.memory_space<semaphore_mem>>)
      %mul3A_277 = arith.constant 16 : i32
      %mul3A_278 = arith.muli %scan3A_98, %mul3A_277 : i32
      %add3A_279 = arith.constant 3 : i32
      %add3A_280 = arith.addi %mul3A_278, %add3A_279 : i32
      %dma_start3A_281 = arith.constant 0 : i32
      %dma_start3A_282 = tpu.memref_slice %arg11[%add3A_280, %dma_start3A_281] : memref<64x32xf32, #tpu.memory_space<vmem>> -> memref<1x32xf32, #tpu.memory_space<vmem>>
      %dma_start3A_283 = arith.constant 0 : i32
      %dma_start3A_284 = tpu.memref_slice %arg5[%squeeze3A_252, %dma_start3A_283] : memref<1000000x32xf32, #tpu.memory_space<hbm>> -> memref<1x32xf32, #tpu.memory_space<hbm>>
      %dma_start3A_285 = arith.constant 0 : i32
      %dma_start3A_286 = tpu.memref_slice %arg11[%add3A_280, %dma_start3A_285] : memref<64x32xf32, #tpu.memory_space<vmem>> -> memref<1x32xf32, #tpu.memory_space<vmem>>
      %dma_start3A_287 = arith.constant 0 : i32
      %dma_start3A_288 = tpu.memref_slice %arg5[%squeeze3A_252, %dma_start3A_287] : memref<1000000x32xf32, #tpu.memory_space<hbm>> -> memref<1x32xf32, #tpu.memory_space<hbm>>
      tpu.enqueue_dma source(%dma_start3A_288 : memref<1x32xf32, #tpu.memory_space<hbm>>) target(%dma_start3A_286 : memref<1x32xf32, #tpu.memory_space<vmem>>) target_semaphore(%arg18 : memref<!tpu.dma_semaphore, #tpu.memory_space<semaphore_mem>>)
      %mul3A_289 = arith.constant 16 : i32
      %mul3A_290 = arith.muli %scan3A_98, %mul3A_289 : i32
      %add3A_291 = arith.constant 3 : i32
      %add3A_292 = arith.addi %mul3A_290, %add3A_291 : i32
      %dma_start3A_293 = arith.constant 0 : i32
      %dma_start3A_294 = tpu.memref_slice %arg12[%add3A_292, %dma_start3A_293] : memref<64x32xf32, #tpu.memory_space<vmem>> -> memref<1x32xf32, #tpu.memory_space<vmem>>
      %dma_start3A_295 = arith.constant 0 : i32
      %dma_start3A_296 = tpu.memref_slice %arg6[%squeeze3A_252, %dma_start3A_295] : memref<1000000x32xf32, #tpu.memory_space<hbm>> -> memref<1x32xf32, #tpu.memory_space<hbm>>
      %dma_start3A_297 = arith.constant 0 : i32
      %dma_start3A_298 = tpu.memref_slice %arg12[%add3A_292, %dma_start3A_297] : memref<64x32xf32, #tpu.memory_space<vmem>> -> memref<1x32xf32, #tpu.memory_space<vmem>>
      %dma_start3A_299 = arith.constant 0 : i32
      %dma_start3A_300 = tpu.memref_slice %arg6[%squeeze3A_252, %dma_start3A_299] : memref<1000000x32xf32, #tpu.memory_space<hbm>> -> memref<1x32xf32, #tpu.memory_space<hbm>>
      tpu.enqueue_dma source(%dma_start3A_300 : memref<1x32xf32, #tpu.memory_space<hbm>>) target(%dma_start3A_298 : memref<1x32xf32, #tpu.memory_space<vmem>>) target_semaphore(%arg18 : memref<!tpu.dma_semaphore, #tpu.memory_space<semaphore_mem>>)
      %slice3A_301 = vector.extract_strided_slice %get3A_103 {offsets = [4], sizes = [1], strides = [1]} : vector<16xi32> to vector<1xi32>
      %squeeze3A_302 = vector.extract %slice3A_301[0] : i32 from vector<1xi32>
      %mul3A_303 = arith.constant 16 : i32
      %mul3A_304 = arith.muli %scan3A_98, %mul3A_303 : i32
      %add3A_305 = arith.constant 4 : i32
      %add3A_306 = arith.addi %mul3A_304, %add3A_305 : i32
      %dma_start3A_307 = arith.constant 0 : i32
      %dma_start3A_308 = tpu.memref_slice %arg9[%add3A_306, %dma_start3A_307] : memref<64x32xf32, #tpu.memory_space<vmem>> -> memref<1x32xf32, #tpu.memory_space<vmem>>
      %dma_start3A_309 = arith.constant 0 : i32
      %dma_start3A_310 = tpu.memref_slice %arg3[%squeeze3A_302, %dma_start3A_309] : memref<1000000x32xf32, #tpu.memory_space<hbm>> -> memref<1x32xf32, #tpu.memory_space<hbm>>
      %dma_start3A_311 = arith.constant 0 : i32
      %dma_start3A_312 = tpu.memref_slice %arg9[%add3A_306, %dma_start3A_311] : memref<64x32xf32, #tpu.memory_space<vmem>> -> memref<1x32xf32, #tpu.memory_space<vmem>>
      %dma_start3A_313 = arith.constant 0 : i32
      %dma_start3A_314 = tpu.memref_slice %arg3[%squeeze3A_302, %dma_start3A_313] : memref<1000000x32xf32, #tpu.memory_space<hbm>> -> memref<1x32xf32, #tpu.memory_space<hbm>>
      tpu.enqueue_dma source(%dma_start3A_314 : memref<1x32xf32, #tpu.memory_space<hbm>>) target(%dma_start3A_312 : memref<1x32xf32, #tpu.memory_space<vmem>>) target_semaphore(%arg18 : memref<!tpu.dma_semaphore, #tpu.memory_space<semaphore_mem>>)
      %mul3A_315 = arith.constant 16 : i32
      %mul3A_316 = arith.muli %scan3A_98, %mul3A_315 : i32
      %add3A_317 = arith.constant 4 : i32
      %add3A_318 = arith.addi %mul3A_316, %add3A_317 : i32
      %dma_start3A_319 = arith.constant 0 : i32
      %dma_start3A_320 = tpu.memref_slice %arg10[%add3A_318, %dma_start3A_319] : memref<64x32xf32, #tpu.memory_space<vmem>> -> memref<1x32xf32, #tpu.memory_space<vmem>>
      %dma_start3A_321 = arith.constant 0 : i32
      %dma_start3A_322 = tpu.memref_slice %arg4[%squeeze3A_302, %dma_start3A_321] : memref<1000000x32xf32, #tpu.memory_space<hbm>> -> memref<1x32xf32, #tpu.memory_space<hbm>>
      %dma_start3A_323 = arith.constant 0 : i32
      %dma_start3A_324 = tpu.memref_slice %arg10[%add3A_318, %dma_start3A_323] : memref<64x32xf32, #tpu.memory_space<vmem>> -> memref<1x32xf32, #tpu.memory_space<vmem>>
      %dma_start3A_325 = arith.constant 0 : i32
      %dma_start3A_326 = tpu.memref_slice %arg4[%squeeze3A_302, %dma_start3A_325] : memref<1000000x32xf32, #tpu.memory_space<hbm>> -> memref<1x32xf32, #tpu.memory_space<hbm>>
      tpu.enqueue_dma source(%dma_start3A_326 : memref<1x32xf32, #tpu.memory_space<hbm>>) target(%dma_start3A_324 : memref<1x32xf32, #tpu.memory_space<vmem>>) target_semaphore(%arg18 : memref<!tpu.dma_semaphore, #tpu.memory_space<semaphore_mem>>)
      %mul3A_327 = arith.constant 16 : i32
      %mul3A_328 = arith.muli %scan3A_98, %mul3A_327 : i32
      %add3A_329 = arith.constant 4 : i32
      %add3A_330 = arith.addi %mul3A_328, %add3A_329 : i32
      %dma_start3A_331 = arith.constant 0 : i32
      %dma_start3A_332 = tpu.memref_slice %arg11[%add3A_330, %dma_start3A_331] : memref<64x32xf32, #tpu.memory_space<vmem>> -> memref<1x32xf32, #tpu.memory_space<vmem>>
      %dma_start3A_333 = arith.constant 0 : i32
      %dma_start3A_334 = tpu.memref_slice %arg5[%squeeze3A_302, %dma_start3A_333] : memref<1000000x32xf32, #tpu.memory_space<hbm>> -> memref<1x32xf32, #tpu.memory_space<hbm>>
      %dma_start3A_335 = arith.constant 0 : i32
      %dma_start3A_336 = tpu.memref_slice %arg11[%add3A_330, %dma_start3A_335] : memref<64x32xf32, #tpu.memory_space<vmem>> -> memref<1x32xf32, #tpu.memory_space<vmem>>
      %dma_start3A_337 = arith.constant 0 : i32
      %dma_start3A_338 = tpu.memref_slice %arg5[%squeeze3A_302, %dma_start3A_337] : memref<1000000x32xf32, #tpu.memory_space<hbm>> -> memref<1x32xf32, #tpu.memory_space<hbm>>
      tpu.enqueue_dma source(%dma_start3A_338 : memref<1x32xf32, #tpu.memory_space<hbm>>) target(%dma_start3A_336 : memref<1x32xf32, #tpu.memory_space<vmem>>) target_semaphore(%arg18 : memref<!tpu.dma_semaphore, #tpu.memory_space<semaphore_mem>>)
      %mul3A_339 = arith.constant 16 : i32
      %mul3A_340 = arith.muli %scan3A_98, %mul3A_339 : i32
      %add3A_341 = arith.constant 4 : i32
      %add3A_342 = arith.addi %mul3A_340, %add3A_341 : i32
      %dma_start3A_343 = arith.constant 0 : i32
      %dma_start3A_344 = tpu.memref_slice %arg12[%add3A_342, %dma_start3A_343] : memref<64x32xf32, #tpu.memory_space<vmem>> -> memref<1x32xf32, #tpu.memory_space<vmem>>
      %dma_start3A_345 = arith.constant 0 : i32
      %dma_start3A_346 = tpu.memref_slice %arg6[%squeeze3A_302, %dma_start3A_345] : memref<1000000x32xf32, #tpu.memory_space<hbm>> -> memref<1x32xf32, #tpu.memory_space<hbm>>
      %dma_start3A_347 = arith.constant 0 : i32
      %dma_start3A_348 = tpu.memref_slice %arg12[%add3A_342, %dma_start3A_347] : memref<64x32xf32, #tpu.memory_space<vmem>> -> memref<1x32xf32, #tpu.memory_space<vmem>>
      %dma_start3A_349 = arith.constant 0 : i32
      %dma_start3A_350 = tpu.memref_slice %arg6[%squeeze3A_302, %dma_start3A_349] : memref<1000000x32xf32, #tpu.memory_space<hbm>> -> memref<1x32xf32, #tpu.memory_space<hbm>>
      tpu.enqueue_dma source(%dma_start3A_350 : memref<1x32xf32, #tpu.memory_space<hbm>>) target(%dma_start3A_348 : memref<1x32xf32, #tpu.memory_space<vmem>>) target_semaphore(%arg18 : memref<!tpu.dma_semaphore, #tpu.memory_space<semaphore_mem>>)
      %slice3A_351 = vector.extract_strided_slice %get3A_103 {offsets = [5], sizes = [1], strides = [1]} : vector<16xi32> to vector<1xi32>
      %squeeze3A_352 = vector.extract %slice3A_351[0] : i32 from vector<1xi32>
      %mul3A_353 = arith.constant 16 : i32
      %mul3A_354 = arith.muli %scan3A_98, %mul3A_353 : i32
      %add3A_355 = arith.constant 5 : i32
      %add3A_356 = arith.addi %mul3A_354, %add3A_355 : i32
      %dma_start3A_357 = arith.constant 0 : i32
      %dma_start3A_358 = tpu.memref_slice %arg9[%add3A_356, %dma_start3A_357] : memref<64x32xf32, #tpu.memory_space<vmem>> -> memref<1x32xf32, #tpu.memory_space<vmem>>
      %dma_start3A_359 = arith.constant 0 : i32
      %dma_start3A_360 = tpu.memref_slice %arg3[%squeeze3A_352, %dma_start3A_359] : memref<1000000x32xf32, #tpu.memory_space<hbm>> -> memref<1x32xf32, #tpu.memory_space<hbm>>
      %dma_start3A_361 = arith.constant 0 : i32
      %dma_start3A_362 = tpu.memref_slice %arg9[%add3A_356, %dma_start3A_361] : memref<64x32xf32, #tpu.memory_space<vmem>> -> memref<1x32xf32, #tpu.memory_space<vmem>>
      %dma_start3A_363 = arith.constant 0 : i32
      %dma_start3A_364 = tpu.memref_slice %arg3[%squeeze3A_352, %dma_start3A_363] : memref<1000000x32xf32, #tpu.memory_space<hbm>> -> memref<1x32xf32, #tpu.memory_space<hbm>>
      tpu.enqueue_dma source(%dma_start3A_364 : memref<1x32xf32, #tpu.memory_space<hbm>>) target(%dma_start3A_362 : memref<1x32xf32, #tpu.memory_space<vmem>>) target_semaphore(%arg18 : memref<!tpu.dma_semaphore, #tpu.memory_space<semaphore_mem>>)
      %mul3A_365 = arith.constant 16 : i32
      %mul3A_366 = arith.muli %scan3A_98, %mul3A_365 : i32
      %add3A_367 = arith.constant 5 : i32
      %add3A_368 = arith.addi %mul3A_366, %add3A_367 : i32
      %dma_start3A_369 = arith.constant 0 : i32
      %dma_start3A_370 = tpu.memref_slice %arg10[%add3A_368, %dma_start3A_369] : memref<64x32xf32, #tpu.memory_space<vmem>> -> memref<1x32xf32, #tpu.memory_space<vmem>>
      %dma_start3A_371 = arith.constant 0 : i32
      %dma_start3A_372 = tpu.memref_slice %arg4[%squeeze3A_352, %dma_start3A_371] : memref<1000000x32xf32, #tpu.memory_space<hbm>> -> memref<1x32xf32, #tpu.memory_space<hbm>>
      %dma_start3A_373 = arith.constant 0 : i32
      %dma_start3A_374 = tpu.memref_slice %arg10[%add3A_368, %dma_start3A_373] : memref<64x32xf32, #tpu.memory_space<vmem>> -> memref<1x32xf32, #tpu.memory_space<vmem>>
      %dma_start3A_375 = arith.constant 0 : i32
      %dma_start3A_376 = tpu.memref_slice %arg4[%squeeze3A_352, %dma_start3A_375] : memref<1000000x32xf32, #tpu.memory_space<hbm>> -> memref<1x32xf32, #tpu.memory_space<hbm>>
      tpu.enqueue_dma source(%dma_start3A_376 : memref<1x32xf32, #tpu.memory_space<hbm>>) target(%dma_start3A_374 : memref<1x32xf32, #tpu.memory_space<vmem>>) target_semaphore(%arg18 : memref<!tpu.dma_semaphore, #tpu.memory_space<semaphore_mem>>)
      %mul3A_377 = arith.constant 16 : i32
      %mul3A_378 = arith.muli %scan3A_98, %mul3A_377 : i32
      %add3A_379 = arith.constant 5 : i32
      %add3A_380 = arith.addi %mul3A_378, %add3A_379 : i32
      %dma_start3A_381 = arith.constant 0 : i32
      %dma_start3A_382 = tpu.memref_slice %arg11[%add3A_380, %dma_start3A_381] : memref<64x32xf32, #tpu.memory_space<vmem>> -> memref<1x32xf32, #tpu.memory_space<vmem>>
      %dma_start3A_383 = arith.constant 0 : i32
      %dma_start3A_384 = tpu.memref_slice %arg5[%squeeze3A_352, %dma_start3A_383] : memref<1000000x32xf32, #tpu.memory_space<hbm>> -> memref<1x32xf32, #tpu.memory_space<hbm>>
      %dma_start3A_385 = arith.constant 0 : i32
      %dma_start3A_386 = tpu.memref_slice %arg11[%add3A_380, %dma_start3A_385] : memref<64x32xf32, #tpu.memory_space<vmem>> -> memref<1x32xf32, #tpu.memory_space<vmem>>
      %dma_start3A_387 = arith.constant 0 : i32
      %dma_start3A_388 = tpu.memref_slice %arg5[%squeeze3A_352, %dma_start3A_387] : memref<1000000x32xf32, #tpu.memory_space<hbm>> -> memref<1x32xf32, #tpu.memory_space<hbm>>
      tpu.enqueue_dma source(%dma_start3A_388 : memref<1x32xf32, #tpu.memory_space<hbm>>) target(%dma_start3A_386 : memref<1x32xf32, #tpu.memory_space<vmem>>) target_semaphore(%arg18 : memref<!tpu.dma_semaphore, #tpu.memory_space<semaphore_mem>>)
      %mul3A_389 = arith.constant 16 : i32
      %mul3A_390 = arith.muli %scan3A_98, %mul3A_389 : i32
      %add3A_391 = arith.constant 5 : i32
      %add3A_392 = arith.addi %mul3A_390, %add3A_391 : i32
      %dma_start3A_393 = arith.constant 0 : i32
      %dma_start3A_394 = tpu.memref_slice %arg12[%add3A_392, %dma_start3A_393] : memref<64x32xf32, #tpu.memory_space<vmem>> -> memref<1x32xf32, #tpu.memory_space<vmem>>
      %dma_start3A_395 = arith.constant 0 : i32
      %dma_start3A_396 = tpu.memref_slice %arg6[%squeeze3A_352, %dma_start3A_395] : memref<1000000x32xf32, #tpu.memory_space<hbm>> -> memref<1x32xf32, #tpu.memory_space<hbm>>
      %dma_start3A_397 = arith.constant 0 : i32
      %dma_start3A_398 = tpu.memref_slice %arg12[%add3A_392, %dma_start3A_397] : memref<64x32xf32, #tpu.memory_space<vmem>> -> memref<1x32xf32, #tpu.memory_space<vmem>>
      %dma_start3A_399 = arith.constant 0 : i32
      %dma_start3A_400 = tpu.memref_slice %arg6[%squeeze3A_352, %dma_start3A_399] : memref<1000000x32xf32, #tpu.memory_space<hbm>> -> memref<1x32xf32, #tpu.memory_space<hbm>>
      tpu.enqueue_dma source(%dma_start3A_400 : memref<1x32xf32, #tpu.memory_space<hbm>>) target(%dma_start3A_398 : memref<1x32xf32, #tpu.memory_space<vmem>>) target_semaphore(%arg18 : memref<!tpu.dma_semaphore, #tpu.memory_space<semaphore_mem>>)
      %slice3A_401 = vector.extract_strided_slice %get3A_103 {offsets = [6], sizes = [1], strides = [1]} : vector<16xi32> to vector<1xi32>
      %squeeze3A_402 = vector.extract %slice3A_401[0] : i32 from vector<1xi32>
      %mul3A_403 = arith.constant 16 : i32
      %mul3A_404 = arith.muli %scan3A_98, %mul3A_403 : i32
      %add3A_405 = arith.constant 6 : i32
      %add3A_406 = arith.addi %mul3A_404, %add3A_405 : i32
      %dma_start3A_407 = arith.constant 0 : i32
      %dma_start3A_408 = tpu.memref_slice %arg9[%add3A_406, %dma_start3A_407] : memref<64x32xf32, #tpu.memory_space<vmem>> -> memref<1x32xf32, #tpu.memory_space<vmem>>
      %dma_start3A_409 = arith.constant 0 : i32
      %dma_start3A_410 = tpu.memref_slice %arg3[%squeeze3A_402, %dma_start3A_409] : memref<1000000x32xf32, #tpu.memory_space<hbm>> -> memref<1x32xf32, #tpu.memory_space<hbm>>
      %dma_start3A_411 = arith.constant 0 : i32
      %dma_start3A_412 = tpu.memref_slice %arg9[%add3A_406, %dma_start3A_411] : memref<64x32xf32, #tpu.memory_space<vmem>> -> memref<1x32xf32, #tpu.memory_space<vmem>>
      %dma_start3A_413 = arith.constant 0 : i32
      %dma_start3A_414 = tpu.memref_slice %arg3[%squeeze3A_402, %dma_start3A_413] : memref<1000000x32xf32, #tpu.memory_space<hbm>> -> memref<1x32xf32, #tpu.memory_space<hbm>>
      tpu.enqueue_dma source(%dma_start3A_414 : memref<1x32xf32, #tpu.memory_space<hbm>>) target(%dma_start3A_412 : memref<1x32xf32, #tpu.memory_space<vmem>>) target_semaphore(%arg18 : memref<!tpu.dma_semaphore, #tpu.memory_space<semaphore_mem>>)
      %mul3A_415 = arith.constant 16 : i32
      %mul3A_416 = arith.muli %scan3A_98, %mul3A_415 : i32
      %add3A_417 = arith.constant 6 : i32
      %add3A_418 = arith.addi %mul3A_416, %add3A_417 : i32
      %dma_start3A_419 = arith.constant 0 : i32
      %dma_start3A_420 = tpu.memref_slice %arg10[%add3A_418, %dma_start3A_419] : memref<64x32xf32, #tpu.memory_space<vmem>> -> memref<1x32xf32, #tpu.memory_space<vmem>>
      %dma_start3A_421 = arith.constant 0 : i32
      %dma_start3A_422 = tpu.memref_slice %arg4[%squeeze3A_402, %dma_start3A_421] : memref<1000000x32xf32, #tpu.memory_space<hbm>> -> memref<1x32xf32, #tpu.memory_space<hbm>>
      %dma_start3A_423 = arith.constant 0 : i32
      %dma_start3A_424 = tpu.memref_slice %arg10[%add3A_418, %dma_start3A_423] : memref<64x32xf32, #tpu.memory_space<vmem>> -> memref<1x32xf32, #tpu.memory_space<vmem>>
      %dma_start3A_425 = arith.constant 0 : i32
      %dma_start3A_426 = tpu.memref_slice %arg4[%squeeze3A_402, %dma_start3A_425] : memref<1000000x32xf32, #tpu.memory_space<hbm>> -> memref<1x32xf32, #tpu.memory_space<hbm>>
      tpu.enqueue_dma source(%dma_start3A_426 : memref<1x32xf32, #tpu.memory_space<hbm>>) target(%dma_start3A_424 : memref<1x32xf32, #tpu.memory_space<vmem>>) target_semaphore(%arg18 : memref<!tpu.dma_semaphore, #tpu.memory_space<semaphore_mem>>)
      %mul3A_427 = arith.constant 16 : i32
      %mul3A_428 = arith.muli %scan3A_98, %mul3A_427 : i32
      %add3A_429 = arith.constant 6 : i32
      %add3A_430 = arith.addi %mul3A_428, %add3A_429 : i32
      %dma_start3A_431 = arith.constant 0 : i32
      %dma_start3A_432 = tpu.memref_slice %arg11[%add3A_430, %dma_start3A_431] : memref<64x32xf32, #tpu.memory_space<vmem>> -> memref<1x32xf32, #tpu.memory_space<vmem>>
      %dma_start3A_433 = arith.constant 0 : i32
      %dma_start3A_434 = tpu.memref_slice %arg5[%squeeze3A_402, %dma_start3A_433] : memref<1000000x32xf32, #tpu.memory_space<hbm>> -> memref<1x32xf32, #tpu.memory_space<hbm>>
      %dma_start3A_435 = arith.constant 0 : i32
      %dma_start3A_436 = tpu.memref_slice %arg11[%add3A_430, %dma_start3A_435] : memref<64x32xf32, #tpu.memory_space<vmem>> -> memref<1x32xf32, #tpu.memory_space<vmem>>
      %dma_start3A_437 = arith.constant 0 : i32
      %dma_start3A_438 = tpu.memref_slice %arg5[%squeeze3A_402, %dma_start3A_437] : memref<1000000x32xf32, #tpu.memory_space<hbm>> -> memref<1x32xf32, #tpu.memory_space<hbm>>
      tpu.enqueue_dma source(%dma_start3A_438 : memref<1x32xf32, #tpu.memory_space<hbm>>) target(%dma_start3A_436 : memref<1x32xf32, #tpu.memory_space<vmem>>) target_semaphore(%arg18 : memref<!tpu.dma_semaphore, #tpu.memory_space<semaphore_mem>>)
      %mul3A_439 = arith.constant 16 : i32
      %mul3A_440 = arith.muli %scan3A_98, %mul3A_439 : i32
      %add3A_441 = arith.constant 6 : i32
      %add3A_442 = arith.addi %mul3A_440, %add3A_441 : i32
      %dma_start3A_443 = arith.constant 0 : i32
      %dma_start3A_444 = tpu.memref_slice %arg12[%add3A_442, %dma_start3A_443] : memref<64x32xf32, #tpu.memory_space<vmem>> -> memref<1x32xf32, #tpu.memory_space<vmem>>
      %dma_start3A_445 = arith.constant 0 : i32
      %dma_start3A_446 = tpu.memref_slice %arg6[%squeeze3A_402, %dma_start3A_445] : memref<1000000x32xf32, #tpu.memory_space<hbm>> -> memref<1x32xf32, #tpu.memory_space<hbm>>
      %dma_start3A_447 = arith.constant 0 : i32
      %dma_start3A_448 = tpu.memref_slice %arg12[%add3A_442, %dma_start3A_447] : memref<64x32xf32, #tpu.memory_space<vmem>> -> memref<1x32xf32, #tpu.memory_space<vmem>>
      %dma_start3A_449 = arith.constant 0 : i32
      %dma_start3A_450 = tpu.memref_slice %arg6[%squeeze3A_402, %dma_start3A_449] : memref<1000000x32xf32, #tpu.memory_space<hbm>> -> memref<1x32xf32, #tpu.memory_space<hbm>>
      tpu.enqueue_dma source(%dma_start3A_450 : memref<1x32xf32, #tpu.memory_space<hbm>>) target(%dma_start3A_448 : memref<1x32xf32, #tpu.memory_space<vmem>>) target_semaphore(%arg18 : memref<!tpu.dma_semaphore, #tpu.memory_space<semaphore_mem>>)
      %slice3A_451 = vector.extract_strided_slice %get3A_103 {offsets = [7], sizes = [1], strides = [1]} : vector<16xi32> to vector<1xi32>
      %squeeze3A_452 = vector.extract %slice3A_451[0] : i32 from vector<1xi32>
      %mul3A_453 = arith.constant 16 : i32
      %mul3A_454 = arith.muli %scan3A_98, %mul3A_453 : i32
      %add3A_455 = arith.constant 7 : i32
      %add3A_456 = arith.addi %mul3A_454, %add3A_455 : i32
      %dma_start3A_457 = arith.constant 0 : i32
      %dma_start3A_458 = tpu.memref_slice %arg9[%add3A_456, %dma_start3A_457] : memref<64x32xf32, #tpu.memory_space<vmem>> -> memref<1x32xf32, #tpu.memory_space<vmem>>
      %dma_start3A_459 = arith.constant 0 : i32
      %dma_start3A_460 = tpu.memref_slice %arg3[%squeeze3A_452, %dma_start3A_459] : memref<1000000x32xf32, #tpu.memory_space<hbm>> -> memref<1x32xf32, #tpu.memory_space<hbm>>
      %dma_start3A_461 = arith.constant 0 : i32
      %dma_start3A_462 = tpu.memref_slice %arg9[%add3A_456, %dma_start3A_461] : memref<64x32xf32, #tpu.memory_space<vmem>> -> memref<1x32xf32, #tpu.memory_space<vmem>>
      %dma_start3A_463 = arith.constant 0 : i32
      %dma_start3A_464 = tpu.memref_slice %arg3[%squeeze3A_452, %dma_start3A_463] : memref<1000000x32xf32, #tpu.memory_space<hbm>> -> memref<1x32xf32, #tpu.memory_space<hbm>>
      tpu.enqueue_dma source(%dma_start3A_464 : memref<1x32xf32, #tpu.memory_space<hbm>>) target(%dma_start3A_462 : memref<1x32xf32, #tpu.memory_space<vmem>>) target_semaphore(%arg18 : memref<!tpu.dma_semaphore, #tpu.memory_space<semaphore_mem>>)
      %mul3A_465 = arith.constant 16 : i32
      %mul3A_466 = arith.muli %scan3A_98, %mul3A_465 : i32
      %add3A_467 = arith.constant 7 : i32
      %add3A_468 = arith.addi %mul3A_466, %add3A_467 : i32
      %dma_start3A_469 = arith.constant 0 : i32
      %dma_start3A_470 = tpu.memref_slice %arg10[%add3A_468, %dma_start3A_469] : memref<64x32xf32, #tpu.memory_space<vmem>> -> memref<1x32xf32, #tpu.memory_space<vmem>>
      %dma_start3A_471 = arith.constant 0 : i32
      %dma_start3A_472 = tpu.memref_slice %arg4[%squeeze3A_452, %dma_start3A_471] : memref<1000000x32xf32, #tpu.memory_space<hbm>> -> memref<1x32xf32, #tpu.memory_space<hbm>>
      %dma_start3A_473 = arith.constant 0 : i32
      %dma_start3A_474 = tpu.memref_slice %arg10[%add3A_468, %dma_start3A_473] : memref<64x32xf32, #tpu.memory_space<vmem>> -> memref<1x32xf32, #tpu.memory_space<vmem>>
      %dma_start3A_475 = arith.constant 0 : i32
      %dma_start3A_476 = tpu.memref_slice %arg4[%squeeze3A_452, %dma_start3A_475] : memref<1000000x32xf32, #tpu.memory_space<hbm>> -> memref<1x32xf32, #tpu.memory_space<hbm>>
      tpu.enqueue_dma source(%dma_start3A_476 : memref<1x32xf32, #tpu.memory_space<hbm>>) target(%dma_start3A_474 : memref<1x32xf32, #tpu.memory_space<vmem>>) target_semaphore(%arg18 : memref<!tpu.dma_semaphore, #tpu.memory_space<semaphore_mem>>)
      %mul3A_477 = arith.constant 16 : i32
      %mul3A_478 = arith.muli %scan3A_98, %mul3A_477 : i32
      %add3A_479 = arith.constant 7 : i32
      %add3A_480 = arith.addi %mul3A_478, %add3A_479 : i32
      %dma_start3A_481 = arith.constant 0 : i32
      %dma_start3A_482 = tpu.memref_slice %arg11[%add3A_480, %dma_start3A_481] : memref<64x32xf32, #tpu.memory_space<vmem>> -> memref<1x32xf32, #tpu.memory_space<vmem>>
      %dma_start3A_483 = arith.constant 0 : i32
      %dma_start3A_484 = tpu.memref_slice %arg5[%squeeze3A_452, %dma_start3A_483] : memref<1000000x32xf32, #tpu.memory_space<hbm>> -> memref<1x32xf32, #tpu.memory_space<hbm>>
      %dma_start3A_485 = arith.constant 0 : i32
      %dma_start3A_486 = tpu.memref_slice %arg11[%add3A_480, %dma_start3A_485] : memref<64x32xf32, #tpu.memory_space<vmem>> -> memref<1x32xf32, #tpu.memory_space<vmem>>
      %dma_start3A_487 = arith.constant 0 : i32
      %dma_start3A_488 = tpu.memref_slice %arg5[%squeeze3A_452, %dma_start3A_487] : memref<1000000x32xf32, #tpu.memory_space<hbm>> -> memref<1x32xf32, #tpu.memory_space<hbm>>
      tpu.enqueue_dma source(%dma_start3A_488 : memref<1x32xf32, #tpu.memory_space<hbm>>) target(%dma_start3A_486 : memref<1x32xf32, #tpu.memory_space<vmem>>) target_semaphore(%arg18 : memref<!tpu.dma_semaphore, #tpu.memory_space<semaphore_mem>>)
      %mul3A_489 = arith.constant 16 : i32
      %mul3A_490 = arith.muli %scan3A_98, %mul3A_489 : i32
      %add3A_491 = arith.constant 7 : i32
      %add3A_492 = arith.addi %mul3A_490, %add3A_491 : i32
      %dma_start3A_493 = arith.constant 0 : i32
      %dma_start3A_494 = tpu.memref_slice %arg12[%add3A_492, %dma_start3A_493] : memref<64x32xf32, #tpu.memory_space<vmem>> -> memref<1x32xf32, #tpu.memory_space<vmem>>
      %dma_start3A_495 = arith.constant 0 : i32
      %dma_start3A_496 = tpu.memref_slice %arg6[%squeeze3A_452, %dma_start3A_495] : memref<1000000x32xf32, #tpu.memory_space<hbm>> -> memref<1x32xf32, #tpu.memory_space<hbm>>
      %dma_start3A_497 = arith.constant 0 : i32
      %dma_start3A_498 = tpu.memref_slice %arg12[%add3A_492, %dma_start3A_497] : memref<64x32xf32, #tpu.memory_space<vmem>> -> memref<1x32xf32, #tpu.memory_space<vmem>>
      %dma_start3A_499 = arith.constant 0 : i32
      %dma_start3A_500 = tpu.memref_slice %arg6[%squeeze3A_452, %dma_start3A_499] : memref<1000000x32xf32, #tpu.memory_space<hbm>> -> memref<1x32xf32, #tpu.memory_space<hbm>>
      tpu.enqueue_dma source(%dma_start3A_500 : memref<1x32xf32, #tpu.memory_space<hbm>>) target(%dma_start3A_498 : memref<1x32xf32, #tpu.memory_space<vmem>>) target_semaphore(%arg18 : memref<!tpu.dma_semaphore, #tpu.memory_space<semaphore_mem>>)
      %slice3A_501 = vector.extract_strided_slice %get3A_103 {offsets = [8], sizes = [1], strides = [1]} : vector<16xi32> to vector<1xi32>
      %squeeze3A_502 = vector.extract %slice3A_501[0] : i32 from vector<1xi32>
      %mul3A_503 = arith.constant 16 : i32
      %mul3A_504 = arith.muli %scan3A_98, %mul3A_503 : i32
      %add3A_505 = arith.constant 8 : i32
      %add3A_506 = arith.addi %mul3A_504, %add3A_505 : i32
      %dma_start3A_507 = arith.constant 0 : i32
      %dma_start3A_508 = tpu.memref_slice %arg9[%add3A_506, %dma_start3A_507] : memref<64x32xf32, #tpu.memory_space<vmem>> -> memref<1x32xf32, #tpu.memory_space<vmem>>
      %dma_start3A_509 = arith.constant 0 : i32
      %dma_start3A_510 = tpu.memref_slice %arg3[%squeeze3A_502, %dma_start3A_509] : memref<1000000x32xf32, #tpu.memory_space<hbm>> -> memref<1x32xf32, #tpu.memory_space<hbm>>
      %dma_start3A_511 = arith.constant 0 : i32
      %dma_start3A_512 = tpu.memref_slice %arg9[%add3A_506, %dma_start3A_511] : memref<64x32xf32, #tpu.memory_space<vmem>> -> memref<1x32xf32, #tpu.memory_space<vmem>>
      %dma_start3A_513 = arith.constant 0 : i32
      %dma_start3A_514 = tpu.memref_slice %arg3[%squeeze3A_502, %dma_start3A_513] : memref<1000000x32xf32, #tpu.memory_space<hbm>> -> memref<1x32xf32, #tpu.memory_space<hbm>>
      tpu.enqueue_dma source(%dma_start3A_514 : memref<1x32xf32, #tpu.memory_space<hbm>>) target(%dma_start3A_512 : memref<1x32xf32, #tpu.memory_space<vmem>>) target_semaphore(%arg18 : memref<!tpu.dma_semaphore, #tpu.memory_space<semaphore_mem>>)
      %mul3A_515 = arith.constant 16 : i32
      %mul3A_516 = arith.muli %scan3A_98, %mul3A_515 : i32
      %add3A_517 = arith.constant 8 : i32
      %add3A_518 = arith.addi %mul3A_516, %add3A_517 : i32
      %dma_start3A_519 = arith.constant 0 : i32
      %dma_start3A_520 = tpu.memref_slice %arg10[%add3A_518, %dma_start3A_519] : memref<64x32xf32, #tpu.memory_space<vmem>> -> memref<1x32xf32, #tpu.memory_space<vmem>>
      %dma_start3A_521 = arith.constant 0 : i32
      %dma_start3A_522 = tpu.memref_slice %arg4[%squeeze3A_502, %dma_start3A_521] : memref<1000000x32xf32, #tpu.memory_space<hbm>> -> memref<1x32xf32, #tpu.memory_space<hbm>>
      %dma_start3A_523 = arith.constant 0 : i32
      %dma_start3A_524 = tpu.memref_slice %arg10[%add3A_518, %dma_start3A_523] : memref<64x32xf32, #tpu.memory_space<vmem>> -> memref<1x32xf32, #tpu.memory_space<vmem>>
      %dma_start3A_525 = arith.constant 0 : i32
      %dma_start3A_526 = tpu.memref_slice %arg4[%squeeze3A_502, %dma_start3A_525] : memref<1000000x32xf32, #tpu.memory_space<hbm>> -> memref<1x32xf32, #tpu.memory_space<hbm>>
      tpu.enqueue_dma source(%dma_start3A_526 : memref<1x32xf32, #tpu.memory_space<hbm>>) target(%dma_start3A_524 : memref<1x32xf32, #tpu.memory_space<vmem>>) target_semaphore(%arg18 : memref<!tpu.dma_semaphore, #tpu.memory_space<semaphore_mem>>)
      %mul3A_527 = arith.constant 16 : i32
      %mul3A_528 = arith.muli %scan3A_98, %mul3A_527 : i32
      %add3A_529 = arith.constant 8 : i32
      %add3A_530 = arith.addi %mul3A_528, %add3A_529 : i32
      %dma_start3A_531 = arith.constant 0 : i32
      %dma_start3A_532 = tpu.memref_slice %arg11[%add3A_530, %dma_start3A_531] : memref<64x32xf32, #tpu.memory_space<vmem>> -> memref<1x32xf32, #tpu.memory_space<vmem>>
      %dma_start3A_533 = arith.constant 0 : i32
      %dma_start3A_534 = tpu.memref_slice %arg5[%squeeze3A_502, %dma_start3A_533] : memref<1000000x32xf32, #tpu.memory_space<hbm>> -> memref<1x32xf32, #tpu.memory_space<hbm>>
      %dma_start3A_535 = arith.constant 0 : i32
      %dma_start3A_536 = tpu.memref_slice %arg11[%add3A_530, %dma_start3A_535] : memref<64x32xf32, #tpu.memory_space<vmem>> -> memref<1x32xf32, #tpu.memory_space<vmem>>
      %dma_start3A_537 = arith.constant 0 : i32
      %dma_start3A_538 = tpu.memref_slice %arg5[%squeeze3A_502, %dma_start3A_537] : memref<1000000x32xf32, #tpu.memory_space<hbm>> -> memref<1x32xf32, #tpu.memory_space<hbm>>
      tpu.enqueue_dma source(%dma_start3A_538 : memref<1x32xf32, #tpu.memory_space<hbm>>) target(%dma_start3A_536 : memref<1x32xf32, #tpu.memory_space<vmem>>) target_semaphore(%arg18 : memref<!tpu.dma_semaphore, #tpu.memory_space<semaphore_mem>>)
      %mul3A_539 = arith.constant 16 : i32
      %mul3A_540 = arith.muli %scan3A_98, %mul3A_539 : i32
      %add3A_541 = arith.constant 8 : i32
      %add3A_542 = arith.addi %mul3A_540, %add3A_541 : i32
      %dma_start3A_543 = arith.constant 0 : i32
      %dma_start3A_544 = tpu.memref_slice %arg12[%add3A_542, %dma_start3A_543] : memref<64x32xf32, #tpu.memory_space<vmem>> -> memref<1x32xf32, #tpu.memory_space<vmem>>
      %dma_start3A_545 = arith.constant 0 : i32
      %dma_start3A_546 = tpu.memref_slice %arg6[%squeeze3A_502, %dma_start3A_545] : memref<1000000x32xf32, #tpu.memory_space<hbm>> -> memref<1x32xf32, #tpu.memory_space<hbm>>
      %dma_start3A_547 = arith.constant 0 : i32
      %dma_start3A_548 = tpu.memref_slice %arg12[%add3A_542, %dma_start3A_547] : memref<64x32xf32, #tpu.memory_space<vmem>> -> memref<1x32xf32, #tpu.memory_space<vmem>>
      %dma_start3A_549 = arith.constant 0 : i32
      %dma_start3A_550 = tpu.memref_slice %arg6[%squeeze3A_502, %dma_start3A_549] : memref<1000000x32xf32, #tpu.memory_space<hbm>> -> memref<1x32xf32, #tpu.memory_space<hbm>>
      tpu.enqueue_dma source(%dma_start3A_550 : memref<1x32xf32, #tpu.memory_space<hbm>>) target(%dma_start3A_548 : memref<1x32xf32, #tpu.memory_space<vmem>>) target_semaphore(%arg18 : memref<!tpu.dma_semaphore, #tpu.memory_space<semaphore_mem>>)
      %slice3A_551 = vector.extract_strided_slice %get3A_103 {offsets = [9], sizes = [1], strides = [1]} : vector<16xi32> to vector<1xi32>
      %squeeze3A_552 = vector.extract %slice3A_551[0] : i32 from vector<1xi32>
      %mul3A_553 = arith.constant 16 : i32
      %mul3A_554 = arith.muli %scan3A_98, %mul3A_553 : i32
      %add3A_555 = arith.constant 9 : i32
      %add3A_556 = arith.addi %mul3A_554, %add3A_555 : i32
      %dma_start3A_557 = arith.constant 0 : i32
      %dma_start3A_558 = tpu.memref_slice %arg9[%add3A_556, %dma_start3A_557] : memref<64x32xf32, #tpu.memory_space<vmem>> -> memref<1x32xf32, #tpu.memory_space<vmem>>
      %dma_start3A_559 = arith.constant 0 : i32
      %dma_start3A_560 = tpu.memref_slice %arg3[%squeeze3A_552, %dma_start3A_559] : memref<1000000x32xf32, #tpu.memory_space<hbm>> -> memref<1x32xf32, #tpu.memory_space<hbm>>
      %dma_start3A_561 = arith.constant 0 : i32
      %dma_start3A_562 = tpu.memref_slice %arg9[%add3A_556, %dma_start3A_561] : memref<64x32xf32, #tpu.memory_space<vmem>> -> memref<1x32xf32, #tpu.memory_space<vmem>>
      %dma_start3A_563 = arith.constant 0 : i32
      %dma_start3A_564 = tpu.memref_slice %arg3[%squeeze3A_552, %dma_start3A_563] : memref<1000000x32xf32, #tpu.memory_space<hbm>> -> memref<1x32xf32, #tpu.memory_space<hbm>>
      tpu.enqueue_dma source(%dma_start3A_564 : memref<1x32xf32, #tpu.memory_space<hbm>>) target(%dma_start3A_562 : memref<1x32xf32, #tpu.memory_space<vmem>>) target_semaphore(%arg18 : memref<!tpu.dma_semaphore, #tpu.memory_space<semaphore_mem>>)
      %mul3A_565 = arith.constant 16 : i32
      %mul3A_566 = arith.muli %scan3A_98, %mul3A_565 : i32
      %add3A_567 = arith.constant 9 : i32
      %add3A_568 = arith.addi %mul3A_566, %add3A_567 : i32
      %dma_start3A_569 = arith.constant 0 : i32
      %dma_start3A_570 = tpu.memref_slice %arg10[%add3A_568, %dma_start3A_569] : memref<64x32xf32, #tpu.memory_space<vmem>> -> memref<1x32xf32, #tpu.memory_space<vmem>>
      %dma_start3A_571 = arith.constant 0 : i32
      %dma_start3A_572 = tpu.memref_slice %arg4[%squeeze3A_552, %dma_start3A_571] : memref<1000000x32xf32, #tpu.memory_space<hbm>> -> memref<1x32xf32, #tpu.memory_space<hbm>>
      %dma_start3A_573 = arith.constant 0 : i32
      %dma_start3A_574 = tpu.memref_slice %arg10[%add3A_568, %dma_start3A_573] : memref<64x32xf32, #tpu.memory_space<vmem>> -> memref<1x32xf32, #tpu.memory_space<vmem>>
      %dma_start3A_575 = arith.constant 0 : i32
      %dma_start3A_576 = tpu.memref_slice %arg4[%squeeze3A_552, %dma_start3A_575] : memref<1000000x32xf32, #tpu.memory_space<hbm>> -> memref<1x32xf32, #tpu.memory_space<hbm>>
      tpu.enqueue_dma source(%dma_start3A_576 : memref<1x32xf32, #tpu.memory_space<hbm>>) target(%dma_start3A_574 : memref<1x32xf32, #tpu.memory_space<vmem>>) target_semaphore(%arg18 : memref<!tpu.dma_semaphore, #tpu.memory_space<semaphore_mem>>)
      %mul3A_577 = arith.constant 16 : i32
      %mul3A_578 = arith.muli %scan3A_98, %mul3A_577 : i32
      %add3A_579 = arith.constant 9 : i32
      %add3A_580 = arith.addi %mul3A_578, %add3A_579 : i32
      %dma_start3A_581 = arith.constant 0 : i32
      %dma_start3A_582 = tpu.memref_slice %arg11[%add3A_580, %dma_start3A_581] : memref<64x32xf32, #tpu.memory_space<vmem>> -> memref<1x32xf32, #tpu.memory_space<vmem>>
      %dma_start3A_583 = arith.constant 0 : i32
      %dma_start3A_584 = tpu.memref_slice %arg5[%squeeze3A_552, %dma_start3A_583] : memref<1000000x32xf32, #tpu.memory_space<hbm>> -> memref<1x32xf32, #tpu.memory_space<hbm>>
      %dma_start3A_585 = arith.constant 0 : i32
      %dma_start3A_586 = tpu.memref_slice %arg11[%add3A_580, %dma_start3A_585] : memref<64x32xf32, #tpu.memory_space<vmem>> -> memref<1x32xf32, #tpu.memory_space<vmem>>
      %dma_start3A_587 = arith.constant 0 : i32
      %dma_start3A_588 = tpu.memref_slice %arg5[%squeeze3A_552, %dma_start3A_587] : memref<1000000x32xf32, #tpu.memory_space<hbm>> -> memref<1x32xf32, #tpu.memory_space<hbm>>
      tpu.enqueue_dma source(%dma_start3A_588 : memref<1x32xf32, #tpu.memory_space<hbm>>) target(%dma_start3A_586 : memref<1x32xf32, #tpu.memory_space<vmem>>) target_semaphore(%arg18 : memref<!tpu.dma_semaphore, #tpu.memory_space<semaphore_mem>>)
      %mul3A_589 = arith.constant 16 : i32
      %mul3A_590 = arith.muli %scan3A_98, %mul3A_589 : i32
      %add3A_591 = arith.constant 9 : i32
      %add3A_592 = arith.addi %mul3A_590, %add3A_591 : i32
      %dma_start3A_593 = arith.constant 0 : i32
      %dma_start3A_594 = tpu.memref_slice %arg12[%add3A_592, %dma_start3A_593] : memref<64x32xf32, #tpu.memory_space<vmem>> -> memref<1x32xf32, #tpu.memory_space<vmem>>
      %dma_start3A_595 = arith.constant 0 : i32
      %dma_start3A_596 = tpu.memref_slice %arg6[%squeeze3A_552, %dma_start3A_595] : memref<1000000x32xf32, #tpu.memory_space<hbm>> -> memref<1x32xf32, #tpu.memory_space<hbm>>
      %dma_start3A_597 = arith.constant 0 : i32
      %dma_start3A_598 = tpu.memref_slice %arg12[%add3A_592, %dma_start3A_597] : memref<64x32xf32, #tpu.memory_space<vmem>> -> memref<1x32xf32, #tpu.memory_space<vmem>>
      %dma_start3A_599 = arith.constant 0 : i32
      %dma_start3A_600 = tpu.memref_slice %arg6[%squeeze3A_552, %dma_start3A_599] : memref<1000000x32xf32, #tpu.memory_space<hbm>> -> memref<1x32xf32, #tpu.memory_space<hbm>>
      tpu.enqueue_dma source(%dma_start3A_600 : memref<1x32xf32, #tpu.memory_space<hbm>>) target(%dma_start3A_598 : memref<1x32xf32, #tpu.memory_space<vmem>>) target_semaphore(%arg18 : memref<!tpu.dma_semaphore, #tpu.memory_space<semaphore_mem>>)
      %slice3A_601 = vector.extract_strided_slice %get3A_103 {offsets = [10], sizes = [1], strides = [1]} : vector<16xi32> to vector<1xi32>
      %squeeze3A_602 = vector.extract %slice3A_601[0] : i32 from vector<1xi32>
      %mul3A_603 = arith.constant 16 : i32
      %mul3A_604 = arith.muli %scan3A_98, %mul3A_603 : i32
      %add3A_605 = arith.constant 10 : i32
      %add3A_606 = arith.addi %mul3A_604, %add3A_605 : i32
      %dma_start3A_607 = arith.constant 0 : i32
      %dma_start3A_608 = tpu.memref_slice %arg9[%add3A_606, %dma_start3A_607] : memref<64x32xf32, #tpu.memory_space<vmem>> -> memref<1x32xf32, #tpu.memory_space<vmem>>
      %dma_start3A_609 = arith.constant 0 : i32
      %dma_start3A_610 = tpu.memref_slice %arg3[%squeeze3A_602, %dma_start3A_609] : memref<1000000x32xf32, #tpu.memory_space<hbm>> -> memref<1x32xf32, #tpu.memory_space<hbm>>
      %dma_start3A_611 = arith.constant 0 : i32
      %dma_start3A_612 = tpu.memref_slice %arg9[%add3A_606, %dma_start3A_611] : memref<64x32xf32, #tpu.memory_space<vmem>> -> memref<1x32xf32, #tpu.memory_space<vmem>>
      %dma_start3A_613 = arith.constant 0 : i32
      %dma_start3A_614 = tpu.memref_slice %arg3[%squeeze3A_602, %dma_start3A_613] : memref<1000000x32xf32, #tpu.memory_space<hbm>> -> memref<1x32xf32, #tpu.memory_space<hbm>>
      tpu.enqueue_dma source(%dma_start3A_614 : memref<1x32xf32, #tpu.memory_space<hbm>>) target(%dma_start3A_612 : memref<1x32xf32, #tpu.memory_space<vmem>>) target_semaphore(%arg18 : memref<!tpu.dma_semaphore, #tpu.memory_space<semaphore_mem>>)
      %mul3A_615 = arith.constant 16 : i32
      %mul3A_616 = arith.muli %scan3A_98, %mul3A_615 : i32
      %add3A_617 = arith.constant 10 : i32
      %add3A_618 = arith.addi %mul3A_616, %add3A_617 : i32
      %dma_start3A_619 = arith.constant 0 : i32
      %dma_start3A_620 = tpu.memref_slice %arg10[%add3A_618, %dma_start3A_619] : memref<64x32xf32, #tpu.memory_space<vmem>> -> memref<1x32xf32, #tpu.memory_space<vmem>>
      %dma_start3A_621 = arith.constant 0 : i32
      %dma_start3A_622 = tpu.memref_slice %arg4[%squeeze3A_602, %dma_start3A_621] : memref<1000000x32xf32, #tpu.memory_space<hbm>> -> memref<1x32xf32, #tpu.memory_space<hbm>>
      %dma_start3A_623 = arith.constant 0 : i32
      %dma_start3A_624 = tpu.memref_slice %arg10[%add3A_618, %dma_start3A_623] : memref<64x32xf32, #tpu.memory_space<vmem>> -> memref<1x32xf32, #tpu.memory_space<vmem>>
      %dma_start3A_625 = arith.constant 0 : i32
      %dma_start3A_626 = tpu.memref_slice %arg4[%squeeze3A_602, %dma_start3A_625] : memref<1000000x32xf32, #tpu.memory_space<hbm>> -> memref<1x32xf32, #tpu.memory_space<hbm>>
      tpu.enqueue_dma source(%dma_start3A_626 : memref<1x32xf32, #tpu.memory_space<hbm>>) target(%dma_start3A_624 : memref<1x32xf32, #tpu.memory_space<vmem>>) target_semaphore(%arg18 : memref<!tpu.dma_semaphore, #tpu.memory_space<semaphore_mem>>)
      %mul3A_627 = arith.constant 16 : i32
      %mul3A_628 = arith.muli %scan3A_98, %mul3A_627 : i32
      %add3A_629 = arith.constant 10 : i32
      %add3A_630 = arith.addi %mul3A_628, %add3A_629 : i32
      %dma_start3A_631 = arith.constant 0 : i32
      %dma_start3A_632 = tpu.memref_slice %arg11[%add3A_630, %dma_start3A_631] : memref<64x32xf32, #tpu.memory_space<vmem>> -> memref<1x32xf32, #tpu.memory_space<vmem>>
      %dma_start3A_633 = arith.constant 0 : i32
      %dma_start3A_634 = tpu.memref_slice %arg5[%squeeze3A_602, %dma_start3A_633] : memref<1000000x32xf32, #tpu.memory_space<hbm>> -> memref<1x32xf32, #tpu.memory_space<hbm>>
      %dma_start3A_635 = arith.constant 0 : i32
      %dma_start3A_636 = tpu.memref_slice %arg11[%add3A_630, %dma_start3A_635] : memref<64x32xf32, #tpu.memory_space<vmem>> -> memref<1x32xf32, #tpu.memory_space<vmem>>
      %dma_start3A_637 = arith.constant 0 : i32
      %dma_start3A_638 = tpu.memref_slice %arg5[%squeeze3A_602, %dma_start3A_637] : memref<1000000x32xf32, #tpu.memory_space<hbm>> -> memref<1x32xf32, #tpu.memory_space<hbm>>
      tpu.enqueue_dma source(%dma_start3A_638 : memref<1x32xf32, #tpu.memory_space<hbm>>) target(%dma_start3A_636 : memref<1x32xf32, #tpu.memory_space<vmem>>) target_semaphore(%arg18 : memref<!tpu.dma_semaphore, #tpu.memory_space<semaphore_mem>>)
      %mul3A_639 = arith.constant 16 : i32
      %mul3A_640 = arith.muli %scan3A_98, %mul3A_639 : i32
      %add3A_641 = arith.constant 10 : i32
      %add3A_642 = arith.addi %mul3A_640, %add3A_641 : i32
      %dma_start3A_643 = arith.constant 0 : i32
      %dma_start3A_644 = tpu.memref_slice %arg12[%add3A_642, %dma_start3A_643] : memref<64x32xf32, #tpu.memory_space<vmem>> -> memref<1x32xf32, #tpu.memory_space<vmem>>
      %dma_start3A_645 = arith.constant 0 : i32
      %dma_start3A_646 = tpu.memref_slice %arg6[%squeeze3A_602, %dma_start3A_645] : memref<1000000x32xf32, #tpu.memory_space<hbm>> -> memref<1x32xf32, #tpu.memory_space<hbm>>
      %dma_start3A_647 = arith.constant 0 : i32
      %dma_start3A_648 = tpu.memref_slice %arg12[%add3A_642, %dma_start3A_647] : memref<64x32xf32, #tpu.memory_space<vmem>> -> memref<1x32xf32, #tpu.memory_space<vmem>>
      %dma_start3A_649 = arith.constant 0 : i32
      %dma_start3A_650 = tpu.memref_slice %arg6[%squeeze3A_602, %dma_start3A_649] : memref<1000000x32xf32, #tpu.memory_space<hbm>> -> memref<1x32xf32, #tpu.memory_space<hbm>>
      tpu.enqueue_dma source(%dma_start3A_650 : memref<1x32xf32, #tpu.memory_space<hbm>>) target(%dma_start3A_648 : memref<1x32xf32, #tpu.memory_space<vmem>>) target_semaphore(%arg18 : memref<!tpu.dma_semaphore, #tpu.memory_space<semaphore_mem>>)
      %slice3A_651 = vector.extract_strided_slice %get3A_103 {offsets = [11], sizes = [1], strides = [1]} : vector<16xi32> to vector<1xi32>
      %squeeze3A_652 = vector.extract %slice3A_651[0] : i32 from vector<1xi32>
      %mul3A_653 = arith.constant 16 : i32
      %mul3A_654 = arith.muli %scan3A_98, %mul3A_653 : i32
      %add3A_655 = arith.constant 11 : i32
      %add3A_656 = arith.addi %mul3A_654, %add3A_655 : i32
      %dma_start3A_657 = arith.constant 0 : i32
      %dma_start3A_658 = tpu.memref_slice %arg9[%add3A_656, %dma_start3A_657] : memref<64x32xf32, #tpu.memory_space<vmem>> -> memref<1x32xf32, #tpu.memory_space<vmem>>
      %dma_start3A_659 = arith.constant 0 : i32
      %dma_start3A_660 = tpu.memref_slice %arg3[%squeeze3A_652, %dma_start3A_659] : memref<1000000x32xf32, #tpu.memory_space<hbm>> -> memref<1x32xf32, #tpu.memory_space<hbm>>
      %dma_start3A_661 = arith.constant 0 : i32
      %dma_start3A_662 = tpu.memref_slice %arg9[%add3A_656, %dma_start3A_661] : memref<64x32xf32, #tpu.memory_space<vmem>> -> memref<1x32xf32, #tpu.memory_space<vmem>>
      %dma_start3A_663 = arith.constant 0 : i32
      %dma_start3A_664 = tpu.memref_slice %arg3[%squeeze3A_652, %dma_start3A_663] : memref<1000000x32xf32, #tpu.memory_space<hbm>> -> memref<1x32xf32, #tpu.memory_space<hbm>>
      tpu.enqueue_dma source(%dma_start3A_664 : memref<1x32xf32, #tpu.memory_space<hbm>>) target(%dma_start3A_662 : memref<1x32xf32, #tpu.memory_space<vmem>>) target_semaphore(%arg18 : memref<!tpu.dma_semaphore, #tpu.memory_space<semaphore_mem>>)
      %mul3A_665 = arith.constant 16 : i32
      %mul3A_666 = arith.muli %scan3A_98, %mul3A_665 : i32
      %add3A_667 = arith.constant 11 : i32
      %add3A_668 = arith.addi %mul3A_666, %add3A_667 : i32
      %dma_start3A_669 = arith.constant 0 : i32
      %dma_start3A_670 = tpu.memref_slice %arg10[%add3A_668, %dma_start3A_669] : memref<64x32xf32, #tpu.memory_space<vmem>> -> memref<1x32xf32, #tpu.memory_space<vmem>>
      %dma_start3A_671 = arith.constant 0 : i32
      %dma_start3A_672 = tpu.memref_slice %arg4[%squeeze3A_652, %dma_start3A_671] : memref<1000000x32xf32, #tpu.memory_space<hbm>> -> memref<1x32xf32, #tpu.memory_space<hbm>>
      %dma_start3A_673 = arith.constant 0 : i32
      %dma_start3A_674 = tpu.memref_slice %arg10[%add3A_668, %dma_start3A_673] : memref<64x32xf32, #tpu.memory_space<vmem>> -> memref<1x32xf32, #tpu.memory_space<vmem>>
      %dma_start3A_675 = arith.constant 0 : i32
      %dma_start3A_676 = tpu.memref_slice %arg4[%squeeze3A_652, %dma_start3A_675] : memref<1000000x32xf32, #tpu.memory_space<hbm>> -> memref<1x32xf32, #tpu.memory_space<hbm>>
      tpu.enqueue_dma source(%dma_start3A_676 : memref<1x32xf32, #tpu.memory_space<hbm>>) target(%dma_start3A_674 : memref<1x32xf32, #tpu.memory_space<vmem>>) target_semaphore(%arg18 : memref<!tpu.dma_semaphore, #tpu.memory_space<semaphore_mem>>)
      %mul3A_677 = arith.constant 16 : i32
      %mul3A_678 = arith.muli %scan3A_98, %mul3A_677 : i32
      %add3A_679 = arith.constant 11 : i32
      %add3A_680 = arith.addi %mul3A_678, %add3A_679 : i32
      %dma_start3A_681 = arith.constant 0 : i32
      %dma_start3A_682 = tpu.memref_slice %arg11[%add3A_680, %dma_start3A_681] : memref<64x32xf32, #tpu.memory_space<vmem>> -> memref<1x32xf32, #tpu.memory_space<vmem>>
      %dma_start3A_683 = arith.constant 0 : i32
      %dma_start3A_684 = tpu.memref_slice %arg5[%squeeze3A_652, %dma_start3A_683] : memref<1000000x32xf32, #tpu.memory_space<hbm>> -> memref<1x32xf32, #tpu.memory_space<hbm>>
      %dma_start3A_685 = arith.constant 0 : i32
      %dma_start3A_686 = tpu.memref_slice %arg11[%add3A_680, %dma_start3A_685] : memref<64x32xf32, #tpu.memory_space<vmem>> -> memref<1x32xf32, #tpu.memory_space<vmem>>
      %dma_start3A_687 = arith.constant 0 : i32
      %dma_start3A_688 = tpu.memref_slice %arg5[%squeeze3A_652, %dma_start3A_687] : memref<1000000x32xf32, #tpu.memory_space<hbm>> -> memref<1x32xf32, #tpu.memory_space<hbm>>
      tpu.enqueue_dma source(%dma_start3A_688 : memref<1x32xf32, #tpu.memory_space<hbm>>) target(%dma_start3A_686 : memref<1x32xf32, #tpu.memory_space<vmem>>) target_semaphore(%arg18 : memref<!tpu.dma_semaphore, #tpu.memory_space<semaphore_mem>>)
      %mul3A_689 = arith.constant 16 : i32
      %mul3A_690 = arith.muli %scan3A_98, %mul3A_689 : i32
      %add3A_691 = arith.constant 11 : i32
      %add3A_692 = arith.addi %mul3A_690, %add3A_691 : i32
      %dma_start3A_693 = arith.constant 0 : i32
      %dma_start3A_694 = tpu.memref_slice %arg12[%add3A_692, %dma_start3A_693] : memref<64x32xf32, #tpu.memory_space<vmem>> -> memref<1x32xf32, #tpu.memory_space<vmem>>
      %dma_start3A_695 = arith.constant 0 : i32
      %dma_start3A_696 = tpu.memref_slice %arg6[%squeeze3A_652, %dma_start3A_695] : memref<1000000x32xf32, #tpu.memory_space<hbm>> -> memref<1x32xf32, #tpu.memory_space<hbm>>
      %dma_start3A_697 = arith.constant 0 : i32
      %dma_start3A_698 = tpu.memref_slice %arg12[%add3A_692, %dma_start3A_697] : memref<64x32xf32, #tpu.memory_space<vmem>> -> memref<1x32xf32, #tpu.memory_space<vmem>>
      %dma_start3A_699 = arith.constant 0 : i32
      %dma_start3A_700 = tpu.memref_slice %arg6[%squeeze3A_652, %dma_start3A_699] : memref<1000000x32xf32, #tpu.memory_space<hbm>> -> memref<1x32xf32, #tpu.memory_space<hbm>>
      tpu.enqueue_dma source(%dma_start3A_700 : memref<1x32xf32, #tpu.memory_space<hbm>>) target(%dma_start3A_698 : memref<1x32xf32, #tpu.memory_space<vmem>>) target_semaphore(%arg18 : memref<!tpu.dma_semaphore, #tpu.memory_space<semaphore_mem>>)
      %slice3A_701 = vector.extract_strided_slice %get3A_103 {offsets = [12], sizes = [1], strides = [1]} : vector<16xi32> to vector<1xi32>
      %squeeze3A_702 = vector.extract %slice3A_701[0] : i32 from vector<1xi32>
      %mul3A_703 = arith.constant 16 : i32
      %mul3A_704 = arith.muli %scan3A_98, %mul3A_703 : i32
      %add3A_705 = arith.constant 12 : i32
      %add3A_706 = arith.addi %mul3A_704, %add3A_705 : i32
      %dma_start3A_707 = arith.constant 0 : i32
      %dma_start3A_708 = tpu.memref_slice %arg9[%add3A_706, %dma_start3A_707] : memref<64x32xf32, #tpu.memory_space<vmem>> -> memref<1x32xf32, #tpu.memory_space<vmem>>
      %dma_start3A_709 = arith.constant 0 : i32
      %dma_start3A_710 = tpu.memref_slice %arg3[%squeeze3A_702, %dma_start3A_709] : memref<1000000x32xf32, #tpu.memory_space<hbm>> -> memref<1x32xf32, #tpu.memory_space<hbm>>
      %dma_start3A_711 = arith.constant 0 : i32
      %dma_start3A_712 = tpu.memref_slice %arg9[%add3A_706, %dma_start3A_711] : memref<64x32xf32, #tpu.memory_space<vmem>> -> memref<1x32xf32, #tpu.memory_space<vmem>>
      %dma_start3A_713 = arith.constant 0 : i32
      %dma_start3A_714 = tpu.memref_slice %arg3[%squeeze3A_702, %dma_start3A_713] : memref<1000000x32xf32, #tpu.memory_space<hbm>> -> memref<1x32xf32, #tpu.memory_space<hbm>>
      tpu.enqueue_dma source(%dma_start3A_714 : memref<1x32xf32, #tpu.memory_space<hbm>>) target(%dma_start3A_712 : memref<1x32xf32, #tpu.memory_space<vmem>>) target_semaphore(%arg18 : memref<!tpu.dma_semaphore, #tpu.memory_space<semaphore_mem>>)
      %mul3A_715 = arith.constant 16 : i32
      %mul3A_716 = arith.muli %scan3A_98, %mul3A_715 : i32
      %add3A_717 = arith.constant 12 : i32
      %add3A_718 = arith.addi %mul3A_716, %add3A_717 : i32
      %dma_start3A_719 = arith.constant 0 : i32
      %dma_start3A_720 = tpu.memref_slice %arg10[%add3A_718, %dma_start3A_719] : memref<64x32xf32, #tpu.memory_space<vmem>> -> memref<1x32xf32, #tpu.memory_space<vmem>>
      %dma_start3A_721 = arith.constant 0 : i32
      %dma_start3A_722 = tpu.memref_slice %arg4[%squeeze3A_702, %dma_start3A_721] : memref<1000000x32xf32, #tpu.memory_space<hbm>> -> memref<1x32xf32, #tpu.memory_space<hbm>>
      %dma_start3A_723 = arith.constant 0 : i32
      %dma_start3A_724 = tpu.memref_slice %arg10[%add3A_718, %dma_start3A_723] : memref<64x32xf32, #tpu.memory_space<vmem>> -> memref<1x32xf32, #tpu.memory_space<vmem>>
      %dma_start3A_725 = arith.constant 0 : i32
      %dma_start3A_726 = tpu.memref_slice %arg4[%squeeze3A_702, %dma_start3A_725] : memref<1000000x32xf32, #tpu.memory_space<hbm>> -> memref<1x32xf32, #tpu.memory_space<hbm>>
      tpu.enqueue_dma source(%dma_start3A_726 : memref<1x32xf32, #tpu.memory_space<hbm>>) target(%dma_start3A_724 : memref<1x32xf32, #tpu.memory_space<vmem>>) target_semaphore(%arg18 : memref<!tpu.dma_semaphore, #tpu.memory_space<semaphore_mem>>)
      %mul3A_727 = arith.constant 16 : i32
      %mul3A_728 = arith.muli %scan3A_98, %mul3A_727 : i32
      %add3A_729 = arith.constant 12 : i32
      %add3A_730 = arith.addi %mul3A_728, %add3A_729 : i32
      %dma_start3A_731 = arith.constant 0 : i32
      %dma_start3A_732 = tpu.memref_slice %arg11[%add3A_730, %dma_start3A_731] : memref<64x32xf32, #tpu.memory_space<vmem>> -> memref<1x32xf32, #tpu.memory_space<vmem>>
      %dma_start3A_733 = arith.constant 0 : i32
      %dma_start3A_734 = tpu.memref_slice %arg5[%squeeze3A_702, %dma_start3A_733] : memref<1000000x32xf32, #tpu.memory_space<hbm>> -> memref<1x32xf32, #tpu.memory_space<hbm>>
      %dma_start3A_735 = arith.constant 0 : i32
      %dma_start3A_736 = tpu.memref_slice %arg11[%add3A_730, %dma_start3A_735] : memref<64x32xf32, #tpu.memory_space<vmem>> -> memref<1x32xf32, #tpu.memory_space<vmem>>
      %dma_start3A_737 = arith.constant 0 : i32
      %dma_start3A_738 = tpu.memref_slice %arg5[%squeeze3A_702, %dma_start3A_737] : memref<1000000x32xf32, #tpu.memory_space<hbm>> -> memref<1x32xf32, #tpu.memory_space<hbm>>
      tpu.enqueue_dma source(%dma_start3A_738 : memref<1x32xf32, #tpu.memory_space<hbm>>) target(%dma_start3A_736 : memref<1x32xf32, #tpu.memory_space<vmem>>) target_semaphore(%arg18 : memref<!tpu.dma_semaphore, #tpu.memory_space<semaphore_mem>>)
      %mul3A_739 = arith.constant 16 : i32
      %mul3A_740 = arith.muli %scan3A_98, %mul3A_739 : i32
      %add3A_741 = arith.constant 12 : i32
      %add3A_742 = arith.addi %mul3A_740, %add3A_741 : i32
      %dma_start3A_743 = arith.constant 0 : i32
      %dma_start3A_744 = tpu.memref_slice %arg12[%add3A_742, %dma_start3A_743] : memref<64x32xf32, #tpu.memory_space<vmem>> -> memref<1x32xf32, #tpu.memory_space<vmem>>
      %dma_start3A_745 = arith.constant 0 : i32
      %dma_start3A_746 = tpu.memref_slice %arg6[%squeeze3A_702, %dma_start3A_745] : memref<1000000x32xf32, #tpu.memory_space<hbm>> -> memref<1x32xf32, #tpu.memory_space<hbm>>
      %dma_start3A_747 = arith.constant 0 : i32
      %dma_start3A_748 = tpu.memref_slice %arg12[%add3A_742, %dma_start3A_747] : memref<64x32xf32, #tpu.memory_space<vmem>> -> memref<1x32xf32, #tpu.memory_space<vmem>>
      %dma_start3A_749 = arith.constant 0 : i32
      %dma_start3A_750 = tpu.memref_slice %arg6[%squeeze3A_702, %dma_start3A_749] : memref<1000000x32xf32, #tpu.memory_space<hbm>> -> memref<1x32xf32, #tpu.memory_space<hbm>>
      tpu.enqueue_dma source(%dma_start3A_750 : memref<1x32xf32, #tpu.memory_space<hbm>>) target(%dma_start3A_748 : memref<1x32xf32, #tpu.memory_space<vmem>>) target_semaphore(%arg18 : memref<!tpu.dma_semaphore, #tpu.memory_space<semaphore_mem>>)
      %slice3A_751 = vector.extract_strided_slice %get3A_103 {offsets = [13], sizes = [1], strides = [1]} : vector<16xi32> to vector<1xi32>
      %squeeze3A_752 = vector.extract %slice3A_751[0] : i32 from vector<1xi32>
      %mul3A_753 = arith.constant 16 : i32
      %mul3A_754 = arith.muli %scan3A_98, %mul3A_753 : i32
      %add3A_755 = arith.constant 13 : i32
      %add3A_756 = arith.addi %mul3A_754, %add3A_755 : i32
      %dma_start3A_757 = arith.constant 0 : i32
      %dma_start3A_758 = tpu.memref_slice %arg9[%add3A_756, %dma_start3A_757] : memref<64x32xf32, #tpu.memory_space<vmem>> -> memref<1x32xf32, #tpu.memory_space<vmem>>
      %dma_start3A_759 = arith.constant 0 : i32
      %dma_start3A_760 = tpu.memref_slice %arg3[%squeeze3A_752, %dma_start3A_759] : memref<1000000x32xf32, #tpu.memory_space<hbm>> -> memref<1x32xf32, #tpu.memory_space<hbm>>
      %dma_start3A_761 = arith.constant 0 : i32
      %dma_start3A_762 = tpu.memref_slice %arg9[%add3A_756, %dma_start3A_761] : memref<64x32xf32, #tpu.memory_space<vmem>> -> memref<1x32xf32, #tpu.memory_space<vmem>>
      %dma_start3A_763 = arith.constant 0 : i32
      %dma_start3A_764 = tpu.memref_slice %arg3[%squeeze3A_752, %dma_start3A_763] : memref<1000000x32xf32, #tpu.memory_space<hbm>> -> memref<1x32xf32, #tpu.memory_space<hbm>>
      tpu.enqueue_dma source(%dma_start3A_764 : memref<1x32xf32, #tpu.memory_space<hbm>>) target(%dma_start3A_762 : memref<1x32xf32, #tpu.memory_space<vmem>>) target_semaphore(%arg18 : memref<!tpu.dma_semaphore, #tpu.memory_space<semaphore_mem>>)
      %mul3A_765 = arith.constant 16 : i32
      %mul3A_766 = arith.muli %scan3A_98, %mul3A_765 : i32
      %add3A_767 = arith.constant 13 : i32
      %add3A_768 = arith.addi %mul3A_766, %add3A_767 : i32
      %dma_start3A_769 = arith.constant 0 : i32
      %dma_start3A_770 = tpu.memref_slice %arg10[%add3A_768, %dma_start3A_769] : memref<64x32xf32, #tpu.memory_space<vmem>> -> memref<1x32xf32, #tpu.memory_space<vmem>>
      %dma_start3A_771 = arith.constant 0 : i32
      %dma_start3A_772 = tpu.memref_slice %arg4[%squeeze3A_752, %dma_start3A_771] : memref<1000000x32xf32, #tpu.memory_space<hbm>> -> memref<1x32xf32, #tpu.memory_space<hbm>>
      %dma_start3A_773 = arith.constant 0 : i32
      %dma_start3A_774 = tpu.memref_slice %arg10[%add3A_768, %dma_start3A_773] : memref<64x32xf32, #tpu.memory_space<vmem>> -> memref<1x32xf32, #tpu.memory_space<vmem>>
      %dma_start3A_775 = arith.constant 0 : i32
      %dma_start3A_776 = tpu.memref_slice %arg4[%squeeze3A_752, %dma_start3A_775] : memref<1000000x32xf32, #tpu.memory_space<hbm>> -> memref<1x32xf32, #tpu.memory_space<hbm>>
      tpu.enqueue_dma source(%dma_start3A_776 : memref<1x32xf32, #tpu.memory_space<hbm>>) target(%dma_start3A_774 : memref<1x32xf32, #tpu.memory_space<vmem>>) target_semaphore(%arg18 : memref<!tpu.dma_semaphore, #tpu.memory_space<semaphore_mem>>)
      %mul3A_777 = arith.constant 16 : i32
      %mul3A_778 = arith.muli %scan3A_98, %mul3A_777 : i32
      %add3A_779 = arith.constant 13 : i32
      %add3A_780 = arith.addi %mul3A_778, %add3A_779 : i32
      %dma_start3A_781 = arith.constant 0 : i32
      %dma_start3A_782 = tpu.memref_slice %arg11[%add3A_780, %dma_start3A_781] : memref<64x32xf32, #tpu.memory_space<vmem>> -> memref<1x32xf32, #tpu.memory_space<vmem>>
      %dma_start3A_783 = arith.constant 0 : i32
      %dma_start3A_784 = tpu.memref_slice %arg5[%squeeze3A_752, %dma_start3A_783] : memref<1000000x32xf32, #tpu.memory_space<hbm>> -> memref<1x32xf32, #tpu.memory_space<hbm>>
      %dma_start3A_785 = arith.constant 0 : i32
      %dma_start3A_786 = tpu.memref_slice %arg11[%add3A_780, %dma_start3A_785] : memref<64x32xf32, #tpu.memory_space<vmem>> -> memref<1x32xf32, #tpu.memory_space<vmem>>
      %dma_start3A_787 = arith.constant 0 : i32
      %dma_start3A_788 = tpu.memref_slice %arg5[%squeeze3A_752, %dma_start3A_787] : memref<1000000x32xf32, #tpu.memory_space<hbm>> -> memref<1x32xf32, #tpu.memory_space<hbm>>
      tpu.enqueue_dma source(%dma_start3A_788 : memref<1x32xf32, #tpu.memory_space<hbm>>) target(%dma_start3A_786 : memref<1x32xf32, #tpu.memory_space<vmem>>) target_semaphore(%arg18 : memref<!tpu.dma_semaphore, #tpu.memory_space<semaphore_mem>>)
      %mul3A_789 = arith.constant 16 : i32
      %mul3A_790 = arith.muli %scan3A_98, %mul3A_789 : i32
      %add3A_791 = arith.constant 13 : i32
      %add3A_792 = arith.addi %mul3A_790, %add3A_791 : i32
      %dma_start3A_793 = arith.constant 0 : i32
      %dma_start3A_794 = tpu.memref_slice %arg12[%add3A_792, %dma_start3A_793] : memref<64x32xf32, #tpu.memory_space<vmem>> -> memref<1x32xf32, #tpu.memory_space<vmem>>
      %dma_start3A_795 = arith.constant 0 : i32
      %dma_start3A_796 = tpu.memref_slice %arg6[%squeeze3A_752, %dma_start3A_795] : memref<1000000x32xf32, #tpu.memory_space<hbm>> -> memref<1x32xf32, #tpu.memory_space<hbm>>
      %dma_start3A_797 = arith.constant 0 : i32
      %dma_start3A_798 = tpu.memref_slice %arg12[%add3A_792, %dma_start3A_797] : memref<64x32xf32, #tpu.memory_space<vmem>> -> memref<1x32xf32, #tpu.memory_space<vmem>>
      %dma_start3A_799 = arith.constant 0 : i32
      %dma_start3A_800 = tpu.memref_slice %arg6[%squeeze3A_752, %dma_start3A_799] : memref<1000000x32xf32, #tpu.memory_space<hbm>> -> memref<1x32xf32, #tpu.memory_space<hbm>>
      tpu.enqueue_dma source(%dma_start3A_800 : memref<1x32xf32, #tpu.memory_space<hbm>>) target(%dma_start3A_798 : memref<1x32xf32, #tpu.memory_space<vmem>>) target_semaphore(%arg18 : memref<!tpu.dma_semaphore, #tpu.memory_space<semaphore_mem>>)
      %slice3A_801 = vector.extract_strided_slice %get3A_103 {offsets = [14], sizes = [1], strides = [1]} : vector<16xi32> to vector<1xi32>
      %squeeze3A_802 = vector.extract %slice3A_801[0] : i32 from vector<1xi32>
      %mul3A_803 = arith.constant 16 : i32
      %mul3A_804 = arith.muli %scan3A_98, %mul3A_803 : i32
      %add3A_805 = arith.constant 14 : i32
      %add3A_806 = arith.addi %mul3A_804, %add3A_805 : i32
      %dma_start3A_807 = arith.constant 0 : i32
      %dma_start3A_808 = tpu.memref_slice %arg9[%add3A_806, %dma_start3A_807] : memref<64x32xf32, #tpu.memory_space<vmem>> -> memref<1x32xf32, #tpu.memory_space<vmem>>
      %dma_start3A_809 = arith.constant 0 : i32
      %dma_start3A_810 = tpu.memref_slice %arg3[%squeeze3A_802, %dma_start3A_809] : memref<1000000x32xf32, #tpu.memory_space<hbm>> -> memref<1x32xf32, #tpu.memory_space<hbm>>
      %dma_start3A_811 = arith.constant 0 : i32
      %dma_start3A_812 = tpu.memref_slice %arg9[%add3A_806, %dma_start3A_811] : memref<64x32xf32, #tpu.memory_space<vmem>> -> memref<1x32xf32, #tpu.memory_space<vmem>>
      %dma_start3A_813 = arith.constant 0 : i32
      %dma_start3A_814 = tpu.memref_slice %arg3[%squeeze3A_802, %dma_start3A_813] : memref<1000000x32xf32, #tpu.memory_space<hbm>> -> memref<1x32xf32, #tpu.memory_space<hbm>>
      tpu.enqueue_dma source(%dma_start3A_814 : memref<1x32xf32, #tpu.memory_space<hbm>>) target(%dma_start3A_812 : memref<1x32xf32, #tpu.memory_space<vmem>>) target_semaphore(%arg18 : memref<!tpu.dma_semaphore, #tpu.memory_space<semaphore_mem>>)
      %mul3A_815 = arith.constant 16 : i32
      %mul3A_816 = arith.muli %scan3A_98, %mul3A_815 : i32
      %add3A_817 = arith.constant 14 : i32
      %add3A_818 = arith.addi %mul3A_816, %add3A_817 : i32
      %dma_start3A_819 = arith.constant 0 : i32
      %dma_start3A_820 = tpu.memref_slice %arg10[%add3A_818, %dma_start3A_819] : memref<64x32xf32, #tpu.memory_space<vmem>> -> memref<1x32xf32, #tpu.memory_space<vmem>>
      %dma_start3A_821 = arith.constant 0 : i32
      %dma_start3A_822 = tpu.memref_slice %arg4[%squeeze3A_802, %dma_start3A_821] : memref<1000000x32xf32, #tpu.memory_space<hbm>> -> memref<1x32xf32, #tpu.memory_space<hbm>>
      %dma_start3A_823 = arith.constant 0 : i32
      %dma_start3A_824 = tpu.memref_slice %arg10[%add3A_818, %dma_start3A_823] : memref<64x32xf32, #tpu.memory_space<vmem>> -> memref<1x32xf32, #tpu.memory_space<vmem>>
      %dma_start3A_825 = arith.constant 0 : i32
      %dma_start3A_826 = tpu.memref_slice %arg4[%squeeze3A_802, %dma_start3A_825] : memref<1000000x32xf32, #tpu.memory_space<hbm>> -> memref<1x32xf32, #tpu.memory_space<hbm>>
      tpu.enqueue_dma source(%dma_start3A_826 : memref<1x32xf32, #tpu.memory_space<hbm>>) target(%dma_start3A_824 : memref<1x32xf32, #tpu.memory_space<vmem>>) target_semaphore(%arg18 : memref<!tpu.dma_semaphore, #tpu.memory_space<semaphore_mem>>)
      %mul3A_827 = arith.constant 16 : i32
      %mul3A_828 = arith.muli %scan3A_98, %mul3A_827 : i32
      %add3A_829 = arith.constant 14 : i32
      %add3A_830 = arith.addi %mul3A_828, %add3A_829 : i32
      %dma_start3A_831 = arith.constant 0 : i32
      %dma_start3A_832 = tpu.memref_slice %arg11[%add3A_830, %dma_start3A_831] : memref<64x32xf32, #tpu.memory_space<vmem>> -> memref<1x32xf32, #tpu.memory_space<vmem>>
      %dma_start3A_833 = arith.constant 0 : i32
      %dma_start3A_834 = tpu.memref_slice %arg5[%squeeze3A_802, %dma_start3A_833] : memref<1000000x32xf32, #tpu.memory_space<hbm>> -> memref<1x32xf32, #tpu.memory_space<hbm>>
      %dma_start3A_835 = arith.constant 0 : i32
      %dma_start3A_836 = tpu.memref_slice %arg11[%add3A_830, %dma_start3A_835] : memref<64x32xf32, #tpu.memory_space<vmem>> -> memref<1x32xf32, #tpu.memory_space<vmem>>
      %dma_start3A_837 = arith.constant 0 : i32
      %dma_start3A_838 = tpu.memref_slice %arg5[%squeeze3A_802, %dma_start3A_837] : memref<1000000x32xf32, #tpu.memory_space<hbm>> -> memref<1x32xf32, #tpu.memory_space<hbm>>
      tpu.enqueue_dma source(%dma_start3A_838 : memref<1x32xf32, #tpu.memory_space<hbm>>) target(%dma_start3A_836 : memref<1x32xf32, #tpu.memory_space<vmem>>) target_semaphore(%arg18 : memref<!tpu.dma_semaphore, #tpu.memory_space<semaphore_mem>>)
      %mul3A_839 = arith.constant 16 : i32
      %mul3A_840 = arith.muli %scan3A_98, %mul3A_839 : i32
      %add3A_841 = arith.constant 14 : i32
      %add3A_842 = arith.addi %mul3A_840, %add3A_841 : i32
      %dma_start3A_843 = arith.constant 0 : i32
      %dma_start3A_844 = tpu.memref_slice %arg12[%add3A_842, %dma_start3A_843] : memref<64x32xf32, #tpu.memory_space<vmem>> -> memref<1x32xf32, #tpu.memory_space<vmem>>
      %dma_start3A_845 = arith.constant 0 : i32
      %dma_start3A_846 = tpu.memref_slice %arg6[%squeeze3A_802, %dma_start3A_845] : memref<1000000x32xf32, #tpu.memory_space<hbm>> -> memref<1x32xf32, #tpu.memory_space<hbm>>
      %dma_start3A_847 = arith.constant 0 : i32
      %dma_start3A_848 = tpu.memref_slice %arg12[%add3A_842, %dma_start3A_847] : memref<64x32xf32, #tpu.memory_space<vmem>> -> memref<1x32xf32, #tpu.memory_space<vmem>>
      %dma_start3A_849 = arith.constant 0 : i32
      %dma_start3A_850 = tpu.memref_slice %arg6[%squeeze3A_802, %dma_start3A_849] : memref<1000000x32xf32, #tpu.memory_space<hbm>> -> memref<1x32xf32, #tpu.memory_space<hbm>>
      tpu.enqueue_dma source(%dma_start3A_850 : memref<1x32xf32, #tpu.memory_space<hbm>>) target(%dma_start3A_848 : memref<1x32xf32, #tpu.memory_space<vmem>>) target_semaphore(%arg18 : memref<!tpu.dma_semaphore, #tpu.memory_space<semaphore_mem>>)
      %slice3A_851 = vector.extract_strided_slice %get3A_103 {offsets = [15], sizes = [1], strides = [1]} : vector<16xi32> to vector<1xi32>
      %squeeze3A_852 = vector.extract %slice3A_851[0] : i32 from vector<1xi32>
      %mul3A_853 = arith.constant 16 : i32
      %mul3A_854 = arith.muli %scan3A_98, %mul3A_853 : i32
      %add3A_855 = arith.constant 15 : i32
      %add3A_856 = arith.addi %mul3A_854, %add3A_855 : i32
      %dma_start3A_857 = arith.constant 0 : i32
      %dma_start3A_858 = tpu.memref_slice %arg9[%add3A_856, %dma_start3A_857] : memref<64x32xf32, #tpu.memory_space<vmem>> -> memref<1x32xf32, #tpu.memory_space<vmem>>
      %dma_start3A_859 = arith.constant 0 : i32
      %dma_start3A_860 = tpu.memref_slice %arg3[%squeeze3A_852, %dma_start3A_859] : memref<1000000x32xf32, #tpu.memory_space<hbm>> -> memref<1x32xf32, #tpu.memory_space<hbm>>
      %dma_start3A_861 = arith.constant 0 : i32
      %dma_start3A_862 = tpu.memref_slice %arg9[%add3A_856, %dma_start3A_861] : memref<64x32xf32, #tpu.memory_space<vmem>> -> memref<1x32xf32, #tpu.memory_space<vmem>>
      %dma_start3A_863 = arith.constant 0 : i32
      %dma_start3A_864 = tpu.memref_slice %arg3[%squeeze3A_852, %dma_start3A_863] : memref<1000000x32xf32, #tpu.memory_space<hbm>> -> memref<1x32xf32, #tpu.memory_space<hbm>>
      tpu.enqueue_dma source(%dma_start3A_864 : memref<1x32xf32, #tpu.memory_space<hbm>>) target(%dma_start3A_862 : memref<1x32xf32, #tpu.memory_space<vmem>>) target_semaphore(%arg18 : memref<!tpu.dma_semaphore, #tpu.memory_space<semaphore_mem>>)
      %mul3A_865 = arith.constant 16 : i32
      %mul3A_866 = arith.muli %scan3A_98, %mul3A_865 : i32
      %add3A_867 = arith.constant 15 : i32
      %add3A_868 = arith.addi %mul3A_866, %add3A_867 : i32
      %dma_start3A_869 = arith.constant 0 : i32
      %dma_start3A_870 = tpu.memref_slice %arg10[%add3A_868, %dma_start3A_869] : memref<64x32xf32, #tpu.memory_space<vmem>> -> memref<1x32xf32, #tpu.memory_space<vmem>>
      %dma_start3A_871 = arith.constant 0 : i32
      %dma_start3A_872 = tpu.memref_slice %arg4[%squeeze3A_852, %dma_start3A_871] : memref<1000000x32xf32, #tpu.memory_space<hbm>> -> memref<1x32xf32, #tpu.memory_space<hbm>>
      %dma_start3A_873 = arith.constant 0 : i32
      %dma_start3A_874 = tpu.memref_slice %arg10[%add3A_868, %dma_start3A_873] : memref<64x32xf32, #tpu.memory_space<vmem>> -> memref<1x32xf32, #tpu.memory_space<vmem>>
      %dma_start3A_875 = arith.constant 0 : i32
      %dma_start3A_876 = tpu.memref_slice %arg4[%squeeze3A_852, %dma_start3A_875] : memref<1000000x32xf32, #tpu.memory_space<hbm>> -> memref<1x32xf32, #tpu.memory_space<hbm>>
      tpu.enqueue_dma source(%dma_start3A_876 : memref<1x32xf32, #tpu.memory_space<hbm>>) target(%dma_start3A_874 : memref<1x32xf32, #tpu.memory_space<vmem>>) target_semaphore(%arg18 : memref<!tpu.dma_semaphore, #tpu.memory_space<semaphore_mem>>)
      %mul3A_877 = arith.constant 16 : i32
      %mul3A_878 = arith.muli %scan3A_98, %mul3A_877 : i32
      %add3A_879 = arith.constant 15 : i32
      %add3A_880 = arith.addi %mul3A_878, %add3A_879 : i32
      %dma_start3A_881 = arith.constant 0 : i32
      %dma_start3A_882 = tpu.memref_slice %arg11[%add3A_880, %dma_start3A_881] : memref<64x32xf32, #tpu.memory_space<vmem>> -> memref<1x32xf32, #tpu.memory_space<vmem>>
      %dma_start3A_883 = arith.constant 0 : i32
      %dma_start3A_884 = tpu.memref_slice %arg5[%squeeze3A_852, %dma_start3A_883] : memref<1000000x32xf32, #tpu.memory_space<hbm>> -> memref<1x32xf32, #tpu.memory_space<hbm>>
      %dma_start3A_885 = arith.constant 0 : i32
      %dma_start3A_886 = tpu.memref_slice %arg11[%add3A_880, %dma_start3A_885] : memref<64x32xf32, #tpu.memory_space<vmem>> -> memref<1x32xf32, #tpu.memory_space<vmem>>
      %dma_start3A_887 = arith.constant 0 : i32
      %dma_start3A_888 = tpu.memref_slice %arg5[%squeeze3A_852, %dma_start3A_887] : memref<1000000x32xf32, #tpu.memory_space<hbm>> -> memref<1x32xf32, #tpu.memory_space<hbm>>
      tpu.enqueue_dma source(%dma_start3A_888 : memref<1x32xf32, #tpu.memory_space<hbm>>) target(%dma_start3A_886 : memref<1x32xf32, #tpu.memory_space<vmem>>) target_semaphore(%arg18 : memref<!tpu.dma_semaphore, #tpu.memory_space<semaphore_mem>>)
      %mul3A_889 = arith.constant 16 : i32
      %mul3A_890 = arith.muli %scan3A_98, %mul3A_889 : i32
      %add3A_891 = arith.constant 15 : i32
      %add3A_892 = arith.addi %mul3A_890, %add3A_891 : i32
      %dma_start3A_893 = arith.constant 0 : i32
      %dma_start3A_894 = tpu.memref_slice %arg12[%add3A_892, %dma_start3A_893] : memref<64x32xf32, #tpu.memory_space<vmem>> -> memref<1x32xf32, #tpu.memory_space<vmem>>
      %dma_start3A_895 = arith.constant 0 : i32
      %dma_start3A_896 = tpu.memref_slice %arg6[%squeeze3A_852, %dma_start3A_895] : memref<1000000x32xf32, #tpu.memory_space<hbm>> -> memref<1x32xf32, #tpu.memory_space<hbm>>
      %dma_start3A_897 = arith.constant 0 : i32
      %dma_start3A_898 = tpu.memref_slice %arg12[%add3A_892, %dma_start3A_897] : memref<64x32xf32, #tpu.memory_space<vmem>> -> memref<1x32xf32, #tpu.memory_space<vmem>>
      %dma_start3A_899 = arith.constant 0 : i32
      %dma_start3A_900 = tpu.memref_slice %arg6[%squeeze3A_852, %dma_start3A_899] : memref<1000000x32xf32, #tpu.memory_space<hbm>> -> memref<1x32xf32, #tpu.memory_space<hbm>>
      tpu.enqueue_dma source(%dma_start3A_900 : memref<1x32xf32, #tpu.memory_space<hbm>>) target(%dma_start3A_898 : memref<1x32xf32, #tpu.memory_space<vmem>>) target_semaphore(%arg18 : memref<!tpu.dma_semaphore, #tpu.memory_space<semaphore_mem>>)
    }
    %scan3A_20 = arith.constant 4 : i32
    %scan3A_21 = arith.constant 0 : i32
    %scan3A_22 = arith.constant 0 : i32
    %scan3A_23 = arith.constant 50 : i32
    %scan3A_24 = arith.addi %scan3A_22, %scan3A_23 : i32
    %scan3A_25 = arith.constant 1 : i32
    scf.for %scan3A_98 = %scan3A_22 to %scan3A_24 step %scan3A_25  : i32 {
      %dma_wait3A_99 = arith.constant 0 : i32
      %dma_wait3A_100 = arith.constant 0 : i32
      %dma_wait3A_101 = tpu.memref_slice %arg3[%dma_wait3A_99, %dma_wait3A_100] : memref<1000000x32xf32, #tpu.memory_space<hbm>> -> memref<64x32xf32, #tpu.memory_space<hbm>>
      %dma_wait3A_102 = arith.constant 0 : i32
      %dma_wait3A_103 = arith.constant 0 : i32
      %dma_wait3A_104 = tpu.memref_slice %arg3[%dma_wait3A_102, %dma_wait3A_103] : memref<1000000x32xf32, #tpu.memory_space<hbm>> -> memref<64x32xf32, #tpu.memory_space<hbm>>
      tpu.wait_dma2 semaphore(%arg18 : memref<!tpu.dma_semaphore, #tpu.memory_space<semaphore_mem>>) src(%dma_wait3A_104 : memref<64x32xf32, #tpu.memory_space<hbm>>) dst(%arg9 : memref<64x32xf32, #tpu.memory_space<vmem>>)
      %dma_wait3A_105 = arith.constant 0 : i32
      %dma_wait3A_106 = arith.constant 0 : i32
      %dma_wait3A_107 = tpu.memref_slice %arg4[%dma_wait3A_105, %dma_wait3A_106] : memref<1000000x32xf32, #tpu.memory_space<hbm>> -> memref<64x32xf32, #tpu.memory_space<hbm>>
      %dma_wait3A_108 = arith.constant 0 : i32
      %dma_wait3A_109 = arith.constant 0 : i32
      %dma_wait3A_110 = tpu.memref_slice %arg4[%dma_wait3A_108, %dma_wait3A_109] : memref<1000000x32xf32, #tpu.memory_space<hbm>> -> memref<64x32xf32, #tpu.memory_space<hbm>>
      tpu.wait_dma2 semaphore(%arg18 : memref<!tpu.dma_semaphore, #tpu.memory_space<semaphore_mem>>) src(%dma_wait3A_110 : memref<64x32xf32, #tpu.memory_space<hbm>>) dst(%arg10 : memref<64x32xf32, #tpu.memory_space<vmem>>)
      %dma_wait3A_111 = arith.constant 0 : i32
      %dma_wait3A_112 = arith.constant 0 : i32
      %dma_wait3A_113 = tpu.memref_slice %arg5[%dma_wait3A_111, %dma_wait3A_112] : memref<1000000x32xf32, #tpu.memory_space<hbm>> -> memref<64x32xf32, #tpu.memory_space<hbm>>
      %dma_wait3A_114 = arith.constant 0 : i32
      %dma_wait3A_115 = arith.constant 0 : i32
      %dma_wait3A_116 = tpu.memref_slice %arg5[%dma_wait3A_114, %dma_wait3A_115] : memref<1000000x32xf32, #tpu.memory_space<hbm>> -> memref<64x32xf32, #tpu.memory_space<hbm>>
      tpu.wait_dma2 semaphore(%arg18 : memref<!tpu.dma_semaphore, #tpu.memory_space<semaphore_mem>>) src(%dma_wait3A_116 : memref<64x32xf32, #tpu.memory_space<hbm>>) dst(%arg11 : memref<64x32xf32, #tpu.memory_space<vmem>>)
      %dma_wait3A_117 = arith.constant 0 : i32
      %dma_wait3A_118 = arith.constant 0 : i32
      %dma_wait3A_119 = tpu.memref_slice %arg6[%dma_wait3A_117, %dma_wait3A_118] : memref<1000000x32xf32, #tpu.memory_space<hbm>> -> memref<64x32xf32, #tpu.memory_space<hbm>>
      %dma_wait3A_120 = arith.constant 0 : i32
      %dma_wait3A_121 = arith.constant 0 : i32
      %dma_wait3A_122 = tpu.memref_slice %arg6[%dma_wait3A_120, %dma_wait3A_121] : memref<1000000x32xf32, #tpu.memory_space<hbm>> -> memref<64x32xf32, #tpu.memory_space<hbm>>
      tpu.wait_dma2 semaphore(%arg18 : memref<!tpu.dma_semaphore, #tpu.memory_space<semaphore_mem>>) src(%dma_wait3A_122 : memref<64x32xf32, #tpu.memory_space<hbm>>) dst(%arg12 : memref<64x32xf32, #tpu.memory_space<vmem>>)
      %gt3A = arith.constant 0 : i32
      %gt3A_123 = arith.cmpi sgt, %scan3A_98, %gt3A : i32
      %convert_element_type3A = arith.extui %gt3A_123 : i1 to i32
      %cond3A = arith.constant 0 : i32
      %cond3A_124 = arith.cmpi ne, %convert_element_type3A, %cond3A : i32
      scf.if %cond3A_124 {
        %dma_wait3A_240 = arith.constant 0 : i32
        %dma_wait3A_241 = arith.constant 0 : i32
        %dma_wait3A_242 = arith.constant 0 : i32
        %dma_wait3A_243 = arith.constant 0 : i32
        %dma_wait3A_244 = tpu.memref_slice %arg17[%dma_wait3A_242, %dma_wait3A_240, %dma_wait3A_243] : memref<32x4x128xf32, #tpu.memory_space<vmem>> -> memref<32x1x128xf32, #tpu.memory_space<vmem>>
        %dma_wait3A_245 = tpu.memref_squeeze %dma_wait3A_244 : memref<32x1x128xf32, #tpu.memory_space<vmem>> -> memref<32x128xf32, #tpu.memory_space<vmem>>
        %dma_wait3A_246 = arith.constant 0 : i32
        %dma_wait3A_247 = arith.constant 0 : i32
        %dma_wait3A_248 = tpu.memref_slice %arg7[%dma_wait3A_241, %dma_wait3A_246, %dma_wait3A_247] : memref<50x32x16384xf32, #tpu.memory_space<hbm>> -> memref<1x32x128xf32, #tpu.memory_space<hbm>>
        %dma_wait3A_249 = tpu.memref_squeeze %dma_wait3A_248 : memref<1x32x128xf32, #tpu.memory_space<hbm>> -> memref<32x128xf32, #tpu.memory_space<hbm>>
        %dma_wait3A_250 = arith.constant 0 : i32
        %dma_wait3A_251 = arith.constant 0 : i32
        %dma_wait3A_252 = tpu.memref_slice %arg7[%dma_wait3A_241, %dma_wait3A_250, %dma_wait3A_251] : memref<50x32x16384xf32, #tpu.memory_space<hbm>> -> memref<1x32x128xf32, #tpu.memory_space<hbm>>
        %dma_wait3A_253 = tpu.memref_squeeze %dma_wait3A_252 : memref<1x32x128xf32, #tpu.memory_space<hbm>> -> memref<32x128xf32, #tpu.memory_space<hbm>>
        %dma_wait3A_254 = arith.constant 0 : i32
        %dma_wait3A_255 = arith.constant 0 : i32
        %dma_wait3A_256 = tpu.memref_slice %arg17[%dma_wait3A_254, %dma_wait3A_240, %dma_wait3A_255] : memref<32x4x128xf32, #tpu.memory_space<vmem>> -> memref<32x1x128xf32, #tpu.memory_space<vmem>>
        %dma_wait3A_257 = tpu.memref_squeeze %dma_wait3A_256 : memref<32x1x128xf32, #tpu.memory_space<vmem>> -> memref<32x128xf32, #tpu.memory_space<vmem>>
        tpu.wait_dma2 semaphore(%arg20 : memref<!tpu.dma_semaphore, #tpu.memory_space<semaphore_mem>>) src(%dma_wait3A_257 : memref<32x128xf32, #tpu.memory_space<vmem>>) dst(%dma_wait3A_253 : memref<32x128xf32, #tpu.memory_space<hbm>>)
        %dma_wait3A_258 = arith.constant 1 : i32
        %dma_wait3A_259 = arith.constant 0 : i32
        %dma_wait3A_260 = arith.constant 0 : i32
        %dma_wait3A_261 = arith.constant 0 : i32
        %dma_wait3A_262 = tpu.memref_slice %arg17[%dma_wait3A_260, %dma_wait3A_258, %dma_wait3A_261] : memref<32x4x128xf32, #tpu.memory_space<vmem>> -> memref<32x1x128xf32, #tpu.memory_space<vmem>>
        %dma_wait3A_263 = tpu.memref_squeeze %dma_wait3A_262 : memref<32x1x128xf32, #tpu.memory_space<vmem>> -> memref<32x128xf32, #tpu.memory_space<vmem>>
        %dma_wait3A_264 = arith.constant 0 : i32
        %dma_wait3A_265 = arith.constant 0 : i32
        %dma_wait3A_266 = tpu.memref_slice %arg7[%dma_wait3A_259, %dma_wait3A_264, %dma_wait3A_265] : memref<50x32x16384xf32, #tpu.memory_space<hbm>> -> memref<1x32x128xf32, #tpu.memory_space<hbm>>
        %dma_wait3A_267 = tpu.memref_squeeze %dma_wait3A_266 : memref<1x32x128xf32, #tpu.memory_space<hbm>> -> memref<32x128xf32, #tpu.memory_space<hbm>>
        %dma_wait3A_268 = arith.constant 0 : i32
        %dma_wait3A_269 = arith.constant 0 : i32
        %dma_wait3A_270 = tpu.memref_slice %arg7[%dma_wait3A_259, %dma_wait3A_268, %dma_wait3A_269] : memref<50x32x16384xf32, #tpu.memory_space<hbm>> -> memref<1x32x128xf32, #tpu.memory_space<hbm>>
        %dma_wait3A_271 = tpu.memref_squeeze %dma_wait3A_270 : memref<1x32x128xf32, #tpu.memory_space<hbm>> -> memref<32x128xf32, #tpu.memory_space<hbm>>
        %dma_wait3A_272 = arith.constant 0 : i32
        %dma_wait3A_273 = arith.constant 0 : i32
        %dma_wait3A_274 = tpu.memref_slice %arg17[%dma_wait3A_272, %dma_wait3A_258, %dma_wait3A_273] : memref<32x4x128xf32, #tpu.memory_space<vmem>> -> memref<32x1x128xf32, #tpu.memory_space<vmem>>
        %dma_wait3A_275 = tpu.memref_squeeze %dma_wait3A_274 : memref<32x1x128xf32, #tpu.memory_space<vmem>> -> memref<32x128xf32, #tpu.memory_space<vmem>>
        tpu.wait_dma2 semaphore(%arg20 : memref<!tpu.dma_semaphore, #tpu.memory_space<semaphore_mem>>) src(%dma_wait3A_275 : memref<32x128xf32, #tpu.memory_space<vmem>>) dst(%dma_wait3A_271 : memref<32x128xf32, #tpu.memory_space<hbm>>)
        %dma_wait3A_276 = arith.constant 2 : i32
        %dma_wait3A_277 = arith.constant 0 : i32
        %dma_wait3A_278 = arith.constant 0 : i32
        %dma_wait3A_279 = arith.constant 0 : i32
        %dma_wait3A_280 = tpu.memref_slice %arg17[%dma_wait3A_278, %dma_wait3A_276, %dma_wait3A_279] : memref<32x4x128xf32, #tpu.memory_space<vmem>> -> memref<32x1x128xf32, #tpu.memory_space<vmem>>
        %dma_wait3A_281 = tpu.memref_squeeze %dma_wait3A_280 : memref<32x1x128xf32, #tpu.memory_space<vmem>> -> memref<32x128xf32, #tpu.memory_space<vmem>>
        %dma_wait3A_282 = arith.constant 0 : i32
        %dma_wait3A_283 = arith.constant 0 : i32
        %dma_wait3A_284 = tpu.memref_slice %arg7[%dma_wait3A_277, %dma_wait3A_282, %dma_wait3A_283] : memref<50x32x16384xf32, #tpu.memory_space<hbm>> -> memref<1x32x128xf32, #tpu.memory_space<hbm>>
        %dma_wait3A_285 = tpu.memref_squeeze %dma_wait3A_284 : memref<1x32x128xf32, #tpu.memory_space<hbm>> -> memref<32x128xf32, #tpu.memory_space<hbm>>
        %dma_wait3A_286 = arith.constant 0 : i32
        %dma_wait3A_287 = arith.constant 0 : i32
        %dma_wait3A_288 = tpu.memref_slice %arg7[%dma_wait3A_277, %dma_wait3A_286, %dma_wait3A_287] : memref<50x32x16384xf32, #tpu.memory_space<hbm>> -> memref<1x32x128xf32, #tpu.memory_space<hbm>>
        %dma_wait3A_289 = tpu.memref_squeeze %dma_wait3A_288 : memref<1x32x128xf32, #tpu.memory_space<hbm>> -> memref<32x128xf32, #tpu.memory_space<hbm>>
        %dma_wait3A_290 = arith.constant 0 : i32
        %dma_wait3A_291 = arith.constant 0 : i32
        %dma_wait3A_292 = tpu.memref_slice %arg17[%dma_wait3A_290, %dma_wait3A_276, %dma_wait3A_291] : memref<32x4x128xf32, #tpu.memory_space<vmem>> -> memref<32x1x128xf32, #tpu.memory_space<vmem>>
        %dma_wait3A_293 = tpu.memref_squeeze %dma_wait3A_292 : memref<32x1x128xf32, #tpu.memory_space<vmem>> -> memref<32x128xf32, #tpu.memory_space<vmem>>
        tpu.wait_dma2 semaphore(%arg20 : memref<!tpu.dma_semaphore, #tpu.memory_space<semaphore_mem>>) src(%dma_wait3A_293 : memref<32x128xf32, #tpu.memory_space<vmem>>) dst(%dma_wait3A_289 : memref<32x128xf32, #tpu.memory_space<hbm>>)
        %dma_wait3A_294 = arith.constant 3 : i32
        %dma_wait3A_295 = arith.constant 0 : i32
        %dma_wait3A_296 = arith.constant 0 : i32
        %dma_wait3A_297 = arith.constant 0 : i32
        %dma_wait3A_298 = tpu.memref_slice %arg17[%dma_wait3A_296, %dma_wait3A_294, %dma_wait3A_297] : memref<32x4x128xf32, #tpu.memory_space<vmem>> -> memref<32x1x128xf32, #tpu.memory_space<vmem>>
        %dma_wait3A_299 = tpu.memref_squeeze %dma_wait3A_298 : memref<32x1x128xf32, #tpu.memory_space<vmem>> -> memref<32x128xf32, #tpu.memory_space<vmem>>
        %dma_wait3A_300 = arith.constant 0 : i32
        %dma_wait3A_301 = arith.constant 0 : i32
        %dma_wait3A_302 = tpu.memref_slice %arg7[%dma_wait3A_295, %dma_wait3A_300, %dma_wait3A_301] : memref<50x32x16384xf32, #tpu.memory_space<hbm>> -> memref<1x32x128xf32, #tpu.memory_space<hbm>>
        %dma_wait3A_303 = tpu.memref_squeeze %dma_wait3A_302 : memref<1x32x128xf32, #tpu.memory_space<hbm>> -> memref<32x128xf32, #tpu.memory_space<hbm>>
        %dma_wait3A_304 = arith.constant 0 : i32
        %dma_wait3A_305 = arith.constant 0 : i32
        %dma_wait3A_306 = tpu.memref_slice %arg7[%dma_wait3A_295, %dma_wait3A_304, %dma_wait3A_305] : memref<50x32x16384xf32, #tpu.memory_space<hbm>> -> memref<1x32x128xf32, #tpu.memory_space<hbm>>
        %dma_wait3A_307 = tpu.memref_squeeze %dma_wait3A_306 : memref<1x32x128xf32, #tpu.memory_space<hbm>> -> memref<32x128xf32, #tpu.memory_space<hbm>>
        %dma_wait3A_308 = arith.constant 0 : i32
        %dma_wait3A_309 = arith.constant 0 : i32
        %dma_wait3A_310 = tpu.memref_slice %arg17[%dma_wait3A_308, %dma_wait3A_294, %dma_wait3A_309] : memref<32x4x128xf32, #tpu.memory_space<vmem>> -> memref<32x1x128xf32, #tpu.memory_space<vmem>>
        %dma_wait3A_311 = tpu.memref_squeeze %dma_wait3A_310 : memref<32x1x128xf32, #tpu.memory_space<vmem>> -> memref<32x128xf32, #tpu.memory_space<vmem>>
        tpu.wait_dma2 semaphore(%arg20 : memref<!tpu.dma_semaphore, #tpu.memory_space<semaphore_mem>>) src(%dma_wait3A_311 : memref<32x128xf32, #tpu.memory_space<vmem>>) dst(%dma_wait3A_307 : memref<32x128xf32, #tpu.memory_space<hbm>>)
      } else {
      }
      %scan3A_125 = arith.constant 0 : i32
      %scan3A_126 = arith.constant 0 : i32
      %scan3A_127 = arith.constant 4 : i32
      %scan3A_128 = arith.addi %scan3A_126, %scan3A_127 : i32
      %scan3A_129 = arith.constant 1 : i32
      scf.for %scan3A_240 = %scan3A_126 to %scan3A_128 step %scan3A_129  : i32 {
        %mul3A_241 = arith.constant 16 : i32
        %mul3A_242 = arith.muli %scan3A_240, %mul3A_241 : i32
        %add3A_243 = arith.constant 64 : i32
        %add3A_244 = arith.addi %add3A_243, %mul3A_242 : i32
        %get3A = arith.index_cast %add3A_244 : i32 to index
        %get3A_245 = tpu.vector_load %arg8[%get3A] {strides = array<i32>} : memref<128xi32, #tpu.memory_space<vmem>>, vector<16xi32>,
        %slice3A = vector.extract_strided_slice %get3A_245 {offsets = [0], sizes = [1], strides = [1]} : vector<16xi32> to vector<1xi32>
        %squeeze3A = vector.extract %slice3A[0] : i32 from vector<1xi32>
        %mul3A_246 = arith.constant 16 : i32
        %mul3A_247 = arith.muli %scan3A_240, %mul3A_246 : i32
        %add3A_248 = arith.constant 0 : i32
        %add3A_249 = arith.addi %mul3A_247, %add3A_248 : i32
        %dma_start3A_250 = arith.constant 0 : i32
        %dma_start3A_251 = tpu.memref_slice %arg13[%add3A_249, %dma_start3A_250] : memref<64x32xf32, #tpu.memory_space<vmem>> -> memref<1x32xf32, #tpu.memory_space<vmem>>
        %dma_start3A_252 = arith.constant 0 : i32
        %dma_start3A_253 = tpu.memref_slice %arg3[%squeeze3A, %dma_start3A_252] : memref<1000000x32xf32, #tpu.memory_space<hbm>> -> memref<1x32xf32, #tpu.memory_space<hbm>>
        %dma_start3A_254 = arith.constant 0 : i32
        %dma_start3A_255 = tpu.memref_slice %arg13[%add3A_249, %dma_start3A_254] : memref<64x32xf32, #tpu.memory_space<vmem>> -> memref<1x32xf32, #tpu.memory_space<vmem>>
        %dma_start3A_256 = arith.constant 0 : i32
        %dma_start3A_257 = tpu.memref_slice %arg3[%squeeze3A, %dma_start3A_256] : memref<1000000x32xf32, #tpu.memory_space<hbm>> -> memref<1x32xf32, #tpu.memory_space<hbm>>
        tpu.enqueue_dma source(%dma_start3A_257 : memref<1x32xf32, #tpu.memory_space<hbm>>) target(%dma_start3A_255 : memref<1x32xf32, #tpu.memory_space<vmem>>) target_semaphore(%arg19 : memref<!tpu.dma_semaphore, #tpu.memory_space<semaphore_mem>>)
        %mul3A_258 = arith.constant 16 : i32
        %mul3A_259 = arith.muli %scan3A_240, %mul3A_258 : i32
        %add3A_260 = arith.constant 0 : i32
        %add3A_261 = arith.addi %mul3A_259, %add3A_260 : i32
        %dma_start3A_262 = arith.constant 0 : i32
        %dma_start3A_263 = tpu.memref_slice %arg14[%add3A_261, %dma_start3A_262] : memref<64x32xf32, #tpu.memory_space<vmem>> -> memref<1x32xf32, #tpu.memory_space<vmem>>
        %dma_start3A_264 = arith.constant 0 : i32
        %dma_start3A_265 = tpu.memref_slice %arg4[%squeeze3A, %dma_start3A_264] : memref<1000000x32xf32, #tpu.memory_space<hbm>> -> memref<1x32xf32, #tpu.memory_space<hbm>>
        %dma_start3A_266 = arith.constant 0 : i32
        %dma_start3A_267 = tpu.memref_slice %arg14[%add3A_261, %dma_start3A_266] : memref<64x32xf32, #tpu.memory_space<vmem>> -> memref<1x32xf32, #tpu.memory_space<vmem>>
        %dma_start3A_268 = arith.constant 0 : i32
        %dma_start3A_269 = tpu.memref_slice %arg4[%squeeze3A, %dma_start3A_268] : memref<1000000x32xf32, #tpu.memory_space<hbm>> -> memref<1x32xf32, #tpu.memory_space<hbm>>
        tpu.enqueue_dma source(%dma_start3A_269 : memref<1x32xf32, #tpu.memory_space<hbm>>) target(%dma_start3A_267 : memref<1x32xf32, #tpu.memory_space<vmem>>) target_semaphore(%arg19 : memref<!tpu.dma_semaphore, #tpu.memory_space<semaphore_mem>>)
        %mul3A_270 = arith.constant 16 : i32
        %mul3A_271 = arith.muli %scan3A_240, %mul3A_270 : i32
        %add3A_272 = arith.constant 0 : i32
        %add3A_273 = arith.addi %mul3A_271, %add3A_272 : i32
        %dma_start3A_274 = arith.constant 0 : i32
        %dma_start3A_275 = tpu.memref_slice %arg15[%add3A_273, %dma_start3A_274] : memref<64x32xf32, #tpu.memory_space<vmem>> -> memref<1x32xf32, #tpu.memory_space<vmem>>
        %dma_start3A_276 = arith.constant 0 : i32
        %dma_start3A_277 = tpu.memref_slice %arg5[%squeeze3A, %dma_start3A_276] : memref<1000000x32xf32, #tpu.memory_space<hbm>> -> memref<1x32xf32, #tpu.memory_space<hbm>>
        %dma_start3A_278 = arith.constant 0 : i32
        %dma_start3A_279 = tpu.memref_slice %arg15[%add3A_273, %dma_start3A_278] : memref<64x32xf32, #tpu.memory_space<vmem>> -> memref<1x32xf32, #tpu.memory_space<vmem>>
        %dma_start3A_280 = arith.constant 0 : i32
        %dma_start3A_281 = tpu.memref_slice %arg5[%squeeze3A, %dma_start3A_280] : memref<1000000x32xf32, #tpu.memory_space<hbm>> -> memref<1x32xf32, #tpu.memory_space<hbm>>
        tpu.enqueue_dma source(%dma_start3A_281 : memref<1x32xf32, #tpu.memory_space<hbm>>) target(%dma_start3A_279 : memref<1x32xf32, #tpu.memory_space<vmem>>) target_semaphore(%arg19 : memref<!tpu.dma_semaphore, #tpu.memory_space<semaphore_mem>>)
        %mul3A_282 = arith.constant 16 : i32
        %mul3A_283 = arith.muli %scan3A_240, %mul3A_282 : i32
        %add3A_284 = arith.constant 0 : i32
        %add3A_285 = arith.addi %mul3A_283, %add3A_284 : i32
        %dma_start3A_286 = arith.constant 0 : i32
        %dma_start3A_287 = tpu.memref_slice %arg16[%add3A_285, %dma_start3A_286] : memref<64x32xf32, #tpu.memory_space<vmem>> -> memref<1x32xf32, #tpu.memory_space<vmem>>
        %dma_start3A_288 = arith.constant 0 : i32
        %dma_start3A_289 = tpu.memref_slice %arg6[%squeeze3A, %dma_start3A_288] : memref<1000000x32xf32, #tpu.memory_space<hbm>> -> memref<1x32xf32, #tpu.memory_space<hbm>>
        %dma_start3A_290 = arith.constant 0 : i32
        %dma_start3A_291 = tpu.memref_slice %arg16[%add3A_285, %dma_start3A_290] : memref<64x32xf32, #tpu.memory_space<vmem>> -> memref<1x32xf32, #tpu.memory_space<vmem>>
        %dma_start3A_292 = arith.constant 0 : i32
        %dma_start3A_293 = tpu.memref_slice %arg6[%squeeze3A, %dma_start3A_292] : memref<1000000x32xf32, #tpu.memory_space<hbm>> -> memref<1x32xf32, #tpu.memory_space<hbm>>
        tpu.enqueue_dma source(%dma_start3A_293 : memref<1x32xf32, #tpu.memory_space<hbm>>) target(%dma_start3A_291 : memref<1x32xf32, #tpu.memory_space<vmem>>) target_semaphore(%arg19 : memref<!tpu.dma_semaphore, #tpu.memory_space<semaphore_mem>>)
        %slice3A_294 = vector.extract_strided_slice %get3A_245 {offsets = [1], sizes = [1], strides = [1]} : vector<16xi32> to vector<1xi32>
        %squeeze3A_295 = vector.extract %slice3A_294[0] : i32 from vector<1xi32>
        %mul3A_296 = arith.constant 16 : i32
        %mul3A_297 = arith.muli %scan3A_240, %mul3A_296 : i32
        %add3A_298 = arith.constant 1 : i32
        %add3A_299 = arith.addi %mul3A_297, %add3A_298 : i32
        %dma_start3A_300 = arith.constant 0 : i32
        %dma_start3A_301 = tpu.memref_slice %arg13[%add3A_299, %dma_start3A_300] : memref<64x32xf32, #tpu.memory_space<vmem>> -> memref<1x32xf32, #tpu.memory_space<vmem>>
        %dma_start3A_302 = arith.constant 0 : i32
        %dma_start3A_303 = tpu.memref_slice %arg3[%squeeze3A_295, %dma_start3A_302] : memref<1000000x32xf32, #tpu.memory_space<hbm>> -> memref<1x32xf32, #tpu.memory_space<hbm>>
        %dma_start3A_304 = arith.constant 0 : i32
        %dma_start3A_305 = tpu.memref_slice %arg13[%add3A_299, %dma_start3A_304] : memref<64x32xf32, #tpu.memory_space<vmem>> -> memref<1x32xf32, #tpu.memory_space<vmem>>
        %dma_start3A_306 = arith.constant 0 : i32
        %dma_start3A_307 = tpu.memref_slice %arg3[%squeeze3A_295, %dma_start3A_306] : memref<1000000x32xf32, #tpu.memory_space<hbm>> -> memref<1x32xf32, #tpu.memory_space<hbm>>
        tpu.enqueue_dma source(%dma_start3A_307 : memref<1x32xf32, #tpu.memory_space<hbm>>) target(%dma_start3A_305 : memref<1x32xf32, #tpu.memory_space<vmem>>) target_semaphore(%arg19 : memref<!tpu.dma_semaphore, #tpu.memory_space<semaphore_mem>>)
        %mul3A_308 = arith.constant 16 : i32
        %mul3A_309 = arith.muli %scan3A_240, %mul3A_308 : i32
        %add3A_310 = arith.constant 1 : i32
        %add3A_311 = arith.addi %mul3A_309, %add3A_310 : i32
        %dma_start3A_312 = arith.constant 0 : i32
        %dma_start3A_313 = tpu.memref_slice %arg14[%add3A_311, %dma_start3A_312] : memref<64x32xf32, #tpu.memory_space<vmem>> -> memref<1x32xf32, #tpu.memory_space<vmem>>
        %dma_start3A_314 = arith.constant 0 : i32
        %dma_start3A_315 = tpu.memref_slice %arg4[%squeeze3A_295, %dma_start3A_314] : memref<1000000x32xf32, #tpu.memory_space<hbm>> -> memref<1x32xf32, #tpu.memory_space<hbm>>
        %dma_start3A_316 = arith.constant 0 : i32
        %dma_start3A_317 = tpu.memref_slice %arg14[%add3A_311, %dma_start3A_316] : memref<64x32xf32, #tpu.memory_space<vmem>> -> memref<1x32xf32, #tpu.memory_space<vmem>>
        %dma_start3A_318 = arith.constant 0 : i32
        %dma_start3A_319 = tpu.memref_slice %arg4[%squeeze3A_295, %dma_start3A_318] : memref<1000000x32xf32, #tpu.memory_space<hbm>> -> memref<1x32xf32, #tpu.memory_space<hbm>>
        tpu.enqueue_dma source(%dma_start3A_319 : memref<1x32xf32, #tpu.memory_space<hbm>>) target(%dma_start3A_317 : memref<1x32xf32, #tpu.memory_space<vmem>>) target_semaphore(%arg19 : memref<!tpu.dma_semaphore, #tpu.memory_space<semaphore_mem>>)
        %mul3A_320 = arith.constant 16 : i32
        %mul3A_321 = arith.muli %scan3A_240, %mul3A_320 : i32
        %add3A_322 = arith.constant 1 : i32
        %add3A_323 = arith.addi %mul3A_321, %add3A_322 : i32
        %dma_start3A_324 = arith.constant 0 : i32
        %dma_start3A_325 = tpu.memref_slice %arg15[%add3A_323, %dma_start3A_324] : memref<64x32xf32, #tpu.memory_space<vmem>> -> memref<1x32xf32, #tpu.memory_space<vmem>>
        %dma_start3A_326 = arith.constant 0 : i32
        %dma_start3A_327 = tpu.memref_slice %arg5[%squeeze3A_295, %dma_start3A_326] : memref<1000000x32xf32, #tpu.memory_space<hbm>> -> memref<1x32xf32, #tpu.memory_space<hbm>>
        %dma_start3A_328 = arith.constant 0 : i32
        %dma_start3A_329 = tpu.memref_slice %arg15[%add3A_323, %dma_start3A_328] : memref<64x32xf32, #tpu.memory_space<vmem>> -> memref<1x32xf32, #tpu.memory_space<vmem>>
        %dma_start3A_330 = arith.constant 0 : i32
        %dma_start3A_331 = tpu.memref_slice %arg5[%squeeze3A_295, %dma_start3A_330] : memref<1000000x32xf32, #tpu.memory_space<hbm>> -> memref<1x32xf32, #tpu.memory_space<hbm>>
        tpu.enqueue_dma source(%dma_start3A_331 : memref<1x32xf32, #tpu.memory_space<hbm>>) target(%dma_start3A_329 : memref<1x32xf32, #tpu.memory_space<vmem>>) target_semaphore(%arg19 : memref<!tpu.dma_semaphore, #tpu.memory_space<semaphore_mem>>)
        %mul3A_332 = arith.constant 16 : i32
        %mul3A_333 = arith.muli %scan3A_240, %mul3A_332 : i32
        %add3A_334 = arith.constant 1 : i32
        %add3A_335 = arith.addi %mul3A_333, %add3A_334 : i32
        %dma_start3A_336 = arith.constant 0 : i32
        %dma_start3A_337 = tpu.memref_slice %arg16[%add3A_335, %dma_start3A_336] : memref<64x32xf32, #tpu.memory_space<vmem>> -> memref<1x32xf32, #tpu.memory_space<vmem>>
        %dma_start3A_338 = arith.constant 0 : i32
        %dma_start3A_339 = tpu.memref_slice %arg6[%squeeze3A_295, %dma_start3A_338] : memref<1000000x32xf32, #tpu.memory_space<hbm>> -> memref<1x32xf32, #tpu.memory_space<hbm>>
        %dma_start3A_340 = arith.constant 0 : i32
        %dma_start3A_341 = tpu.memref_slice %arg16[%add3A_335, %dma_start3A_340] : memref<64x32xf32, #tpu.memory_space<vmem>> -> memref<1x32xf32, #tpu.memory_space<vmem>>
        %dma_start3A_342 = arith.constant 0 : i32
        %dma_start3A_343 = tpu.memref_slice %arg6[%squeeze3A_295, %dma_start3A_342] : memref<1000000x32xf32, #tpu.memory_space<hbm>> -> memref<1x32xf32, #tpu.memory_space<hbm>>
        tpu.enqueue_dma source(%dma_start3A_343 : memref<1x32xf32, #tpu.memory_space<hbm>>) target(%dma_start3A_341 : memref<1x32xf32, #tpu.memory_space<vmem>>) target_semaphore(%arg19 : memref<!tpu.dma_semaphore, #tpu.memory_space<semaphore_mem>>)
        %slice3A_344 = vector.extract_strided_slice %get3A_245 {offsets = [2], sizes = [1], strides = [1]} : vector<16xi32> to vector<1xi32>
        %squeeze3A_345 = vector.extract %slice3A_344[0] : i32 from vector<1xi32>
        %mul3A_346 = arith.constant 16 : i32
        %mul3A_347 = arith.muli %scan3A_240, %mul3A_346 : i32
        %add3A_348 = arith.constant 2 : i32
        %add3A_349 = arith.addi %mul3A_347, %add3A_348 : i32
        %dma_start3A_350 = arith.constant 0 : i32
        %dma_start3A_351 = tpu.memref_slice %arg13[%add3A_349, %dma_start3A_350] : memref<64x32xf32, #tpu.memory_space<vmem>> -> memref<1x32xf32, #tpu.memory_space<vmem>>
        %dma_start3A_352 = arith.constant 0 : i32
        %dma_start3A_353 = tpu.memref_slice %arg3[%squeeze3A_345, %dma_start3A_352] : memref<1000000x32xf32, #tpu.memory_space<hbm>> -> memref<1x32xf32, #tpu.memory_space<hbm>>
        %dma_start3A_354 = arith.constant 0 : i32
        %dma_start3A_355 = tpu.memref_slice %arg13[%add3A_349, %dma_start3A_354] : memref<64x32xf32, #tpu.memory_space<vmem>> -> memref<1x32xf32, #tpu.memory_space<vmem>>
        %dma_start3A_356 = arith.constant 0 : i32
        %dma_start3A_357 = tpu.memref_slice %arg3[%squeeze3A_345, %dma_start3A_356] : memref<1000000x32xf32, #tpu.memory_space<hbm>> -> memref<1x32xf32, #tpu.memory_space<hbm>>
        tpu.enqueue_dma source(%dma_start3A_357 : memref<1x32xf32, #tpu.memory_space<hbm>>) target(%dma_start3A_355 : memref<1x32xf32, #tpu.memory_space<vmem>>) target_semaphore(%arg19 : memref<!tpu.dma_semaphore, #tpu.memory_space<semaphore_mem>>)
        %mul3A_358 = arith.constant 16 : i32
        %mul3A_359 = arith.muli %scan3A_240, %mul3A_358 : i32
        %add3A_360 = arith.constant 2 : i32
        %add3A_361 = arith.addi %mul3A_359, %add3A_360 : i32
        %dma_start3A_362 = arith.constant 0 : i32
        %dma_start3A_363 = tpu.memref_slice %arg14[%add3A_361, %dma_start3A_362] : memref<64x32xf32, #tpu.memory_space<vmem>> -> memref<1x32xf32, #tpu.memory_space<vmem>>
        %dma_start3A_364 = arith.constant 0 : i32
        %dma_start3A_365 = tpu.memref_slice %arg4[%squeeze3A_345, %dma_start3A_364] : memref<1000000x32xf32, #tpu.memory_space<hbm>> -> memref<1x32xf32, #tpu.memory_space<hbm>>
        %dma_start3A_366 = arith.constant 0 : i32
        %dma_start3A_367 = tpu.memref_slice %arg14[%add3A_361, %dma_start3A_366] : memref<64x32xf32, #tpu.memory_space<vmem>> -> memref<1x32xf32, #tpu.memory_space<vmem>>
        %dma_start3A_368 = arith.constant 0 : i32
        %dma_start3A_369 = tpu.memref_slice %arg4[%squeeze3A_345, %dma_start3A_368] : memref<1000000x32xf32, #tpu.memory_space<hbm>> -> memref<1x32xf32, #tpu.memory_space<hbm>>
        tpu.enqueue_dma source(%dma_start3A_369 : memref<1x32xf32, #tpu.memory_space<hbm>>) target(%dma_start3A_367 : memref<1x32xf32, #tpu.memory_space<vmem>>) target_semaphore(%arg19 : memref<!tpu.dma_semaphore, #tpu.memory_space<semaphore_mem>>)
        %mul3A_370 = arith.constant 16 : i32
        %mul3A_371 = arith.muli %scan3A_240, %mul3A_370 : i32
        %add3A_372 = arith.constant 2 : i32
        %add3A_373 = arith.addi %mul3A_371, %add3A_372 : i32
        %dma_start3A_374 = arith.constant 0 : i32
        %dma_start3A_375 = tpu.memref_slice %arg15[%add3A_373, %dma_start3A_374] : memref<64x32xf32, #tpu.memory_space<vmem>> -> memref<1x32xf32, #tpu.memory_space<vmem>>
        %dma_start3A_376 = arith.constant 0 : i32
        %dma_start3A_377 = tpu.memref_slice %arg5[%squeeze3A_345, %dma_start3A_376] : memref<1000000x32xf32, #tpu.memory_space<hbm>> -> memref<1x32xf32, #tpu.memory_space<hbm>>
        %dma_start3A_378 = arith.constant 0 : i32
        %dma_start3A_379 = tpu.memref_slice %arg15[%add3A_373, %dma_start3A_378] : memref<64x32xf32, #tpu.memory_space<vmem>> -> memref<1x32xf32, #tpu.memory_space<vmem>>
        %dma_start3A_380 = arith.constant 0 : i32
        %dma_start3A_381 = tpu.memref_slice %arg5[%squeeze3A_345, %dma_start3A_380] : memref<1000000x32xf32, #tpu.memory_space<hbm>> -> memref<1x32xf32, #tpu.memory_space<hbm>>
        tpu.enqueue_dma source(%dma_start3A_381 : memref<1x32xf32, #tpu.memory_space<hbm>>) target(%dma_start3A_379 : memref<1x32xf32, #tpu.memory_space<vmem>>) target_semaphore(%arg19 : memref<!tpu.dma_semaphore, #tpu.memory_space<semaphore_mem>>)
        %mul3A_382 = arith.constant 16 : i32
        %mul3A_383 = arith.muli %scan3A_240, %mul3A_382 : i32
        %add3A_384 = arith.constant 2 : i32
        %add3A_385 = arith.addi %mul3A_383, %add3A_384 : i32
        %dma_start3A_386 = arith.constant 0 : i32
        %dma_start3A_387 = tpu.memref_slice %arg16[%add3A_385, %dma_start3A_386] : memref<64x32xf32, #tpu.memory_space<vmem>> -> memref<1x32xf32, #tpu.memory_space<vmem>>
        %dma_start3A_388 = arith.constant 0 : i32
        %dma_start3A_389 = tpu.memref_slice %arg6[%squeeze3A_345, %dma_start3A_388] : memref<1000000x32xf32, #tpu.memory_space<hbm>> -> memref<1x32xf32, #tpu.memory_space<hbm>>
        %dma_start3A_390 = arith.constant 0 : i32
        %dma_start3A_391 = tpu.memref_slice %arg16[%add3A_385, %dma_start3A_390] : memref<64x32xf32, #tpu.memory_space<vmem>> -> memref<1x32xf32, #tpu.memory_space<vmem>>
        %dma_start3A_392 = arith.constant 0 : i32
        %dma_start3A_393 = tpu.memref_slice %arg6[%squeeze3A_345, %dma_start3A_392] : memref<1000000x32xf32, #tpu.memory_space<hbm>> -> memref<1x32xf32, #tpu.memory_space<hbm>>
        tpu.enqueue_dma source(%dma_start3A_393 : memref<1x32xf32, #tpu.memory_space<hbm>>) target(%dma_start3A_391 : memref<1x32xf32, #tpu.memory_space<vmem>>) target_semaphore(%arg19 : memref<!tpu.dma_semaphore, #tpu.memory_space<semaphore_mem>>)
        %slice3A_394 = vector.extract_strided_slice %get3A_245 {offsets = [3], sizes = [1], strides = [1]} : vector<16xi32> to vector<1xi32>
        %squeeze3A_395 = vector.extract %slice3A_394[0] : i32 from vector<1xi32>
        %mul3A_396 = arith.constant 16 : i32
        %mul3A_397 = arith.muli %scan3A_240, %mul3A_396 : i32
        %add3A_398 = arith.constant 3 : i32
        %add3A_399 = arith.addi %mul3A_397, %add3A_398 : i32
        %dma_start3A_400 = arith.constant 0 : i32
        %dma_start3A_401 = tpu.memref_slice %arg13[%add3A_399, %dma_start3A_400] : memref<64x32xf32, #tpu.memory_space<vmem>> -> memref<1x32xf32, #tpu.memory_space<vmem>>
        %dma_start3A_402 = arith.constant 0 : i32
        %dma_start3A_403 = tpu.memref_slice %arg3[%squeeze3A_395, %dma_start3A_402] : memref<1000000x32xf32, #tpu.memory_space<hbm>> -> memref<1x32xf32, #tpu.memory_space<hbm>>
        %dma_start3A_404 = arith.constant 0 : i32
        %dma_start3A_405 = tpu.memref_slice %arg13[%add3A_399, %dma_start3A_404] : memref<64x32xf32, #tpu.memory_space<vmem>> -> memref<1x32xf32, #tpu.memory_space<vmem>>
        %dma_start3A_406 = arith.constant 0 : i32
        %dma_start3A_407 = tpu.memref_slice %arg3[%squeeze3A_395, %dma_start3A_406] : memref<1000000x32xf32, #tpu.memory_space<hbm>> -> memref<1x32xf32, #tpu.memory_space<hbm>>
        tpu.enqueue_dma source(%dma_start3A_407 : memref<1x32xf32, #tpu.memory_space<hbm>>) target(%dma_start3A_405 : memref<1x32xf32, #tpu.memory_space<vmem>>) target_semaphore(%arg19 : memref<!tpu.dma_semaphore, #tpu.memory_space<semaphore_mem>>)
        %mul3A_408 = arith.constant 16 : i32
        %mul3A_409 = arith.muli %scan3A_240, %mul3A_408 : i32
        %add3A_410 = arith.constant 3 : i32
        %add3A_411 = arith.addi %mul3A_409, %add3A_410 : i32
        %dma_start3A_412 = arith.constant 0 : i32
        %dma_start3A_413 = tpu.memref_slice %arg14[%add3A_411, %dma_start3A_412] : memref<64x32xf32, #tpu.memory_space<vmem>> -> memref<1x32xf32, #tpu.memory_space<vmem>>
        %dma_start3A_414 = arith.constant 0 : i32
        %dma_start3A_415 = tpu.memref_slice %arg4[%squeeze3A_395, %dma_start3A_414] : memref<1000000x32xf32, #tpu.memory_space<hbm>> -> memref<1x32xf32, #tpu.memory_space<hbm>>
        %dma_start3A_416 = arith.constant 0 : i32
        %dma_start3A_417 = tpu.memref_slice %arg14[%add3A_411, %dma_start3A_416] : memref<64x32xf32, #tpu.memory_space<vmem>> -> memref<1x32xf32, #tpu.memory_space<vmem>>
        %dma_start3A_418 = arith.constant 0 : i32
        %dma_start3A_419 = tpu.memref_slice %arg4[%squeeze3A_395, %dma_start3A_418] : memref<1000000x32xf32, #tpu.memory_space<hbm>> -> memref<1x32xf32, #tpu.memory_space<hbm>>
        tpu.enqueue_dma source(%dma_start3A_419 : memref<1x32xf32, #tpu.memory_space<hbm>>) target(%dma_start3A_417 : memref<1x32xf32, #tpu.memory_space<vmem>>) target_semaphore(%arg19 : memref<!tpu.dma_semaphore, #tpu.memory_space<semaphore_mem>>)
        %mul3A_420 = arith.constant 16 : i32
        %mul3A_421 = arith.muli %scan3A_240, %mul3A_420 : i32
        %add3A_422 = arith.constant 3 : i32
        %add3A_423 = arith.addi %mul3A_421, %add3A_422 : i32
        %dma_start3A_424 = arith.constant 0 : i32
        %dma_start3A_425 = tpu.memref_slice %arg15[%add3A_423, %dma_start3A_424] : memref<64x32xf32, #tpu.memory_space<vmem>> -> memref<1x32xf32, #tpu.memory_space<vmem>>
        %dma_start3A_426 = arith.constant 0 : i32
        %dma_start3A_427 = tpu.memref_slice %arg5[%squeeze3A_395, %dma_start3A_426] : memref<1000000x32xf32, #tpu.memory_space<hbm>> -> memref<1x32xf32, #tpu.memory_space<hbm>>
        %dma_start3A_428 = arith.constant 0 : i32
        %dma_start3A_429 = tpu.memref_slice %arg15[%add3A_423, %dma_start3A_428] : memref<64x32xf32, #tpu.memory_space<vmem>> -> memref<1x32xf32, #tpu.memory_space<vmem>>
        %dma_start3A_430 = arith.constant 0 : i32
        %dma_start3A_431 = tpu.memref_slice %arg5[%squeeze3A_395, %dma_start3A_430] : memref<1000000x32xf32, #tpu.memory_space<hbm>> -> memref<1x32xf32, #tpu.memory_space<hbm>>
        tpu.enqueue_dma source(%dma_start3A_431 : memref<1x32xf32, #tpu.memory_space<hbm>>) target(%dma_start3A_429 : memref<1x32xf32, #tpu.memory_space<vmem>>) target_semaphore(%arg19 : memref<!tpu.dma_semaphore, #tpu.memory_space<semaphore_mem>>)
        %mul3A_432 = arith.constant 16 : i32
        %mul3A_433 = arith.muli %scan3A_240, %mul3A_432 : i32
        %add3A_434 = arith.constant 3 : i32
        %add3A_435 = arith.addi %mul3A_433, %add3A_434 : i32
        %dma_start3A_436 = arith.constant 0 : i32
        %dma_start3A_437 = tpu.memref_slice %arg16[%add3A_435, %dma_start3A_436] : memref<64x32xf32, #tpu.memory_space<vmem>> -> memref<1x32xf32, #tpu.memory_space<vmem>>
        %dma_start3A_438 = arith.constant 0 : i32
        %dma_start3A_439 = tpu.memref_slice %arg6[%squeeze3A_395, %dma_start3A_438] : memref<1000000x32xf32, #tpu.memory_space<hbm>> -> memref<1x32xf32, #tpu.memory_space<hbm>>
        %dma_start3A_440 = arith.constant 0 : i32
        %dma_start3A_441 = tpu.memref_slice %arg16[%add3A_435, %dma_start3A_440] : memref<64x32xf32, #tpu.memory_space<vmem>> -> memref<1x32xf32, #tpu.memory_space<vmem>>
        %dma_start3A_442 = arith.constant 0 : i32
        %dma_start3A_443 = tpu.memref_slice %arg6[%squeeze3A_395, %dma_start3A_442] : memref<1000000x32xf32, #tpu.memory_space<hbm>> -> memref<1x32xf32, #tpu.memory_space<hbm>>
        tpu.enqueue_dma source(%dma_start3A_443 : memref<1x32xf32, #tpu.memory_space<hbm>>) target(%dma_start3A_441 : memref<1x32xf32, #tpu.memory_space<vmem>>) target_semaphore(%arg19 : memref<!tpu.dma_semaphore, #tpu.memory_space<semaphore_mem>>)
        %slice3A_444 = vector.extract_strided_slice %get3A_245 {offsets = [4], sizes = [1], strides = [1]} : vector<16xi32> to vector<1xi32>
        %squeeze3A_445 = vector.extract %slice3A_444[0] : i32 from vector<1xi32>
        %mul3A_446 = arith.constant 16 : i32
        %mul3A_447 = arith.muli %scan3A_240, %mul3A_446 : i32
        %add3A_448 = arith.constant 4 : i32
        %add3A_449 = arith.addi %mul3A_447, %add3A_448 : i32
        %dma_start3A_450 = arith.constant 0 : i32
        %dma_start3A_451 = tpu.memref_slice %arg13[%add3A_449, %dma_start3A_450] : memref<64x32xf32, #tpu.memory_space<vmem>> -> memref<1x32xf32, #tpu.memory_space<vmem>>
        %dma_start3A_452 = arith.constant 0 : i32
        %dma_start3A_453 = tpu.memref_slice %arg3[%squeeze3A_445, %dma_start3A_452] : memref<1000000x32xf32, #tpu.memory_space<hbm>> -> memref<1x32xf32, #tpu.memory_space<hbm>>
        %dma_start3A_454 = arith.constant 0 : i32
        %dma_start3A_455 = tpu.memref_slice %arg13[%add3A_449, %dma_start3A_454] : memref<64x32xf32, #tpu.memory_space<vmem>> -> memref<1x32xf32, #tpu.memory_space<vmem>>
        %dma_start3A_456 = arith.constant 0 : i32
        %dma_start3A_457 = tpu.memref_slice %arg3[%squeeze3A_445, %dma_start3A_456] : memref<1000000x32xf32, #tpu.memory_space<hbm>> -> memref<1x32xf32, #tpu.memory_space<hbm>>
        tpu.enqueue_dma source(%dma_start3A_457 : memref<1x32xf32, #tpu.memory_space<hbm>>) target(%dma_start3A_455 : memref<1x32xf32, #tpu.memory_space<vmem>>) target_semaphore(%arg19 : memref<!tpu.dma_semaphore, #tpu.memory_space<semaphore_mem>>)
        %mul3A_458 = arith.constant 16 : i32
        %mul3A_459 = arith.muli %scan3A_240, %mul3A_458 : i32
        %add3A_460 = arith.constant 4 : i32
        %add3A_461 = arith.addi %mul3A_459, %add3A_460 : i32
        %dma_start3A_462 = arith.constant 0 : i32
        %dma_start3A_463 = tpu.memref_slice %arg14[%add3A_461, %dma_start3A_462] : memref<64x32xf32, #tpu.memory_space<vmem>> -> memref<1x32xf32, #tpu.memory_space<vmem>>
        %dma_start3A_464 = arith.constant 0 : i32
        %dma_start3A_465 = tpu.memref_slice %arg4[%squeeze3A_445, %dma_start3A_464] : memref<1000000x32xf32, #tpu.memory_space<hbm>> -> memref<1x32xf32, #tpu.memory_space<hbm>>
        %dma_start3A_466 = arith.constant 0 : i32
        %dma_start3A_467 = tpu.memref_slice %arg14[%add3A_461, %dma_start3A_466] : memref<64x32xf32, #tpu.memory_space<vmem>> -> memref<1x32xf32, #tpu.memory_space<vmem>>
        %dma_start3A_468 = arith.constant 0 : i32
        %dma_start3A_469 = tpu.memref_slice %arg4[%squeeze3A_445, %dma_start3A_468] : memref<1000000x32xf32, #tpu.memory_space<hbm>> -> memref<1x32xf32, #tpu.memory_space<hbm>>
        tpu.enqueue_dma source(%dma_start3A_469 : memref<1x32xf32, #tpu.memory_space<hbm>>) target(%dma_start3A_467 : memref<1x32xf32, #tpu.memory_space<vmem>>) target_semaphore(%arg19 : memref<!tpu.dma_semaphore, #tpu.memory_space<semaphore_mem>>)
        %mul3A_470 = arith.constant 16 : i32
        %mul3A_471 = arith.muli %scan3A_240, %mul3A_470 : i32
        %add3A_472 = arith.constant 4 : i32
        %add3A_473 = arith.addi %mul3A_471, %add3A_472 : i32
        %dma_start3A_474 = arith.constant 0 : i32
        %dma_start3A_475 = tpu.memref_slice %arg15[%add3A_473, %dma_start3A_474] : memref<64x32xf32, #tpu.memory_space<vmem>> -> memref<1x32xf32, #tpu.memory_space<vmem>>
        %dma_start3A_476 = arith.constant 0 : i32
        %dma_start3A_477 = tpu.memref_slice %arg5[%squeeze3A_445, %dma_start3A_476] : memref<1000000x32xf32, #tpu.memory_space<hbm>> -> memref<1x32xf32, #tpu.memory_space<hbm>>
        %dma_start3A_478 = arith.constant 0 : i32
        %dma_start3A_479 = tpu.memref_slice %arg15[%add3A_473, %dma_start3A_478] : memref<64x32xf32, #tpu.memory_space<vmem>> -> memref<1x32xf32, #tpu.memory_space<vmem>>
        %dma_start3A_480 = arith.constant 0 : i32
        %dma_start3A_481 = tpu.memref_slice %arg5[%squeeze3A_445, %dma_start3A_480] : memref<1000000x32xf32, #tpu.memory_space<hbm>> -> memref<1x32xf32, #tpu.memory_space<hbm>>
        tpu.enqueue_dma source(%dma_start3A_481 : memref<1x32xf32, #tpu.memory_space<hbm>>) target(%dma_start3A_479 : memref<1x32xf32, #tpu.memory_space<vmem>>) target_semaphore(%arg19 : memref<!tpu.dma_semaphore, #tpu.memory_space<semaphore_mem>>)
        %mul3A_482 = arith.constant 16 : i32
        %mul3A_483 = arith.muli %scan3A_240, %mul3A_482 : i32
        %add3A_484 = arith.constant 4 : i32
        %add3A_485 = arith.addi %mul3A_483, %add3A_484 : i32
        %dma_start3A_486 = arith.constant 0 : i32
        %dma_start3A_487 = tpu.memref_slice %arg16[%add3A_485, %dma_start3A_486] : memref<64x32xf32, #tpu.memory_space<vmem>> -> memref<1x32xf32, #tpu.memory_space<vmem>>
        %dma_start3A_488 = arith.constant 0 : i32
        %dma_start3A_489 = tpu.memref_slice %arg6[%squeeze3A_445, %dma_start3A_488] : memref<1000000x32xf32, #tpu.memory_space<hbm>> -> memref<1x32xf32, #tpu.memory_space<hbm>>
        %dma_start3A_490 = arith.constant 0 : i32
        %dma_start3A_491 = tpu.memref_slice %arg16[%add3A_485, %dma_start3A_490] : memref<64x32xf32, #tpu.memory_space<vmem>> -> memref<1x32xf32, #tpu.memory_space<vmem>>
        %dma_start3A_492 = arith.constant 0 : i32
        %dma_start3A_493 = tpu.memref_slice %arg6[%squeeze3A_445, %dma_start3A_492] : memref<1000000x32xf32, #tpu.memory_space<hbm>> -> memref<1x32xf32, #tpu.memory_space<hbm>>
        tpu.enqueue_dma source(%dma_start3A_493 : memref<1x32xf32, #tpu.memory_space<hbm>>) target(%dma_start3A_491 : memref<1x32xf32, #tpu.memory_space<vmem>>) target_semaphore(%arg19 : memref<!tpu.dma_semaphore, #tpu.memory_space<semaphore_mem>>)
        %slice3A_494 = vector.extract_strided_slice %get3A_245 {offsets = [5], sizes = [1], strides = [1]} : vector<16xi32> to vector<1xi32>
        %squeeze3A_495 = vector.extract %slice3A_494[0] : i32 from vector<1xi32>
        %mul3A_496 = arith.constant 16 : i32
        %mul3A_497 = arith.muli %scan3A_240, %mul3A_496 : i32
        %add3A_498 = arith.constant 5 : i32
        %add3A_499 = arith.addi %mul3A_497, %add3A_498 : i32
        %dma_start3A_500 = arith.constant 0 : i32
        %dma_start3A_501 = tpu.memref_slice %arg13[%add3A_499, %dma_start3A_500] : memref<64x32xf32, #tpu.memory_space<vmem>> -> memref<1x32xf32, #tpu.memory_space<vmem>>
        %dma_start3A_502 = arith.constant 0 : i32
        %dma_start3A_503 = tpu.memref_slice %arg3[%squeeze3A_495, %dma_start3A_502] : memref<1000000x32xf32, #tpu.memory_space<hbm>> -> memref<1x32xf32, #tpu.memory_space<hbm>>
        %dma_start3A_504 = arith.constant 0 : i32
        %dma_start3A_505 = tpu.memref_slice %arg13[%add3A_499, %dma_start3A_504] : memref<64x32xf32, #tpu.memory_space<vmem>> -> memref<1x32xf32, #tpu.memory_space<vmem>>
        %dma_start3A_506 = arith.constant 0 : i32
        %dma_start3A_507 = tpu.memref_slice %arg3[%squeeze3A_495, %dma_start3A_506] : memref<1000000x32xf32, #tpu.memory_space<hbm>> -> memref<1x32xf32, #tpu.memory_space<hbm>>
        tpu.enqueue_dma source(%dma_start3A_507 : memref<1x32xf32, #tpu.memory_space<hbm>>) target(%dma_start3A_505 : memref<1x32xf32, #tpu.memory_space<vmem>>) target_semaphore(%arg19 : memref<!tpu.dma_semaphore, #tpu.memory_space<semaphore_mem>>)
        %mul3A_508 = arith.constant 16 : i32
        %mul3A_509 = arith.muli %scan3A_240, %mul3A_508 : i32
        %add3A_510 = arith.constant 5 : i32
        %add3A_511 = arith.addi %mul3A_509, %add3A_510 : i32
        %dma_start3A_512 = arith.constant 0 : i32
        %dma_start3A_513 = tpu.memref_slice %arg14[%add3A_511, %dma_start3A_512] : memref<64x32xf32, #tpu.memory_space<vmem>> -> memref<1x32xf32, #tpu.memory_space<vmem>>
        %dma_start3A_514 = arith.constant 0 : i32
        %dma_start3A_515 = tpu.memref_slice %arg4[%squeeze3A_495, %dma_start3A_514] : memref<1000000x32xf32, #tpu.memory_space<hbm>> -> memref<1x32xf32, #tpu.memory_space<hbm>>
        %dma_start3A_516 = arith.constant 0 : i32
        %dma_start3A_517 = tpu.memref_slice %arg14[%add3A_511, %dma_start3A_516] : memref<64x32xf32, #tpu.memory_space<vmem>> -> memref<1x32xf32, #tpu.memory_space<vmem>>
        %dma_start3A_518 = arith.constant 0 : i32
        %dma_start3A_519 = tpu.memref_slice %arg4[%squeeze3A_495, %dma_start3A_518] : memref<1000000x32xf32, #tpu.memory_space<hbm>> -> memref<1x32xf32, #tpu.memory_space<hbm>>
        tpu.enqueue_dma source(%dma_start3A_519 : memref<1x32xf32, #tpu.memory_space<hbm>>) target(%dma_start3A_517 : memref<1x32xf32, #tpu.memory_space<vmem>>) target_semaphore(%arg19 : memref<!tpu.dma_semaphore, #tpu.memory_space<semaphore_mem>>)
        %mul3A_520 = arith.constant 16 : i32
        %mul3A_521 = arith.muli %scan3A_240, %mul3A_520 : i32
        %add3A_522 = arith.constant 5 : i32
        %add3A_523 = arith.addi %mul3A_521, %add3A_522 : i32
        %dma_start3A_524 = arith.constant 0 : i32
        %dma_start3A_525 = tpu.memref_slice %arg15[%add3A_523, %dma_start3A_524] : memref<64x32xf32, #tpu.memory_space<vmem>> -> memref<1x32xf32, #tpu.memory_space<vmem>>
        %dma_start3A_526 = arith.constant 0 : i32
        %dma_start3A_527 = tpu.memref_slice %arg5[%squeeze3A_495, %dma_start3A_526] : memref<1000000x32xf32, #tpu.memory_space<hbm>> -> memref<1x32xf32, #tpu.memory_space<hbm>>
        %dma_start3A_528 = arith.constant 0 : i32
        %dma_start3A_529 = tpu.memref_slice %arg15[%add3A_523, %dma_start3A_528] : memref<64x32xf32, #tpu.memory_space<vmem>> -> memref<1x32xf32, #tpu.memory_space<vmem>>
        %dma_start3A_530 = arith.constant 0 : i32
        %dma_start3A_531 = tpu.memref_slice %arg5[%squeeze3A_495, %dma_start3A_530] : memref<1000000x32xf32, #tpu.memory_space<hbm>> -> memref<1x32xf32, #tpu.memory_space<hbm>>
        tpu.enqueue_dma source(%dma_start3A_531 : memref<1x32xf32, #tpu.memory_space<hbm>>) target(%dma_start3A_529 : memref<1x32xf32, #tpu.memory_space<vmem>>) target_semaphore(%arg19 : memref<!tpu.dma_semaphore, #tpu.memory_space<semaphore_mem>>)
        %mul3A_532 = arith.constant 16 : i32
        %mul3A_533 = arith.muli %scan3A_240, %mul3A_532 : i32
        %add3A_534 = arith.constant 5 : i32
        %add3A_535 = arith.addi %mul3A_533, %add3A_534 : i32
        %dma_start3A_536 = arith.constant 0 : i32
        %dma_start3A_537 = tpu.memref_slice %arg16[%add3A_535, %dma_start3A_536] : memref<64x32xf32, #tpu.memory_space<vmem>> -> memref<1x32xf32, #tpu.memory_space<vmem>>
        %dma_start3A_538 = arith.constant 0 : i32
        %dma_start3A_539 = tpu.memref_slice %arg6[%squeeze3A_495, %dma_start3A_538] : memref<1000000x32xf32, #tpu.memory_space<hbm>> -> memref<1x32xf32, #tpu.memory_space<hbm>>
        %dma_start3A_540 = arith.constant 0 : i32
        %dma_start3A_541 = tpu.memref_slice %arg16[%add3A_535, %dma_start3A_540] : memref<64x32xf32, #tpu.memory_space<vmem>> -> memref<1x32xf32, #tpu.memory_space<vmem>>
        %dma_start3A_542 = arith.constant 0 : i32
        %dma_start3A_543 = tpu.memref_slice %arg6[%squeeze3A_495, %dma_start3A_542] : memref<1000000x32xf32, #tpu.memory_space<hbm>> -> memref<1x32xf32, #tpu.memory_space<hbm>>
        tpu.enqueue_dma source(%dma_start3A_543 : memref<1x32xf32, #tpu.memory_space<hbm>>) target(%dma_start3A_541 : memref<1x32xf32, #tpu.memory_space<vmem>>) target_semaphore(%arg19 : memref<!tpu.dma_semaphore, #tpu.memory_space<semaphore_mem>>)
        %slice3A_544 = vector.extract_strided_slice %get3A_245 {offsets = [6], sizes = [1], strides = [1]} : vector<16xi32> to vector<1xi32>
        %squeeze3A_545 = vector.extract %slice3A_544[0] : i32 from vector<1xi32>
        %mul3A_546 = arith.constant 16 : i32
        %mul3A_547 = arith.muli %scan3A_240, %mul3A_546 : i32
        %add3A_548 = arith.constant 6 : i32
        %add3A_549 = arith.addi %mul3A_547, %add3A_548 : i32
        %dma_start3A_550 = arith.constant 0 : i32
        %dma_start3A_551 = tpu.memref_slice %arg13[%add3A_549, %dma_start3A_550] : memref<64x32xf32, #tpu.memory_space<vmem>> -> memref<1x32xf32, #tpu.memory_space<vmem>>
        %dma_start3A_552 = arith.constant 0 : i32
        %dma_start3A_553 = tpu.memref_slice %arg3[%squeeze3A_545, %dma_start3A_552] : memref<1000000x32xf32, #tpu.memory_space<hbm>> -> memref<1x32xf32, #tpu.memory_space<hbm>>
        %dma_start3A_554 = arith.constant 0 : i32
        %dma_start3A_555 = tpu.memref_slice %arg13[%add3A_549, %dma_start3A_554] : memref<64x32xf32, #tpu.memory_space<vmem>> -> memref<1x32xf32, #tpu.memory_space<vmem>>
        %dma_start3A_556 = arith.constant 0 : i32
        %dma_start3A_557 = tpu.memref_slice %arg3[%squeeze3A_545, %dma_start3A_556] : memref<1000000x32xf32, #tpu.memory_space<hbm>> -> memref<1x32xf32, #tpu.memory_space<hbm>>
        tpu.enqueue_dma source(%dma_start3A_557 : memref<1x32xf32, #tpu.memory_space<hbm>>) target(%dma_start3A_555 : memref<1x32xf32, #tpu.memory_space<vmem>>) target_semaphore(%arg19 : memref<!tpu.dma_semaphore, #tpu.memory_space<semaphore_mem>>)
        %mul3A_558 = arith.constant 16 : i32
        %mul3A_559 = arith.muli %scan3A_240, %mul3A_558 : i32
        %add3A_560 = arith.constant 6 : i32
        %add3A_561 = arith.addi %mul3A_559, %add3A_560 : i32
        %dma_start3A_562 = arith.constant 0 : i32
        %dma_start3A_563 = tpu.memref_slice %arg14[%add3A_561, %dma_start3A_562] : memref<64x32xf32, #tpu.memory_space<vmem>> -> memref<1x32xf32, #tpu.memory_space<vmem>>
        %dma_start3A_564 = arith.constant 0 : i32
        %dma_start3A_565 = tpu.memref_slice %arg4[%squeeze3A_545, %dma_start3A_564] : memref<1000000x32xf32, #tpu.memory_space<hbm>> -> memref<1x32xf32, #tpu.memory_space<hbm>>
        %dma_start3A_566 = arith.constant 0 : i32
        %dma_start3A_567 = tpu.memref_slice %arg14[%add3A_561, %dma_start3A_566] : memref<64x32xf32, #tpu.memory_space<vmem>> -> memref<1x32xf32, #tpu.memory_space<vmem>>
        %dma_start3A_568 = arith.constant 0 : i32
        %dma_start3A_569 = tpu.memref_slice %arg4[%squeeze3A_545, %dma_start3A_568] : memref<1000000x32xf32, #tpu.memory_space<hbm>> -> memref<1x32xf32, #tpu.memory_space<hbm>>
        tpu.enqueue_dma source(%dma_start3A_569 : memref<1x32xf32, #tpu.memory_space<hbm>>) target(%dma_start3A_567 : memref<1x32xf32, #tpu.memory_space<vmem>>) target_semaphore(%arg19 : memref<!tpu.dma_semaphore, #tpu.memory_space<semaphore_mem>>)
        %mul3A_570 = arith.constant 16 : i32
        %mul3A_571 = arith.muli %scan3A_240, %mul3A_570 : i32
        %add3A_572 = arith.constant 6 : i32
        %add3A_573 = arith.addi %mul3A_571, %add3A_572 : i32
        %dma_start3A_574 = arith.constant 0 : i32
        %dma_start3A_575 = tpu.memref_slice %arg15[%add3A_573, %dma_start3A_574] : memref<64x32xf32, #tpu.memory_space<vmem>> -> memref<1x32xf32, #tpu.memory_space<vmem>>
        %dma_start3A_576 = arith.constant 0 : i32
        %dma_start3A_577 = tpu.memref_slice %arg5[%squeeze3A_545, %dma_start3A_576] : memref<1000000x32xf32, #tpu.memory_space<hbm>> -> memref<1x32xf32, #tpu.memory_space<hbm>>
        %dma_start3A_578 = arith.constant 0 : i32
        %dma_start3A_579 = tpu.memref_slice %arg15[%add3A_573, %dma_start3A_578] : memref<64x32xf32, #tpu.memory_space<vmem>> -> memref<1x32xf32, #tpu.memory_space<vmem>>
        %dma_start3A_580 = arith.constant 0 : i32
        %dma_start3A_581 = tpu.memref_slice %arg5[%squeeze3A_545, %dma_start3A_580] : memref<1000000x32xf32, #tpu.memory_space<hbm>> -> memref<1x32xf32, #tpu.memory_space<hbm>>
        tpu.enqueue_dma source(%dma_start3A_581 : memref<1x32xf32, #tpu.memory_space<hbm>>) target(%dma_start3A_579 : memref<1x32xf32, #tpu.memory_space<vmem>>) target_semaphore(%arg19 : memref<!tpu.dma_semaphore, #tpu.memory_space<semaphore_mem>>)
        %mul3A_582 = arith.constant 16 : i32
        %mul3A_583 = arith.muli %scan3A_240, %mul3A_582 : i32
        %add3A_584 = arith.constant 6 : i32
        %add3A_585 = arith.addi %mul3A_583, %add3A_584 : i32
        %dma_start3A_586 = arith.constant 0 : i32
        %dma_start3A_587 = tpu.memref_slice %arg16[%add3A_585, %dma_start3A_586] : memref<64x32xf32, #tpu.memory_space<vmem>> -> memref<1x32xf32, #tpu.memory_space<vmem>>
        %dma_start3A_588 = arith.constant 0 : i32
        %dma_start3A_589 = tpu.memref_slice %arg6[%squeeze3A_545, %dma_start3A_588] : memref<1000000x32xf32, #tpu.memory_space<hbm>> -> memref<1x32xf32, #tpu.memory_space<hbm>>
        %dma_start3A_590 = arith.constant 0 : i32
        %dma_start3A_591 = tpu.memref_slice %arg16[%add3A_585, %dma_start3A_590] : memref<64x32xf32, #tpu.memory_space<vmem>> -> memref<1x32xf32, #tpu.memory_space<vmem>>
        %dma_start3A_592 = arith.constant 0 : i32
        %dma_start3A_593 = tpu.memref_slice %arg6[%squeeze3A_545, %dma_start3A_592] : memref<1000000x32xf32, #tpu.memory_space<hbm>> -> memref<1x32xf32, #tpu.memory_space<hbm>>
        tpu.enqueue_dma source(%dma_start3A_593 : memref<1x32xf32, #tpu.memory_space<hbm>>) target(%dma_start3A_591 : memref<1x32xf32, #tpu.memory_space<vmem>>) target_semaphore(%arg19 : memref<!tpu.dma_semaphore, #tpu.memory_space<semaphore_mem>>)
        %slice3A_594 = vector.extract_strided_slice %get3A_245 {offsets = [7], sizes = [1], strides = [1]} : vector<16xi32> to vector<1xi32>
        %squeeze3A_595 = vector.extract %slice3A_594[0] : i32 from vector<1xi32>
        %mul3A_596 = arith.constant 16 : i32
        %mul3A_597 = arith.muli %scan3A_240, %mul3A_596 : i32
        %add3A_598 = arith.constant 7 : i32
        %add3A_599 = arith.addi %mul3A_597, %add3A_598 : i32
        %dma_start3A_600 = arith.constant 0 : i32
        %dma_start3A_601 = tpu.memref_slice %arg13[%add3A_599, %dma_start3A_600] : memref<64x32xf32, #tpu.memory_space<vmem>> -> memref<1x32xf32, #tpu.memory_space<vmem>>
        %dma_start3A_602 = arith.constant 0 : i32
        %dma_start3A_603 = tpu.memref_slice %arg3[%squeeze3A_595, %dma_start3A_602] : memref<1000000x32xf32, #tpu.memory_space<hbm>> -> memref<1x32xf32, #tpu.memory_space<hbm>>
        %dma_start3A_604 = arith.constant 0 : i32
        %dma_start3A_605 = tpu.memref_slice %arg13[%add3A_599, %dma_start3A_604] : memref<64x32xf32, #tpu.memory_space<vmem>> -> memref<1x32xf32, #tpu.memory_space<vmem>>
        %dma_start3A_606 = arith.constant 0 : i32
        %dma_start3A_607 = tpu.memref_slice %arg3[%squeeze3A_595, %dma_start3A_606] : memref<1000000x32xf32, #tpu.memory_space<hbm>> -> memref<1x32xf32, #tpu.memory_space<hbm>>
        tpu.enqueue_dma source(%dma_start3A_607 : memref<1x32xf32, #tpu.memory_space<hbm>>) target(%dma_start3A_605 : memref<1x32xf32, #tpu.memory_space<vmem>>) target_semaphore(%arg19 : memref<!tpu.dma_semaphore, #tpu.memory_space<semaphore_mem>>)
        %mul3A_608 = arith.constant 16 : i32
        %mul3A_609 = arith.muli %scan3A_240, %mul3A_608 : i32
        %add3A_610 = arith.constant 7 : i32
        %add3A_611 = arith.addi %mul3A_609, %add3A_610 : i32
        %dma_start3A_612 = arith.constant 0 : i32
        %dma_start3A_613 = tpu.memref_slice %arg14[%add3A_611, %dma_start3A_612] : memref<64x32xf32, #tpu.memory_space<vmem>> -> memref<1x32xf32, #tpu.memory_space<vmem>>
        %dma_start3A_614 = arith.constant 0 : i32
        %dma_start3A_615 = tpu.memref_slice %arg4[%squeeze3A_595, %dma_start3A_614] : memref<1000000x32xf32, #tpu.memory_space<hbm>> -> memref<1x32xf32, #tpu.memory_space<hbm>>
        %dma_start3A_616 = arith.constant 0 : i32
        %dma_start3A_617 = tpu.memref_slice %arg14[%add3A_611, %dma_start3A_616] : memref<64x32xf32, #tpu.memory_space<vmem>> -> memref<1x32xf32, #tpu.memory_space<vmem>>
        %dma_start3A_618 = arith.constant 0 : i32
        %dma_start3A_619 = tpu.memref_slice %arg4[%squeeze3A_595, %dma_start3A_618] : memref<1000000x32xf32, #tpu.memory_space<hbm>> -> memref<1x32xf32, #tpu.memory_space<hbm>>
        tpu.enqueue_dma source(%dma_start3A_619 : memref<1x32xf32, #tpu.memory_space<hbm>>) target(%dma_start3A_617 : memref<1x32xf32, #tpu.memory_space<vmem>>) target_semaphore(%arg19 : memref<!tpu.dma_semaphore, #tpu.memory_space<semaphore_mem>>)
        %mul3A_620 = arith.constant 16 : i32
        %mul3A_621 = arith.muli %scan3A_240, %mul3A_620 : i32
        %add3A_622 = arith.constant 7 : i32
        %add3A_623 = arith.addi %mul3A_621, %add3A_622 : i32
        %dma_start3A_624 = arith.constant 0 : i32
        %dma_start3A_625 = tpu.memref_slice %arg15[%add3A_623, %dma_start3A_624] : memref<64x32xf32, #tpu.memory_space<vmem>> -> memref<1x32xf32, #tpu.memory_space<vmem>>
        %dma_start3A_626 = arith.constant 0 : i32
        %dma_start3A_627 = tpu.memref_slice %arg5[%squeeze3A_595, %dma_start3A_626] : memref<1000000x32xf32, #tpu.memory_space<hbm>> -> memref<1x32xf32, #tpu.memory_space<hbm>>
        %dma_start3A_628 = arith.constant 0 : i32
        %dma_start3A_629 = tpu.memref_slice %arg15[%add3A_623, %dma_start3A_628] : memref<64x32xf32, #tpu.memory_space<vmem>> -> memref<1x32xf32, #tpu.memory_space<vmem>>
        %dma_start3A_630 = arith.constant 0 : i32
        %dma_start3A_631 = tpu.memref_slice %arg5[%squeeze3A_595, %dma_start3A_630] : memref<1000000x32xf32, #tpu.memory_space<hbm>> -> memref<1x32xf32, #tpu.memory_space<hbm>>
        tpu.enqueue_dma source(%dma_start3A_631 : memref<1x32xf32, #tpu.memory_space<hbm>>) target(%dma_start3A_629 : memref<1x32xf32, #tpu.memory_space<vmem>>) target_semaphore(%arg19 : memref<!tpu.dma_semaphore, #tpu.memory_space<semaphore_mem>>)
        %mul3A_632 = arith.constant 16 : i32
        %mul3A_633 = arith.muli %scan3A_240, %mul3A_632 : i32
        %add3A_634 = arith.constant 7 : i32
        %add3A_635 = arith.addi %mul3A_633, %add3A_634 : i32
        %dma_start3A_636 = arith.constant 0 : i32
        %dma_start3A_637 = tpu.memref_slice %arg16[%add3A_635, %dma_start3A_636] : memref<64x32xf32, #tpu.memory_space<vmem>> -> memref<1x32xf32, #tpu.memory_space<vmem>>
        %dma_start3A_638 = arith.constant 0 : i32
        %dma_start3A_639 = tpu.memref_slice %arg6[%squeeze3A_595, %dma_start3A_638] : memref<1000000x32xf32, #tpu.memory_space<hbm>> -> memref<1x32xf32, #tpu.memory_space<hbm>>
        %dma_start3A_640 = arith.constant 0 : i32
        %dma_start3A_641 = tpu.memref_slice %arg16[%add3A_635, %dma_start3A_640] : memref<64x32xf32, #tpu.memory_space<vmem>> -> memref<1x32xf32, #tpu.memory_space<vmem>>
        %dma_start3A_642 = arith.constant 0 : i32
        %dma_start3A_643 = tpu.memref_slice %arg6[%squeeze3A_595, %dma_start3A_642] : memref<1000000x32xf32, #tpu.memory_space<hbm>> -> memref<1x32xf32, #tpu.memory_space<hbm>>
        tpu.enqueue_dma source(%dma_start3A_643 : memref<1x32xf32, #tpu.memory_space<hbm>>) target(%dma_start3A_641 : memref<1x32xf32, #tpu.memory_space<vmem>>) target_semaphore(%arg19 : memref<!tpu.dma_semaphore, #tpu.memory_space<semaphore_mem>>)
        %slice3A_644 = vector.extract_strided_slice %get3A_245 {offsets = [8], sizes = [1], strides = [1]} : vector<16xi32> to vector<1xi32>
        %squeeze3A_645 = vector.extract %slice3A_644[0] : i32 from vector<1xi32>
        %mul3A_646 = arith.constant 16 : i32
        %mul3A_647 = arith.muli %scan3A_240, %mul3A_646 : i32
        %add3A_648 = arith.constant 8 : i32
        %add3A_649 = arith.addi %mul3A_647, %add3A_648 : i32
        %dma_start3A_650 = arith.constant 0 : i32
        %dma_start3A_651 = tpu.memref_slice %arg13[%add3A_649, %dma_start3A_650] : memref<64x32xf32, #tpu.memory_space<vmem>> -> memref<1x32xf32, #tpu.memory_space<vmem>>
        %dma_start3A_652 = arith.constant 0 : i32
        %dma_start3A_653 = tpu.memref_slice %arg3[%squeeze3A_645, %dma_start3A_652] : memref<1000000x32xf32, #tpu.memory_space<hbm>> -> memref<1x32xf32, #tpu.memory_space<hbm>>
        %dma_start3A_654 = arith.constant 0 : i32
        %dma_start3A_655 = tpu.memref_slice %arg13[%add3A_649, %dma_start3A_654] : memref<64x32xf32, #tpu.memory_space<vmem>> -> memref<1x32xf32, #tpu.memory_space<vmem>>
        %dma_start3A_656 = arith.constant 0 : i32
        %dma_start3A_657 = tpu.memref_slice %arg3[%squeeze3A_645, %dma_start3A_656] : memref<1000000x32xf32, #tpu.memory_space<hbm>> -> memref<1x32xf32, #tpu.memory_space<hbm>>
        tpu.enqueue_dma source(%dma_start3A_657 : memref<1x32xf32, #tpu.memory_space<hbm>>) target(%dma_start3A_655 : memref<1x32xf32, #tpu.memory_space<vmem>>) target_semaphore(%arg19 : memref<!tpu.dma_semaphore, #tpu.memory_space<semaphore_mem>>)
        %mul3A_658 = arith.constant 16 : i32
        %mul3A_659 = arith.muli %scan3A_240, %mul3A_658 : i32
        %add3A_660 = arith.constant 8 : i32
        %add3A_661 = arith.addi %mul3A_659, %add3A_660 : i32
        %dma_start3A_662 = arith.constant 0 : i32
        %dma_start3A_663 = tpu.memref_slice %arg14[%add3A_661, %dma_start3A_662] : memref<64x32xf32, #tpu.memory_space<vmem>> -> memref<1x32xf32, #tpu.memory_space<vmem>>
        %dma_start3A_664 = arith.constant 0 : i32
        %dma_start3A_665 = tpu.memref_slice %arg4[%squeeze3A_645, %dma_start3A_664] : memref<1000000x32xf32, #tpu.memory_space<hbm>> -> memref<1x32xf32, #tpu.memory_space<hbm>>
        %dma_start3A_666 = arith.constant 0 : i32
        %dma_start3A_667 = tpu.memref_slice %arg14[%add3A_661, %dma_start3A_666] : memref<64x32xf32, #tpu.memory_space<vmem>> -> memref<1x32xf32, #tpu.memory_space<vmem>>
        %dma_start3A_668 = arith.constant 0 : i32
        %dma_start3A_669 = tpu.memref_slice %arg4[%squeeze3A_645, %dma_start3A_668] : memref<1000000x32xf32, #tpu.memory_space<hbm>> -> memref<1x32xf32, #tpu.memory_space<hbm>>
        tpu.enqueue_dma source(%dma_start3A_669 : memref<1x32xf32, #tpu.memory_space<hbm>>) target(%dma_start3A_667 : memref<1x32xf32, #tpu.memory_space<vmem>>) target_semaphore(%arg19 : memref<!tpu.dma_semaphore, #tpu.memory_space<semaphore_mem>>)
        %mul3A_670 = arith.constant 16 : i32
        %mul3A_671 = arith.muli %scan3A_240, %mul3A_670 : i32
        %add3A_672 = arith.constant 8 : i32
        %add3A_673 = arith.addi %mul3A_671, %add3A_672 : i32
        %dma_start3A_674 = arith.constant 0 : i32
        %dma_start3A_675 = tpu.memref_slice %arg15[%add3A_673, %dma_start3A_674] : memref<64x32xf32, #tpu.memory_space<vmem>> -> memref<1x32xf32, #tpu.memory_space<vmem>>
        %dma_start3A_676 = arith.constant 0 : i32
        %dma_start3A_677 = tpu.memref_slice %arg5[%squeeze3A_645, %dma_start3A_676] : memref<1000000x32xf32, #tpu.memory_space<hbm>> -> memref<1x32xf32, #tpu.memory_space<hbm>>
        %dma_start3A_678 = arith.constant 0 : i32
        %dma_start3A_679 = tpu.memref_slice %arg15[%add3A_673, %dma_start3A_678] : memref<64x32xf32, #tpu.memory_space<vmem>> -> memref<1x32xf32, #tpu.memory_space<vmem>>
        %dma_start3A_680 = arith.constant 0 : i32
        %dma_start3A_681 = tpu.memref_slice %arg5[%squeeze3A_645, %dma_start3A_680] : memref<1000000x32xf32, #tpu.memory_space<hbm>> -> memref<1x32xf32, #tpu.memory_space<hbm>>
        tpu.enqueue_dma source(%dma_start3A_681 : memref<1x32xf32, #tpu.memory_space<hbm>>) target(%dma_start3A_679 : memref<1x32xf32, #tpu.memory_space<vmem>>) target_semaphore(%arg19 : memref<!tpu.dma_semaphore, #tpu.memory_space<semaphore_mem>>)
        %mul3A_682 = arith.constant 16 : i32
        %mul3A_683 = arith.muli %scan3A_240, %mul3A_682 : i32
        %add3A_684 = arith.constant 8 : i32
        %add3A_685 = arith.addi %mul3A_683, %add3A_684 : i32
        %dma_start3A_686 = arith.constant 0 : i32
        %dma_start3A_687 = tpu.memref_slice %arg16[%add3A_685, %dma_start3A_686] : memref<64x32xf32, #tpu.memory_space<vmem>> -> memref<1x32xf32, #tpu.memory_space<vmem>>
        %dma_start3A_688 = arith.constant 0 : i32
        %dma_start3A_689 = tpu.memref_slice %arg6[%squeeze3A_645, %dma_start3A_688] : memref<1000000x32xf32, #tpu.memory_space<hbm>> -> memref<1x32xf32, #tpu.memory_space<hbm>>
        %dma_start3A_690 = arith.constant 0 : i32
        %dma_start3A_691 = tpu.memref_slice %arg16[%add3A_685, %dma_start3A_690] : memref<64x32xf32, #tpu.memory_space<vmem>> -> memref<1x32xf32, #tpu.memory_space<vmem>>
        %dma_start3A_692 = arith.constant 0 : i32
        %dma_start3A_693 = tpu.memref_slice %arg6[%squeeze3A_645, %dma_start3A_692] : memref<1000000x32xf32, #tpu.memory_space<hbm>> -> memref<1x32xf32, #tpu.memory_space<hbm>>
        tpu.enqueue_dma source(%dma_start3A_693 : memref<1x32xf32, #tpu.memory_space<hbm>>) target(%dma_start3A_691 : memref<1x32xf32, #tpu.memory_space<vmem>>) target_semaphore(%arg19 : memref<!tpu.dma_semaphore, #tpu.memory_space<semaphore_mem>>)
        %slice3A_694 = vector.extract_strided_slice %get3A_245 {offsets = [9], sizes = [1], strides = [1]} : vector<16xi32> to vector<1xi32>
        %squeeze3A_695 = vector.extract %slice3A_694[0] : i32 from vector<1xi32>
        %mul3A_696 = arith.constant 16 : i32
        %mul3A_697 = arith.muli %scan3A_240, %mul3A_696 : i32
        %add3A_698 = arith.constant 9 : i32
        %add3A_699 = arith.addi %mul3A_697, %add3A_698 : i32
        %dma_start3A_700 = arith.constant 0 : i32
        %dma_start3A_701 = tpu.memref_slice %arg13[%add3A_699, %dma_start3A_700] : memref<64x32xf32, #tpu.memory_space<vmem>> -> memref<1x32xf32, #tpu.memory_space<vmem>>
        %dma_start3A_702 = arith.constant 0 : i32
        %dma_start3A_703 = tpu.memref_slice %arg3[%squeeze3A_695, %dma_start3A_702] : memref<1000000x32xf32, #tpu.memory_space<hbm>> -> memref<1x32xf32, #tpu.memory_space<hbm>>
        %dma_start3A_704 = arith.constant 0 : i32
        %dma_start3A_705 = tpu.memref_slice %arg13[%add3A_699, %dma_start3A_704] : memref<64x32xf32, #tpu.memory_space<vmem>> -> memref<1x32xf32, #tpu.memory_space<vmem>>
        %dma_start3A_706 = arith.constant 0 : i32
        %dma_start3A_707 = tpu.memref_slice %arg3[%squeeze3A_695, %dma_start3A_706] : memref<1000000x32xf32, #tpu.memory_space<hbm>> -> memref<1x32xf32, #tpu.memory_space<hbm>>
        tpu.enqueue_dma source(%dma_start3A_707 : memref<1x32xf32, #tpu.memory_space<hbm>>) target(%dma_start3A_705 : memref<1x32xf32, #tpu.memory_space<vmem>>) target_semaphore(%arg19 : memref<!tpu.dma_semaphore, #tpu.memory_space<semaphore_mem>>)
        %mul3A_708 = arith.constant 16 : i32
        %mul3A_709 = arith.muli %scan3A_240, %mul3A_708 : i32
        %add3A_710 = arith.constant 9 : i32
        %add3A_711 = arith.addi %mul3A_709, %add3A_710 : i32
        %dma_start3A_712 = arith.constant 0 : i32
        %dma_start3A_713 = tpu.memref_slice %arg14[%add3A_711, %dma_start3A_712] : memref<64x32xf32, #tpu.memory_space<vmem>> -> memref<1x32xf32, #tpu.memory_space<vmem>>
        %dma_start3A_714 = arith.constant 0 : i32
        %dma_start3A_715 = tpu.memref_slice %arg4[%squeeze3A_695, %dma_start3A_714] : memref<1000000x32xf32, #tpu.memory_space<hbm>> -> memref<1x32xf32, #tpu.memory_space<hbm>>
        %dma_start3A_716 = arith.constant 0 : i32
        %dma_start3A_717 = tpu.memref_slice %arg14[%add3A_711, %dma_start3A_716] : memref<64x32xf32, #tpu.memory_space<vmem>> -> memref<1x32xf32, #tpu.memory_space<vmem>>
        %dma_start3A_718 = arith.constant 0 : i32
        %dma_start3A_719 = tpu.memref_slice %arg4[%squeeze3A_695, %dma_start3A_718] : memref<1000000x32xf32, #tpu.memory_space<hbm>> -> memref<1x32xf32, #tpu.memory_space<hbm>>
        tpu.enqueue_dma source(%dma_start3A_719 : memref<1x32xf32, #tpu.memory_space<hbm>>) target(%dma_start3A_717 : memref<1x32xf32, #tpu.memory_space<vmem>>) target_semaphore(%arg19 : memref<!tpu.dma_semaphore, #tpu.memory_space<semaphore_mem>>)
        %mul3A_720 = arith.constant 16 : i32
        %mul3A_721 = arith.muli %scan3A_240, %mul3A_720 : i32
        %add3A_722 = arith.constant 9 : i32
        %add3A_723 = arith.addi %mul3A_721, %add3A_722 : i32
        %dma_start3A_724 = arith.constant 0 : i32
        %dma_start3A_725 = tpu.memref_slice %arg15[%add3A_723, %dma_start3A_724] : memref<64x32xf32, #tpu.memory_space<vmem>> -> memref<1x32xf32, #tpu.memory_space<vmem>>
        %dma_start3A_726 = arith.constant 0 : i32
        %dma_start3A_727 = tpu.memref_slice %arg5[%squeeze3A_695, %dma_start3A_726] : memref<1000000x32xf32, #tpu.memory_space<hbm>> -> memref<1x32xf32, #tpu.memory_space<hbm>>
        %dma_start3A_728 = arith.constant 0 : i32
        %dma_start3A_729 = tpu.memref_slice %arg15[%add3A_723, %dma_start3A_728] : memref<64x32xf32, #tpu.memory_space<vmem>> -> memref<1x32xf32, #tpu.memory_space<vmem>>
        %dma_start3A_730 = arith.constant 0 : i32
        %dma_start3A_731 = tpu.memref_slice %arg5[%squeeze3A_695, %dma_start3A_730] : memref<1000000x32xf32, #tpu.memory_space<hbm>> -> memref<1x32xf32, #tpu.memory_space<hbm>>
        tpu.enqueue_dma source(%dma_start3A_731 : memref<1x32xf32, #tpu.memory_space<hbm>>) target(%dma_start3A_729 : memref<1x32xf32, #tpu.memory_space<vmem>>) target_semaphore(%arg19 : memref<!tpu.dma_semaphore, #tpu.memory_space<semaphore_mem>>)
        %mul3A_732 = arith.constant 16 : i32
        %mul3A_733 = arith.muli %scan3A_240, %mul3A_732 : i32
        %add3A_734 = arith.constant 9 : i32
        %add3A_735 = arith.addi %mul3A_733, %add3A_734 : i32
        %dma_start3A_736 = arith.constant 0 : i32
        %dma_start3A_737 = tpu.memref_slice %arg16[%add3A_735, %dma_start3A_736] : memref<64x32xf32, #tpu.memory_space<vmem>> -> memref<1x32xf32, #tpu.memory_space<vmem>>
        %dma_start3A_738 = arith.constant 0 : i32
        %dma_start3A_739 = tpu.memref_slice %arg6[%squeeze3A_695, %dma_start3A_738] : memref<1000000x32xf32, #tpu.memory_space<hbm>> -> memref<1x32xf32, #tpu.memory_space<hbm>>
        %dma_start3A_740 = arith.constant 0 : i32
        %dma_start3A_741 = tpu.memref_slice %arg16[%add3A_735, %dma_start3A_740] : memref<64x32xf32, #tpu.memory_space<vmem>> -> memref<1x32xf32, #tpu.memory_space<vmem>>
        %dma_start3A_742 = arith.constant 0 : i32
        %dma_start3A_743 = tpu.memref_slice %arg6[%squeeze3A_695, %dma_start3A_742] : memref<1000000x32xf32, #tpu.memory_space<hbm>> -> memref<1x32xf32, #tpu.memory_space<hbm>>
        tpu.enqueue_dma source(%dma_start3A_743 : memref<1x32xf32, #tpu.memory_space<hbm>>) target(%dma_start3A_741 : memref<1x32xf32, #tpu.memory_space<vmem>>) target_semaphore(%arg19 : memref<!tpu.dma_semaphore, #tpu.memory_space<semaphore_mem>>)
        %slice3A_744 = vector.extract_strided_slice %get3A_245 {offsets = [10], sizes = [1], strides = [1]} : vector<16xi32> to vector<1xi32>
        %squeeze3A_745 = vector.extract %slice3A_744[0] : i32 from vector<1xi32>
        %mul3A_746 = arith.constant 16 : i32
        %mul3A_747 = arith.muli %scan3A_240, %mul3A_746 : i32
        %add3A_748 = arith.constant 10 : i32
        %add3A_749 = arith.addi %mul3A_747, %add3A_748 : i32
        %dma_start3A_750 = arith.constant 0 : i32
        %dma_start3A_751 = tpu.memref_slice %arg13[%add3A_749, %dma_start3A_750] : memref<64x32xf32, #tpu.memory_space<vmem>> -> memref<1x32xf32, #tpu.memory_space<vmem>>
        %dma_start3A_752 = arith.constant 0 : i32
        %dma_start3A_753 = tpu.memref_slice %arg3[%squeeze3A_745, %dma_start3A_752] : memref<1000000x32xf32, #tpu.memory_space<hbm>> -> memref<1x32xf32, #tpu.memory_space<hbm>>
        %dma_start3A_754 = arith.constant 0 : i32
        %dma_start3A_755 = tpu.memref_slice %arg13[%add3A_749, %dma_start3A_754] : memref<64x32xf32, #tpu.memory_space<vmem>> -> memref<1x32xf32, #tpu.memory_space<vmem>>
        %dma_start3A_756 = arith.constant 0 : i32
        %dma_start3A_757 = tpu.memref_slice %arg3[%squeeze3A_745, %dma_start3A_756] : memref<1000000x32xf32, #tpu.memory_space<hbm>> -> memref<1x32xf32, #tpu.memory_space<hbm>>
        tpu.enqueue_dma source(%dma_start3A_757 : memref<1x32xf32, #tpu.memory_space<hbm>>) target(%dma_start3A_755 : memref<1x32xf32, #tpu.memory_space<vmem>>) target_semaphore(%arg19 : memref<!tpu.dma_semaphore, #tpu.memory_space<semaphore_mem>>)
        %mul3A_758 = arith.constant 16 : i32
        %mul3A_759 = arith.muli %scan3A_240, %mul3A_758 : i32
        %add3A_760 = arith.constant 10 : i32
        %add3A_761 = arith.addi %mul3A_759, %add3A_760 : i32
        %dma_start3A_762 = arith.constant 0 : i32
        %dma_start3A_763 = tpu.memref_slice %arg14[%add3A_761, %dma_start3A_762] : memref<64x32xf32, #tpu.memory_space<vmem>> -> memref<1x32xf32, #tpu.memory_space<vmem>>
        %dma_start3A_764 = arith.constant 0 : i32
        %dma_start3A_765 = tpu.memref_slice %arg4[%squeeze3A_745, %dma_start3A_764] : memref<1000000x32xf32, #tpu.memory_space<hbm>> -> memref<1x32xf32, #tpu.memory_space<hbm>>
        %dma_start3A_766 = arith.constant 0 : i32
        %dma_start3A_767 = tpu.memref_slice %arg14[%add3A_761, %dma_start3A_766] : memref<64x32xf32, #tpu.memory_space<vmem>> -> memref<1x32xf32, #tpu.memory_space<vmem>>
        %dma_start3A_768 = arith.constant 0 : i32
        %dma_start3A_769 = tpu.memref_slice %arg4[%squeeze3A_745, %dma_start3A_768] : memref<1000000x32xf32, #tpu.memory_space<hbm>> -> memref<1x32xf32, #tpu.memory_space<hbm>>
        tpu.enqueue_dma source(%dma_start3A_769 : memref<1x32xf32, #tpu.memory_space<hbm>>) target(%dma_start3A_767 : memref<1x32xf32, #tpu.memory_space<vmem>>) target_semaphore(%arg19 : memref<!tpu.dma_semaphore, #tpu.memory_space<semaphore_mem>>)
        %mul3A_770 = arith.constant 16 : i32
        %mul3A_771 = arith.muli %scan3A_240, %mul3A_770 : i32
        %add3A_772 = arith.constant 10 : i32
        %add3A_773 = arith.addi %mul3A_771, %add3A_772 : i32
        %dma_start3A_774 = arith.constant 0 : i32
        %dma_start3A_775 = tpu.memref_slice %arg15[%add3A_773, %dma_start3A_774] : memref<64x32xf32, #tpu.memory_space<vmem>> -> memref<1x32xf32, #tpu.memory_space<vmem>>
        %dma_start3A_776 = arith.constant 0 : i32
        %dma_start3A_777 = tpu.memref_slice %arg5[%squeeze3A_745, %dma_start3A_776] : memref<1000000x32xf32, #tpu.memory_space<hbm>> -> memref<1x32xf32, #tpu.memory_space<hbm>>
        %dma_start3A_778 = arith.constant 0 : i32
        %dma_start3A_779 = tpu.memref_slice %arg15[%add3A_773, %dma_start3A_778] : memref<64x32xf32, #tpu.memory_space<vmem>> -> memref<1x32xf32, #tpu.memory_space<vmem>>
        %dma_start3A_780 = arith.constant 0 : i32
        %dma_start3A_781 = tpu.memref_slice %arg5[%squeeze3A_745, %dma_start3A_780] : memref<1000000x32xf32, #tpu.memory_space<hbm>> -> memref<1x32xf32, #tpu.memory_space<hbm>>
        tpu.enqueue_dma source(%dma_start3A_781 : memref<1x32xf32, #tpu.memory_space<hbm>>) target(%dma_start3A_779 : memref<1x32xf32, #tpu.memory_space<vmem>>) target_semaphore(%arg19 : memref<!tpu.dma_semaphore, #tpu.memory_space<semaphore_mem>>)
        %mul3A_782 = arith.constant 16 : i32
        %mul3A_783 = arith.muli %scan3A_240, %mul3A_782 : i32
        %add3A_784 = arith.constant 10 : i32
        %add3A_785 = arith.addi %mul3A_783, %add3A_784 : i32
        %dma_start3A_786 = arith.constant 0 : i32
        %dma_start3A_787 = tpu.memref_slice %arg16[%add3A_785, %dma_start3A_786] : memref<64x32xf32, #tpu.memory_space<vmem>> -> memref<1x32xf32, #tpu.memory_space<vmem>>
        %dma_start3A_788 = arith.constant 0 : i32
        %dma_start3A_789 = tpu.memref_slice %arg6[%squeeze3A_745, %dma_start3A_788] : memref<1000000x32xf32, #tpu.memory_space<hbm>> -> memref<1x32xf32, #tpu.memory_space<hbm>>
        %dma_start3A_790 = arith.constant 0 : i32
        %dma_start3A_791 = tpu.memref_slice %arg16[%add3A_785, %dma_start3A_790] : memref<64x32xf32, #tpu.memory_space<vmem>> -> memref<1x32xf32, #tpu.memory_space<vmem>>
        %dma_start3A_792 = arith.constant 0 : i32
        %dma_start3A_793 = tpu.memref_slice %arg6[%squeeze3A_745, %dma_start3A_792] : memref<1000000x32xf32, #tpu.memory_space<hbm>> -> memref<1x32xf32, #tpu.memory_space<hbm>>
        tpu.enqueue_dma source(%dma_start3A_793 : memref<1x32xf32, #tpu.memory_space<hbm>>) target(%dma_start3A_791 : memref<1x32xf32, #tpu.memory_space<vmem>>) target_semaphore(%arg19 : memref<!tpu.dma_semaphore, #tpu.memory_space<semaphore_mem>>)
        %slice3A_794 = vector.extract_strided_slice %get3A_245 {offsets = [11], sizes = [1], strides = [1]} : vector<16xi32> to vector<1xi32>
        %squeeze3A_795 = vector.extract %slice3A_794[0] : i32 from vector<1xi32>
        %mul3A_796 = arith.constant 16 : i32
        %mul3A_797 = arith.muli %scan3A_240, %mul3A_796 : i32
        %add3A_798 = arith.constant 11 : i32
        %add3A_799 = arith.addi %mul3A_797, %add3A_798 : i32
        %dma_start3A_800 = arith.constant 0 : i32
        %dma_start3A_801 = tpu.memref_slice %arg13[%add3A_799, %dma_start3A_800] : memref<64x32xf32, #tpu.memory_space<vmem>> -> memref<1x32xf32, #tpu.memory_space<vmem>>
        %dma_start3A_802 = arith.constant 0 : i32
        %dma_start3A_803 = tpu.memref_slice %arg3[%squeeze3A_795, %dma_start3A_802] : memref<1000000x32xf32, #tpu.memory_space<hbm>> -> memref<1x32xf32, #tpu.memory_space<hbm>>
        %dma_start3A_804 = arith.constant 0 : i32
        %dma_start3A_805 = tpu.memref_slice %arg13[%add3A_799, %dma_start3A_804] : memref<64x32xf32, #tpu.memory_space<vmem>> -> memref<1x32xf32, #tpu.memory_space<vmem>>
        %dma_start3A_806 = arith.constant 0 : i32
        %dma_start3A_807 = tpu.memref_slice %arg3[%squeeze3A_795, %dma_start3A_806] : memref<1000000x32xf32, #tpu.memory_space<hbm>> -> memref<1x32xf32, #tpu.memory_space<hbm>>
        tpu.enqueue_dma source(%dma_start3A_807 : memref<1x32xf32, #tpu.memory_space<hbm>>) target(%dma_start3A_805 : memref<1x32xf32, #tpu.memory_space<vmem>>) target_semaphore(%arg19 : memref<!tpu.dma_semaphore, #tpu.memory_space<semaphore_mem>>)
        %mul3A_808 = arith.constant 16 : i32
        %mul3A_809 = arith.muli %scan3A_240, %mul3A_808 : i32
        %add3A_810 = arith.constant 11 : i32
        %add3A_811 = arith.addi %mul3A_809, %add3A_810 : i32
        %dma_start3A_812 = arith.constant 0 : i32
        %dma_start3A_813 = tpu.memref_slice %arg14[%add3A_811, %dma_start3A_812] : memref<64x32xf32, #tpu.memory_space<vmem>> -> memref<1x32xf32, #tpu.memory_space<vmem>>
        %dma_start3A_814 = arith.constant 0 : i32
        %dma_start3A_815 = tpu.memref_slice %arg4[%squeeze3A_795, %dma_start3A_814] : memref<1000000x32xf32, #tpu.memory_space<hbm>> -> memref<1x32xf32, #tpu.memory_space<hbm>>
        %dma_start3A_816 = arith.constant 0 : i32
        %dma_start3A_817 = tpu.memref_slice %arg14[%add3A_811, %dma_start3A_816] : memref<64x32xf32, #tpu.memory_space<vmem>> -> memref<1x32xf32, #tpu.memory_space<vmem>>
        %dma_start3A_818 = arith.constant 0 : i32
        %dma_start3A_819 = tpu.memref_slice %arg4[%squeeze3A_795, %dma_start3A_818] : memref<1000000x32xf32, #tpu.memory_space<hbm>> -> memref<1x32xf32, #tpu.memory_space<hbm>>
        tpu.enqueue_dma source(%dma_start3A_819 : memref<1x32xf32, #tpu.memory_space<hbm>>) target(%dma_start3A_817 : memref<1x32xf32, #tpu.memory_space<vmem>>) target_semaphore(%arg19 : memref<!tpu.dma_semaphore, #tpu.memory_space<semaphore_mem>>)
        %mul3A_820 = arith.constant 16 : i32
        %mul3A_821 = arith.muli %scan3A_240, %mul3A_820 : i32
        %add3A_822 = arith.constant 11 : i32
        %add3A_823 = arith.addi %mul3A_821, %add3A_822 : i32
        %dma_start3A_824 = arith.constant 0 : i32
        %dma_start3A_825 = tpu.memref_slice %arg15[%add3A_823, %dma_start3A_824] : memref<64x32xf32, #tpu.memory_space<vmem>> -> memref<1x32xf32, #tpu.memory_space<vmem>>
        %dma_start3A_826 = arith.constant 0 : i32
        %dma_start3A_827 = tpu.memref_slice %arg5[%squeeze3A_795, %dma_start3A_826] : memref<1000000x32xf32, #tpu.memory_space<hbm>> -> memref<1x32xf32, #tpu.memory_space<hbm>>
        %dma_start3A_828 = arith.constant 0 : i32
        %dma_start3A_829 = tpu.memref_slice %arg15[%add3A_823, %dma_start3A_828] : memref<64x32xf32, #tpu.memory_space<vmem>> -> memref<1x32xf32, #tpu.memory_space<vmem>>
        %dma_start3A_830 = arith.constant 0 : i32
        %dma_start3A_831 = tpu.memref_slice %arg5[%squeeze3A_795, %dma_start3A_830] : memref<1000000x32xf32, #tpu.memory_space<hbm>> -> memref<1x32xf32, #tpu.memory_space<hbm>>
        tpu.enqueue_dma source(%dma_start3A_831 : memref<1x32xf32, #tpu.memory_space<hbm>>) target(%dma_start3A_829 : memref<1x32xf32, #tpu.memory_space<vmem>>) target_semaphore(%arg19 : memref<!tpu.dma_semaphore, #tpu.memory_space<semaphore_mem>>)
        %mul3A_832 = arith.constant 16 : i32
        %mul3A_833 = arith.muli %scan3A_240, %mul3A_832 : i32
        %add3A_834 = arith.constant 11 : i32
        %add3A_835 = arith.addi %mul3A_833, %add3A_834 : i32
        %dma_start3A_836 = arith.constant 0 : i32
        %dma_start3A_837 = tpu.memref_slice %arg16[%add3A_835, %dma_start3A_836] : memref<64x32xf32, #tpu.memory_space<vmem>> -> memref<1x32xf32, #tpu.memory_space<vmem>>
        %dma_start3A_838 = arith.constant 0 : i32
        %dma_start3A_839 = tpu.memref_slice %arg6[%squeeze3A_795, %dma_start3A_838] : memref<1000000x32xf32, #tpu.memory_space<hbm>> -> memref<1x32xf32, #tpu.memory_space<hbm>>
        %dma_start3A_840 = arith.constant 0 : i32
        %dma_start3A_841 = tpu.memref_slice %arg16[%add3A_835, %dma_start3A_840] : memref<64x32xf32, #tpu.memory_space<vmem>> -> memref<1x32xf32, #tpu.memory_space<vmem>>
        %dma_start3A_842 = arith.constant 0 : i32
        %dma_start3A_843 = tpu.memref_slice %arg6[%squeeze3A_795, %dma_start3A_842] : memref<1000000x32xf32, #tpu.memory_space<hbm>> -> memref<1x32xf32, #tpu.memory_space<hbm>>
        tpu.enqueue_dma source(%dma_start3A_843 : memref<1x32xf32, #tpu.memory_space<hbm>>) target(%dma_start3A_841 : memref<1x32xf32, #tpu.memory_space<vmem>>) target_semaphore(%arg19 : memref<!tpu.dma_semaphore, #tpu.memory_space<semaphore_mem>>)
        %slice3A_844 = vector.extract_strided_slice %get3A_245 {offsets = [12], sizes = [1], strides = [1]} : vector<16xi32> to vector<1xi32>
        %squeeze3A_845 = vector.extract %slice3A_844[0] : i32 from vector<1xi32>
        %mul3A_846 = arith.constant 16 : i32
        %mul3A_847 = arith.muli %scan3A_240, %mul3A_846 : i32
        %add3A_848 = arith.constant 12 : i32
        %add3A_849 = arith.addi %mul3A_847, %add3A_848 : i32
        %dma_start3A_850 = arith.constant 0 : i32
        %dma_start3A_851 = tpu.memref_slice %arg13[%add3A_849, %dma_start3A_850] : memref<64x32xf32, #tpu.memory_space<vmem>> -> memref<1x32xf32, #tpu.memory_space<vmem>>
        %dma_start3A_852 = arith.constant 0 : i32
        %dma_start3A_853 = tpu.memref_slice %arg3[%squeeze3A_845, %dma_start3A_852] : memref<1000000x32xf32, #tpu.memory_space<hbm>> -> memref<1x32xf32, #tpu.memory_space<hbm>>
        %dma_start3A_854 = arith.constant 0 : i32
        %dma_start3A_855 = tpu.memref_slice %arg13[%add3A_849, %dma_start3A_854] : memref<64x32xf32, #tpu.memory_space<vmem>> -> memref<1x32xf32, #tpu.memory_space<vmem>>
        %dma_start3A_856 = arith.constant 0 : i32
        %dma_start3A_857 = tpu.memref_slice %arg3[%squeeze3A_845, %dma_start3A_856] : memref<1000000x32xf32, #tpu.memory_space<hbm>> -> memref<1x32xf32, #tpu.memory_space<hbm>>
        tpu.enqueue_dma source(%dma_start3A_857 : memref<1x32xf32, #tpu.memory_space<hbm>>) target(%dma_start3A_855 : memref<1x32xf32, #tpu.memory_space<vmem>>) target_semaphore(%arg19 : memref<!tpu.dma_semaphore, #tpu.memory_space<semaphore_mem>>)
        %mul3A_858 = arith.constant 16 : i32
        %mul3A_859 = arith.muli %scan3A_240, %mul3A_858 : i32
        %add3A_860 = arith.constant 12 : i32
        %add3A_861 = arith.addi %mul3A_859, %add3A_860 : i32
        %dma_start3A_862 = arith.constant 0 : i32
        %dma_start3A_863 = tpu.memref_slice %arg14[%add3A_861, %dma_start3A_862] : memref<64x32xf32, #tpu.memory_space<vmem>> -> memref<1x32xf32, #tpu.memory_space<vmem>>
        %dma_start3A_864 = arith.constant 0 : i32
        %dma_start3A_865 = tpu.memref_slice %arg4[%squeeze3A_845, %dma_start3A_864] : memref<1000000x32xf32, #tpu.memory_space<hbm>> -> memref<1x32xf32, #tpu.memory_space<hbm>>
        %dma_start3A_866 = arith.constant 0 : i32
        %dma_start3A_867 = tpu.memref_slice %arg14[%add3A_861, %dma_start3A_866] : memref<64x32xf32, #tpu.memory_space<vmem>> -> memref<1x32xf32, #tpu.memory_space<vmem>>
        %dma_start3A_868 = arith.constant 0 : i32
        %dma_start3A_869 = tpu.memref_slice %arg4[%squeeze3A_845, %dma_start3A_868] : memref<1000000x32xf32, #tpu.memory_space<hbm>> -> memref<1x32xf32, #tpu.memory_space<hbm>>
        tpu.enqueue_dma source(%dma_start3A_869 : memref<1x32xf32, #tpu.memory_space<hbm>>) target(%dma_start3A_867 : memref<1x32xf32, #tpu.memory_space<vmem>>) target_semaphore(%arg19 : memref<!tpu.dma_semaphore, #tpu.memory_space<semaphore_mem>>)
        %mul3A_870 = arith.constant 16 : i32
        %mul3A_871 = arith.muli %scan3A_240, %mul3A_870 : i32
        %add3A_872 = arith.constant 12 : i32
        %add3A_873 = arith.addi %mul3A_871, %add3A_872 : i32
        %dma_start3A_874 = arith.constant 0 : i32
        %dma_start3A_875 = tpu.memref_slice %arg15[%add3A_873, %dma_start3A_874] : memref<64x32xf32, #tpu.memory_space<vmem>> -> memref<1x32xf32, #tpu.memory_space<vmem>>
        %dma_start3A_876 = arith.constant 0 : i32
        %dma_start3A_877 = tpu.memref_slice %arg5[%squeeze3A_845, %dma_start3A_876] : memref<1000000x32xf32, #tpu.memory_space<hbm>> -> memref<1x32xf32, #tpu.memory_space<hbm>>
        %dma_start3A_878 = arith.constant 0 : i32
        %dma_start3A_879 = tpu.memref_slice %arg15[%add3A_873, %dma_start3A_878] : memref<64x32xf32, #tpu.memory_space<vmem>> -> memref<1x32xf32, #tpu.memory_space<vmem>>
        %dma_start3A_880 = arith.constant 0 : i32
        %dma_start3A_881 = tpu.memref_slice %arg5[%squeeze3A_845, %dma_start3A_880] : memref<1000000x32xf32, #tpu.memory_space<hbm>> -> memref<1x32xf32, #tpu.memory_space<hbm>>
        tpu.enqueue_dma source(%dma_start3A_881 : memref<1x32xf32, #tpu.memory_space<hbm>>) target(%dma_start3A_879 : memref<1x32xf32, #tpu.memory_space<vmem>>) target_semaphore(%arg19 : memref<!tpu.dma_semaphore, #tpu.memory_space<semaphore_mem>>)
        %mul3A_882 = arith.constant 16 : i32
        %mul3A_883 = arith.muli %scan3A_240, %mul3A_882 : i32
        %add3A_884 = arith.constant 12 : i32
        %add3A_885 = arith.addi %mul3A_883, %add3A_884 : i32
        %dma_start3A_886 = arith.constant 0 : i32
        %dma_start3A_887 = tpu.memref_slice %arg16[%add3A_885, %dma_start3A_886] : memref<64x32xf32, #tpu.memory_space<vmem>> -> memref<1x32xf32, #tpu.memory_space<vmem>>
        %dma_start3A_888 = arith.constant 0 : i32
        %dma_start3A_889 = tpu.memref_slice %arg6[%squeeze3A_845, %dma_start3A_888] : memref<1000000x32xf32, #tpu.memory_space<hbm>> -> memref<1x32xf32, #tpu.memory_space<hbm>>
        %dma_start3A_890 = arith.constant 0 : i32
        %dma_start3A_891 = tpu.memref_slice %arg16[%add3A_885, %dma_start3A_890] : memref<64x32xf32, #tpu.memory_space<vmem>> -> memref<1x32xf32, #tpu.memory_space<vmem>>
        %dma_start3A_892 = arith.constant 0 : i32
        %dma_start3A_893 = tpu.memref_slice %arg6[%squeeze3A_845, %dma_start3A_892] : memref<1000000x32xf32, #tpu.memory_space<hbm>> -> memref<1x32xf32, #tpu.memory_space<hbm>>
        tpu.enqueue_dma source(%dma_start3A_893 : memref<1x32xf32, #tpu.memory_space<hbm>>) target(%dma_start3A_891 : memref<1x32xf32, #tpu.memory_space<vmem>>) target_semaphore(%arg19 : memref<!tpu.dma_semaphore, #tpu.memory_space<semaphore_mem>>)
        %slice3A_894 = vector.extract_strided_slice %get3A_245 {offsets = [13], sizes = [1], strides = [1]} : vector<16xi32> to vector<1xi32>
        %squeeze3A_895 = vector.extract %slice3A_894[0] : i32 from vector<1xi32>
        %mul3A_896 = arith.constant 16 : i32
        %mul3A_897 = arith.muli %scan3A_240, %mul3A_896 : i32
        %add3A_898 = arith.constant 13 : i32
        %add3A_899 = arith.addi %mul3A_897, %add3A_898 : i32
        %dma_start3A_900 = arith.constant 0 : i32
        %dma_start3A_901 = tpu.memref_slice %arg13[%add3A_899, %dma_start3A_900] : memref<64x32xf32, #tpu.memory_space<vmem>> -> memref<1x32xf32, #tpu.memory_space<vmem>>
        %dma_start3A_902 = arith.constant 0 : i32
        %dma_start3A_903 = tpu.memref_slice %arg3[%squeeze3A_895, %dma_start3A_902] : memref<1000000x32xf32, #tpu.memory_space<hbm>> -> memref<1x32xf32, #tpu.memory_space<hbm>>
        %dma_start3A_904 = arith.constant 0 : i32
        %dma_start3A_905 = tpu.memref_slice %arg13[%add3A_899, %dma_start3A_904] : memref<64x32xf32, #tpu.memory_space<vmem>> -> memref<1x32xf32, #tpu.memory_space<vmem>>
        %dma_start3A_906 = arith.constant 0 : i32
        %dma_start3A_907 = tpu.memref_slice %arg3[%squeeze3A_895, %dma_start3A_906] : memref<1000000x32xf32, #tpu.memory_space<hbm>> -> memref<1x32xf32, #tpu.memory_space<hbm>>
        tpu.enqueue_dma source(%dma_start3A_907 : memref<1x32xf32, #tpu.memory_space<hbm>>) target(%dma_start3A_905 : memref<1x32xf32, #tpu.memory_space<vmem>>) target_semaphore(%arg19 : memref<!tpu.dma_semaphore, #tpu.memory_space<semaphore_mem>>)
        %mul3A_908 = arith.constant 16 : i32
        %mul3A_909 = arith.muli %scan3A_240, %mul3A_908 : i32
        %add3A_910 = arith.constant 13 : i32
        %add3A_911 = arith.addi %mul3A_909, %add3A_910 : i32
        %dma_start3A_912 = arith.constant 0 : i32
        %dma_start3A_913 = tpu.memref_slice %arg14[%add3A_911, %dma_start3A_912] : memref<64x32xf32, #tpu.memory_space<vmem>> -> memref<1x32xf32, #tpu.memory_space<vmem>>
        %dma_start3A_914 = arith.constant 0 : i32
        %dma_start3A_915 = tpu.memref_slice %arg4[%squeeze3A_895, %dma_start3A_914] : memref<1000000x32xf32, #tpu.memory_space<hbm>> -> memref<1x32xf32, #tpu.memory_space<hbm>>
        %dma_start3A_916 = arith.constant 0 : i32
        %dma_start3A_917 = tpu.memref_slice %arg14[%add3A_911, %dma_start3A_916] : memref<64x32xf32, #tpu.memory_space<vmem>> -> memref<1x32xf32, #tpu.memory_space<vmem>>
        %dma_start3A_918 = arith.constant 0 : i32
        %dma_start3A_919 = tpu.memref_slice %arg4[%squeeze3A_895, %dma_start3A_918] : memref<1000000x32xf32, #tpu.memory_space<hbm>> -> memref<1x32xf32, #tpu.memory_space<hbm>>
        tpu.enqueue_dma source(%dma_start3A_919 : memref<1x32xf32, #tpu.memory_space<hbm>>) target(%dma_start3A_917 : memref<1x32xf32, #tpu.memory_space<vmem>>) target_semaphore(%arg19 : memref<!tpu.dma_semaphore, #tpu.memory_space<semaphore_mem>>)
        %mul3A_920 = arith.constant 16 : i32
        %mul3A_921 = arith.muli %scan3A_240, %mul3A_920 : i32
        %add3A_922 = arith.constant 13 : i32
        %add3A_923 = arith.addi %mul3A_921, %add3A_922 : i32
        %dma_start3A_924 = arith.constant 0 : i32
        %dma_start3A_925 = tpu.memref_slice %arg15[%add3A_923, %dma_start3A_924] : memref<64x32xf32, #tpu.memory_space<vmem>> -> memref<1x32xf32, #tpu.memory_space<vmem>>
        %dma_start3A_926 = arith.constant 0 : i32
        %dma_start3A_927 = tpu.memref_slice %arg5[%squeeze3A_895, %dma_start3A_926] : memref<1000000x32xf32, #tpu.memory_space<hbm>> -> memref<1x32xf32, #tpu.memory_space<hbm>>
        %dma_start3A_928 = arith.constant 0 : i32
        %dma_start3A_929 = tpu.memref_slice %arg15[%add3A_923, %dma_start3A_928] : memref<64x32xf32, #tpu.memory_space<vmem>> -> memref<1x32xf32, #tpu.memory_space<vmem>>
        %dma_start3A_930 = arith.constant 0 : i32
        %dma_start3A_931 = tpu.memref_slice %arg5[%squeeze3A_895, %dma_start3A_930] : memref<1000000x32xf32, #tpu.memory_space<hbm>> -> memref<1x32xf32, #tpu.memory_space<hbm>>
        tpu.enqueue_dma source(%dma_start3A_931 : memref<1x32xf32, #tpu.memory_space<hbm>>) target(%dma_start3A_929 : memref<1x32xf32, #tpu.memory_space<vmem>>) target_semaphore(%arg19 : memref<!tpu.dma_semaphore, #tpu.memory_space<semaphore_mem>>)
        %mul3A_932 = arith.constant 16 : i32
        %mul3A_933 = arith.muli %scan3A_240, %mul3A_932 : i32
        %add3A_934 = arith.constant 13 : i32
        %add3A_935 = arith.addi %mul3A_933, %add3A_934 : i32
        %dma_start3A_936 = arith.constant 0 : i32
        %dma_start3A_937 = tpu.memref_slice %arg16[%add3A_935, %dma_start3A_936] : memref<64x32xf32, #tpu.memory_space<vmem>> -> memref<1x32xf32, #tpu.memory_space<vmem>>
        %dma_start3A_938 = arith.constant 0 : i32
        %dma_start3A_939 = tpu.memref_slice %arg6[%squeeze3A_895, %dma_start3A_938] : memref<1000000x32xf32, #tpu.memory_space<hbm>> -> memref<1x32xf32, #tpu.memory_space<hbm>>
        %dma_start3A_940 = arith.constant 0 : i32
        %dma_start3A_941 = tpu.memref_slice %arg16[%add3A_935, %dma_start3A_940] : memref<64x32xf32, #tpu.memory_space<vmem>> -> memref<1x32xf32, #tpu.memory_space<vmem>>
        %dma_start3A_942 = arith.constant 0 : i32
        %dma_start3A_943 = tpu.memref_slice %arg6[%squeeze3A_895, %dma_start3A_942] : memref<1000000x32xf32, #tpu.memory_space<hbm>> -> memref<1x32xf32, #tpu.memory_space<hbm>>
        tpu.enqueue_dma source(%dma_start3A_943 : memref<1x32xf32, #tpu.memory_space<hbm>>) target(%dma_start3A_941 : memref<1x32xf32, #tpu.memory_space<vmem>>) target_semaphore(%arg19 : memref<!tpu.dma_semaphore, #tpu.memory_space<semaphore_mem>>)
        %slice3A_944 = vector.extract_strided_slice %get3A_245 {offsets = [14], sizes = [1], strides = [1]} : vector<16xi32> to vector<1xi32>
        %squeeze3A_945 = vector.extract %slice3A_944[0] : i32 from vector<1xi32>
        %mul3A_946 = arith.constant 16 : i32
        %mul3A_947 = arith.muli %scan3A_240, %mul3A_946 : i32
        %add3A_948 = arith.constant 14 : i32
        %add3A_949 = arith.addi %mul3A_947, %add3A_948 : i32
        %dma_start3A_950 = arith.constant 0 : i32
        %dma_start3A_951 = tpu.memref_slice %arg13[%add3A_949, %dma_start3A_950] : memref<64x32xf32, #tpu.memory_space<vmem>> -> memref<1x32xf32, #tpu.memory_space<vmem>>
        %dma_start3A_952 = arith.constant 0 : i32
        %dma_start3A_953 = tpu.memref_slice %arg3[%squeeze3A_945, %dma_start3A_952] : memref<1000000x32xf32, #tpu.memory_space<hbm>> -> memref<1x32xf32, #tpu.memory_space<hbm>>
        %dma_start3A_954 = arith.constant 0 : i32
        %dma_start3A_955 = tpu.memref_slice %arg13[%add3A_949, %dma_start3A_954] : memref<64x32xf32, #tpu.memory_space<vmem>> -> memref<1x32xf32, #tpu.memory_space<vmem>>
        %dma_start3A_956 = arith.constant 0 : i32
        %dma_start3A_957 = tpu.memref_slice %arg3[%squeeze3A_945, %dma_start3A_956] : memref<1000000x32xf32, #tpu.memory_space<hbm>> -> memref<1x32xf32, #tpu.memory_space<hbm>>
        tpu.enqueue_dma source(%dma_start3A_957 : memref<1x32xf32, #tpu.memory_space<hbm>>) target(%dma_start3A_955 : memref<1x32xf32, #tpu.memory_space<vmem>>) target_semaphore(%arg19 : memref<!tpu.dma_semaphore, #tpu.memory_space<semaphore_mem>>)
        %mul3A_958 = arith.constant 16 : i32
        %mul3A_959 = arith.muli %scan3A_240, %mul3A_958 : i32
        %add3A_960 = arith.constant 14 : i32
        %add3A_961 = arith.addi %mul3A_959, %add3A_960 : i32
        %dma_start3A_962 = arith.constant 0 : i32
        %dma_start3A_963 = tpu.memref_slice %arg14[%add3A_961, %dma_start3A_962] : memref<64x32xf32, #tpu.memory_space<vmem>> -> memref<1x32xf32, #tpu.memory_space<vmem>>
        %dma_start3A_964 = arith.constant 0 : i32
        %dma_start3A_965 = tpu.memref_slice %arg4[%squeeze3A_945, %dma_start3A_964] : memref<1000000x32xf32, #tpu.memory_space<hbm>> -> memref<1x32xf32, #tpu.memory_space<hbm>>
        %dma_start3A_966 = arith.constant 0 : i32
        %dma_start3A_967 = tpu.memref_slice %arg14[%add3A_961, %dma_start3A_966] : memref<64x32xf32, #tpu.memory_space<vmem>> -> memref<1x32xf32, #tpu.memory_space<vmem>>
        %dma_start3A_968 = arith.constant 0 : i32
        %dma_start3A_969 = tpu.memref_slice %arg4[%squeeze3A_945, %dma_start3A_968] : memref<1000000x32xf32, #tpu.memory_space<hbm>> -> memref<1x32xf32, #tpu.memory_space<hbm>>
        tpu.enqueue_dma source(%dma_start3A_969 : memref<1x32xf32, #tpu.memory_space<hbm>>) target(%dma_start3A_967 : memref<1x32xf32, #tpu.memory_space<vmem>>) target_semaphore(%arg19 : memref<!tpu.dma_semaphore, #tpu.memory_space<semaphore_mem>>)
        %mul3A_970 = arith.constant 16 : i32
        %mul3A_971 = arith.muli %scan3A_240, %mul3A_970 : i32
        %add3A_972 = arith.constant 14 : i32
        %add3A_973 = arith.addi %mul3A_971, %add3A_972 : i32
        %dma_start3A_974 = arith.constant 0 : i32
        %dma_start3A_975 = tpu.memref_slice %arg15[%add3A_973, %dma_start3A_974] : memref<64x32xf32, #tpu.memory_space<vmem>> -> memref<1x32xf32, #tpu.memory_space<vmem>>
        %dma_start3A_976 = arith.constant 0 : i32
        %dma_start3A_977 = tpu.memref_slice %arg5[%squeeze3A_945, %dma_start3A_976] : memref<1000000x32xf32, #tpu.memory_space<hbm>> -> memref<1x32xf32, #tpu.memory_space<hbm>>
        %dma_start3A_978 = arith.constant 0 : i32
        %dma_start3A_979 = tpu.memref_slice %arg15[%add3A_973, %dma_start3A_978] : memref<64x32xf32, #tpu.memory_space<vmem>> -> memref<1x32xf32, #tpu.memory_space<vmem>>
        %dma_start3A_980 = arith.constant 0 : i32
        %dma_start3A_981 = tpu.memref_slice %arg5[%squeeze3A_945, %dma_start3A_980] : memref<1000000x32xf32, #tpu.memory_space<hbm>> -> memref<1x32xf32, #tpu.memory_space<hbm>>
        tpu.enqueue_dma source(%dma_start3A_981 : memref<1x32xf32, #tpu.memory_space<hbm>>) target(%dma_start3A_979 : memref<1x32xf32, #tpu.memory_space<vmem>>) target_semaphore(%arg19 : memref<!tpu.dma_semaphore, #tpu.memory_space<semaphore_mem>>)
        %mul3A_982 = arith.constant 16 : i32
        %mul3A_983 = arith.muli %scan3A_240, %mul3A_982 : i32
        %add3A_984 = arith.constant 14 : i32
        %add3A_985 = arith.addi %mul3A_983, %add3A_984 : i32
        %dma_start3A_986 = arith.constant 0 : i32
        %dma_start3A_987 = tpu.memref_slice %arg16[%add3A_985, %dma_start3A_986] : memref<64x32xf32, #tpu.memory_space<vmem>> -> memref<1x32xf32, #tpu.memory_space<vmem>>
        %dma_start3A_988 = arith.constant 0 : i32
        %dma_start3A_989 = tpu.memref_slice %arg6[%squeeze3A_945, %dma_start3A_988] : memref<1000000x32xf32, #tpu.memory_space<hbm>> -> memref<1x32xf32, #tpu.memory_space<hbm>>
        %dma_start3A_990 = arith.constant 0 : i32
        %dma_start3A_991 = tpu.memref_slice %arg16[%add3A_985, %dma_start3A_990] : memref<64x32xf32, #tpu.memory_space<vmem>> -> memref<1x32xf32, #tpu.memory_space<vmem>>
        %dma_start3A_992 = arith.constant 0 : i32
        %dma_start3A_993 = tpu.memref_slice %arg6[%squeeze3A_945, %dma_start3A_992] : memref<1000000x32xf32, #tpu.memory_space<hbm>> -> memref<1x32xf32, #tpu.memory_space<hbm>>
        tpu.enqueue_dma source(%dma_start3A_993 : memref<1x32xf32, #tpu.memory_space<hbm>>) target(%dma_start3A_991 : memref<1x32xf32, #tpu.memory_space<vmem>>) target_semaphore(%arg19 : memref<!tpu.dma_semaphore, #tpu.memory_space<semaphore_mem>>)
        %slice3A_994 = vector.extract_strided_slice %get3A_245 {offsets = [15], sizes = [1], strides = [1]} : vector<16xi32> to vector<1xi32>
        %squeeze3A_995 = vector.extract %slice3A_994[0] : i32 from vector<1xi32>
        %mul3A_996 = arith.constant 16 : i32
        %mul3A_997 = arith.muli %scan3A_240, %mul3A_996 : i32
        %add3A_998 = arith.constant 15 : i32
        %add3A_999 = arith.addi %mul3A_997, %add3A_998 : i32
        %dma_start3A_1000 = arith.constant 0 : i32
        %dma_start3A_1001 = tpu.memref_slice %arg13[%add3A_999, %dma_start3A_1000] : memref<64x32xf32, #tpu.memory_space<vmem>> -> memref<1x32xf32, #tpu.memory_space<vmem>>
        %dma_start3A_1002 = arith.constant 0 : i32
        %dma_start3A_1003 = tpu.memref_slice %arg3[%squeeze3A_995, %dma_start3A_1002] : memref<1000000x32xf32, #tpu.memory_space<hbm>> -> memref<1x32xf32, #tpu.memory_space<hbm>>
        %dma_start3A_1004 = arith.constant 0 : i32
        %dma_start3A_1005 = tpu.memref_slice %arg13[%add3A_999, %dma_start3A_1004] : memref<64x32xf32, #tpu.memory_space<vmem>> -> memref<1x32xf32, #tpu.memory_space<vmem>>
        %dma_start3A_1006 = arith.constant 0 : i32
        %dma_start3A_1007 = tpu.memref_slice %arg3[%squeeze3A_995, %dma_start3A_1006] : memref<1000000x32xf32, #tpu.memory_space<hbm>> -> memref<1x32xf32, #tpu.memory_space<hbm>>
        tpu.enqueue_dma source(%dma_start3A_1007 : memref<1x32xf32, #tpu.memory_space<hbm>>) target(%dma_start3A_1005 : memref<1x32xf32, #tpu.memory_space<vmem>>) target_semaphore(%arg19 : memref<!tpu.dma_semaphore, #tpu.memory_space<semaphore_mem>>)
        %mul3A_1008 = arith.constant 16 : i32
        %mul3A_1009 = arith.muli %scan3A_240, %mul3A_1008 : i32
        %add3A_1010 = arith.constant 15 : i32
        %add3A_1011 = arith.addi %mul3A_1009, %add3A_1010 : i32
        %dma_start3A_1012 = arith.constant 0 : i32
        %dma_start3A_1013 = tpu.memref_slice %arg14[%add3A_1011, %dma_start3A_1012] : memref<64x32xf32, #tpu.memory_space<vmem>> -> memref<1x32xf32, #tpu.memory_space<vmem>>
        %dma_start3A_1014 = arith.constant 0 : i32
        %dma_start3A_1015 = tpu.memref_slice %arg4[%squeeze3A_995, %dma_start3A_1014] : memref<1000000x32xf32, #tpu.memory_space<hbm>> -> memref<1x32xf32, #tpu.memory_space<hbm>>
        %dma_start3A_1016 = arith.constant 0 : i32
        %dma_start3A_1017 = tpu.memref_slice %arg14[%add3A_1011, %dma_start3A_1016] : memref<64x32xf32, #tpu.memory_space<vmem>> -> memref<1x32xf32, #tpu.memory_space<vmem>>
        %dma_start3A_1018 = arith.constant 0 : i32
        %dma_start3A_1019 = tpu.memref_slice %arg4[%squeeze3A_995, %dma_start3A_1018] : memref<1000000x32xf32, #tpu.memory_space<hbm>> -> memref<1x32xf32, #tpu.memory_space<hbm>>
        tpu.enqueue_dma source(%dma_start3A_1019 : memref<1x32xf32, #tpu.memory_space<hbm>>) target(%dma_start3A_1017 : memref<1x32xf32, #tpu.memory_space<vmem>>) target_semaphore(%arg19 : memref<!tpu.dma_semaphore, #tpu.memory_space<semaphore_mem>>)
        %mul3A_1020 = arith.constant 16 : i32
        %mul3A_1021 = arith.muli %scan3A_240, %mul3A_1020 : i32
        %add3A_1022 = arith.constant 15 : i32
        %add3A_1023 = arith.addi %mul3A_1021, %add3A_1022 : i32
        %dma_start3A_1024 = arith.constant 0 : i32
        %dma_start3A_1025 = tpu.memref_slice %arg15[%add3A_1023, %dma_start3A_1024] : memref<64x32xf32, #tpu.memory_space<vmem>> -> memref<1x32xf32, #tpu.memory_space<vmem>>
        %dma_start3A_1026 = arith.constant 0 : i32
        %dma_start3A_1027 = tpu.memref_slice %arg5[%squeeze3A_995, %dma_start3A_1026] : memref<1000000x32xf32, #tpu.memory_space<hbm>> -> memref<1x32xf32, #tpu.memory_space<hbm>>
        %dma_start3A_1028 = arith.constant 0 : i32
        %dma_start3A_1029 = tpu.memref_slice %arg15[%add3A_1023, %dma_start3A_1028] : memref<64x32xf32, #tpu.memory_space<vmem>> -> memref<1x32xf32, #tpu.memory_space<vmem>>
        %dma_start3A_1030 = arith.constant 0 : i32
        %dma_start3A_1031 = tpu.memref_slice %arg5[%squeeze3A_995, %dma_start3A_1030] : memref<1000000x32xf32, #tpu.memory_space<hbm>> -> memref<1x32xf32, #tpu.memory_space<hbm>>
        tpu.enqueue_dma source(%dma_start3A_1031 : memref<1x32xf32, #tpu.memory_space<hbm>>) target(%dma_start3A_1029 : memref<1x32xf32, #tpu.memory_space<vmem>>) target_semaphore(%arg19 : memref<!tpu.dma_semaphore, #tpu.memory_space<semaphore_mem>>)
        %mul3A_1032 = arith.constant 16 : i32
        %mul3A_1033 = arith.muli %scan3A_240, %mul3A_1032 : i32
        %add3A_1034 = arith.constant 15 : i32
        %add3A_1035 = arith.addi %mul3A_1033, %add3A_1034 : i32
        %dma_start3A_1036 = arith.constant 0 : i32
        %dma_start3A_1037 = tpu.memref_slice %arg16[%add3A_1035, %dma_start3A_1036] : memref<64x32xf32, #tpu.memory_space<vmem>> -> memref<1x32xf32, #tpu.memory_space<vmem>>
        %dma_start3A_1038 = arith.constant 0 : i32
        %dma_start3A_1039 = tpu.memref_slice %arg6[%squeeze3A_995, %dma_start3A_1038] : memref<1000000x32xf32, #tpu.memory_space<hbm>> -> memref<1x32xf32, #tpu.memory_space<hbm>>
        %dma_start3A_1040 = arith.constant 0 : i32
        %dma_start3A_1041 = tpu.memref_slice %arg16[%add3A_1035, %dma_start3A_1040] : memref<64x32xf32, #tpu.memory_space<vmem>> -> memref<1x32xf32, #tpu.memory_space<vmem>>
        %dma_start3A_1042 = arith.constant 0 : i32
        %dma_start3A_1043 = tpu.memref_slice %arg6[%squeeze3A_995, %dma_start3A_1042] : memref<1000000x32xf32, #tpu.memory_space<hbm>> -> memref<1x32xf32, #tpu.memory_space<hbm>>
        tpu.enqueue_dma source(%dma_start3A_1043 : memref<1x32xf32, #tpu.memory_space<hbm>>) target(%dma_start3A_1041 : memref<1x32xf32, #tpu.memory_space<vmem>>) target_semaphore(%arg19 : memref<!tpu.dma_semaphore, #tpu.memory_space<semaphore_mem>>)
      }
      %scan3A_130 = arith.constant 4 : i32
      %scan3A_131 = arith.constant 0 : i32
      %scan3A_132 = arith.constant 0 : i32
      %scan3A_133 = arith.constant 64 : i32
      %scan3A_134 = arith.addi %scan3A_132, %scan3A_133 : i32
      %scan3A_135 = arith.constant 4 : i32
      scf.for %scan3A_240 = %scan3A_132 to %scan3A_134 step %scan3A_135  : i32 {
        %add3A_241 = arith.constant 0 : i32
        %add3A_242 = arith.addi %add3A_241, %scan3A_240 : i32
        %broadcast_in_dim3A_243 = vector.broadcast %add3A_242 : i32 to vector<16xi32>
        %get3A = arith.index_cast %scan3A_240 : i32 to index
        %get3A_244 = arith.constant 0 : index
        %get3A_245 = tpu.vector_load %arg9[%get3A, %get3A_244] {strides = array<i32>} : memref<64x32xf32, #tpu.memory_space<vmem>>, vector<16xf32>,
        tpu.vector_store_idx %arg17[%add3A_5, %broadcast_in_dim3A_9, %broadcast_in_dim3A_243], %get3A_245 : memref<32x4x128xf32, #tpu.memory_space<vmem>>[vector<16xi32>, vector<16xi32>, vector<16xi32>], vector<16xf32>,
        %get3A_246 = arith.index_cast %scan3A_240 : i32 to index
        %get3A_247 = arith.constant 16 : index
        %get3A_248 = tpu.vector_load %arg9[%get3A_246, %get3A_247] {strides = array<i32>} : memref<64x32xf32, #tpu.memory_space<vmem>>, vector<16xf32>,
        tpu.vector_store_idx %arg17[%add3A_8, %broadcast_in_dim3A_9, %broadcast_in_dim3A_243], %get3A_248 : memref<32x4x128xf32, #tpu.memory_space<vmem>>[vector<16xi32>, vector<16xi32>, vector<16xi32>], vector<16xf32>,
        %get3A_249 = arith.index_cast %scan3A_240 : i32 to index
        %get3A_250 = arith.constant 0 : index
        %get3A_251 = tpu.vector_load %arg10[%get3A_249, %get3A_250] {strides = array<i32>} : memref<64x32xf32, #tpu.memory_space<vmem>>, vector<16xf32>,
        tpu.vector_store_idx %arg17[%add3A_5, %broadcast_in_dim3A_11, %broadcast_in_dim3A_243], %get3A_251 : memref<32x4x128xf32, #tpu.memory_space<vmem>>[vector<16xi32>, vector<16xi32>, vector<16xi32>], vector<16xf32>,
        %get3A_252 = arith.index_cast %scan3A_240 : i32 to index
        %get3A_253 = arith.constant 16 : index
        %get3A_254 = tpu.vector_load %arg10[%get3A_252, %get3A_253] {strides = array<i32>} : memref<64x32xf32, #tpu.memory_space<vmem>>, vector<16xf32>,
        tpu.vector_store_idx %arg17[%add3A_8, %broadcast_in_dim3A_11, %broadcast_in_dim3A_243], %get3A_254 : memref<32x4x128xf32, #tpu.memory_space<vmem>>[vector<16xi32>, vector<16xi32>, vector<16xi32>], vector<16xf32>,
        %get3A_255 = arith.index_cast %scan3A_240 : i32 to index
        %get3A_256 = arith.constant 0 : index
        %get3A_257 = tpu.vector_load %arg11[%get3A_255, %get3A_256] {strides = array<i32>} : memref<64x32xf32, #tpu.memory_space<vmem>>, vector<16xf32>,
        tpu.vector_store_idx %arg17[%add3A_5, %broadcast_in_dim3A_13, %broadcast_in_dim3A_243], %get3A_257 : memref<32x4x128xf32, #tpu.memory_space<vmem>>[vector<16xi32>, vector<16xi32>, vector<16xi32>], vector<16xf32>,
        %get3A_258 = arith.index_cast %scan3A_240 : i32 to index
        %get3A_259 = arith.constant 16 : index
        %get3A_260 = tpu.vector_load %arg11[%get3A_258, %get3A_259] {strides = array<i32>} : memref<64x32xf32, #tpu.memory_space<vmem>>, vector<16xf32>,
        tpu.vector_store_idx %arg17[%add3A_8, %broadcast_in_dim3A_13, %broadcast_in_dim3A_243], %get3A_260 : memref<32x4x128xf32, #tpu.memory_space<vmem>>[vector<16xi32>, vector<16xi32>, vector<16xi32>], vector<16xf32>,
        %get3A_261 = arith.index_cast %scan3A_240 : i32 to index
        %get3A_262 = arith.constant 0 : index
        %get3A_263 = tpu.vector_load %arg12[%get3A_261, %get3A_262] {strides = array<i32>} : memref<64x32xf32, #tpu.memory_space<vmem>>, vector<16xf32>,
        tpu.vector_store_idx %arg17[%add3A_5, %broadcast_in_dim3A_15, %broadcast_in_dim3A_243], %get3A_263 : memref<32x4x128xf32, #tpu.memory_space<vmem>>[vector<16xi32>, vector<16xi32>, vector<16xi32>], vector<16xf32>,
        %get3A_264 = arith.index_cast %scan3A_240 : i32 to index
        %get3A_265 = arith.constant 16 : index
        %get3A_266 = tpu.vector_load %arg12[%get3A_264, %get3A_265] {strides = array<i32>} : memref<64x32xf32, #tpu.memory_space<vmem>>, vector<16xf32>,
        tpu.vector_store_idx %arg17[%add3A_8, %broadcast_in_dim3A_15, %broadcast_in_dim3A_243], %get3A_266 : memref<32x4x128xf32, #tpu.memory_space<vmem>>[vector<16xi32>, vector<16xi32>, vector<16xi32>], vector<16xf32>,
        %scan3A_267 = arith.constant 1 : i32
        %scan3A_268 = arith.addi %scan3A_240, %scan3A_267 : i32
        %add3A_269 = arith.constant 0 : i32
        %add3A_270 = arith.addi %add3A_269, %scan3A_268 : i32
        %broadcast_in_dim3A_271 = vector.broadcast %add3A_270 : i32 to vector<16xi32>
        %get3A_272 = arith.index_cast %scan3A_268 : i32 to index
        %get3A_273 = arith.constant 0 : index
        %get3A_274 = tpu.vector_load %arg9[%get3A_272, %get3A_273] {strides = array<i32>} : memref<64x32xf32, #tpu.memory_space<vmem>>, vector<16xf32>,
        tpu.vector_store_idx %arg17[%add3A_5, %broadcast_in_dim3A_9, %broadcast_in_dim3A_271], %get3A_274 : memref<32x4x128xf32, #tpu.memory_space<vmem>>[vector<16xi32>, vector<16xi32>, vector<16xi32>], vector<16xf32>,
        %get3A_275 = arith.index_cast %scan3A_268 : i32 to index
        %get3A_276 = arith.constant 16 : index
        %get3A_277 = tpu.vector_load %arg9[%get3A_275, %get3A_276] {strides = array<i32>} : memref<64x32xf32, #tpu.memory_space<vmem>>, vector<16xf32>,
        tpu.vector_store_idx %arg17[%add3A_8, %broadcast_in_dim3A_9, %broadcast_in_dim3A_271], %get3A_277 : memref<32x4x128xf32, #tpu.memory_space<vmem>>[vector<16xi32>, vector<16xi32>, vector<16xi32>], vector<16xf32>,
        %get3A_278 = arith.index_cast %scan3A_268 : i32 to index
        %get3A_279 = arith.constant 0 : index
        %get3A_280 = tpu.vector_load %arg10[%get3A_278, %get3A_279] {strides = array<i32>} : memref<64x32xf32, #tpu.memory_space<vmem>>, vector<16xf32>,
        tpu.vector_store_idx %arg17[%add3A_5, %broadcast_in_dim3A_11, %broadcast_in_dim3A_271], %get3A_280 : memref<32x4x128xf32, #tpu.memory_space<vmem>>[vector<16xi32>, vector<16xi32>, vector<16xi32>], vector<16xf32>,
        %get3A_281 = arith.index_cast %scan3A_268 : i32 to index
        %get3A_282 = arith.constant 16 : index
        %get3A_283 = tpu.vector_load %arg10[%get3A_281, %get3A_282] {strides = array<i32>} : memref<64x32xf32, #tpu.memory_space<vmem>>, vector<16xf32>,
        tpu.vector_store_idx %arg17[%add3A_8, %broadcast_in_dim3A_11, %broadcast_in_dim3A_271], %get3A_283 : memref<32x4x128xf32, #tpu.memory_space<vmem>>[vector<16xi32>, vector<16xi32>, vector<16xi32>], vector<16xf32>,
        %get3A_284 = arith.index_cast %scan3A_268 : i32 to index
        %get3A_285 = arith.constant 0 : index
        %get3A_286 = tpu.vector_load %arg11[%get3A_284, %get3A_285] {strides = array<i32>} : memref<64x32xf32, #tpu.memory_space<vmem>>, vector<16xf32>,
        tpu.vector_store_idx %arg17[%add3A_5, %broadcast_in_dim3A_13, %broadcast_in_dim3A_271], %get3A_286 : memref<32x4x128xf32, #tpu.memory_space<vmem>>[vector<16xi32>, vector<16xi32>, vector<16xi32>], vector<16xf32>,
        %get3A_287 = arith.index_cast %scan3A_268 : i32 to index
        %get3A_288 = arith.constant 16 : index
        %get3A_289 = tpu.vector_load %arg11[%get3A_287, %get3A_288] {strides = array<i32>} : memref<64x32xf32, #tpu.memory_space<vmem>>, vector<16xf32>,
        tpu.vector_store_idx %arg17[%add3A_8, %broadcast_in_dim3A_13, %broadcast_in_dim3A_271], %get3A_289 : memref<32x4x128xf32, #tpu.memory_space<vmem>>[vector<16xi32>, vector<16xi32>, vector<16xi32>], vector<16xf32>,
        %get3A_290 = arith.index_cast %scan3A_268 : i32 to index
        %get3A_291 = arith.constant 0 : index
        %get3A_292 = tpu.vector_load %arg12[%get3A_290, %get3A_291] {strides = array<i32>} : memref<64x32xf32, #tpu.memory_space<vmem>>, vector<16xf32>,
        tpu.vector_store_idx %arg17[%add3A_5, %broadcast_in_dim3A_15, %broadcast_in_dim3A_271], %get3A_292 : memref<32x4x128xf32, #tpu.memory_space<vmem>>[vector<16xi32>, vector<16xi32>, vector<16xi32>], vector<16xf32>,
        %get3A_293 = arith.index_cast %scan3A_268 : i32 to index
        %get3A_294 = arith.constant 16 : index
        %get3A_295 = tpu.vector_load %arg12[%get3A_293, %get3A_294] {strides = array<i32>} : memref<64x32xf32, #tpu.memory_space<vmem>>, vector<16xf32>,
        tpu.vector_store_idx %arg17[%add3A_8, %broadcast_in_dim3A_15, %broadcast_in_dim3A_271], %get3A_295 : memref<32x4x128xf32, #tpu.memory_space<vmem>>[vector<16xi32>, vector<16xi32>, vector<16xi32>], vector<16xf32>,
        %scan3A_296 = arith.constant 2 : i32
        %scan3A_297 = arith.addi %scan3A_240, %scan3A_296 : i32
        %add3A_298 = arith.constant 0 : i32
        %add3A_299 = arith.addi %add3A_298, %scan3A_297 : i32
        %broadcast_in_dim3A_300 = vector.broadcast %add3A_299 : i32 to vector<16xi32>
        %get3A_301 = arith.index_cast %scan3A_297 : i32 to index
        %get3A_302 = arith.constant 0 : index
        %get3A_303 = tpu.vector_load %arg9[%get3A_301, %get3A_302] {strides = array<i32>} : memref<64x32xf32, #tpu.memory_space<vmem>>, vector<16xf32>,
        tpu.vector_store_idx %arg17[%add3A_5, %broadcast_in_dim3A_9, %broadcast_in_dim3A_300], %get3A_303 : memref<32x4x128xf32, #tpu.memory_space<vmem>>[vector<16xi32>, vector<16xi32>, vector<16xi32>], vector<16xf32>,
        %get3A_304 = arith.index_cast %scan3A_297 : i32 to index
        %get3A_305 = arith.constant 16 : index
        %get3A_306 = tpu.vector_load %arg9[%get3A_304, %get3A_305] {strides = array<i32>} : memref<64x32xf32, #tpu.memory_space<vmem>>, vector<16xf32>,
        tpu.vector_store_idx %arg17[%add3A_8, %broadcast_in_dim3A_9, %broadcast_in_dim3A_300], %get3A_306 : memref<32x4x128xf32, #tpu.memory_space<vmem>>[vector<16xi32>, vector<16xi32>, vector<16xi32>], vector<16xf32>,
        %get3A_307 = arith.index_cast %scan3A_297 : i32 to index
        %get3A_308 = arith.constant 0 : index
        %get3A_309 = tpu.vector_load %arg10[%get3A_307, %get3A_308] {strides = array<i32>} : memref<64x32xf32, #tpu.memory_space<vmem>>, vector<16xf32>,
        tpu.vector_store_idx %arg17[%add3A_5, %broadcast_in_dim3A_11, %broadcast_in_dim3A_300], %get3A_309 : memref<32x4x128xf32, #tpu.memory_space<vmem>>[vector<16xi32>, vector<16xi32>, vector<16xi32>], vector<16xf32>,
        %get3A_310 = arith.index_cast %scan3A_297 : i32 to index
        %get3A_311 = arith.constant 16 : index
        %get3A_312 = tpu.vector_load %arg10[%get3A_310, %get3A_311] {strides = array<i32>} : memref<64x32xf32, #tpu.memory_space<vmem>>, vector<16xf32>,
        tpu.vector_store_idx %arg17[%add3A_8, %broadcast_in_dim3A_11, %broadcast_in_dim3A_300], %get3A_312 : memref<32x4x128xf32, #tpu.memory_space<vmem>>[vector<16xi32>, vector<16xi32>, vector<16xi32>], vector<16xf32>,
        %get3A_313 = arith.index_cast %scan3A_297 : i32 to index
        %get3A_314 = arith.constant 0 : index
        %get3A_315 = tpu.vector_load %arg11[%get3A_313, %get3A_314] {strides = array<i32>} : memref<64x32xf32, #tpu.memory_space<vmem>>, vector<16xf32>,
        tpu.vector_store_idx %arg17[%add3A_5, %broadcast_in_dim3A_13, %broadcast_in_dim3A_300], %get3A_315 : memref<32x4x128xf32, #tpu.memory_space<vmem>>[vector<16xi32>, vector<16xi32>, vector<16xi32>], vector<16xf32>,
        %get3A_316 = arith.index_cast %scan3A_297 : i32 to index
        %get3A_317 = arith.constant 16 : index
        %get3A_318 = tpu.vector_load %arg11[%get3A_316, %get3A_317] {strides = array<i32>} : memref<64x32xf32, #tpu.memory_space<vmem>>, vector<16xf32>,
        tpu.vector_store_idx %arg17[%add3A_8, %broadcast_in_dim3A_13, %broadcast_in_dim3A_300], %get3A_318 : memref<32x4x128xf32, #tpu.memory_space<vmem>>[vector<16xi32>, vector<16xi32>, vector<16xi32>], vector<16xf32>,
        %get3A_319 = arith.index_cast %scan3A_297 : i32 to index
        %get3A_320 = arith.constant 0 : index
        %get3A_321 = tpu.vector_load %arg12[%get3A_319, %get3A_320] {strides = array<i32>} : memref<64x32xf32, #tpu.memory_space<vmem>>, vector<16xf32>,
        tpu.vector_store_idx %arg17[%add3A_5, %broadcast_in_dim3A_15, %broadcast_in_dim3A_300], %get3A_321 : memref<32x4x128xf32, #tpu.memory_space<vmem>>[vector<16xi32>, vector<16xi32>, vector<16xi32>], vector<16xf32>,
        %get3A_322 = arith.index_cast %scan3A_297 : i32 to index
        %get3A_323 = arith.constant 16 : index
        %get3A_324 = tpu.vector_load %arg12[%get3A_322, %get3A_323] {strides = array<i32>} : memref<64x32xf32, #tpu.memory_space<vmem>>, vector<16xf32>,
        tpu.vector_store_idx %arg17[%add3A_8, %broadcast_in_dim3A_15, %broadcast_in_dim3A_300], %get3A_324 : memref<32x4x128xf32, #tpu.memory_space<vmem>>[vector<16xi32>, vector<16xi32>, vector<16xi32>], vector<16xf32>,
        %scan3A_325 = arith.constant 3 : i32
        %scan3A_326 = arith.addi %scan3A_240, %scan3A_325 : i32
        %add3A_327 = arith.constant 0 : i32
        %add3A_328 = arith.addi %add3A_327, %scan3A_326 : i32
        %broadcast_in_dim3A_329 = vector.broadcast %add3A_328 : i32 to vector<16xi32>
        %get3A_330 = arith.index_cast %scan3A_326 : i32 to index
        %get3A_331 = arith.constant 0 : index
        %get3A_332 = tpu.vector_load %arg9[%get3A_330, %get3A_331] {strides = array<i32>} : memref<64x32xf32, #tpu.memory_space<vmem>>, vector<16xf32>,
        tpu.vector_store_idx %arg17[%add3A_5, %broadcast_in_dim3A_9, %broadcast_in_dim3A_329], %get3A_332 : memref<32x4x128xf32, #tpu.memory_space<vmem>>[vector<16xi32>, vector<16xi32>, vector<16xi32>], vector<16xf32>,
        %get3A_333 = arith.index_cast %scan3A_326 : i32 to index
        %get3A_334 = arith.constant 16 : index
        %get3A_335 = tpu.vector_load %arg9[%get3A_333, %get3A_334] {strides = array<i32>} : memref<64x32xf32, #tpu.memory_space<vmem>>, vector<16xf32>,
        tpu.vector_store_idx %arg17[%add3A_8, %broadcast_in_dim3A_9, %broadcast_in_dim3A_329], %get3A_335 : memref<32x4x128xf32, #tpu.memory_space<vmem>>[vector<16xi32>, vector<16xi32>, vector<16xi32>], vector<16xf32>,
        %get3A_336 = arith.index_cast %scan3A_326 : i32 to index
        %get3A_337 = arith.constant 0 : index
        %get3A_338 = tpu.vector_load %arg10[%get3A_336, %get3A_337] {strides = array<i32>} : memref<64x32xf32, #tpu.memory_space<vmem>>, vector<16xf32>,
        tpu.vector_store_idx %arg17[%add3A_5, %broadcast_in_dim3A_11, %broadcast_in_dim3A_329], %get3A_338 : memref<32x4x128xf32, #tpu.memory_space<vmem>>[vector<16xi32>, vector<16xi32>, vector<16xi32>], vector<16xf32>,
        %get3A_339 = arith.index_cast %scan3A_326 : i32 to index
        %get3A_340 = arith.constant 16 : index
        %get3A_341 = tpu.vector_load %arg10[%get3A_339, %get3A_340] {strides = array<i32>} : memref<64x32xf32, #tpu.memory_space<vmem>>, vector<16xf32>,
        tpu.vector_store_idx %arg17[%add3A_8, %broadcast_in_dim3A_11, %broadcast_in_dim3A_329], %get3A_341 : memref<32x4x128xf32, #tpu.memory_space<vmem>>[vector<16xi32>, vector<16xi32>, vector<16xi32>], vector<16xf32>,
        %get3A_342 = arith.index_cast %scan3A_326 : i32 to index
        %get3A_343 = arith.constant 0 : index
        %get3A_344 = tpu.vector_load %arg11[%get3A_342, %get3A_343] {strides = array<i32>} : memref<64x32xf32, #tpu.memory_space<vmem>>, vector<16xf32>,
        tpu.vector_store_idx %arg17[%add3A_5, %broadcast_in_dim3A_13, %broadcast_in_dim3A_329], %get3A_344 : memref<32x4x128xf32, #tpu.memory_space<vmem>>[vector<16xi32>, vector<16xi32>, vector<16xi32>], vector<16xf32>,
        %get3A_345 = arith.index_cast %scan3A_326 : i32 to index
        %get3A_346 = arith.constant 16 : index
        %get3A_347 = tpu.vector_load %arg11[%get3A_345, %get3A_346] {strides = array<i32>} : memref<64x32xf32, #tpu.memory_space<vmem>>, vector<16xf32>,
        tpu.vector_store_idx %arg17[%add3A_8, %broadcast_in_dim3A_13, %broadcast_in_dim3A_329], %get3A_347 : memref<32x4x128xf32, #tpu.memory_space<vmem>>[vector<16xi32>, vector<16xi32>, vector<16xi32>], vector<16xf32>,
        %get3A_348 = arith.index_cast %scan3A_326 : i32 to index
        %get3A_349 = arith.constant 0 : index
        %get3A_350 = tpu.vector_load %arg12[%get3A_348, %get3A_349] {strides = array<i32>} : memref<64x32xf32, #tpu.memory_space<vmem>>, vector<16xf32>,
        tpu.vector_store_idx %arg17[%add3A_5, %broadcast_in_dim3A_15, %broadcast_in_dim3A_329], %get3A_350 : memref<32x4x128xf32, #tpu.memory_space<vmem>>[vector<16xi32>, vector<16xi32>, vector<16xi32>], vector<16xf32>,
        %get3A_351 = arith.index_cast %scan3A_326 : i32 to index
        %get3A_352 = arith.constant 16 : index
        %get3A_353 = tpu.vector_load %arg12[%get3A_351, %get3A_352] {strides = array<i32>} : memref<64x32xf32, #tpu.memory_space<vmem>>, vector<16xf32>,
        tpu.vector_store_idx %arg17[%add3A_8, %broadcast_in_dim3A_15, %broadcast_in_dim3A_329], %get3A_353 : memref<32x4x128xf32, #tpu.memory_space<vmem>>[vector<16xi32>, vector<16xi32>, vector<16xi32>], vector<16xf32>,
      }
      %scan3A_136 = arith.constant 64 : i32
      %dma_wait3A_137 = arith.constant 0 : i32
      %dma_wait3A_138 = arith.constant 0 : i32
      %dma_wait3A_139 = tpu.memref_slice %arg3[%dma_wait3A_137, %dma_wait3A_138] : memref<1000000x32xf32, #tpu.memory_space<hbm>> -> memref<64x32xf32, #tpu.memory_space<hbm>>
      %dma_wait3A_140 = arith.constant 0 : i32
      %dma_wait3A_141 = arith.constant 0 : i32
      %dma_wait3A_142 = tpu.memref_slice %arg3[%dma_wait3A_140, %dma_wait3A_141] : memref<1000000x32xf32, #tpu.memory_space<hbm>> -> memref<64x32xf32, #tpu.memory_space<hbm>>
      tpu.wait_dma2 semaphore(%arg19 : memref<!tpu.dma_semaphore, #tpu.memory_space<semaphore_mem>>) src(%dma_wait3A_142 : memref<64x32xf32, #tpu.memory_space<hbm>>) dst(%arg13 : memref<64x32xf32, #tpu.memory_space<vmem>>)
      %dma_wait3A_143 = arith.constant 0 : i32
      %dma_wait3A_144 = arith.constant 0 : i32
      %dma_wait3A_145 = tpu.memref_slice %arg4[%dma_wait3A_143, %dma_wait3A_144] : memref<1000000x32xf32, #tpu.memory_space<hbm>> -> memref<64x32xf32, #tpu.memory_space<hbm>>
      %dma_wait3A_146 = arith.constant 0 : i32
      %dma_wait3A_147 = arith.constant 0 : i32
      %dma_wait3A_148 = tpu.memref_slice %arg4[%dma_wait3A_146, %dma_wait3A_147] : memref<1000000x32xf32, #tpu.memory_space<hbm>> -> memref<64x32xf32, #tpu.memory_space<hbm>>
      tpu.wait_dma2 semaphore(%arg19 : memref<!tpu.dma_semaphore, #tpu.memory_space<semaphore_mem>>) src(%dma_wait3A_148 : memref<64x32xf32, #tpu.memory_space<hbm>>) dst(%arg14 : memref<64x32xf32, #tpu.memory_space<vmem>>)
      %dma_wait3A_149 = arith.constant 0 : i32
      %dma_wait3A_150 = arith.constant 0 : i32
      %dma_wait3A_151 = tpu.memref_slice %arg5[%dma_wait3A_149, %dma_wait3A_150] : memref<1000000x32xf32, #tpu.memory_space<hbm>> -> memref<64x32xf32, #tpu.memory_space<hbm>>
      %dma_wait3A_152 = arith.constant 0 : i32
      %dma_wait3A_153 = arith.constant 0 : i32
      %dma_wait3A_154 = tpu.memref_slice %arg5[%dma_wait3A_152, %dma_wait3A_153] : memref<1000000x32xf32, #tpu.memory_space<hbm>> -> memref<64x32xf32, #tpu.memory_space<hbm>>
      tpu.wait_dma2 semaphore(%arg19 : memref<!tpu.dma_semaphore, #tpu.memory_space<semaphore_mem>>) src(%dma_wait3A_154 : memref<64x32xf32, #tpu.memory_space<hbm>>) dst(%arg15 : memref<64x32xf32, #tpu.memory_space<vmem>>)
      %dma_wait3A_155 = arith.constant 0 : i32
      %dma_wait3A_156 = arith.constant 0 : i32
      %dma_wait3A_157 = tpu.memref_slice %arg6[%dma_wait3A_155, %dma_wait3A_156] : memref<1000000x32xf32, #tpu.memory_space<hbm>> -> memref<64x32xf32, #tpu.memory_space<hbm>>
      %dma_wait3A_158 = arith.constant 0 : i32
      %dma_wait3A_159 = arith.constant 0 : i32
      %dma_wait3A_160 = tpu.memref_slice %arg6[%dma_wait3A_158, %dma_wait3A_159] : memref<1000000x32xf32, #tpu.memory_space<hbm>> -> memref<64x32xf32, #tpu.memory_space<hbm>>
      tpu.wait_dma2 semaphore(%arg19 : memref<!tpu.dma_semaphore, #tpu.memory_space<semaphore_mem>>) src(%dma_wait3A_160 : memref<64x32xf32, #tpu.memory_space<hbm>>) dst(%arg16 : memref<64x32xf32, #tpu.memory_space<vmem>>)
      %add3A_161 = arith.constant 1 : i32
      %add3A_162 = arith.addi %scan3A_98, %add3A_161 : i32
      %lt3A = arith.constant 50 : i32
      %lt3A_163 = arith.cmpi slt, %add3A_162, %lt3A : i32
      %convert_element_type3A_164 = arith.extui %lt3A_163 : i1 to i32
      %cond3A_165 = arith.constant 0 : i32
      %cond3A_166 = arith.cmpi ne, %convert_element_type3A_164, %cond3A_165 : i32
      scf.if %cond3A_166 {
        %add3A_240 = arith.constant 1 : i32
        %add3A_241 = arith.addi %scan3A_98, %add3A_240 : i32
        "tpu.region"() ({
          %run_scoped3A_248 = tpu.sem_alloc : memref<!tpu.dma_semaphore, #tpu.memory_space<semaphore_mem>>
          %dma_start3A_249 = tpu.memref_slice %arg2[%add3A_241, %multiple_of3A] : memref<50x4096xi32, #tpu.memory_space<hbm>> -> memref<1x128xi32, #tpu.memory_space<hbm>>
          %dma_start3A_250 = tpu.memref_squeeze %dma_start3A_249 : memref<1x128xi32, #tpu.memory_space<hbm>> -> memref<128xi32, #tpu.memory_space<hbm>>
          %dma_start3A_251 = tpu.memref_slice %arg2[%add3A_241, %multiple_of3A] : memref<50x4096xi32, #tpu.memory_space<hbm>> -> memref<1x128xi32, #tpu.memory_space<hbm>>
          %dma_start3A_252 = tpu.memref_squeeze %dma_start3A_251 : memref<1x128xi32, #tpu.memory_space<hbm>> -> memref<128xi32, #tpu.memory_space<hbm>>
          tpu.enqueue_dma source(%dma_start3A_252 : memref<128xi32, #tpu.memory_space<hbm>>) target(%arg8 : memref<128xi32, #tpu.memory_space<vmem>>) target_semaphore(%run_scoped3A_248 : memref<!tpu.dma_semaphore, #tpu.memory_space<semaphore_mem>>)
          %dma_wait3A_253 = tpu.memref_slice %arg2[%add3A_241, %multiple_of3A] : memref<50x4096xi32, #tpu.memory_space<hbm>> -> memref<1x128xi32, #tpu.memory_space<hbm>>
          %dma_wait3A_254 = tpu.memref_squeeze %dma_wait3A_253 : memref<1x128xi32, #tpu.memory_space<hbm>> -> memref<128xi32, #tpu.memory_space<hbm>>
          %dma_wait3A_255 = tpu.memref_slice %arg2[%add3A_241, %multiple_of3A] : memref<50x4096xi32, #tpu.memory_space<hbm>> -> memref<1x128xi32, #tpu.memory_space<hbm>>
          %dma_wait3A_256 = tpu.memref_squeeze %dma_wait3A_255 : memref<1x128xi32, #tpu.memory_space<hbm>> -> memref<128xi32, #tpu.memory_space<hbm>>
          tpu.wait_dma2 semaphore(%run_scoped3A_248 : memref<!tpu.dma_semaphore, #tpu.memory_space<semaphore_mem>>) src(%dma_wait3A_256 : memref<128xi32, #tpu.memory_space<hbm>>) dst(%arg8 : memref<128xi32, #tpu.memory_space<vmem>>)
          tpu.yield
        }) : () -> ()
        %scan3A_242 = arith.constant 0 : i32
        %scan3A_243 = arith.constant 0 : i32
        %scan3A_244 = arith.constant 4 : i32
        %scan3A_245 = arith.addi %scan3A_243, %scan3A_244 : i32
        %scan3A_246 = arith.constant 1 : i32
        scf.for %scan3A_248 = %scan3A_243 to %scan3A_245 step %scan3A_246  : i32 {
          %mul3A_249 = arith.constant 16 : i32
          %mul3A_250 = arith.muli %scan3A_248, %mul3A_249 : i32
          %add3A_251 = arith.constant 0 : i32
          %add3A_252 = arith.addi %add3A_251, %mul3A_250 : i32
          %get3A = arith.index_cast %add3A_252 : i32 to index
          %get3A_253 = tpu.vector_load %arg8[%get3A] {strides = array<i32>} : memref<128xi32, #tpu.memory_space<vmem>>, vector<16xi32>,
          %slice3A = vector.extract_strided_slice %get3A_253 {offsets = [0], sizes = [1], strides = [1]} : vector<16xi32> to vector<1xi32>
          %squeeze3A = vector.extract %slice3A[0] : i32 from vector<1xi32>
          %mul3A_254 = arith.constant 16 : i32
          %mul3A_255 = arith.muli %scan3A_248, %mul3A_254 : i32
          %add3A_256 = arith.constant 0 : i32
          %add3A_257 = arith.addi %mul3A_255, %add3A_256 : i32
          %dma_start3A_258 = arith.constant 0 : i32
          %dma_start3A_259 = tpu.memref_slice %arg9[%add3A_257, %dma_start3A_258] : memref<64x32xf32, #tpu.memory_space<vmem>> -> memref<1x32xf32, #tpu.memory_space<vmem>>
          %dma_start3A_260 = arith.constant 0 : i32
          %dma_start3A_261 = tpu.memref_slice %arg3[%squeeze3A, %dma_start3A_260] : memref<1000000x32xf32, #tpu.memory_space<hbm>> -> memref<1x32xf32, #tpu.memory_space<hbm>>
          %dma_start3A_262 = arith.constant 0 : i32
          %dma_start3A_263 = tpu.memref_slice %arg9[%add3A_257, %dma_start3A_262] : memref<64x32xf32, #tpu.memory_space<vmem>> -> memref<1x32xf32, #tpu.memory_space<vmem>>
          %dma_start3A_264 = arith.constant 0 : i32
          %dma_start3A_265 = tpu.memref_slice %arg3[%squeeze3A, %dma_start3A_264] : memref<1000000x32xf32, #tpu.memory_space<hbm>> -> memref<1x32xf32, #tpu.memory_space<hbm>>
          tpu.enqueue_dma source(%dma_start3A_265 : memref<1x32xf32, #tpu.memory_space<hbm>>) target(%dma_start3A_263 : memref<1x32xf32, #tpu.memory_space<vmem>>) target_semaphore(%arg18 : memref<!tpu.dma_semaphore, #tpu.memory_space<semaphore_mem>>)
          %mul3A_266 = arith.constant 16 : i32
          %mul3A_267 = arith.muli %scan3A_248, %mul3A_266 : i32
          %add3A_268 = arith.constant 0 : i32
          %add3A_269 = arith.addi %mul3A_267, %add3A_268 : i32
          %dma_start3A_270 = arith.constant 0 : i32
          %dma_start3A_271 = tpu.memref_slice %arg10[%add3A_269, %dma_start3A_270] : memref<64x32xf32, #tpu.memory_space<vmem>> -> memref<1x32xf32, #tpu.memory_space<vmem>>
          %dma_start3A_272 = arith.constant 0 : i32
          %dma_start3A_273 = tpu.memref_slice %arg4[%squeeze3A, %dma_start3A_272] : memref<1000000x32xf32, #tpu.memory_space<hbm>> -> memref<1x32xf32, #tpu.memory_space<hbm>>
          %dma_start3A_274 = arith.constant 0 : i32
          %dma_start3A_275 = tpu.memref_slice %arg10[%add3A_269, %dma_start3A_274] : memref<64x32xf32, #tpu.memory_space<vmem>> -> memref<1x32xf32, #tpu.memory_space<vmem>>
          %dma_start3A_276 = arith.constant 0 : i32
          %dma_start3A_277 = tpu.memref_slice %arg4[%squeeze3A, %dma_start3A_276] : memref<1000000x32xf32, #tpu.memory_space<hbm>> -> memref<1x32xf32, #tpu.memory_space<hbm>>
          tpu.enqueue_dma source(%dma_start3A_277 : memref<1x32xf32, #tpu.memory_space<hbm>>) target(%dma_start3A_275 : memref<1x32xf32, #tpu.memory_space<vmem>>) target_semaphore(%arg18 : memref<!tpu.dma_semaphore, #tpu.memory_space<semaphore_mem>>)
          %mul3A_278 = arith.constant 16 : i32
          %mul3A_279 = arith.muli %scan3A_248, %mul3A_278 : i32
          %add3A_280 = arith.constant 0 : i32
          %add3A_281 = arith.addi %mul3A_279, %add3A_280 : i32
          %dma_start3A_282 = arith.constant 0 : i32
          %dma_start3A_283 = tpu.memref_slice %arg11[%add3A_281, %dma_start3A_282] : memref<64x32xf32, #tpu.memory_space<vmem>> -> memref<1x32xf32, #tpu.memory_space<vmem>>
          %dma_start3A_284 = arith.constant 0 : i32
          %dma_start3A_285 = tpu.memref_slice %arg5[%squeeze3A, %dma_start3A_284] : memref<1000000x32xf32, #tpu.memory_space<hbm>> -> memref<1x32xf32, #tpu.memory_space<hbm>>
          %dma_start3A_286 = arith.constant 0 : i32
          %dma_start3A_287 = tpu.memref_slice %arg11[%add3A_281, %dma_start3A_286] : memref<64x32xf32, #tpu.memory_space<vmem>> -> memref<1x32xf32, #tpu.memory_space<vmem>>
          %dma_start3A_288 = arith.constant 0 : i32
          %dma_start3A_289 = tpu.memref_slice %arg5[%squeeze3A, %dma_start3A_288] : memref<1000000x32xf32, #tpu.memory_space<hbm>> -> memref<1x32xf32, #tpu.memory_space<hbm>>
          tpu.enqueue_dma source(%dma_start3A_289 : memref<1x32xf32, #tpu.memory_space<hbm>>) target(%dma_start3A_287 : memref<1x32xf32, #tpu.memory_space<vmem>>) target_semaphore(%arg18 : memref<!tpu.dma_semaphore, #tpu.memory_space<semaphore_mem>>)
          %mul3A_290 = arith.constant 16 : i32
          %mul3A_291 = arith.muli %scan3A_248, %mul3A_290 : i32
          %add3A_292 = arith.constant 0 : i32
          %add3A_293 = arith.addi %mul3A_291, %add3A_292 : i32
          %dma_start3A_294 = arith.constant 0 : i32
          %dma_start3A_295 = tpu.memref_slice %arg12[%add3A_293, %dma_start3A_294] : memref<64x32xf32, #tpu.memory_space<vmem>> -> memref<1x32xf32, #tpu.memory_space<vmem>>
          %dma_start3A_296 = arith.constant 0 : i32
          %dma_start3A_297 = tpu.memref_slice %arg6[%squeeze3A, %dma_start3A_296] : memref<1000000x32xf32, #tpu.memory_space<hbm>> -> memref<1x32xf32, #tpu.memory_space<hbm>>
          %dma_start3A_298 = arith.constant 0 : i32
          %dma_start3A_299 = tpu.memref_slice %arg12[%add3A_293, %dma_start3A_298] : memref<64x32xf32, #tpu.memory_space<vmem>> -> memref<1x32xf32, #tpu.memory_space<vmem>>
          %dma_start3A_300 = arith.constant 0 : i32
          %dma_start3A_301 = tpu.memref_slice %arg6[%squeeze3A, %dma_start3A_300] : memref<1000000x32xf32, #tpu.memory_space<hbm>> -> memref<1x32xf32, #tpu.memory_space<hbm>>
          tpu.enqueue_dma source(%dma_start3A_301 : memref<1x32xf32, #tpu.memory_space<hbm>>) target(%dma_start3A_299 : memref<1x32xf32, #tpu.memory_space<vmem>>) target_semaphore(%arg18 : memref<!tpu.dma_semaphore, #tpu.memory_space<semaphore_mem>>)
          %slice3A_302 = vector.extract_strided_slice %get3A_253 {offsets = [1], sizes = [1], strides = [1]} : vector<16xi32> to vector<1xi32>
          %squeeze3A_303 = vector.extract %slice3A_302[0] : i32 from vector<1xi32>
          %mul3A_304 = arith.constant 16 : i32
          %mul3A_305 = arith.muli %scan3A_248, %mul3A_304 : i32
          %add3A_306 = arith.constant 1 : i32
          %add3A_307 = arith.addi %mul3A_305, %add3A_306 : i32
          %dma_start3A_308 = arith.constant 0 : i32
          %dma_start3A_309 = tpu.memref_slice %arg9[%add3A_307, %dma_start3A_308] : memref<64x32xf32, #tpu.memory_space<vmem>> -> memref<1x32xf32, #tpu.memory_space<vmem>>
          %dma_start3A_310 = arith.constant 0 : i32
          %dma_start3A_311 = tpu.memref_slice %arg3[%squeeze3A_303, %dma_start3A_310] : memref<1000000x32xf32, #tpu.memory_space<hbm>> -> memref<1x32xf32, #tpu.memory_space<hbm>>
          %dma_start3A_312 = arith.constant 0 : i32
          %dma_start3A_313 = tpu.memref_slice %arg9[%add3A_307, %dma_start3A_312] : memref<64x32xf32, #tpu.memory_space<vmem>> -> memref<1x32xf32, #tpu.memory_space<vmem>>
          %dma_start3A_314 = arith.constant 0 : i32
          %dma_start3A_315 = tpu.memref_slice %arg3[%squeeze3A_303, %dma_start3A_314] : memref<1000000x32xf32, #tpu.memory_space<hbm>> -> memref<1x32xf32, #tpu.memory_space<hbm>>
          tpu.enqueue_dma source(%dma_start3A_315 : memref<1x32xf32, #tpu.memory_space<hbm>>) target(%dma_start3A_313 : memref<1x32xf32, #tpu.memory_space<vmem>>) target_semaphore(%arg18 : memref<!tpu.dma_semaphore, #tpu.memory_space<semaphore_mem>>)
          %mul3A_316 = arith.constant 16 : i32
          %mul3A_317 = arith.muli %scan3A_248, %mul3A_316 : i32
          %add3A_318 = arith.constant 1 : i32
          %add3A_319 = arith.addi %mul3A_317, %add3A_318 : i32
          %dma_start3A_320 = arith.constant 0 : i32
          %dma_start3A_321 = tpu.memref_slice %arg10[%add3A_319, %dma_start3A_320] : memref<64x32xf32, #tpu.memory_space<vmem>> -> memref<1x32xf32, #tpu.memory_space<vmem>>
          %dma_start3A_322 = arith.constant 0 : i32
          %dma_start3A_323 = tpu.memref_slice %arg4[%squeeze3A_303, %dma_start3A_322] : memref<1000000x32xf32, #tpu.memory_space<hbm>> -> memref<1x32xf32, #tpu.memory_space<hbm>>
          %dma_start3A_324 = arith.constant 0 : i32
          %dma_start3A_325 = tpu.memref_slice %arg10[%add3A_319, %dma_start3A_324] : memref<64x32xf32, #tpu.memory_space<vmem>> -> memref<1x32xf32, #tpu.memory_space<vmem>>
          %dma_start3A_326 = arith.constant 0 : i32
          %dma_start3A_327 = tpu.memref_slice %arg4[%squeeze3A_303, %dma_start3A_326] : memref<1000000x32xf32, #tpu.memory_space<hbm>> -> memref<1x32xf32, #tpu.memory_space<hbm>>
          tpu.enqueue_dma source(%dma_start3A_327 : memref<1x32xf32, #tpu.memory_space<hbm>>) target(%dma_start3A_325 : memref<1x32xf32, #tpu.memory_space<vmem>>) target_semaphore(%arg18 : memref<!tpu.dma_semaphore, #tpu.memory_space<semaphore_mem>>)
          %mul3A_328 = arith.constant 16 : i32
          %mul3A_329 = arith.muli %scan3A_248, %mul3A_328 : i32
          %add3A_330 = arith.constant 1 : i32
          %add3A_331 = arith.addi %mul3A_329, %add3A_330 : i32
          %dma_start3A_332 = arith.constant 0 : i32
          %dma_start3A_333 = tpu.memref_slice %arg11[%add3A_331, %dma_start3A_332] : memref<64x32xf32, #tpu.memory_space<vmem>> -> memref<1x32xf32, #tpu.memory_space<vmem>>
          %dma_start3A_334 = arith.constant 0 : i32
          %dma_start3A_335 = tpu.memref_slice %arg5[%squeeze3A_303, %dma_start3A_334] : memref<1000000x32xf32, #tpu.memory_space<hbm>> -> memref<1x32xf32, #tpu.memory_space<hbm>>
          %dma_start3A_336 = arith.constant 0 : i32
          %dma_start3A_337 = tpu.memref_slice %arg11[%add3A_331, %dma_start3A_336] : memref<64x32xf32, #tpu.memory_space<vmem>> -> memref<1x32xf32, #tpu.memory_space<vmem>>
          %dma_start3A_338 = arith.constant 0 : i32
          %dma_start3A_339 = tpu.memref_slice %arg5[%squeeze3A_303, %dma_start3A_338] : memref<1000000x32xf32, #tpu.memory_space<hbm>> -> memref<1x32xf32, #tpu.memory_space<hbm>>
          tpu.enqueue_dma source(%dma_start3A_339 : memref<1x32xf32, #tpu.memory_space<hbm>>) target(%dma_start3A_337 : memref<1x32xf32, #tpu.memory_space<vmem>>) target_semaphore(%arg18 : memref<!tpu.dma_semaphore, #tpu.memory_space<semaphore_mem>>)
          %mul3A_340 = arith.constant 16 : i32
          %mul3A_341 = arith.muli %scan3A_248, %mul3A_340 : i32
          %add3A_342 = arith.constant 1 : i32
          %add3A_343 = arith.addi %mul3A_341, %add3A_342 : i32
          %dma_start3A_344 = arith.constant 0 : i32
          %dma_start3A_345 = tpu.memref_slice %arg12[%add3A_343, %dma_start3A_344] : memref<64x32xf32, #tpu.memory_space<vmem>> -> memref<1x32xf32, #tpu.memory_space<vmem>>
          %dma_start3A_346 = arith.constant 0 : i32
          %dma_start3A_347 = tpu.memref_slice %arg6[%squeeze3A_303, %dma_start3A_346] : memref<1000000x32xf32, #tpu.memory_space<hbm>> -> memref<1x32xf32, #tpu.memory_space<hbm>>
          %dma_start3A_348 = arith.constant 0 : i32
          %dma_start3A_349 = tpu.memref_slice %arg12[%add3A_343, %dma_start3A_348] : memref<64x32xf32, #tpu.memory_space<vmem>> -> memref<1x32xf32, #tpu.memory_space<vmem>>
          %dma_start3A_350 = arith.constant 0 : i32
          %dma_start3A_351 = tpu.memref_slice %arg6[%squeeze3A_303, %dma_start3A_350] : memref<1000000x32xf32, #tpu.memory_space<hbm>> -> memref<1x32xf32, #tpu.memory_space<hbm>>
          tpu.enqueue_dma source(%dma_start3A_351 : memref<1x32xf32, #tpu.memory_space<hbm>>) target(%dma_start3A_349 : memref<1x32xf32, #tpu.memory_space<vmem>>) target_semaphore(%arg18 : memref<!tpu.dma_semaphore, #tpu.memory_space<semaphore_mem>>)
          %slice3A_352 = vector.extract_strided_slice %get3A_253 {offsets = [2], sizes = [1], strides = [1]} : vector<16xi32> to vector<1xi32>
          %squeeze3A_353 = vector.extract %slice3A_352[0] : i32 from vector<1xi32>
          %mul3A_354 = arith.constant 16 : i32
          %mul3A_355 = arith.muli %scan3A_248, %mul3A_354 : i32
          %add3A_356 = arith.constant 2 : i32
          %add3A_357 = arith.addi %mul3A_355, %add3A_356 : i32
          %dma_start3A_358 = arith.constant 0 : i32
          %dma_start3A_359 = tpu.memref_slice %arg9[%add3A_357, %dma_start3A_358] : memref<64x32xf32, #tpu.memory_space<vmem>> -> memref<1x32xf32, #tpu.memory_space<vmem>>
          %dma_start3A_360 = arith.constant 0 : i32
          %dma_start3A_361 = tpu.memref_slice %arg3[%squeeze3A_353, %dma_start3A_360] : memref<1000000x32xf32, #tpu.memory_space<hbm>> -> memref<1x32xf32, #tpu.memory_space<hbm>>
          %dma_start3A_362 = arith.constant 0 : i32
          %dma_start3A_363 = tpu.memref_slice %arg9[%add3A_357, %dma_start3A_362] : memref<64x32xf32, #tpu.memory_space<vmem>> -> memref<1x32xf32, #tpu.memory_space<vmem>>
          %dma_start3A_364 = arith.constant 0 : i32
          %dma_start3A_365 = tpu.memref_slice %arg3[%squeeze3A_353, %dma_start3A_364] : memref<1000000x32xf32, #tpu.memory_space<hbm>> -> memref<1x32xf32, #tpu.memory_space<hbm>>
          tpu.enqueue_dma source(%dma_start3A_365 : memref<1x32xf32, #tpu.memory_space<hbm>>) target(%dma_start3A_363 : memref<1x32xf32, #tpu.memory_space<vmem>>) target_semaphore(%arg18 : memref<!tpu.dma_semaphore, #tpu.memory_space<semaphore_mem>>)
          %mul3A_366 = arith.constant 16 : i32
          %mul3A_367 = arith.muli %scan3A_248, %mul3A_366 : i32
          %add3A_368 = arith.constant 2 : i32
          %add3A_369 = arith.addi %mul3A_367, %add3A_368 : i32
          %dma_start3A_370 = arith.constant 0 : i32
          %dma_start3A_371 = tpu.memref_slice %arg10[%add3A_369, %dma_start3A_370] : memref<64x32xf32, #tpu.memory_space<vmem>> -> memref<1x32xf32, #tpu.memory_space<vmem>>
          %dma_start3A_372 = arith.constant 0 : i32
          %dma_start3A_373 = tpu.memref_slice %arg4[%squeeze3A_353, %dma_start3A_372] : memref<1000000x32xf32, #tpu.memory_space<hbm>> -> memref<1x32xf32, #tpu.memory_space<hbm>>
          %dma_start3A_374 = arith.constant 0 : i32
          %dma_start3A_375 = tpu.memref_slice %arg10[%add3A_369, %dma_start3A_374] : memref<64x32xf32, #tpu.memory_space<vmem>> -> memref<1x32xf32, #tpu.memory_space<vmem>>
          %dma_start3A_376 = arith.constant 0 : i32
          %dma_start3A_377 = tpu.memref_slice %arg4[%squeeze3A_353, %dma_start3A_376] : memref<1000000x32xf32, #tpu.memory_space<hbm>> -> memref<1x32xf32, #tpu.memory_space<hbm>>
          tpu.enqueue_dma source(%dma_start3A_377 : memref<1x32xf32, #tpu.memory_space<hbm>>) target(%dma_start3A_375 : memref<1x32xf32, #tpu.memory_space<vmem>>) target_semaphore(%arg18 : memref<!tpu.dma_semaphore, #tpu.memory_space<semaphore_mem>>)
          %mul3A_378 = arith.constant 16 : i32
          %mul3A_379 = arith.muli %scan3A_248, %mul3A_378 : i32
          %add3A_380 = arith.constant 2 : i32
          %add3A_381 = arith.addi %mul3A_379, %add3A_380 : i32
          %dma_start3A_382 = arith.constant 0 : i32
          %dma_start3A_383 = tpu.memref_slice %arg11[%add3A_381, %dma_start3A_382] : memref<64x32xf32, #tpu.memory_space<vmem>> -> memref<1x32xf32, #tpu.memory_space<vmem>>
          %dma_start3A_384 = arith.constant 0 : i32
          %dma_start3A_385 = tpu.memref_slice %arg5[%squeeze3A_353, %dma_start3A_384] : memref<1000000x32xf32, #tpu.memory_space<hbm>> -> memref<1x32xf32, #tpu.memory_space<hbm>>
          %dma_start3A_386 = arith.constant 0 : i32
          %dma_start3A_387 = tpu.memref_slice %arg11[%add3A_381, %dma_start3A_386] : memref<64x32xf32, #tpu.memory_space<vmem>> -> memref<1x32xf32, #tpu.memory_space<vmem>>
          %dma_start3A_388 = arith.constant 0 : i32
          %dma_start3A_389 = tpu.memref_slice %arg5[%squeeze3A_353, %dma_start3A_388] : memref<1000000x32xf32, #tpu.memory_space<hbm>> -> memref<1x32xf32, #tpu.memory_space<hbm>>
          tpu.enqueue_dma source(%dma_start3A_389 : memref<1x32xf32, #tpu.memory_space<hbm>>) target(%dma_start3A_387 : memref<1x32xf32, #tpu.memory_space<vmem>>) target_semaphore(%arg18 : memref<!tpu.dma_semaphore, #tpu.memory_space<semaphore_mem>>)
          %mul3A_390 = arith.constant 16 : i32
          %mul3A_391 = arith.muli %scan3A_248, %mul3A_390 : i32
          %add3A_392 = arith.constant 2 : i32
          %add3A_393 = arith.addi %mul3A_391, %add3A_392 : i32
          %dma_start3A_394 = arith.constant 0 : i32
          %dma_start3A_395 = tpu.memref_slice %arg12[%add3A_393, %dma_start3A_394] : memref<64x32xf32, #tpu.memory_space<vmem>> -> memref<1x32xf32, #tpu.memory_space<vmem>>
          %dma_start3A_396 = arith.constant 0 : i32
          %dma_start3A_397 = tpu.memref_slice %arg6[%squeeze3A_353, %dma_start3A_396] : memref<1000000x32xf32, #tpu.memory_space<hbm>> -> memref<1x32xf32, #tpu.memory_space<hbm>>
          %dma_start3A_398 = arith.constant 0 : i32
          %dma_start3A_399 = tpu.memref_slice %arg12[%add3A_393, %dma_start3A_398] : memref<64x32xf32, #tpu.memory_space<vmem>> -> memref<1x32xf32, #tpu.memory_space<vmem>>
          %dma_start3A_400 = arith.constant 0 : i32
          %dma_start3A_401 = tpu.memref_slice %arg6[%squeeze3A_353, %dma_start3A_400] : memref<1000000x32xf32, #tpu.memory_space<hbm>> -> memref<1x32xf32, #tpu.memory_space<hbm>>
          tpu.enqueue_dma source(%dma_start3A_401 : memref<1x32xf32, #tpu.memory_space<hbm>>) target(%dma_start3A_399 : memref<1x32xf32, #tpu.memory_space<vmem>>) target_semaphore(%arg18 : memref<!tpu.dma_semaphore, #tpu.memory_space<semaphore_mem>>)
          %slice3A_402 = vector.extract_strided_slice %get3A_253 {offsets = [3], sizes = [1], strides = [1]} : vector<16xi32> to vector<1xi32>
          %squeeze3A_403 = vector.extract %slice3A_402[0] : i32 from vector<1xi32>
          %mul3A_404 = arith.constant 16 : i32
          %mul3A_405 = arith.muli %scan3A_248, %mul3A_404 : i32
          %add3A_406 = arith.constant 3 : i32
          %add3A_407 = arith.addi %mul3A_405, %add3A_406 : i32
          %dma_start3A_408 = arith.constant 0 : i32
          %dma_start3A_409 = tpu.memref_slice %arg9[%add3A_407, %dma_start3A_408] : memref<64x32xf32, #tpu.memory_space<vmem>> -> memref<1x32xf32, #tpu.memory_space<vmem>>
          %dma_start3A_410 = arith.constant 0 : i32
          %dma_start3A_411 = tpu.memref_slice %arg3[%squeeze3A_403, %dma_start3A_410] : memref<1000000x32xf32, #tpu.memory_space<hbm>> -> memref<1x32xf32, #tpu.memory_space<hbm>>
          %dma_start3A_412 = arith.constant 0 : i32
          %dma_start3A_413 = tpu.memref_slice %arg9[%add3A_407, %dma_start3A_412] : memref<64x32xf32, #tpu.memory_space<vmem>> -> memref<1x32xf32, #tpu.memory_space<vmem>>
          %dma_start3A_414 = arith.constant 0 : i32
          %dma_start3A_415 = tpu.memref_slice %arg3[%squeeze3A_403, %dma_start3A_414] : memref<1000000x32xf32, #tpu.memory_space<hbm>> -> memref<1x32xf32, #tpu.memory_space<hbm>>
          tpu.enqueue_dma source(%dma_start3A_415 : memref<1x32xf32, #tpu.memory_space<hbm>>) target(%dma_start3A_413 : memref<1x32xf32, #tpu.memory_space<vmem>>) target_semaphore(%arg18 : memref<!tpu.dma_semaphore, #tpu.memory_space<semaphore_mem>>)
          %mul3A_416 = arith.constant 16 : i32
          %mul3A_417 = arith.muli %scan3A_248, %mul3A_416 : i32
          %add3A_418 = arith.constant 3 : i32
          %add3A_419 = arith.addi %mul3A_417, %add3A_418 : i32
          %dma_start3A_420 = arith.constant 0 : i32
          %dma_start3A_421 = tpu.memref_slice %arg10[%add3A_419, %dma_start3A_420] : memref<64x32xf32, #tpu.memory_space<vmem>> -> memref<1x32xf32, #tpu.memory_space<vmem>>
          %dma_start3A_422 = arith.constant 0 : i32
          %dma_start3A_423 = tpu.memref_slice %arg4[%squeeze3A_403, %dma_start3A_422] : memref<1000000x32xf32, #tpu.memory_space<hbm>> -> memref<1x32xf32, #tpu.memory_space<hbm>>
          %dma_start3A_424 = arith.constant 0 : i32
          %dma_start3A_425 = tpu.memref_slice %arg10[%add3A_419, %dma_start3A_424] : memref<64x32xf32, #tpu.memory_space<vmem>> -> memref<1x32xf32, #tpu.memory_space<vmem>>
          %dma_start3A_426 = arith.constant 0 : i32
          %dma_start3A_427 = tpu.memref_slice %arg4[%squeeze3A_403, %dma_start3A_426] : memref<1000000x32xf32, #tpu.memory_space<hbm>> -> memref<1x32xf32, #tpu.memory_space<hbm>>
          tpu.enqueue_dma source(%dma_start3A_427 : memref<1x32xf32, #tpu.memory_space<hbm>>) target(%dma_start3A_425 : memref<1x32xf32, #tpu.memory_space<vmem>>) target_semaphore(%arg18 : memref<!tpu.dma_semaphore, #tpu.memory_space<semaphore_mem>>)
          %mul3A_428 = arith.constant 16 : i32
          %mul3A_429 = arith.muli %scan3A_248, %mul3A_428 : i32
          %add3A_430 = arith.constant 3 : i32
          %add3A_431 = arith.addi %mul3A_429, %add3A_430 : i32
          %dma_start3A_432 = arith.constant 0 : i32
          %dma_start3A_433 = tpu.memref_slice %arg11[%add3A_431, %dma_start3A_432] : memref<64x32xf32, #tpu.memory_space<vmem>> -> memref<1x32xf32, #tpu.memory_space<vmem>>
          %dma_start3A_434 = arith.constant 0 : i32
          %dma_start3A_435 = tpu.memref_slice %arg5[%squeeze3A_403, %dma_start3A_434] : memref<1000000x32xf32, #tpu.memory_space<hbm>> -> memref<1x32xf32, #tpu.memory_space<hbm>>
          %dma_start3A_436 = arith.constant 0 : i32
          %dma_start3A_437 = tpu.memref_slice %arg11[%add3A_431, %dma_start3A_436] : memref<64x32xf32, #tpu.memory_space<vmem>> -> memref<1x32xf32, #tpu.memory_space<vmem>>
          %dma_start3A_438 = arith.constant 0 : i32
          %dma_start3A_439 = tpu.memref_slice %arg5[%squeeze3A_403, %dma_start3A_438] : memref<1000000x32xf32, #tpu.memory_space<hbm>> -> memref<1x32xf32, #tpu.memory_space<hbm>>
          tpu.enqueue_dma source(%dma_start3A_439 : memref<1x32xf32, #tpu.memory_space<hbm>>) target(%dma_start3A_437 : memref<1x32xf32, #tpu.memory_space<vmem>>) target_semaphore(%arg18 : memref<!tpu.dma_semaphore, #tpu.memory_space<semaphore_mem>>)
          %mul3A_440 = arith.constant 16 : i32
          %mul3A_441 = arith.muli %scan3A_248, %mul3A_440 : i32
          %add3A_442 = arith.constant 3 : i32
          %add3A_443 = arith.addi %mul3A_441, %add3A_442 : i32
          %dma_start3A_444 = arith.constant 0 : i32
          %dma_start3A_445 = tpu.memref_slice %arg12[%add3A_443, %dma_start3A_444] : memref<64x32xf32, #tpu.memory_space<vmem>> -> memref<1x32xf32, #tpu.memory_space<vmem>>
          %dma_start3A_446 = arith.constant 0 : i32
          %dma_start3A_447 = tpu.memref_slice %arg6[%squeeze3A_403, %dma_start3A_446] : memref<1000000x32xf32, #tpu.memory_space<hbm>> -> memref<1x32xf32, #tpu.memory_space<hbm>>
          %dma_start3A_448 = arith.constant 0 : i32
          %dma_start3A_449 = tpu.memref_slice %arg12[%add3A_443, %dma_start3A_448] : memref<64x32xf32, #tpu.memory_space<vmem>> -> memref<1x32xf32, #tpu.memory_space<vmem>>
          %dma_start3A_450 = arith.constant 0 : i32
          %dma_start3A_451 = tpu.memref_slice %arg6[%squeeze3A_403, %dma_start3A_450] : memref<1000000x32xf32, #tpu.memory_space<hbm>> -> memref<1x32xf32, #tpu.memory_space<hbm>>
          tpu.enqueue_dma source(%dma_start3A_451 : memref<1x32xf32, #tpu.memory_space<hbm>>) target(%dma_start3A_449 : memref<1x32xf32, #tpu.memory_space<vmem>>) target_semaphore(%arg18 : memref<!tpu.dma_semaphore, #tpu.memory_space<semaphore_mem>>)
          %slice3A_452 = vector.extract_strided_slice %get3A_253 {offsets = [4], sizes = [1], strides = [1]} : vector<16xi32> to vector<1xi32>
          %squeeze3A_453 = vector.extract %slice3A_452[0] : i32 from vector<1xi32>
          %mul3A_454 = arith.constant 16 : i32
          %mul3A_455 = arith.muli %scan3A_248, %mul3A_454 : i32
          %add3A_456 = arith.constant 4 : i32
          %add3A_457 = arith.addi %mul3A_455, %add3A_456 : i32
          %dma_start3A_458 = arith.constant 0 : i32
          %dma_start3A_459 = tpu.memref_slice %arg9[%add3A_457, %dma_start3A_458] : memref<64x32xf32, #tpu.memory_space<vmem>> -> memref<1x32xf32, #tpu.memory_space<vmem>>
          %dma_start3A_460 = arith.constant 0 : i32
          %dma_start3A_461 = tpu.memref_slice %arg3[%squeeze3A_453, %dma_start3A_460] : memref<1000000x32xf32, #tpu.memory_space<hbm>> -> memref<1x32xf32, #tpu.memory_space<hbm>>
          %dma_start3A_462 = arith.constant 0 : i32
          %dma_start3A_463 = tpu.memref_slice %arg9[%add3A_457, %dma_start3A_462] : memref<64x32xf32, #tpu.memory_space<vmem>> -> memref<1x32xf32, #tpu.memory_space<vmem>>
          %dma_start3A_464 = arith.constant 0 : i32
          %dma_start3A_465 = tpu.memref_slice %arg3[%squeeze3A_453, %dma_start3A_464] : memref<1000000x32xf32, #tpu.memory_space<hbm>> -> memref<1x32xf32, #tpu.memory_space<hbm>>
          tpu.enqueue_dma source(%dma_start3A_465 : memref<1x32xf32, #tpu.memory_space<hbm>>) target(%dma_start3A_463 : memref<1x32xf32, #tpu.memory_space<vmem>>) target_semaphore(%arg18 : memref<!tpu.dma_semaphore, #tpu.memory_space<semaphore_mem>>)
          %mul3A_466 = arith.constant 16 : i32
          %mul3A_467 = arith.muli %scan3A_248, %mul3A_466 : i32
          %add3A_468 = arith.constant 4 : i32
          %add3A_469 = arith.addi %mul3A_467, %add3A_468 : i32
          %dma_start3A_470 = arith.constant 0 : i32
          %dma_start3A_471 = tpu.memref_slice %arg10[%add3A_469, %dma_start3A_470] : memref<64x32xf32, #tpu.memory_space<vmem>> -> memref<1x32xf32, #tpu.memory_space<vmem>>
          %dma_start3A_472 = arith.constant 0 : i32
          %dma_start3A_473 = tpu.memref_slice %arg4[%squeeze3A_453, %dma_start3A_472] : memref<1000000x32xf32, #tpu.memory_space<hbm>> -> memref<1x32xf32, #tpu.memory_space<hbm>>
          %dma_start3A_474 = arith.constant 0 : i32
          %dma_start3A_475 = tpu.memref_slice %arg10[%add3A_469, %dma_start3A_474] : memref<64x32xf32, #tpu.memory_space<vmem>> -> memref<1x32xf32, #tpu.memory_space<vmem>>
          %dma_start3A_476 = arith.constant 0 : i32
          %dma_start3A_477 = tpu.memref_slice %arg4[%squeeze3A_453, %dma_start3A_476] : memref<1000000x32xf32, #tpu.memory_space<hbm>> -> memref<1x32xf32, #tpu.memory_space<hbm>>
          tpu.enqueue_dma source(%dma_start3A_477 : memref<1x32xf32, #tpu.memory_space<hbm>>) target(%dma_start3A_475 : memref<1x32xf32, #tpu.memory_space<vmem>>) target_semaphore(%arg18 : memref<!tpu.dma_semaphore, #tpu.memory_space<semaphore_mem>>)
          %mul3A_478 = arith.constant 16 : i32
          %mul3A_479 = arith.muli %scan3A_248, %mul3A_478 : i32
          %add3A_480 = arith.constant 4 : i32
          %add3A_481 = arith.addi %mul3A_479, %add3A_480 : i32
          %dma_start3A_482 = arith.constant 0 : i32
          %dma_start3A_483 = tpu.memref_slice %arg11[%add3A_481, %dma_start3A_482] : memref<64x32xf32, #tpu.memory_space<vmem>> -> memref<1x32xf32, #tpu.memory_space<vmem>>
          %dma_start3A_484 = arith.constant 0 : i32
          %dma_start3A_485 = tpu.memref_slice %arg5[%squeeze3A_453, %dma_start3A_484] : memref<1000000x32xf32, #tpu.memory_space<hbm>> -> memref<1x32xf32, #tpu.memory_space<hbm>>
          %dma_start3A_486 = arith.constant 0 : i32
          %dma_start3A_487 = tpu.memref_slice %arg11[%add3A_481, %dma_start3A_486] : memref<64x32xf32, #tpu.memory_space<vmem>> -> memref<1x32xf32, #tpu.memory_space<vmem>>
          %dma_start3A_488 = arith.constant 0 : i32
          %dma_start3A_489 = tpu.memref_slice %arg5[%squeeze3A_453, %dma_start3A_488] : memref<1000000x32xf32, #tpu.memory_space<hbm>> -> memref<1x32xf32, #tpu.memory_space<hbm>>
          tpu.enqueue_dma source(%dma_start3A_489 : memref<1x32xf32, #tpu.memory_space<hbm>>) target(%dma_start3A_487 : memref<1x32xf32, #tpu.memory_space<vmem>>) target_semaphore(%arg18 : memref<!tpu.dma_semaphore, #tpu.memory_space<semaphore_mem>>)
          %mul3A_490 = arith.constant 16 : i32
          %mul3A_491 = arith.muli %scan3A_248, %mul3A_490 : i32
          %add3A_492 = arith.constant 4 : i32
          %add3A_493 = arith.addi %mul3A_491, %add3A_492 : i32
          %dma_start3A_494 = arith.constant 0 : i32
          %dma_start3A_495 = tpu.memref_slice %arg12[%add3A_493, %dma_start3A_494] : memref<64x32xf32, #tpu.memory_space<vmem>> -> memref<1x32xf32, #tpu.memory_space<vmem>>
          %dma_start3A_496 = arith.constant 0 : i32
          %dma_start3A_497 = tpu.memref_slice %arg6[%squeeze3A_453, %dma_start3A_496] : memref<1000000x32xf32, #tpu.memory_space<hbm>> -> memref<1x32xf32, #tpu.memory_space<hbm>>
          %dma_start3A_498 = arith.constant 0 : i32
          %dma_start3A_499 = tpu.memref_slice %arg12[%add3A_493, %dma_start3A_498] : memref<64x32xf32, #tpu.memory_space<vmem>> -> memref<1x32xf32, #tpu.memory_space<vmem>>
          %dma_start3A_500 = arith.constant 0 : i32
          %dma_start3A_501 = tpu.memref_slice %arg6[%squeeze3A_453, %dma_start3A_500] : memref<1000000x32xf32, #tpu.memory_space<hbm>> -> memref<1x32xf32, #tpu.memory_space<hbm>>
          tpu.enqueue_dma source(%dma_start3A_501 : memref<1x32xf32, #tpu.memory_space<hbm>>) target(%dma_start3A_499 : memref<1x32xf32, #tpu.memory_space<vmem>>) target_semaphore(%arg18 : memref<!tpu.dma_semaphore, #tpu.memory_space<semaphore_mem>>)
          %slice3A_502 = vector.extract_strided_slice %get3A_253 {offsets = [5], sizes = [1], strides = [1]} : vector<16xi32> to vector<1xi32>
          %squeeze3A_503 = vector.extract %slice3A_502[0] : i32 from vector<1xi32>
          %mul3A_504 = arith.constant 16 : i32
          %mul3A_505 = arith.muli %scan3A_248, %mul3A_504 : i32
          %add3A_506 = arith.constant 5 : i32
          %add3A_507 = arith.addi %mul3A_505, %add3A_506 : i32
          %dma_start3A_508 = arith.constant 0 : i32
          %dma_start3A_509 = tpu.memref_slice %arg9[%add3A_507, %dma_start3A_508] : memref<64x32xf32, #tpu.memory_space<vmem>> -> memref<1x32xf32, #tpu.memory_space<vmem>>
          %dma_start3A_510 = arith.constant 0 : i32
          %dma_start3A_511 = tpu.memref_slice %arg3[%squeeze3A_503, %dma_start3A_510] : memref<1000000x32xf32, #tpu.memory_space<hbm>> -> memref<1x32xf32, #tpu.memory_space<hbm>>
          %dma_start3A_512 = arith.constant 0 : i32
          %dma_start3A_513 = tpu.memref_slice %arg9[%add3A_507, %dma_start3A_512] : memref<64x32xf32, #tpu.memory_space<vmem>> -> memref<1x32xf32, #tpu.memory_space<vmem>>
          %dma_start3A_514 = arith.constant 0 : i32
          %dma_start3A_515 = tpu.memref_slice %arg3[%squeeze3A_503, %dma_start3A_514] : memref<1000000x32xf32, #tpu.memory_space<hbm>> -> memref<1x32xf32, #tpu.memory_space<hbm>>
          tpu.enqueue_dma source(%dma_start3A_515 : memref<1x32xf32, #tpu.memory_space<hbm>>) target(%dma_start3A_513 : memref<1x32xf32, #tpu.memory_space<vmem>>) target_semaphore(%arg18 : memref<!tpu.dma_semaphore, #tpu.memory_space<semaphore_mem>>)
          %mul3A_516 = arith.constant 16 : i32
          %mul3A_517 = arith.muli %scan3A_248, %mul3A_516 : i32
          %add3A_518 = arith.constant 5 : i32
          %add3A_519 = arith.addi %mul3A_517, %add3A_518 : i32
          %dma_start3A_520 = arith.constant 0 : i32
          %dma_start3A_521 = tpu.memref_slice %arg10[%add3A_519, %dma_start3A_520] : memref<64x32xf32, #tpu.memory_space<vmem>> -> memref<1x32xf32, #tpu.memory_space<vmem>>
          %dma_start3A_522 = arith.constant 0 : i32
          %dma_start3A_523 = tpu.memref_slice %arg4[%squeeze3A_503, %dma_start3A_522] : memref<1000000x32xf32, #tpu.memory_space<hbm>> -> memref<1x32xf32, #tpu.memory_space<hbm>>
          %dma_start3A_524 = arith.constant 0 : i32
          %dma_start3A_525 = tpu.memref_slice %arg10[%add3A_519, %dma_start3A_524] : memref<64x32xf32, #tpu.memory_space<vmem>> -> memref<1x32xf32, #tpu.memory_space<vmem>>
          %dma_start3A_526 = arith.constant 0 : i32
          %dma_start3A_527 = tpu.memref_slice %arg4[%squeeze3A_503, %dma_start3A_526] : memref<1000000x32xf32, #tpu.memory_space<hbm>> -> memref<1x32xf32, #tpu.memory_space<hbm>>
          tpu.enqueue_dma source(%dma_start3A_527 : memref<1x32xf32, #tpu.memory_space<hbm>>) target(%dma_start3A_525 : memref<1x32xf32, #tpu.memory_space<vmem>>) target_semaphore(%arg18 : memref<!tpu.dma_semaphore, #tpu.memory_space<semaphore_mem>>)
          %mul3A_528 = arith.constant 16 : i32
          %mul3A_529 = arith.muli %scan3A_248, %mul3A_528 : i32
          %add3A_530 = arith.constant 5 : i32
          %add3A_531 = arith.addi %mul3A_529, %add3A_530 : i32
          %dma_start3A_532 = arith.constant 0 : i32
          %dma_start3A_533 = tpu.memref_slice %arg11[%add3A_531, %dma_start3A_532] : memref<64x32xf32, #tpu.memory_space<vmem>> -> memref<1x32xf32, #tpu.memory_space<vmem>>
          %dma_start3A_534 = arith.constant 0 : i32
          %dma_start3A_535 = tpu.memref_slice %arg5[%squeeze3A_503, %dma_start3A_534] : memref<1000000x32xf32, #tpu.memory_space<hbm>> -> memref<1x32xf32, #tpu.memory_space<hbm>>
          %dma_start3A_536 = arith.constant 0 : i32
          %dma_start3A_537 = tpu.memref_slice %arg11[%add3A_531, %dma_start3A_536] : memref<64x32xf32, #tpu.memory_space<vmem>> -> memref<1x32xf32, #tpu.memory_space<vmem>>
          %dma_start3A_538 = arith.constant 0 : i32
          %dma_start3A_539 = tpu.memref_slice %arg5[%squeeze3A_503, %dma_start3A_538] : memref<1000000x32xf32, #tpu.memory_space<hbm>> -> memref<1x32xf32, #tpu.memory_space<hbm>>
          tpu.enqueue_dma source(%dma_start3A_539 : memref<1x32xf32, #tpu.memory_space<hbm>>) target(%dma_start3A_537 : memref<1x32xf32, #tpu.memory_space<vmem>>) target_semaphore(%arg18 : memref<!tpu.dma_semaphore, #tpu.memory_space<semaphore_mem>>)
          %mul3A_540 = arith.constant 16 : i32
          %mul3A_541 = arith.muli %scan3A_248, %mul3A_540 : i32
          %add3A_542 = arith.constant 5 : i32
          %add3A_543 = arith.addi %mul3A_541, %add3A_542 : i32
          %dma_start3A_544 = arith.constant 0 : i32
          %dma_start3A_545 = tpu.memref_slice %arg12[%add3A_543, %dma_start3A_544] : memref<64x32xf32, #tpu.memory_space<vmem>> -> memref<1x32xf32, #tpu.memory_space<vmem>>
          %dma_start3A_546 = arith.constant 0 : i32
          %dma_start3A_547 = tpu.memref_slice %arg6[%squeeze3A_503, %dma_start3A_546] : memref<1000000x32xf32, #tpu.memory_space<hbm>> -> memref<1x32xf32, #tpu.memory_space<hbm>>
          %dma_start3A_548 = arith.constant 0 : i32
          %dma_start3A_549 = tpu.memref_slice %arg12[%add3A_543, %dma_start3A_548] : memref<64x32xf32, #tpu.memory_space<vmem>> -> memref<1x32xf32, #tpu.memory_space<vmem>>
          %dma_start3A_550 = arith.constant 0 : i32
          %dma_start3A_551 = tpu.memref_slice %arg6[%squeeze3A_503, %dma_start3A_550] : memref<1000000x32xf32, #tpu.memory_space<hbm>> -> memref<1x32xf32, #tpu.memory_space<hbm>>
          tpu.enqueue_dma source(%dma_start3A_551 : memref<1x32xf32, #tpu.memory_space<hbm>>) target(%dma_start3A_549 : memref<1x32xf32, #tpu.memory_space<vmem>>) target_semaphore(%arg18 : memref<!tpu.dma_semaphore, #tpu.memory_space<semaphore_mem>>)
          %slice3A_552 = vector.extract_strided_slice %get3A_253 {offsets = [6], sizes = [1], strides = [1]} : vector<16xi32> to vector<1xi32>
          %squeeze3A_553 = vector.extract %slice3A_552[0] : i32 from vector<1xi32>
          %mul3A_554 = arith.constant 16 : i32
          %mul3A_555 = arith.muli %scan3A_248, %mul3A_554 : i32
          %add3A_556 = arith.constant 6 : i32
          %add3A_557 = arith.addi %mul3A_555, %add3A_556 : i32
          %dma_start3A_558 = arith.constant 0 : i32
          %dma_start3A_559 = tpu.memref_slice %arg9[%add3A_557, %dma_start3A_558] : memref<64x32xf32, #tpu.memory_space<vmem>> -> memref<1x32xf32, #tpu.memory_space<vmem>>
          %dma_start3A_560 = arith.constant 0 : i32
          %dma_start3A_561 = tpu.memref_slice %arg3[%squeeze3A_553, %dma_start3A_560] : memref<1000000x32xf32, #tpu.memory_space<hbm>> -> memref<1x32xf32, #tpu.memory_space<hbm>>
          %dma_start3A_562 = arith.constant 0 : i32
          %dma_start3A_563 = tpu.memref_slice %arg9[%add3A_557, %dma_start3A_562] : memref<64x32xf32, #tpu.memory_space<vmem>> -> memref<1x32xf32, #tpu.memory_space<vmem>>
          %dma_start3A_564 = arith.constant 0 : i32
          %dma_start3A_565 = tpu.memref_slice %arg3[%squeeze3A_553, %dma_start3A_564] : memref<1000000x32xf32, #tpu.memory_space<hbm>> -> memref<1x32xf32, #tpu.memory_space<hbm>>
          tpu.enqueue_dma source(%dma_start3A_565 : memref<1x32xf32, #tpu.memory_space<hbm>>) target(%dma_start3A_563 : memref<1x32xf32, #tpu.memory_space<vmem>>) target_semaphore(%arg18 : memref<!tpu.dma_semaphore, #tpu.memory_space<semaphore_mem>>)
          %mul3A_566 = arith.constant 16 : i32
          %mul3A_567 = arith.muli %scan3A_248, %mul3A_566 : i32
          %add3A_568 = arith.constant 6 : i32
          %add3A_569 = arith.addi %mul3A_567, %add3A_568 : i32
          %dma_start3A_570 = arith.constant 0 : i32
          %dma_start3A_571 = tpu.memref_slice %arg10[%add3A_569, %dma_start3A_570] : memref<64x32xf32, #tpu.memory_space<vmem>> -> memref<1x32xf32, #tpu.memory_space<vmem>>
          %dma_start3A_572 = arith.constant 0 : i32
          %dma_start3A_573 = tpu.memref_slice %arg4[%squeeze3A_553, %dma_start3A_572] : memref<1000000x32xf32, #tpu.memory_space<hbm>> -> memref<1x32xf32, #tpu.memory_space<hbm>>
          %dma_start3A_574 = arith.constant 0 : i32
          %dma_start3A_575 = tpu.memref_slice %arg10[%add3A_569, %dma_start3A_574] : memref<64x32xf32, #tpu.memory_space<vmem>> -> memref<1x32xf32, #tpu.memory_space<vmem>>
          %dma_start3A_576 = arith.constant 0 : i32
          %dma_start3A_577 = tpu.memref_slice %arg4[%squeeze3A_553, %dma_start3A_576] : memref<1000000x32xf32, #tpu.memory_space<hbm>> -> memref<1x32xf32, #tpu.memory_space<hbm>>
          tpu.enqueue_dma source(%dma_start3A_577 : memref<1x32xf32, #tpu.memory_space<hbm>>) target(%dma_start3A_575 : memref<1x32xf32, #tpu.memory_space<vmem>>) target_semaphore(%arg18 : memref<!tpu.dma_semaphore, #tpu.memory_space<semaphore_mem>>)
          %mul3A_578 = arith.constant 16 : i32
          %mul3A_579 = arith.muli %scan3A_248, %mul3A_578 : i32
          %add3A_580 = arith.constant 6 : i32
          %add3A_581 = arith.addi %mul3A_579, %add3A_580 : i32
          %dma_start3A_582 = arith.constant 0 : i32
          %dma_start3A_583 = tpu.memref_slice %arg11[%add3A_581, %dma_start3A_582] : memref<64x32xf32, #tpu.memory_space<vmem>> -> memref<1x32xf32, #tpu.memory_space<vmem>>
          %dma_start3A_584 = arith.constant 0 : i32
          %dma_start3A_585 = tpu.memref_slice %arg5[%squeeze3A_553, %dma_start3A_584] : memref<1000000x32xf32, #tpu.memory_space<hbm>> -> memref<1x32xf32, #tpu.memory_space<hbm>>
          %dma_start3A_586 = arith.constant 0 : i32
          %dma_start3A_587 = tpu.memref_slice %arg11[%add3A_581, %dma_start3A_586] : memref<64x32xf32, #tpu.memory_space<vmem>> -> memref<1x32xf32, #tpu.memory_space<vmem>>
          %dma_start3A_588 = arith.constant 0 : i32
          %dma_start3A_589 = tpu.memref_slice %arg5[%squeeze3A_553, %dma_start3A_588] : memref<1000000x32xf32, #tpu.memory_space<hbm>> -> memref<1x32xf32, #tpu.memory_space<hbm>>
          tpu.enqueue_dma source(%dma_start3A_589 : memref<1x32xf32, #tpu.memory_space<hbm>>) target(%dma_start3A_587 : memref<1x32xf32, #tpu.memory_space<vmem>>) target_semaphore(%arg18 : memref<!tpu.dma_semaphore, #tpu.memory_space<semaphore_mem>>)
          %mul3A_590 = arith.constant 16 : i32
          %mul3A_591 = arith.muli %scan3A_248, %mul3A_590 : i32
          %add3A_592 = arith.constant 6 : i32
          %add3A_593 = arith.addi %mul3A_591, %add3A_592 : i32
          %dma_start3A_594 = arith.constant 0 : i32
          %dma_start3A_595 = tpu.memref_slice %arg12[%add3A_593, %dma_start3A_594] : memref<64x32xf32, #tpu.memory_space<vmem>> -> memref<1x32xf32, #tpu.memory_space<vmem>>
          %dma_start3A_596 = arith.constant 0 : i32
          %dma_start3A_597 = tpu.memref_slice %arg6[%squeeze3A_553, %dma_start3A_596] : memref<1000000x32xf32, #tpu.memory_space<hbm>> -> memref<1x32xf32, #tpu.memory_space<hbm>>
          %dma_start3A_598 = arith.constant 0 : i32
          %dma_start3A_599 = tpu.memref_slice %arg12[%add3A_593, %dma_start3A_598] : memref<64x32xf32, #tpu.memory_space<vmem>> -> memref<1x32xf32, #tpu.memory_space<vmem>>
          %dma_start3A_600 = arith.constant 0 : i32
          %dma_start3A_601 = tpu.memref_slice %arg6[%squeeze3A_553, %dma_start3A_600] : memref<1000000x32xf32, #tpu.memory_space<hbm>> -> memref<1x32xf32, #tpu.memory_space<hbm>>
          tpu.enqueue_dma source(%dma_start3A_601 : memref<1x32xf32, #tpu.memory_space<hbm>>) target(%dma_start3A_599 : memref<1x32xf32, #tpu.memory_space<vmem>>) target_semaphore(%arg18 : memref<!tpu.dma_semaphore, #tpu.memory_space<semaphore_mem>>)
          %slice3A_602 = vector.extract_strided_slice %get3A_253 {offsets = [7], sizes = [1], strides = [1]} : vector<16xi32> to vector<1xi32>
          %squeeze3A_603 = vector.extract %slice3A_602[0] : i32 from vector<1xi32>
          %mul3A_604 = arith.constant 16 : i32
          %mul3A_605 = arith.muli %scan3A_248, %mul3A_604 : i32
          %add3A_606 = arith.constant 7 : i32
          %add3A_607 = arith.addi %mul3A_605, %add3A_606 : i32
          %dma_start3A_608 = arith.constant 0 : i32
          %dma_start3A_609 = tpu.memref_slice %arg9[%add3A_607, %dma_start3A_608] : memref<64x32xf32, #tpu.memory_space<vmem>> -> memref<1x32xf32, #tpu.memory_space<vmem>>
          %dma_start3A_610 = arith.constant 0 : i32
          %dma_start3A_611 = tpu.memref_slice %arg3[%squeeze3A_603, %dma_start3A_610] : memref<1000000x32xf32, #tpu.memory_space<hbm>> -> memref<1x32xf32, #tpu.memory_space<hbm>>
          %dma_start3A_612 = arith.constant 0 : i32
          %dma_start3A_613 = tpu.memref_slice %arg9[%add3A_607, %dma_start3A_612] : memref<64x32xf32, #tpu.memory_space<vmem>> -> memref<1x32xf32, #tpu.memory_space<vmem>>
          %dma_start3A_614 = arith.constant 0 : i32
          %dma_start3A_615 = tpu.memref_slice %arg3[%squeeze3A_603, %dma_start3A_614] : memref<1000000x32xf32, #tpu.memory_space<hbm>> -> memref<1x32xf32, #tpu.memory_space<hbm>>
          tpu.enqueue_dma source(%dma_start3A_615 : memref<1x32xf32, #tpu.memory_space<hbm>>) target(%dma_start3A_613 : memref<1x32xf32, #tpu.memory_space<vmem>>) target_semaphore(%arg18 : memref<!tpu.dma_semaphore, #tpu.memory_space<semaphore_mem>>)
          %mul3A_616 = arith.constant 16 : i32
          %mul3A_617 = arith.muli %scan3A_248, %mul3A_616 : i32
          %add3A_618 = arith.constant 7 : i32
          %add3A_619 = arith.addi %mul3A_617, %add3A_618 : i32
          %dma_start3A_620 = arith.constant 0 : i32
          %dma_start3A_621 = tpu.memref_slice %arg10[%add3A_619, %dma_start3A_620] : memref<64x32xf32, #tpu.memory_space<vmem>> -> memref<1x32xf32, #tpu.memory_space<vmem>>
          %dma_start3A_622 = arith.constant 0 : i32
          %dma_start3A_623 = tpu.memref_slice %arg4[%squeeze3A_603, %dma_start3A_622] : memref<1000000x32xf32, #tpu.memory_space<hbm>> -> memref<1x32xf32, #tpu.memory_space<hbm>>
          %dma_start3A_624 = arith.constant 0 : i32
          %dma_start3A_625 = tpu.memref_slice %arg10[%add3A_619, %dma_start3A_624] : memref<64x32xf32, #tpu.memory_space<vmem>> -> memref<1x32xf32, #tpu.memory_space<vmem>>
          %dma_start3A_626 = arith.constant 0 : i32
          %dma_start3A_627 = tpu.memref_slice %arg4[%squeeze3A_603, %dma_start3A_626] : memref<1000000x32xf32, #tpu.memory_space<hbm>> -> memref<1x32xf32, #tpu.memory_space<hbm>>
          tpu.enqueue_dma source(%dma_start3A_627 : memref<1x32xf32, #tpu.memory_space<hbm>>) target(%dma_start3A_625 : memref<1x32xf32, #tpu.memory_space<vmem>>) target_semaphore(%arg18 : memref<!tpu.dma_semaphore, #tpu.memory_space<semaphore_mem>>)
          %mul3A_628 = arith.constant 16 : i32
          %mul3A_629 = arith.muli %scan3A_248, %mul3A_628 : i32
          %add3A_630 = arith.constant 7 : i32
          %add3A_631 = arith.addi %mul3A_629, %add3A_630 : i32
          %dma_start3A_632 = arith.constant 0 : i32
          %dma_start3A_633 = tpu.memref_slice %arg11[%add3A_631, %dma_start3A_632] : memref<64x32xf32, #tpu.memory_space<vmem>> -> memref<1x32xf32, #tpu.memory_space<vmem>>
          %dma_start3A_634 = arith.constant 0 : i32
          %dma_start3A_635 = tpu.memref_slice %arg5[%squeeze3A_603, %dma_start3A_634] : memref<1000000x32xf32, #tpu.memory_space<hbm>> -> memref<1x32xf32, #tpu.memory_space<hbm>>
          %dma_start3A_636 = arith.constant 0 : i32
          %dma_start3A_637 = tpu.memref_slice %arg11[%add3A_631, %dma_start3A_636] : memref<64x32xf32, #tpu.memory_space<vmem>> -> memref<1x32xf32, #tpu.memory_space<vmem>>
          %dma_start3A_638 = arith.constant 0 : i32
          %dma_start3A_639 = tpu.memref_slice %arg5[%squeeze3A_603, %dma_start3A_638] : memref<1000000x32xf32, #tpu.memory_space<hbm>> -> memref<1x32xf32, #tpu.memory_space<hbm>>
          tpu.enqueue_dma source(%dma_start3A_639 : memref<1x32xf32, #tpu.memory_space<hbm>>) target(%dma_start3A_637 : memref<1x32xf32, #tpu.memory_space<vmem>>) target_semaphore(%arg18 : memref<!tpu.dma_semaphore, #tpu.memory_space<semaphore_mem>>)
          %mul3A_640 = arith.constant 16 : i32
          %mul3A_641 = arith.muli %scan3A_248, %mul3A_640 : i32
          %add3A_642 = arith.constant 7 : i32
          %add3A_643 = arith.addi %mul3A_641, %add3A_642 : i32
          %dma_start3A_644 = arith.constant 0 : i32
          %dma_start3A_645 = tpu.memref_slice %arg12[%add3A_643, %dma_start3A_644] : memref<64x32xf32, #tpu.memory_space<vmem>> -> memref<1x32xf32, #tpu.memory_space<vmem>>
          %dma_start3A_646 = arith.constant 0 : i32
          %dma_start3A_647 = tpu.memref_slice %arg6[%squeeze3A_603, %dma_start3A_646] : memref<1000000x32xf32, #tpu.memory_space<hbm>> -> memref<1x32xf32, #tpu.memory_space<hbm>>
          %dma_start3A_648 = arith.constant 0 : i32
          %dma_start3A_649 = tpu.memref_slice %arg12[%add3A_643, %dma_start3A_648] : memref<64x32xf32, #tpu.memory_space<vmem>> -> memref<1x32xf32, #tpu.memory_space<vmem>>
          %dma_start3A_650 = arith.constant 0 : i32
          %dma_start3A_651 = tpu.memref_slice %arg6[%squeeze3A_603, %dma_start3A_650] : memref<1000000x32xf32, #tpu.memory_space<hbm>> -> memref<1x32xf32, #tpu.memory_space<hbm>>
          tpu.enqueue_dma source(%dma_start3A_651 : memref<1x32xf32, #tpu.memory_space<hbm>>) target(%dma_start3A_649 : memref<1x32xf32, #tpu.memory_space<vmem>>) target_semaphore(%arg18 : memref<!tpu.dma_semaphore, #tpu.memory_space<semaphore_mem>>)
          %slice3A_652 = vector.extract_strided_slice %get3A_253 {offsets = [8], sizes = [1], strides = [1]} : vector<16xi32> to vector<1xi32>
          %squeeze3A_653 = vector.extract %slice3A_652[0] : i32 from vector<1xi32>
          %mul3A_654 = arith.constant 16 : i32
          %mul3A_655 = arith.muli %scan3A_248, %mul3A_654 : i32
          %add3A_656 = arith.constant 8 : i32
          %add3A_657 = arith.addi %mul3A_655, %add3A_656 : i32
          %dma_start3A_658 = arith.constant 0 : i32
          %dma_start3A_659 = tpu.memref_slice %arg9[%add3A_657, %dma_start3A_658] : memref<64x32xf32, #tpu.memory_space<vmem>> -> memref<1x32xf32, #tpu.memory_space<vmem>>
          %dma_start3A_660 = arith.constant 0 : i32
          %dma_start3A_661 = tpu.memref_slice %arg3[%squeeze3A_653, %dma_start3A_660] : memref<1000000x32xf32, #tpu.memory_space<hbm>> -> memref<1x32xf32, #tpu.memory_space<hbm>>
          %dma_start3A_662 = arith.constant 0 : i32
          %dma_start3A_663 = tpu.memref_slice %arg9[%add3A_657, %dma_start3A_662] : memref<64x32xf32, #tpu.memory_space<vmem>> -> memref<1x32xf32, #tpu.memory_space<vmem>>
          %dma_start3A_664 = arith.constant 0 : i32
          %dma_start3A_665 = tpu.memref_slice %arg3[%squeeze3A_653, %dma_start3A_664] : memref<1000000x32xf32, #tpu.memory_space<hbm>> -> memref<1x32xf32, #tpu.memory_space<hbm>>
          tpu.enqueue_dma source(%dma_start3A_665 : memref<1x32xf32, #tpu.memory_space<hbm>>) target(%dma_start3A_663 : memref<1x32xf32, #tpu.memory_space<vmem>>) target_semaphore(%arg18 : memref<!tpu.dma_semaphore, #tpu.memory_space<semaphore_mem>>)
          %mul3A_666 = arith.constant 16 : i32
          %mul3A_667 = arith.muli %scan3A_248, %mul3A_666 : i32
          %add3A_668 = arith.constant 8 : i32
          %add3A_669 = arith.addi %mul3A_667, %add3A_668 : i32
          %dma_start3A_670 = arith.constant 0 : i32
          %dma_start3A_671 = tpu.memref_slice %arg10[%add3A_669, %dma_start3A_670] : memref<64x32xf32, #tpu.memory_space<vmem>> -> memref<1x32xf32, #tpu.memory_space<vmem>>
          %dma_start3A_672 = arith.constant 0 : i32
          %dma_start3A_673 = tpu.memref_slice %arg4[%squeeze3A_653, %dma_start3A_672] : memref<1000000x32xf32, #tpu.memory_space<hbm>> -> memref<1x32xf32, #tpu.memory_space<hbm>>
          %dma_start3A_674 = arith.constant 0 : i32
          %dma_start3A_675 = tpu.memref_slice %arg10[%add3A_669, %dma_start3A_674] : memref<64x32xf32, #tpu.memory_space<vmem>> -> memref<1x32xf32, #tpu.memory_space<vmem>>
          %dma_start3A_676 = arith.constant 0 : i32
          %dma_start3A_677 = tpu.memref_slice %arg4[%squeeze3A_653, %dma_start3A_676] : memref<1000000x32xf32, #tpu.memory_space<hbm>> -> memref<1x32xf32, #tpu.memory_space<hbm>>
          tpu.enqueue_dma source(%dma_start3A_677 : memref<1x32xf32, #tpu.memory_space<hbm>>) target(%dma_start3A_675 : memref<1x32xf32, #tpu.memory_space<vmem>>) target_semaphore(%arg18 : memref<!tpu.dma_semaphore, #tpu.memory_space<semaphore_mem>>)
          %mul3A_678 = arith.constant 16 : i32
          %mul3A_679 = arith.muli %scan3A_248, %mul3A_678 : i32
          %add3A_680 = arith.constant 8 : i32
          %add3A_681 = arith.addi %mul3A_679, %add3A_680 : i32
          %dma_start3A_682 = arith.constant 0 : i32
          %dma_start3A_683 = tpu.memref_slice %arg11[%add3A_681, %dma_start3A_682] : memref<64x32xf32, #tpu.memory_space<vmem>> -> memref<1x32xf32, #tpu.memory_space<vmem>>
          %dma_start3A_684 = arith.constant 0 : i32
          %dma_start3A_685 = tpu.memref_slice %arg5[%squeeze3A_653, %dma_start3A_684] : memref<1000000x32xf32, #tpu.memory_space<hbm>> -> memref<1x32xf32, #tpu.memory_space<hbm>>
          %dma_start3A_686 = arith.constant 0 : i32
          %dma_start3A_687 = tpu.memref_slice %arg11[%add3A_681, %dma_start3A_686] : memref<64x32xf32, #tpu.memory_space<vmem>> -> memref<1x32xf32, #tpu.memory_space<vmem>>
          %dma_start3A_688 = arith.constant 0 : i32
          %dma_start3A_689 = tpu.memref_slice %arg5[%squeeze3A_653, %dma_start3A_688] : memref<1000000x32xf32, #tpu.memory_space<hbm>> -> memref<1x32xf32, #tpu.memory_space<hbm>>
          tpu.enqueue_dma source(%dma_start3A_689 : memref<1x32xf32, #tpu.memory_space<hbm>>) target(%dma_start3A_687 : memref<1x32xf32, #tpu.memory_space<vmem>>) target_semaphore(%arg18 : memref<!tpu.dma_semaphore, #tpu.memory_space<semaphore_mem>>)
          %mul3A_690 = arith.constant 16 : i32
          %mul3A_691 = arith.muli %scan3A_248, %mul3A_690 : i32
          %add3A_692 = arith.constant 8 : i32
          %add3A_693 = arith.addi %mul3A_691, %add3A_692 : i32
          %dma_start3A_694 = arith.constant 0 : i32
          %dma_start3A_695 = tpu.memref_slice %arg12[%add3A_693, %dma_start3A_694] : memref<64x32xf32, #tpu.memory_space<vmem>> -> memref<1x32xf32, #tpu.memory_space<vmem>>
          %dma_start3A_696 = arith.constant 0 : i32
          %dma_start3A_697 = tpu.memref_slice %arg6[%squeeze3A_653, %dma_start3A_696] : memref<1000000x32xf32, #tpu.memory_space<hbm>> -> memref<1x32xf32, #tpu.memory_space<hbm>>
          %dma_start3A_698 = arith.constant 0 : i32
          %dma_start3A_699 = tpu.memref_slice %arg12[%add3A_693, %dma_start3A_698] : memref<64x32xf32, #tpu.memory_space<vmem>> -> memref<1x32xf32, #tpu.memory_space<vmem>>
          %dma_start3A_700 = arith.constant 0 : i32
          %dma_start3A_701 = tpu.memref_slice %arg6[%squeeze3A_653, %dma_start3A_700] : memref<1000000x32xf32, #tpu.memory_space<hbm>> -> memref<1x32xf32, #tpu.memory_space<hbm>>
          tpu.enqueue_dma source(%dma_start3A_701 : memref<1x32xf32, #tpu.memory_space<hbm>>) target(%dma_start3A_699 : memref<1x32xf32, #tpu.memory_space<vmem>>) target_semaphore(%arg18 : memref<!tpu.dma_semaphore, #tpu.memory_space<semaphore_mem>>)
          %slice3A_702 = vector.extract_strided_slice %get3A_253 {offsets = [9], sizes = [1], strides = [1]} : vector<16xi32> to vector<1xi32>
          %squeeze3A_703 = vector.extract %slice3A_702[0] : i32 from vector<1xi32>
          %mul3A_704 = arith.constant 16 : i32
          %mul3A_705 = arith.muli %scan3A_248, %mul3A_704 : i32
          %add3A_706 = arith.constant 9 : i32
          %add3A_707 = arith.addi %mul3A_705, %add3A_706 : i32
          %dma_start3A_708 = arith.constant 0 : i32
          %dma_start3A_709 = tpu.memref_slice %arg9[%add3A_707, %dma_start3A_708] : memref<64x32xf32, #tpu.memory_space<vmem>> -> memref<1x32xf32, #tpu.memory_space<vmem>>
          %dma_start3A_710 = arith.constant 0 : i32
          %dma_start3A_711 = tpu.memref_slice %arg3[%squeeze3A_703, %dma_start3A_710] : memref<1000000x32xf32, #tpu.memory_space<hbm>> -> memref<1x32xf32, #tpu.memory_space<hbm>>
          %dma_start3A_712 = arith.constant 0 : i32
          %dma_start3A_713 = tpu.memref_slice %arg9[%add3A_707, %dma_start3A_712] : memref<64x32xf32, #tpu.memory_space<vmem>> -> memref<1x32xf32, #tpu.memory_space<vmem>>
          %dma_start3A_714 = arith.constant 0 : i32
          %dma_start3A_715 = tpu.memref_slice %arg3[%squeeze3A_703, %dma_start3A_714] : memref<1000000x32xf32, #tpu.memory_space<hbm>> -> memref<1x32xf32, #tpu.memory_space<hbm>>
          tpu.enqueue_dma source(%dma_start3A_715 : memref<1x32xf32, #tpu.memory_space<hbm>>) target(%dma_start3A_713 : memref<1x32xf32, #tpu.memory_space<vmem>>) target_semaphore(%arg18 : memref<!tpu.dma_semaphore, #tpu.memory_space<semaphore_mem>>)
          %mul3A_716 = arith.constant 16 : i32
          %mul3A_717 = arith.muli %scan3A_248, %mul3A_716 : i32
          %add3A_718 = arith.constant 9 : i32
          %add3A_719 = arith.addi %mul3A_717, %add3A_718 : i32
          %dma_start3A_720 = arith.constant 0 : i32
          %dma_start3A_721 = tpu.memref_slice %arg10[%add3A_719, %dma_start3A_720] : memref<64x32xf32, #tpu.memory_space<vmem>> -> memref<1x32xf32, #tpu.memory_space<vmem>>
          %dma_start3A_722 = arith.constant 0 : i32
          %dma_start3A_723 = tpu.memref_slice %arg4[%squeeze3A_703, %dma_start3A_722] : memref<1000000x32xf32, #tpu.memory_space<hbm>> -> memref<1x32xf32, #tpu.memory_space<hbm>>
          %dma_start3A_724 = arith.constant 0 : i32
          %dma_start3A_725 = tpu.memref_slice %arg10[%add3A_719, %dma_start3A_724] : memref<64x32xf32, #tpu.memory_space<vmem>> -> memref<1x32xf32, #tpu.memory_space<vmem>>
          %dma_start3A_726 = arith.constant 0 : i32
          %dma_start3A_727 = tpu.memref_slice %arg4[%squeeze3A_703, %dma_start3A_726] : memref<1000000x32xf32, #tpu.memory_space<hbm>> -> memref<1x32xf32, #tpu.memory_space<hbm>>
          tpu.enqueue_dma source(%dma_start3A_727 : memref<1x32xf32, #tpu.memory_space<hbm>>) target(%dma_start3A_725 : memref<1x32xf32, #tpu.memory_space<vmem>>) target_semaphore(%arg18 : memref<!tpu.dma_semaphore, #tpu.memory_space<semaphore_mem>>)
          %mul3A_728 = arith.constant 16 : i32
          %mul3A_729 = arith.muli %scan3A_248, %mul3A_728 : i32
          %add3A_730 = arith.constant 9 : i32
          %add3A_731 = arith.addi %mul3A_729, %add3A_730 : i32
          %dma_start3A_732 = arith.constant 0 : i32
          %dma_start3A_733 = tpu.memref_slice %arg11[%add3A_731, %dma_start3A_732] : memref<64x32xf32, #tpu.memory_space<vmem>> -> memref<1x32xf32, #tpu.memory_space<vmem>>
          %dma_start3A_734 = arith.constant 0 : i32
          %dma_start3A_735 = tpu.memref_slice %arg5[%squeeze3A_703, %dma_start3A_734] : memref<1000000x32xf32, #tpu.memory_space<hbm>> -> memref<1x32xf32, #tpu.memory_space<hbm>>
          %dma_start3A_736 = arith.constant 0 : i32
          %dma_start3A_737 = tpu.memref_slice %arg11[%add3A_731, %dma_start3A_736] : memref<64x32xf32, #tpu.memory_space<vmem>> -> memref<1x32xf32, #tpu.memory_space<vmem>>
          %dma_start3A_738 = arith.constant 0 : i32
          %dma_start3A_739 = tpu.memref_slice %arg5[%squeeze3A_703, %dma_start3A_738] : memref<1000000x32xf32, #tpu.memory_space<hbm>> -> memref<1x32xf32, #tpu.memory_space<hbm>>
          tpu.enqueue_dma source(%dma_start3A_739 : memref<1x32xf32, #tpu.memory_space<hbm>>) target(%dma_start3A_737 : memref<1x32xf32, #tpu.memory_space<vmem>>) target_semaphore(%arg18 : memref<!tpu.dma_semaphore, #tpu.memory_space<semaphore_mem>>)
          %mul3A_740 = arith.constant 16 : i32
          %mul3A_741 = arith.muli %scan3A_248, %mul3A_740 : i32
          %add3A_742 = arith.constant 9 : i32
          %add3A_743 = arith.addi %mul3A_741, %add3A_742 : i32
          %dma_start3A_744 = arith.constant 0 : i32
          %dma_start3A_745 = tpu.memref_slice %arg12[%add3A_743, %dma_start3A_744] : memref<64x32xf32, #tpu.memory_space<vmem>> -> memref<1x32xf32, #tpu.memory_space<vmem>>
          %dma_start3A_746 = arith.constant 0 : i32
          %dma_start3A_747 = tpu.memref_slice %arg6[%squeeze3A_703, %dma_start3A_746] : memref<1000000x32xf32, #tpu.memory_space<hbm>> -> memref<1x32xf32, #tpu.memory_space<hbm>>
          %dma_start3A_748 = arith.constant 0 : i32
          %dma_start3A_749 = tpu.memref_slice %arg12[%add3A_743, %dma_start3A_748] : memref<64x32xf32, #tpu.memory_space<vmem>> -> memref<1x32xf32, #tpu.memory_space<vmem>>
          %dma_start3A_750 = arith.constant 0 : i32
          %dma_start3A_751 = tpu.memref_slice %arg6[%squeeze3A_703, %dma_start3A_750] : memref<1000000x32xf32, #tpu.memory_space<hbm>> -> memref<1x32xf32, #tpu.memory_space<hbm>>
          tpu.enqueue_dma source(%dma_start3A_751 : memref<1x32xf32, #tpu.memory_space<hbm>>) target(%dma_start3A_749 : memref<1x32xf32, #tpu.memory_space<vmem>>) target_semaphore(%arg18 : memref<!tpu.dma_semaphore, #tpu.memory_space<semaphore_mem>>)
          %slice3A_752 = vector.extract_strided_slice %get3A_253 {offsets = [10], sizes = [1], strides = [1]} : vector<16xi32> to vector<1xi32>
          %squeeze3A_753 = vector.extract %slice3A_752[0] : i32 from vector<1xi32>
          %mul3A_754 = arith.constant 16 : i32
          %mul3A_755 = arith.muli %scan3A_248, %mul3A_754 : i32
          %add3A_756 = arith.constant 10 : i32
          %add3A_757 = arith.addi %mul3A_755, %add3A_756 : i32
          %dma_start3A_758 = arith.constant 0 : i32
          %dma_start3A_759 = tpu.memref_slice %arg9[%add3A_757, %dma_start3A_758] : memref<64x32xf32, #tpu.memory_space<vmem>> -> memref<1x32xf32, #tpu.memory_space<vmem>>
          %dma_start3A_760 = arith.constant 0 : i32
          %dma_start3A_761 = tpu.memref_slice %arg3[%squeeze3A_753, %dma_start3A_760] : memref<1000000x32xf32, #tpu.memory_space<hbm>> -> memref<1x32xf32, #tpu.memory_space<hbm>>
          %dma_start3A_762 = arith.constant 0 : i32
          %dma_start3A_763 = tpu.memref_slice %arg9[%add3A_757, %dma_start3A_762] : memref<64x32xf32, #tpu.memory_space<vmem>> -> memref<1x32xf32, #tpu.memory_space<vmem>>
          %dma_start3A_764 = arith.constant 0 : i32
          %dma_start3A_765 = tpu.memref_slice %arg3[%squeeze3A_753, %dma_start3A_764] : memref<1000000x32xf32, #tpu.memory_space<hbm>> -> memref<1x32xf32, #tpu.memory_space<hbm>>
          tpu.enqueue_dma source(%dma_start3A_765 : memref<1x32xf32, #tpu.memory_space<hbm>>) target(%dma_start3A_763 : memref<1x32xf32, #tpu.memory_space<vmem>>) target_semaphore(%arg18 : memref<!tpu.dma_semaphore, #tpu.memory_space<semaphore_mem>>)
          %mul3A_766 = arith.constant 16 : i32
          %mul3A_767 = arith.muli %scan3A_248, %mul3A_766 : i32
          %add3A_768 = arith.constant 10 : i32
          %add3A_769 = arith.addi %mul3A_767, %add3A_768 : i32
          %dma_start3A_770 = arith.constant 0 : i32
          %dma_start3A_771 = tpu.memref_slice %arg10[%add3A_769, %dma_start3A_770] : memref<64x32xf32, #tpu.memory_space<vmem>> -> memref<1x32xf32, #tpu.memory_space<vmem>>
          %dma_start3A_772 = arith.constant 0 : i32
          %dma_start3A_773 = tpu.memref_slice %arg4[%squeeze3A_753, %dma_start3A_772] : memref<1000000x32xf32, #tpu.memory_space<hbm>> -> memref<1x32xf32, #tpu.memory_space<hbm>>
          %dma_start3A_774 = arith.constant 0 : i32
          %dma_start3A_775 = tpu.memref_slice %arg10[%add3A_769, %dma_start3A_774] : memref<64x32xf32, #tpu.memory_space<vmem>> -> memref<1x32xf32, #tpu.memory_space<vmem>>
          %dma_start3A_776 = arith.constant 0 : i32
          %dma_start3A_777 = tpu.memref_slice %arg4[%squeeze3A_753, %dma_start3A_776] : memref<1000000x32xf32, #tpu.memory_space<hbm>> -> memref<1x32xf32, #tpu.memory_space<hbm>>
          tpu.enqueue_dma source(%dma_start3A_777 : memref<1x32xf32, #tpu.memory_space<hbm>>) target(%dma_start3A_775 : memref<1x32xf32, #tpu.memory_space<vmem>>) target_semaphore(%arg18 : memref<!tpu.dma_semaphore, #tpu.memory_space<semaphore_mem>>)
          %mul3A_778 = arith.constant 16 : i32
          %mul3A_779 = arith.muli %scan3A_248, %mul3A_778 : i32
          %add3A_780 = arith.constant 10 : i32
          %add3A_781 = arith.addi %mul3A_779, %add3A_780 : i32
          %dma_start3A_782 = arith.constant 0 : i32
          %dma_start3A_783 = tpu.memref_slice %arg11[%add3A_781, %dma_start3A_782] : memref<64x32xf32, #tpu.memory_space<vmem>> -> memref<1x32xf32, #tpu.memory_space<vmem>>
          %dma_start3A_784 = arith.constant 0 : i32
          %dma_start3A_785 = tpu.memref_slice %arg5[%squeeze3A_753, %dma_start3A_784] : memref<1000000x32xf32, #tpu.memory_space<hbm>> -> memref<1x32xf32, #tpu.memory_space<hbm>>
          %dma_start3A_786 = arith.constant 0 : i32
          %dma_start3A_787 = tpu.memref_slice %arg11[%add3A_781, %dma_start3A_786] : memref<64x32xf32, #tpu.memory_space<vmem>> -> memref<1x32xf32, #tpu.memory_space<vmem>>
          %dma_start3A_788 = arith.constant 0 : i32
          %dma_start3A_789 = tpu.memref_slice %arg5[%squeeze3A_753, %dma_start3A_788] : memref<1000000x32xf32, #tpu.memory_space<hbm>> -> memref<1x32xf32, #tpu.memory_space<hbm>>
          tpu.enqueue_dma source(%dma_start3A_789 : memref<1x32xf32, #tpu.memory_space<hbm>>) target(%dma_start3A_787 : memref<1x32xf32, #tpu.memory_space<vmem>>) target_semaphore(%arg18 : memref<!tpu.dma_semaphore, #tpu.memory_space<semaphore_mem>>)
          %mul3A_790 = arith.constant 16 : i32
          %mul3A_791 = arith.muli %scan3A_248, %mul3A_790 : i32
          %add3A_792 = arith.constant 10 : i32
          %add3A_793 = arith.addi %mul3A_791, %add3A_792 : i32
          %dma_start3A_794 = arith.constant 0 : i32
          %dma_start3A_795 = tpu.memref_slice %arg12[%add3A_793, %dma_start3A_794] : memref<64x32xf32, #tpu.memory_space<vmem>> -> memref<1x32xf32, #tpu.memory_space<vmem>>
          %dma_start3A_796 = arith.constant 0 : i32
          %dma_start3A_797 = tpu.memref_slice %arg6[%squeeze3A_753, %dma_start3A_796] : memref<1000000x32xf32, #tpu.memory_space<hbm>> -> memref<1x32xf32, #tpu.memory_space<hbm>>
          %dma_start3A_798 = arith.constant 0 : i32
          %dma_start3A_799 = tpu.memref_slice %arg12[%add3A_793, %dma_start3A_798] : memref<64x32xf32, #tpu.memory_space<vmem>> -> memref<1x32xf32, #tpu.memory_space<vmem>>
          %dma_start3A_800 = arith.constant 0 : i32
          %dma_start3A_801 = tpu.memref_slice %arg6[%squeeze3A_753, %dma_start3A_800] : memref<1000000x32xf32, #tpu.memory_space<hbm>> -> memref<1x32xf32, #tpu.memory_space<hbm>>
          tpu.enqueue_dma source(%dma_start3A_801 : memref<1x32xf32, #tpu.memory_space<hbm>>) target(%dma_start3A_799 : memref<1x32xf32, #tpu.memory_space<vmem>>) target_semaphore(%arg18 : memref<!tpu.dma_semaphore, #tpu.memory_space<semaphore_mem>>)
          %slice3A_802 = vector.extract_strided_slice %get3A_253 {offsets = [11], sizes = [1], strides = [1]} : vector<16xi32> to vector<1xi32>
          %squeeze3A_803 = vector.extract %slice3A_802[0] : i32 from vector<1xi32>
          %mul3A_804 = arith.constant 16 : i32
          %mul3A_805 = arith.muli %scan3A_248, %mul3A_804 : i32
          %add3A_806 = arith.constant 11 : i32
          %add3A_807 = arith.addi %mul3A_805, %add3A_806 : i32
          %dma_start3A_808 = arith.constant 0 : i32
          %dma_start3A_809 = tpu.memref_slice %arg9[%add3A_807, %dma_start3A_808] : memref<64x32xf32, #tpu.memory_space<vmem>> -> memref<1x32xf32, #tpu.memory_space<vmem>>
          %dma_start3A_810 = arith.constant 0 : i32
          %dma_start3A_811 = tpu.memref_slice %arg3[%squeeze3A_803, %dma_start3A_810] : memref<1000000x32xf32, #tpu.memory_space<hbm>> -> memref<1x32xf32, #tpu.memory_space<hbm>>
          %dma_start3A_812 = arith.constant 0 : i32
          %dma_start3A_813 = tpu.memref_slice %arg9[%add3A_807, %dma_start3A_812] : memref<64x32xf32, #tpu.memory_space<vmem>> -> memref<1x32xf32, #tpu.memory_space<vmem>>
          %dma_start3A_814 = arith.constant 0 : i32
          %dma_start3A_815 = tpu.memref_slice %arg3[%squeeze3A_803, %dma_start3A_814] : memref<1000000x32xf32, #tpu.memory_space<hbm>> -> memref<1x32xf32, #tpu.memory_space<hbm>>
          tpu.enqueue_dma source(%dma_start3A_815 : memref<1x32xf32, #tpu.memory_space<hbm>>) target(%dma_start3A_813 : memref<1x32xf32, #tpu.memory_space<vmem>>) target_semaphore(%arg18 : memref<!tpu.dma_semaphore, #tpu.memory_space<semaphore_mem>>)
          %mul3A_816 = arith.constant 16 : i32
          %mul3A_817 = arith.muli %scan3A_248, %mul3A_816 : i32
          %add3A_818 = arith.constant 11 : i32
          %add3A_819 = arith.addi %mul3A_817, %add3A_818 : i32
          %dma_start3A_820 = arith.constant 0 : i32
          %dma_start3A_821 = tpu.memref_slice %arg10[%add3A_819, %dma_start3A_820] : memref<64x32xf32, #tpu.memory_space<vmem>> -> memref<1x32xf32, #tpu.memory_space<vmem>>
          %dma_start3A_822 = arith.constant 0 : i32
          %dma_start3A_823 = tpu.memref_slice %arg4[%squeeze3A_803, %dma_start3A_822] : memref<1000000x32xf32, #tpu.memory_space<hbm>> -> memref<1x32xf32, #tpu.memory_space<hbm>>
          %dma_start3A_824 = arith.constant 0 : i32
          %dma_start3A_825 = tpu.memref_slice %arg10[%add3A_819, %dma_start3A_824] : memref<64x32xf32, #tpu.memory_space<vmem>> -> memref<1x32xf32, #tpu.memory_space<vmem>>
          %dma_start3A_826 = arith.constant 0 : i32
          %dma_start3A_827 = tpu.memref_slice %arg4[%squeeze3A_803, %dma_start3A_826] : memref<1000000x32xf32, #tpu.memory_space<hbm>> -> memref<1x32xf32, #tpu.memory_space<hbm>>
          tpu.enqueue_dma source(%dma_start3A_827 : memref<1x32xf32, #tpu.memory_space<hbm>>) target(%dma_start3A_825 : memref<1x32xf32, #tpu.memory_space<vmem>>) target_semaphore(%arg18 : memref<!tpu.dma_semaphore, #tpu.memory_space<semaphore_mem>>)
          %mul3A_828 = arith.constant 16 : i32
          %mul3A_829 = arith.muli %scan3A_248, %mul3A_828 : i32
          %add3A_830 = arith.constant 11 : i32
          %add3A_831 = arith.addi %mul3A_829, %add3A_830 : i32
          %dma_start3A_832 = arith.constant 0 : i32
          %dma_start3A_833 = tpu.memref_slice %arg11[%add3A_831, %dma_start3A_832] : memref<64x32xf32, #tpu.memory_space<vmem>> -> memref<1x32xf32, #tpu.memory_space<vmem>>
          %dma_start3A_834 = arith.constant 0 : i32
          %dma_start3A_835 = tpu.memref_slice %arg5[%squeeze3A_803, %dma_start3A_834] : memref<1000000x32xf32, #tpu.memory_space<hbm>> -> memref<1x32xf32, #tpu.memory_space<hbm>>
          %dma_start3A_836 = arith.constant 0 : i32
          %dma_start3A_837 = tpu.memref_slice %arg11[%add3A_831, %dma_start3A_836] : memref<64x32xf32, #tpu.memory_space<vmem>> -> memref<1x32xf32, #tpu.memory_space<vmem>>
          %dma_start3A_838 = arith.constant 0 : i32
          %dma_start3A_839 = tpu.memref_slice %arg5[%squeeze3A_803, %dma_start3A_838] : memref<1000000x32xf32, #tpu.memory_space<hbm>> -> memref<1x32xf32, #tpu.memory_space<hbm>>
          tpu.enqueue_dma source(%dma_start3A_839 : memref<1x32xf32, #tpu.memory_space<hbm>>) target(%dma_start3A_837 : memref<1x32xf32, #tpu.memory_space<vmem>>) target_semaphore(%arg18 : memref<!tpu.dma_semaphore, #tpu.memory_space<semaphore_mem>>)
          %mul3A_840 = arith.constant 16 : i32
          %mul3A_841 = arith.muli %scan3A_248, %mul3A_840 : i32
          %add3A_842 = arith.constant 11 : i32
          %add3A_843 = arith.addi %mul3A_841, %add3A_842 : i32
          %dma_start3A_844 = arith.constant 0 : i32
          %dma_start3A_845 = tpu.memref_slice %arg12[%add3A_843, %dma_start3A_844] : memref<64x32xf32, #tpu.memory_space<vmem>> -> memref<1x32xf32, #tpu.memory_space<vmem>>
          %dma_start3A_846 = arith.constant 0 : i32
          %dma_start3A_847 = tpu.memref_slice %arg6[%squeeze3A_803, %dma_start3A_846] : memref<1000000x32xf32, #tpu.memory_space<hbm>> -> memref<1x32xf32, #tpu.memory_space<hbm>>
          %dma_start3A_848 = arith.constant 0 : i32
          %dma_start3A_849 = tpu.memref_slice %arg12[%add3A_843, %dma_start3A_848] : memref<64x32xf32, #tpu.memory_space<vmem>> -> memref<1x32xf32, #tpu.memory_space<vmem>>
          %dma_start3A_850 = arith.constant 0 : i32
          %dma_start3A_851 = tpu.memref_slice %arg6[%squeeze3A_803, %dma_start3A_850] : memref<1000000x32xf32, #tpu.memory_space<hbm>> -> memref<1x32xf32, #tpu.memory_space<hbm>>
          tpu.enqueue_dma source(%dma_start3A_851 : memref<1x32xf32, #tpu.memory_space<hbm>>) target(%dma_start3A_849 : memref<1x32xf32, #tpu.memory_space<vmem>>) target_semaphore(%arg18 : memref<!tpu.dma_semaphore, #tpu.memory_space<semaphore_mem>>)
          %slice3A_852 = vector.extract_strided_slice %get3A_253 {offsets = [12], sizes = [1], strides = [1]} : vector<16xi32> to vector<1xi32>
          %squeeze3A_853 = vector.extract %slice3A_852[0] : i32 from vector<1xi32>
          %mul3A_854 = arith.constant 16 : i32
          %mul3A_855 = arith.muli %scan3A_248, %mul3A_854 : i32
          %add3A_856 = arith.constant 12 : i32
          %add3A_857 = arith.addi %mul3A_855, %add3A_856 : i32
          %dma_start3A_858 = arith.constant 0 : i32
          %dma_start3A_859 = tpu.memref_slice %arg9[%add3A_857, %dma_start3A_858] : memref<64x32xf32, #tpu.memory_space<vmem>> -> memref<1x32xf32, #tpu.memory_space<vmem>>
          %dma_start3A_860 = arith.constant 0 : i32
          %dma_start3A_861 = tpu.memref_slice %arg3[%squeeze3A_853, %dma_start3A_860] : memref<1000000x32xf32, #tpu.memory_space<hbm>> -> memref<1x32xf32, #tpu.memory_space<hbm>>
          %dma_start3A_862 = arith.constant 0 : i32
          %dma_start3A_863 = tpu.memref_slice %arg9[%add3A_857, %dma_start3A_862] : memref<64x32xf32, #tpu.memory_space<vmem>> -> memref<1x32xf32, #tpu.memory_space<vmem>>
          %dma_start3A_864 = arith.constant 0 : i32
          %dma_start3A_865 = tpu.memref_slice %arg3[%squeeze3A_853, %dma_start3A_864] : memref<1000000x32xf32, #tpu.memory_space<hbm>> -> memref<1x32xf32, #tpu.memory_space<hbm>>
          tpu.enqueue_dma source(%dma_start3A_865 : memref<1x32xf32, #tpu.memory_space<hbm>>) target(%dma_start3A_863 : memref<1x32xf32, #tpu.memory_space<vmem>>) target_semaphore(%arg18 : memref<!tpu.dma_semaphore, #tpu.memory_space<semaphore_mem>>)
          %mul3A_866 = arith.constant 16 : i32
          %mul3A_867 = arith.muli %scan3A_248, %mul3A_866 : i32
          %add3A_868 = arith.constant 12 : i32
          %add3A_869 = arith.addi %mul3A_867, %add3A_868 : i32
          %dma_start3A_870 = arith.constant 0 : i32
          %dma_start3A_871 = tpu.memref_slice %arg10[%add3A_869, %dma_start3A_870] : memref<64x32xf32, #tpu.memory_space<vmem>> -> memref<1x32xf32, #tpu.memory_space<vmem>>
          %dma_start3A_872 = arith.constant 0 : i32
          %dma_start3A_873 = tpu.memref_slice %arg4[%squeeze3A_853, %dma_start3A_872] : memref<1000000x32xf32, #tpu.memory_space<hbm>> -> memref<1x32xf32, #tpu.memory_space<hbm>>
          %dma_start3A_874 = arith.constant 0 : i32
          %dma_start3A_875 = tpu.memref_slice %arg10[%add3A_869, %dma_start3A_874] : memref<64x32xf32, #tpu.memory_space<vmem>> -> memref<1x32xf32, #tpu.memory_space<vmem>>
          %dma_start3A_876 = arith.constant 0 : i32
          %dma_start3A_877 = tpu.memref_slice %arg4[%squeeze3A_853, %dma_start3A_876] : memref<1000000x32xf32, #tpu.memory_space<hbm>> -> memref<1x32xf32, #tpu.memory_space<hbm>>
          tpu.enqueue_dma source(%dma_start3A_877 : memref<1x32xf32, #tpu.memory_space<hbm>>) target(%dma_start3A_875 : memref<1x32xf32, #tpu.memory_space<vmem>>) target_semaphore(%arg18 : memref<!tpu.dma_semaphore, #tpu.memory_space<semaphore_mem>>)
          %mul3A_878 = arith.constant 16 : i32
          %mul3A_879 = arith.muli %scan3A_248, %mul3A_878 : i32
          %add3A_880 = arith.constant 12 : i32
          %add3A_881 = arith.addi %mul3A_879, %add3A_880 : i32
          %dma_start3A_882 = arith.constant 0 : i32
          %dma_start3A_883 = tpu.memref_slice %arg11[%add3A_881, %dma_start3A_882] : memref<64x32xf32, #tpu.memory_space<vmem>> -> memref<1x32xf32, #tpu.memory_space<vmem>>
          %dma_start3A_884 = arith.constant 0 : i32
          %dma_start3A_885 = tpu.memref_slice %arg5[%squeeze3A_853, %dma_start3A_884] : memref<1000000x32xf32, #tpu.memory_space<hbm>> -> memref<1x32xf32, #tpu.memory_space<hbm>>
          %dma_start3A_886 = arith.constant 0 : i32
          %dma_start3A_887 = tpu.memref_slice %arg11[%add3A_881, %dma_start3A_886] : memref<64x32xf32, #tpu.memory_space<vmem>> -> memref<1x32xf32, #tpu.memory_space<vmem>>
          %dma_start3A_888 = arith.constant 0 : i32
          %dma_start3A_889 = tpu.memref_slice %arg5[%squeeze3A_853, %dma_start3A_888] : memref<1000000x32xf32, #tpu.memory_space<hbm>> -> memref<1x32xf32, #tpu.memory_space<hbm>>
          tpu.enqueue_dma source(%dma_start3A_889 : memref<1x32xf32, #tpu.memory_space<hbm>>) target(%dma_start3A_887 : memref<1x32xf32, #tpu.memory_space<vmem>>) target_semaphore(%arg18 : memref<!tpu.dma_semaphore, #tpu.memory_space<semaphore_mem>>)
          %mul3A_890 = arith.constant 16 : i32
          %mul3A_891 = arith.muli %scan3A_248, %mul3A_890 : i32
          %add3A_892 = arith.constant 12 : i32
          %add3A_893 = arith.addi %mul3A_891, %add3A_892 : i32
          %dma_start3A_894 = arith.constant 0 : i32
          %dma_start3A_895 = tpu.memref_slice %arg12[%add3A_893, %dma_start3A_894] : memref<64x32xf32, #tpu.memory_space<vmem>> -> memref<1x32xf32, #tpu.memory_space<vmem>>
          %dma_start3A_896 = arith.constant 0 : i32
          %dma_start3A_897 = tpu.memref_slice %arg6[%squeeze3A_853, %dma_start3A_896] : memref<1000000x32xf32, #tpu.memory_space<hbm>> -> memref<1x32xf32, #tpu.memory_space<hbm>>
          %dma_start3A_898 = arith.constant 0 : i32
          %dma_start3A_899 = tpu.memref_slice %arg12[%add3A_893, %dma_start3A_898] : memref<64x32xf32, #tpu.memory_space<vmem>> -> memref<1x32xf32, #tpu.memory_space<vmem>>
          %dma_start3A_900 = arith.constant 0 : i32
          %dma_start3A_901 = tpu.memref_slice %arg6[%squeeze3A_853, %dma_start3A_900] : memref<1000000x32xf32, #tpu.memory_space<hbm>> -> memref<1x32xf32, #tpu.memory_space<hbm>>
          tpu.enqueue_dma source(%dma_start3A_901 : memref<1x32xf32, #tpu.memory_space<hbm>>) target(%dma_start3A_899 : memref<1x32xf32, #tpu.memory_space<vmem>>) target_semaphore(%arg18 : memref<!tpu.dma_semaphore, #tpu.memory_space<semaphore_mem>>)
          %slice3A_902 = vector.extract_strided_slice %get3A_253 {offsets = [13], sizes = [1], strides = [1]} : vector<16xi32> to vector<1xi32>
          %squeeze3A_903 = vector.extract %slice3A_902[0] : i32 from vector<1xi32>
          %mul3A_904 = arith.constant 16 : i32
          %mul3A_905 = arith.muli %scan3A_248, %mul3A_904 : i32
          %add3A_906 = arith.constant 13 : i32
          %add3A_907 = arith.addi %mul3A_905, %add3A_906 : i32
          %dma_start3A_908 = arith.constant 0 : i32
          %dma_start3A_909 = tpu.memref_slice %arg9[%add3A_907, %dma_start3A_908] : memref<64x32xf32, #tpu.memory_space<vmem>> -> memref<1x32xf32, #tpu.memory_space<vmem>>
          %dma_start3A_910 = arith.constant 0 : i32
          %dma_start3A_911 = tpu.memref_slice %arg3[%squeeze3A_903, %dma_start3A_910] : memref<1000000x32xf32, #tpu.memory_space<hbm>> -> memref<1x32xf32, #tpu.memory_space<hbm>>
          %dma_start3A_912 = arith.constant 0 : i32
          %dma_start3A_913 = tpu.memref_slice %arg9[%add3A_907, %dma_start3A_912] : memref<64x32xf32, #tpu.memory_space<vmem>> -> memref<1x32xf32, #tpu.memory_space<vmem>>
          %dma_start3A_914 = arith.constant 0 : i32
          %dma_start3A_915 = tpu.memref_slice %arg3[%squeeze3A_903, %dma_start3A_914] : memref<1000000x32xf32, #tpu.memory_space<hbm>> -> memref<1x32xf32, #tpu.memory_space<hbm>>
          tpu.enqueue_dma source(%dma_start3A_915 : memref<1x32xf32, #tpu.memory_space<hbm>>) target(%dma_start3A_913 : memref<1x32xf32, #tpu.memory_space<vmem>>) target_semaphore(%arg18 : memref<!tpu.dma_semaphore, #tpu.memory_space<semaphore_mem>>)
          %mul3A_916 = arith.constant 16 : i32
          %mul3A_917 = arith.muli %scan3A_248, %mul3A_916 : i32
          %add3A_918 = arith.constant 13 : i32
          %add3A_919 = arith.addi %mul3A_917, %add3A_918 : i32
          %dma_start3A_920 = arith.constant 0 : i32
          %dma_start3A_921 = tpu.memref_slice %arg10[%add3A_919, %dma_start3A_920] : memref<64x32xf32, #tpu.memory_space<vmem>> -> memref<1x32xf32, #tpu.memory_space<vmem>>
          %dma_start3A_922 = arith.constant 0 : i32
          %dma_start3A_923 = tpu.memref_slice %arg4[%squeeze3A_903, %dma_start3A_922] : memref<1000000x32xf32, #tpu.memory_space<hbm>> -> memref<1x32xf32, #tpu.memory_space<hbm>>
          %dma_start3A_924 = arith.constant 0 : i32
          %dma_start3A_925 = tpu.memref_slice %arg10[%add3A_919, %dma_start3A_924] : memref<64x32xf32, #tpu.memory_space<vmem>> -> memref<1x32xf32, #tpu.memory_space<vmem>>
          %dma_start3A_926 = arith.constant 0 : i32
          %dma_start3A_927 = tpu.memref_slice %arg4[%squeeze3A_903, %dma_start3A_926] : memref<1000000x32xf32, #tpu.memory_space<hbm>> -> memref<1x32xf32, #tpu.memory_space<hbm>>
          tpu.enqueue_dma source(%dma_start3A_927 : memref<1x32xf32, #tpu.memory_space<hbm>>) target(%dma_start3A_925 : memref<1x32xf32, #tpu.memory_space<vmem>>) target_semaphore(%arg18 : memref<!tpu.dma_semaphore, #tpu.memory_space<semaphore_mem>>)
          %mul3A_928 = arith.constant 16 : i32
          %mul3A_929 = arith.muli %scan3A_248, %mul3A_928 : i32
          %add3A_930 = arith.constant 13 : i32
          %add3A_931 = arith.addi %mul3A_929, %add3A_930 : i32
          %dma_start3A_932 = arith.constant 0 : i32
          %dma_start3A_933 = tpu.memref_slice %arg11[%add3A_931, %dma_start3A_932] : memref<64x32xf32, #tpu.memory_space<vmem>> -> memref<1x32xf32, #tpu.memory_space<vmem>>
          %dma_start3A_934 = arith.constant 0 : i32
          %dma_start3A_935 = tpu.memref_slice %arg5[%squeeze3A_903, %dma_start3A_934] : memref<1000000x32xf32, #tpu.memory_space<hbm>> -> memref<1x32xf32, #tpu.memory_space<hbm>>
          %dma_start3A_936 = arith.constant 0 : i32
          %dma_start3A_937 = tpu.memref_slice %arg11[%add3A_931, %dma_start3A_936] : memref<64x32xf32, #tpu.memory_space<vmem>> -> memref<1x32xf32, #tpu.memory_space<vmem>>
          %dma_start3A_938 = arith.constant 0 : i32
          %dma_start3A_939 = tpu.memref_slice %arg5[%squeeze3A_903, %dma_start3A_938] : memref<1000000x32xf32, #tpu.memory_space<hbm>> -> memref<1x32xf32, #tpu.memory_space<hbm>>
          tpu.enqueue_dma source(%dma_start3A_939 : memref<1x32xf32, #tpu.memory_space<hbm>>) target(%dma_start3A_937 : memref<1x32xf32, #tpu.memory_space<vmem>>) target_semaphore(%arg18 : memref<!tpu.dma_semaphore, #tpu.memory_space<semaphore_mem>>)
          %mul3A_940 = arith.constant 16 : i32
          %mul3A_941 = arith.muli %scan3A_248, %mul3A_940 : i32
          %add3A_942 = arith.constant 13 : i32
          %add3A_943 = arith.addi %mul3A_941, %add3A_942 : i32
          %dma_start3A_944 = arith.constant 0 : i32
          %dma_start3A_945 = tpu.memref_slice %arg12[%add3A_943, %dma_start3A_944] : memref<64x32xf32, #tpu.memory_space<vmem>> -> memref<1x32xf32, #tpu.memory_space<vmem>>
          %dma_start3A_946 = arith.constant 0 : i32
          %dma_start3A_947 = tpu.memref_slice %arg6[%squeeze3A_903, %dma_start3A_946] : memref<1000000x32xf32, #tpu.memory_space<hbm>> -> memref<1x32xf32, #tpu.memory_space<hbm>>
          %dma_start3A_948 = arith.constant 0 : i32
          %dma_start3A_949 = tpu.memref_slice %arg12[%add3A_943, %dma_start3A_948] : memref<64x32xf32, #tpu.memory_space<vmem>> -> memref<1x32xf32, #tpu.memory_space<vmem>>
          %dma_start3A_950 = arith.constant 0 : i32
          %dma_start3A_951 = tpu.memref_slice %arg6[%squeeze3A_903, %dma_start3A_950] : memref<1000000x32xf32, #tpu.memory_space<hbm>> -> memref<1x32xf32, #tpu.memory_space<hbm>>
          tpu.enqueue_dma source(%dma_start3A_951 : memref<1x32xf32, #tpu.memory_space<hbm>>) target(%dma_start3A_949 : memref<1x32xf32, #tpu.memory_space<vmem>>) target_semaphore(%arg18 : memref<!tpu.dma_semaphore, #tpu.memory_space<semaphore_mem>>)
          %slice3A_952 = vector.extract_strided_slice %get3A_253 {offsets = [14], sizes = [1], strides = [1]} : vector<16xi32> to vector<1xi32>
          %squeeze3A_953 = vector.extract %slice3A_952[0] : i32 from vector<1xi32>
          %mul3A_954 = arith.constant 16 : i32
          %mul3A_955 = arith.muli %scan3A_248, %mul3A_954 : i32
          %add3A_956 = arith.constant 14 : i32
          %add3A_957 = arith.addi %mul3A_955, %add3A_956 : i32
          %dma_start3A_958 = arith.constant 0 : i32
          %dma_start3A_959 = tpu.memref_slice %arg9[%add3A_957, %dma_start3A_958] : memref<64x32xf32, #tpu.memory_space<vmem>> -> memref<1x32xf32, #tpu.memory_space<vmem>>
          %dma_start3A_960 = arith.constant 0 : i32
          %dma_start3A_961 = tpu.memref_slice %arg3[%squeeze3A_953, %dma_start3A_960] : memref<1000000x32xf32, #tpu.memory_space<hbm>> -> memref<1x32xf32, #tpu.memory_space<hbm>>
          %dma_start3A_962 = arith.constant 0 : i32
          %dma_start3A_963 = tpu.memref_slice %arg9[%add3A_957, %dma_start3A_962] : memref<64x32xf32, #tpu.memory_space<vmem>> -> memref<1x32xf32, #tpu.memory_space<vmem>>
          %dma_start3A_964 = arith.constant 0 : i32
          %dma_start3A_965 = tpu.memref_slice %arg3[%squeeze3A_953, %dma_start3A_964] : memref<1000000x32xf32, #tpu.memory_space<hbm>> -> memref<1x32xf32, #tpu.memory_space<hbm>>
          tpu.enqueue_dma source(%dma_start3A_965 : memref<1x32xf32, #tpu.memory_space<hbm>>) target(%dma_start3A_963 : memref<1x32xf32, #tpu.memory_space<vmem>>) target_semaphore(%arg18 : memref<!tpu.dma_semaphore, #tpu.memory_space<semaphore_mem>>)
          %mul3A_966 = arith.constant 16 : i32
          %mul3A_967 = arith.muli %scan3A_248, %mul3A_966 : i32
          %add3A_968 = arith.constant 14 : i32
          %add3A_969 = arith.addi %mul3A_967, %add3A_968 : i32
          %dma_start3A_970 = arith.constant 0 : i32
          %dma_start3A_971 = tpu.memref_slice %arg10[%add3A_969, %dma_start3A_970] : memref<64x32xf32, #tpu.memory_space<vmem>> -> memref<1x32xf32, #tpu.memory_space<vmem>>
          %dma_start3A_972 = arith.constant 0 : i32
          %dma_start3A_973 = tpu.memref_slice %arg4[%squeeze3A_953, %dma_start3A_972] : memref<1000000x32xf32, #tpu.memory_space<hbm>> -> memref<1x32xf32, #tpu.memory_space<hbm>>
          %dma_start3A_974 = arith.constant 0 : i32
          %dma_start3A_975 = tpu.memref_slice %arg10[%add3A_969, %dma_start3A_974] : memref<64x32xf32, #tpu.memory_space<vmem>> -> memref<1x32xf32, #tpu.memory_space<vmem>>
          %dma_start3A_976 = arith.constant 0 : i32
          %dma_start3A_977 = tpu.memref_slice %arg4[%squeeze3A_953, %dma_start3A_976] : memref<1000000x32xf32, #tpu.memory_space<hbm>> -> memref<1x32xf32, #tpu.memory_space<hbm>>
          tpu.enqueue_dma source(%dma_start3A_977 : memref<1x32xf32, #tpu.memory_space<hbm>>) target(%dma_start3A_975 : memref<1x32xf32, #tpu.memory_space<vmem>>) target_semaphore(%arg18 : memref<!tpu.dma_semaphore, #tpu.memory_space<semaphore_mem>>)
          %mul3A_978 = arith.constant 16 : i32
          %mul3A_979 = arith.muli %scan3A_248, %mul3A_978 : i32
          %add3A_980 = arith.constant 14 : i32
          %add3A_981 = arith.addi %mul3A_979, %add3A_980 : i32
          %dma_start3A_982 = arith.constant 0 : i32
          %dma_start3A_983 = tpu.memref_slice %arg11[%add3A_981, %dma_start3A_982] : memref<64x32xf32, #tpu.memory_space<vmem>> -> memref<1x32xf32, #tpu.memory_space<vmem>>
          %dma_start3A_984 = arith.constant 0 : i32
          %dma_start3A_985 = tpu.memref_slice %arg5[%squeeze3A_953, %dma_start3A_984] : memref<1000000x32xf32, #tpu.memory_space<hbm>> -> memref<1x32xf32, #tpu.memory_space<hbm>>
          %dma_start3A_986 = arith.constant 0 : i32
          %dma_start3A_987 = tpu.memref_slice %arg11[%add3A_981, %dma_start3A_986] : memref<64x32xf32, #tpu.memory_space<vmem>> -> memref<1x32xf32, #tpu.memory_space<vmem>>
          %dma_start3A_988 = arith.constant 0 : i32
          %dma_start3A_989 = tpu.memref_slice %arg5[%squeeze3A_953, %dma_start3A_988] : memref<1000000x32xf32, #tpu.memory_space<hbm>> -> memref<1x32xf32, #tpu.memory_space<hbm>>
          tpu.enqueue_dma source(%dma_start3A_989 : memref<1x32xf32, #tpu.memory_space<hbm>>) target(%dma_start3A_987 : memref<1x32xf32, #tpu.memory_space<vmem>>) target_semaphore(%arg18 : memref<!tpu.dma_semaphore, #tpu.memory_space<semaphore_mem>>)
          %mul3A_990 = arith.constant 16 : i32
          %mul3A_991 = arith.muli %scan3A_248, %mul3A_990 : i32
          %add3A_992 = arith.constant 14 : i32
          %add3A_993 = arith.addi %mul3A_991, %add3A_992 : i32
          %dma_start3A_994 = arith.constant 0 : i32
          %dma_start3A_995 = tpu.memref_slice %arg12[%add3A_993, %dma_start3A_994] : memref<64x32xf32, #tpu.memory_space<vmem>> -> memref<1x32xf32, #tpu.memory_space<vmem>>
          %dma_start3A_996 = arith.constant 0 : i32
          %dma_start3A_997 = tpu.memref_slice %arg6[%squeeze3A_953, %dma_start3A_996] : memref<1000000x32xf32, #tpu.memory_space<hbm>> -> memref<1x32xf32, #tpu.memory_space<hbm>>
          %dma_start3A_998 = arith.constant 0 : i32
          %dma_start3A_999 = tpu.memref_slice %arg12[%add3A_993, %dma_start3A_998] : memref<64x32xf32, #tpu.memory_space<vmem>> -> memref<1x32xf32, #tpu.memory_space<vmem>>
          %dma_start3A_1000 = arith.constant 0 : i32
          %dma_start3A_1001 = tpu.memref_slice %arg6[%squeeze3A_953, %dma_start3A_1000] : memref<1000000x32xf32, #tpu.memory_space<hbm>> -> memref<1x32xf32, #tpu.memory_space<hbm>>
          tpu.enqueue_dma source(%dma_start3A_1001 : memref<1x32xf32, #tpu.memory_space<hbm>>) target(%dma_start3A_999 : memref<1x32xf32, #tpu.memory_space<vmem>>) target_semaphore(%arg18 : memref<!tpu.dma_semaphore, #tpu.memory_space<semaphore_mem>>)
          %slice3A_1002 = vector.extract_strided_slice %get3A_253 {offsets = [15], sizes = [1], strides = [1]} : vector<16xi32> to vector<1xi32>
          %squeeze3A_1003 = vector.extract %slice3A_1002[0] : i32 from vector<1xi32>
          %mul3A_1004 = arith.constant 16 : i32
          %mul3A_1005 = arith.muli %scan3A_248, %mul3A_1004 : i32
          %add3A_1006 = arith.constant 15 : i32
          %add3A_1007 = arith.addi %mul3A_1005, %add3A_1006 : i32
          %dma_start3A_1008 = arith.constant 0 : i32
          %dma_start3A_1009 = tpu.memref_slice %arg9[%add3A_1007, %dma_start3A_1008] : memref<64x32xf32, #tpu.memory_space<vmem>> -> memref<1x32xf32, #tpu.memory_space<vmem>>
          %dma_start3A_1010 = arith.constant 0 : i32
          %dma_start3A_1011 = tpu.memref_slice %arg3[%squeeze3A_1003, %dma_start3A_1010] : memref<1000000x32xf32, #tpu.memory_space<hbm>> -> memref<1x32xf32, #tpu.memory_space<hbm>>
          %dma_start3A_1012 = arith.constant 0 : i32
          %dma_start3A_1013 = tpu.memref_slice %arg9[%add3A_1007, %dma_start3A_1012] : memref<64x32xf32, #tpu.memory_space<vmem>> -> memref<1x32xf32, #tpu.memory_space<vmem>>
          %dma_start3A_1014 = arith.constant 0 : i32
          %dma_start3A_1015 = tpu.memref_slice %arg3[%squeeze3A_1003, %dma_start3A_1014] : memref<1000000x32xf32, #tpu.memory_space<hbm>> -> memref<1x32xf32, #tpu.memory_space<hbm>>
          tpu.enqueue_dma source(%dma_start3A_1015 : memref<1x32xf32, #tpu.memory_space<hbm>>) target(%dma_start3A_1013 : memref<1x32xf32, #tpu.memory_space<vmem>>) target_semaphore(%arg18 : memref<!tpu.dma_semaphore, #tpu.memory_space<semaphore_mem>>)
          %mul3A_1016 = arith.constant 16 : i32
          %mul3A_1017 = arith.muli %scan3A_248, %mul3A_1016 : i32
          %add3A_1018 = arith.constant 15 : i32
          %add3A_1019 = arith.addi %mul3A_1017, %add3A_1018 : i32
          %dma_start3A_1020 = arith.constant 0 : i32
          %dma_start3A_1021 = tpu.memref_slice %arg10[%add3A_1019, %dma_start3A_1020] : memref<64x32xf32, #tpu.memory_space<vmem>> -> memref<1x32xf32, #tpu.memory_space<vmem>>
          %dma_start3A_1022 = arith.constant 0 : i32
          %dma_start3A_1023 = tpu.memref_slice %arg4[%squeeze3A_1003, %dma_start3A_1022] : memref<1000000x32xf32, #tpu.memory_space<hbm>> -> memref<1x32xf32, #tpu.memory_space<hbm>>
          %dma_start3A_1024 = arith.constant 0 : i32
          %dma_start3A_1025 = tpu.memref_slice %arg10[%add3A_1019, %dma_start3A_1024] : memref<64x32xf32, #tpu.memory_space<vmem>> -> memref<1x32xf32, #tpu.memory_space<vmem>>
          %dma_start3A_1026 = arith.constant 0 : i32
          %dma_start3A_1027 = tpu.memref_slice %arg4[%squeeze3A_1003, %dma_start3A_1026] : memref<1000000x32xf32, #tpu.memory_space<hbm>> -> memref<1x32xf32, #tpu.memory_space<hbm>>
          tpu.enqueue_dma source(%dma_start3A_1027 : memref<1x32xf32, #tpu.memory_space<hbm>>) target(%dma_start3A_1025 : memref<1x32xf32, #tpu.memory_space<vmem>>) target_semaphore(%arg18 : memref<!tpu.dma_semaphore, #tpu.memory_space<semaphore_mem>>)
          %mul3A_1028 = arith.constant 16 : i32
          %mul3A_1029 = arith.muli %scan3A_248, %mul3A_1028 : i32
          %add3A_1030 = arith.constant 15 : i32
          %add3A_1031 = arith.addi %mul3A_1029, %add3A_1030 : i32
          %dma_start3A_1032 = arith.constant 0 : i32
          %dma_start3A_1033 = tpu.memref_slice %arg11[%add3A_1031, %dma_start3A_1032] : memref<64x32xf32, #tpu.memory_space<vmem>> -> memref<1x32xf32, #tpu.memory_space<vmem>>
          %dma_start3A_1034 = arith.constant 0 : i32
          %dma_start3A_1035 = tpu.memref_slice %arg5[%squeeze3A_1003, %dma_start3A_1034] : memref<1000000x32xf32, #tpu.memory_space<hbm>> -> memref<1x32xf32, #tpu.memory_space<hbm>>
          %dma_start3A_1036 = arith.constant 0 : i32
          %dma_start3A_1037 = tpu.memref_slice %arg11[%add3A_1031, %dma_start3A_1036] : memref<64x32xf32, #tpu.memory_space<vmem>> -> memref<1x32xf32, #tpu.memory_space<vmem>>
          %dma_start3A_1038 = arith.constant 0 : i32
          %dma_start3A_1039 = tpu.memref_slice %arg5[%squeeze3A_1003, %dma_start3A_1038] : memref<1000000x32xf32, #tpu.memory_space<hbm>> -> memref<1x32xf32, #tpu.memory_space<hbm>>
          tpu.enqueue_dma source(%dma_start3A_1039 : memref<1x32xf32, #tpu.memory_space<hbm>>) target(%dma_start3A_1037 : memref<1x32xf32, #tpu.memory_space<vmem>>) target_semaphore(%arg18 : memref<!tpu.dma_semaphore, #tpu.memory_space<semaphore_mem>>)
          %mul3A_1040 = arith.constant 16 : i32
          %mul3A_1041 = arith.muli %scan3A_248, %mul3A_1040 : i32
          %add3A_1042 = arith.constant 15 : i32
          %add3A_1043 = arith.addi %mul3A_1041, %add3A_1042 : i32
          %dma_start3A_1044 = arith.constant 0 : i32
          %dma_start3A_1045 = tpu.memref_slice %arg12[%add3A_1043, %dma_start3A_1044] : memref<64x32xf32, #tpu.memory_space<vmem>> -> memref<1x32xf32, #tpu.memory_space<vmem>>
          %dma_start3A_1046 = arith.constant 0 : i32
          %dma_start3A_1047 = tpu.memref_slice %arg6[%squeeze3A_1003, %dma_start3A_1046] : memref<1000000x32xf32, #tpu.memory_space<hbm>> -> memref<1x32xf32, #tpu.memory_space<hbm>>
          %dma_start3A_1048 = arith.constant 0 : i32
          %dma_start3A_1049 = tpu.memref_slice %arg12[%add3A_1043, %dma_start3A_1048] : memref<64x32xf32, #tpu.memory_space<vmem>> -> memref<1x32xf32, #tpu.memory_space<vmem>>
          %dma_start3A_1050 = arith.constant 0 : i32
          %dma_start3A_1051 = tpu.memref_slice %arg6[%squeeze3A_1003, %dma_start3A_1050] : memref<1000000x32xf32, #tpu.memory_space<hbm>> -> memref<1x32xf32, #tpu.memory_space<hbm>>
          tpu.enqueue_dma source(%dma_start3A_1051 : memref<1x32xf32, #tpu.memory_space<hbm>>) target(%dma_start3A_1049 : memref<1x32xf32, #tpu.memory_space<vmem>>) target_semaphore(%arg18 : memref<!tpu.dma_semaphore, #tpu.memory_space<semaphore_mem>>)
        }
        %scan3A_247 = arith.constant 4 : i32
      } else {
      }
      %scan3A_167 = arith.constant 0 : i32
      %scan3A_168 = arith.constant 0 : i32
      %scan3A_169 = arith.constant 64 : i32
      %scan3A_170 = arith.addi %scan3A_168, %scan3A_169 : i32
      %scan3A_171 = arith.constant 4 : i32
      scf.for %scan3A_240 = %scan3A_168 to %scan3A_170 step %scan3A_171  : i32 {
        %add3A_241 = arith.constant 64 : i32
        %add3A_242 = arith.addi %add3A_241, %scan3A_240 : i32
        %broadcast_in_dim3A_243 = vector.broadcast %add3A_242 : i32 to vector<16xi32>
        %get3A = arith.index_cast %scan3A_240 : i32 to index
        %get3A_244 = arith.constant 0 : index
        %get3A_245 = tpu.vector_load %arg13[%get3A, %get3A_244] {strides = array<i32>} : memref<64x32xf32, #tpu.memory_space<vmem>>, vector<16xf32>,
        tpu.vector_store_idx %arg17[%add3A_5, %broadcast_in_dim3A_9, %broadcast_in_dim3A_243], %get3A_245 : memref<32x4x128xf32, #tpu.memory_space<vmem>>[vector<16xi32>, vector<16xi32>, vector<16xi32>], vector<16xf32>,
        %get3A_246 = arith.index_cast %scan3A_240 : i32 to index
        %get3A_247 = arith.constant 16 : index
        %get3A_248 = tpu.vector_load %arg13[%get3A_246, %get3A_247] {strides = array<i32>} : memref<64x32xf32, #tpu.memory_space<vmem>>, vector<16xf32>,
        tpu.vector_store_idx %arg17[%add3A_8, %broadcast_in_dim3A_9, %broadcast_in_dim3A_243], %get3A_248 : memref<32x4x128xf32, #tpu.memory_space<vmem>>[vector<16xi32>, vector<16xi32>, vector<16xi32>], vector<16xf32>,
        %get3A_249 = arith.index_cast %scan3A_240 : i32 to index
        %get3A_250 = arith.constant 0 : index
        %get3A_251 = tpu.vector_load %arg14[%get3A_249, %get3A_250] {strides = array<i32>} : memref<64x32xf32, #tpu.memory_space<vmem>>, vector<16xf32>,
        tpu.vector_store_idx %arg17[%add3A_5, %broadcast_in_dim3A_11, %broadcast_in_dim3A_243], %get3A_251 : memref<32x4x128xf32, #tpu.memory_space<vmem>>[vector<16xi32>, vector<16xi32>, vector<16xi32>], vector<16xf32>,
        %get3A_252 = arith.index_cast %scan3A_240 : i32 to index
        %get3A_253 = arith.constant 16 : index
        %get3A_254 = tpu.vector_load %arg14[%get3A_252, %get3A_253] {strides = array<i32>} : memref<64x32xf32, #tpu.memory_space<vmem>>, vector<16xf32>,
        tpu.vector_store_idx %arg17[%add3A_8, %broadcast_in_dim3A_11, %broadcast_in_dim3A_243], %get3A_254 : memref<32x4x128xf32, #tpu.memory_space<vmem>>[vector<16xi32>, vector<16xi32>, vector<16xi32>], vector<16xf32>,
        %get3A_255 = arith.index_cast %scan3A_240 : i32 to index
        %get3A_256 = arith.constant 0 : index
        %get3A_257 = tpu.vector_load %arg15[%get3A_255, %get3A_256] {strides = array<i32>} : memref<64x32xf32, #tpu.memory_space<vmem>>, vector<16xf32>,
        tpu.vector_store_idx %arg17[%add3A_5, %broadcast_in_dim3A_13, %broadcast_in_dim3A_243], %get3A_257 : memref<32x4x128xf32, #tpu.memory_space<vmem>>[vector<16xi32>, vector<16xi32>, vector<16xi32>], vector<16xf32>,
        %get3A_258 = arith.index_cast %scan3A_240 : i32 to index
        %get3A_259 = arith.constant 16 : index
        %get3A_260 = tpu.vector_load %arg15[%get3A_258, %get3A_259] {strides = array<i32>} : memref<64x32xf32, #tpu.memory_space<vmem>>, vector<16xf32>,
        tpu.vector_store_idx %arg17[%add3A_8, %broadcast_in_dim3A_13, %broadcast_in_dim3A_243], %get3A_260 : memref<32x4x128xf32, #tpu.memory_space<vmem>>[vector<16xi32>, vector<16xi32>, vector<16xi32>], vector<16xf32>,
        %get3A_261 = arith.index_cast %scan3A_240 : i32 to index
        %get3A_262 = arith.constant 0 : index
        %get3A_263 = tpu.vector_load %arg16[%get3A_261, %get3A_262] {strides = array<i32>} : memref<64x32xf32, #tpu.memory_space<vmem>>, vector<16xf32>,
        tpu.vector_store_idx %arg17[%add3A_5, %broadcast_in_dim3A_15, %broadcast_in_dim3A_243], %get3A_263 : memref<32x4x128xf32, #tpu.memory_space<vmem>>[vector<16xi32>, vector<16xi32>, vector<16xi32>], vector<16xf32>,
        %get3A_264 = arith.index_cast %scan3A_240 : i32 to index
        %get3A_265 = arith.constant 16 : index
        %get3A_266 = tpu.vector_load %arg16[%get3A_264, %get3A_265] {strides = array<i32>} : memref<64x32xf32, #tpu.memory_space<vmem>>, vector<16xf32>,
        tpu.vector_store_idx %arg17[%add3A_8, %broadcast_in_dim3A_15, %broadcast_in_dim3A_243], %get3A_266 : memref<32x4x128xf32, #tpu.memory_space<vmem>>[vector<16xi32>, vector<16xi32>, vector<16xi32>], vector<16xf32>,
        %scan3A_267 = arith.constant 1 : i32
        %scan3A_268 = arith.addi %scan3A_240, %scan3A_267 : i32
        %add3A_269 = arith.constant 64 : i32
        %add3A_270 = arith.addi %add3A_269, %scan3A_268 : i32
        %broadcast_in_dim3A_271 = vector.broadcast %add3A_270 : i32 to vector<16xi32>
        %get3A_272 = arith.index_cast %scan3A_268 : i32 to index
        %get3A_273 = arith.constant 0 : index
        %get3A_274 = tpu.vector_load %arg13[%get3A_272, %get3A_273] {strides = array<i32>} : memref<64x32xf32, #tpu.memory_space<vmem>>, vector<16xf32>,
        tpu.vector_store_idx %arg17[%add3A_5, %broadcast_in_dim3A_9, %broadcast_in_dim3A_271], %get3A_274 : memref<32x4x128xf32, #tpu.memory_space<vmem>>[vector<16xi32>, vector<16xi32>, vector<16xi32>], vector<16xf32>,
        %get3A_275 = arith.index_cast %scan3A_268 : i32 to index
        %get3A_276 = arith.constant 16 : index
        %get3A_277 = tpu.vector_load %arg13[%get3A_275, %get3A_276] {strides = array<i32>} : memref<64x32xf32, #tpu.memory_space<vmem>>, vector<16xf32>,
        tpu.vector_store_idx %arg17[%add3A_8, %broadcast_in_dim3A_9, %broadcast_in_dim3A_271], %get3A_277 : memref<32x4x128xf32, #tpu.memory_space<vmem>>[vector<16xi32>, vector<16xi32>, vector<16xi32>], vector<16xf32>,
        %get3A_278 = arith.index_cast %scan3A_268 : i32 to index
        %get3A_279 = arith.constant 0 : index
        %get3A_280 = tpu.vector_load %arg14[%get3A_278, %get3A_279] {strides = array<i32>} : memref<64x32xf32, #tpu.memory_space<vmem>>, vector<16xf32>,
        tpu.vector_store_idx %arg17[%add3A_5, %broadcast_in_dim3A_11, %broadcast_in_dim3A_271], %get3A_280 : memref<32x4x128xf32, #tpu.memory_space<vmem>>[vector<16xi32>, vector<16xi32>, vector<16xi32>], vector<16xf32>,
        %get3A_281 = arith.index_cast %scan3A_268 : i32 to index
        %get3A_282 = arith.constant 16 : index
        %get3A_283 = tpu.vector_load %arg14[%get3A_281, %get3A_282] {strides = array<i32>} : memref<64x32xf32, #tpu.memory_space<vmem>>, vector<16xf32>,
        tpu.vector_store_idx %arg17[%add3A_8, %broadcast_in_dim3A_11, %broadcast_in_dim3A_271], %get3A_283 : memref<32x4x128xf32, #tpu.memory_space<vmem>>[vector<16xi32>, vector<16xi32>, vector<16xi32>], vector<16xf32>,
        %get3A_284 = arith.index_cast %scan3A_268 : i32 to index
        %get3A_285 = arith.constant 0 : index
        %get3A_286 = tpu.vector_load %arg15[%get3A_284, %get3A_285] {strides = array<i32>} : memref<64x32xf32, #tpu.memory_space<vmem>>, vector<16xf32>,
        tpu.vector_store_idx %arg17[%add3A_5, %broadcast_in_dim3A_13, %broadcast_in_dim3A_271], %get3A_286 : memref<32x4x128xf32, #tpu.memory_space<vmem>>[vector<16xi32>, vector<16xi32>, vector<16xi32>], vector<16xf32>,
        %get3A_287 = arith.index_cast %scan3A_268 : i32 to index
        %get3A_288 = arith.constant 16 : index
        %get3A_289 = tpu.vector_load %arg15[%get3A_287, %get3A_288] {strides = array<i32>} : memref<64x32xf32, #tpu.memory_space<vmem>>, vector<16xf32>,
        tpu.vector_store_idx %arg17[%add3A_8, %broadcast_in_dim3A_13, %broadcast_in_dim3A_271], %get3A_289 : memref<32x4x128xf32, #tpu.memory_space<vmem>>[vector<16xi32>, vector<16xi32>, vector<16xi32>], vector<16xf32>,
        %get3A_290 = arith.index_cast %scan3A_268 : i32 to index
        %get3A_291 = arith.constant 0 : index
        %get3A_292 = tpu.vector_load %arg16[%get3A_290, %get3A_291] {strides = array<i32>} : memref<64x32xf32, #tpu.memory_space<vmem>>, vector<16xf32>,
        tpu.vector_store_idx %arg17[%add3A_5, %broadcast_in_dim3A_15, %broadcast_in_dim3A_271], %get3A_292 : memref<32x4x128xf32, #tpu.memory_space<vmem>>[vector<16xi32>, vector<16xi32>, vector<16xi32>], vector<16xf32>,
        %get3A_293 = arith.index_cast %scan3A_268 : i32 to index
        %get3A_294 = arith.constant 16 : index
        %get3A_295 = tpu.vector_load %arg16[%get3A_293, %get3A_294] {strides = array<i32>} : memref<64x32xf32, #tpu.memory_space<vmem>>, vector<16xf32>,
        tpu.vector_store_idx %arg17[%add3A_8, %broadcast_in_dim3A_15, %broadcast_in_dim3A_271], %get3A_295 : memref<32x4x128xf32, #tpu.memory_space<vmem>>[vector<16xi32>, vector<16xi32>, vector<16xi32>], vector<16xf32>,
        %scan3A_296 = arith.constant 2 : i32
        %scan3A_297 = arith.addi %scan3A_240, %scan3A_296 : i32
        %add3A_298 = arith.constant 64 : i32
        %add3A_299 = arith.addi %add3A_298, %scan3A_297 : i32
        %broadcast_in_dim3A_300 = vector.broadcast %add3A_299 : i32 to vector<16xi32>
        %get3A_301 = arith.index_cast %scan3A_297 : i32 to index
        %get3A_302 = arith.constant 0 : index
        %get3A_303 = tpu.vector_load %arg13[%get3A_301, %get3A_302] {strides = array<i32>} : memref<64x32xf32, #tpu.memory_space<vmem>>, vector<16xf32>,
        tpu.vector_store_idx %arg17[%add3A_5, %broadcast_in_dim3A_9, %broadcast_in_dim3A_300], %get3A_303 : memref<32x4x128xf32, #tpu.memory_space<vmem>>[vector<16xi32>, vector<16xi32>, vector<16xi32>], vector<16xf32>,
        %get3A_304 = arith.index_cast %scan3A_297 : i32 to index
        %get3A_305 = arith.constant 16 : index
        %get3A_306 = tpu.vector_load %arg13[%get3A_304, %get3A_305] {strides = array<i32>} : memref<64x32xf32, #tpu.memory_space<vmem>>, vector<16xf32>,
        tpu.vector_store_idx %arg17[%add3A_8, %broadcast_in_dim3A_9, %broadcast_in_dim3A_300], %get3A_306 : memref<32x4x128xf32, #tpu.memory_space<vmem>>[vector<16xi32>, vector<16xi32>, vector<16xi32>], vector<16xf32>,
        %get3A_307 = arith.index_cast %scan3A_297 : i32 to index
        %get3A_308 = arith.constant 0 : index
        %get3A_309 = tpu.vector_load %arg14[%get3A_307, %get3A_308] {strides = array<i32>} : memref<64x32xf32, #tpu.memory_space<vmem>>, vector<16xf32>,
        tpu.vector_store_idx %arg17[%add3A_5, %broadcast_in_dim3A_11, %broadcast_in_dim3A_300], %get3A_309 : memref<32x4x128xf32, #tpu.memory_space<vmem>>[vector<16xi32>, vector<16xi32>, vector<16xi32>], vector<16xf32>,
        %get3A_310 = arith.index_cast %scan3A_297 : i32 to index
        %get3A_311 = arith.constant 16 : index
        %get3A_312 = tpu.vector_load %arg14[%get3A_310, %get3A_311] {strides = array<i32>} : memref<64x32xf32, #tpu.memory_space<vmem>>, vector<16xf32>,
        tpu.vector_store_idx %arg17[%add3A_8, %broadcast_in_dim3A_11, %broadcast_in_dim3A_300], %get3A_312 : memref<32x4x128xf32, #tpu.memory_space<vmem>>[vector<16xi32>, vector<16xi32>, vector<16xi32>], vector<16xf32>,
        %get3A_313 = arith.index_cast %scan3A_297 : i32 to index
        %get3A_314 = arith.constant 0 : index
        %get3A_315 = tpu.vector_load %arg15[%get3A_313, %get3A_314] {strides = array<i32>} : memref<64x32xf32, #tpu.memory_space<vmem>>, vector<16xf32>,
        tpu.vector_store_idx %arg17[%add3A_5, %broadcast_in_dim3A_13, %broadcast_in_dim3A_300], %get3A_315 : memref<32x4x128xf32, #tpu.memory_space<vmem>>[vector<16xi32>, vector<16xi32>, vector<16xi32>], vector<16xf32>,
        %get3A_316 = arith.index_cast %scan3A_297 : i32 to index
        %get3A_317 = arith.constant 16 : index
        %get3A_318 = tpu.vector_load %arg15[%get3A_316, %get3A_317] {strides = array<i32>} : memref<64x32xf32, #tpu.memory_space<vmem>>, vector<16xf32>,
        tpu.vector_store_idx %arg17[%add3A_8, %broadcast_in_dim3A_13, %broadcast_in_dim3A_300], %get3A_318 : memref<32x4x128xf32, #tpu.memory_space<vmem>>[vector<16xi32>, vector<16xi32>, vector<16xi32>], vector<16xf32>,
        %get3A_319 = arith.index_cast %scan3A_297 : i32 to index
        %get3A_320 = arith.constant 0 : index
        %get3A_321 = tpu.vector_load %arg16[%get3A_319, %get3A_320] {strides = array<i32>} : memref<64x32xf32, #tpu.memory_space<vmem>>, vector<16xf32>,
        tpu.vector_store_idx %arg17[%add3A_5, %broadcast_in_dim3A_15, %broadcast_in_dim3A_300], %get3A_321 : memref<32x4x128xf32, #tpu.memory_space<vmem>>[vector<16xi32>, vector<16xi32>, vector<16xi32>], vector<16xf32>,
        %get3A_322 = arith.index_cast %scan3A_297 : i32 to index
        %get3A_323 = arith.constant 16 : index
        %get3A_324 = tpu.vector_load %arg16[%get3A_322, %get3A_323] {strides = array<i32>} : memref<64x32xf32, #tpu.memory_space<vmem>>, vector<16xf32>,
        tpu.vector_store_idx %arg17[%add3A_8, %broadcast_in_dim3A_15, %broadcast_in_dim3A_300], %get3A_324 : memref<32x4x128xf32, #tpu.memory_space<vmem>>[vector<16xi32>, vector<16xi32>, vector<16xi32>], vector<16xf32>,
        %scan3A_325 = arith.constant 3 : i32
        %scan3A_326 = arith.addi %scan3A_240, %scan3A_325 : i32
        %add3A_327 = arith.constant 64 : i32
        %add3A_328 = arith.addi %add3A_327, %scan3A_326 : i32
        %broadcast_in_dim3A_329 = vector.broadcast %add3A_328 : i32 to vector<16xi32>
        %get3A_330 = arith.index_cast %scan3A_326 : i32 to index
        %get3A_331 = arith.constant 0 : index
        %get3A_332 = tpu.vector_load %arg13[%get3A_330, %get3A_331] {strides = array<i32>} : memref<64x32xf32, #tpu.memory_space<vmem>>, vector<16xf32>,
        tpu.vector_store_idx %arg17[%add3A_5, %broadcast_in_dim3A_9, %broadcast_in_dim3A_329], %get3A_332 : memref<32x4x128xf32, #tpu.memory_space<vmem>>[vector<16xi32>, vector<16xi32>, vector<16xi32>], vector<16xf32>,
        %get3A_333 = arith.index_cast %scan3A_326 : i32 to index
        %get3A_334 = arith.constant 16 : index
        %get3A_335 = tpu.vector_load %arg13[%get3A_333, %get3A_334] {strides = array<i32>} : memref<64x32xf32, #tpu.memory_space<vmem>>, vector<16xf32>,
        tpu.vector_store_idx %arg17[%add3A_8, %broadcast_in_dim3A_9, %broadcast_in_dim3A_329], %get3A_335 : memref<32x4x128xf32, #tpu.memory_space<vmem>>[vector<16xi32>, vector<16xi32>, vector<16xi32>], vector<16xf32>,
        %get3A_336 = arith.index_cast %scan3A_326 : i32 to index
        %get3A_337 = arith.constant 0 : index
        %get3A_338 = tpu.vector_load %arg14[%get3A_336, %get3A_337] {strides = array<i32>} : memref<64x32xf32, #tpu.memory_space<vmem>>, vector<16xf32>,
        tpu.vector_store_idx %arg17[%add3A_5, %broadcast_in_dim3A_11, %broadcast_in_dim3A_329], %get3A_338 : memref<32x4x128xf32, #tpu.memory_space<vmem>>[vector<16xi32>, vector<16xi32>, vector<16xi32>], vector<16xf32>,
        %get3A_339 = arith.index_cast %scan3A_326 : i32 to index
        %get3A_340 = arith.constant 16 : index
        %get3A_341 = tpu.vector_load %arg14[%get3A_339, %get3A_340] {strides = array<i32>} : memref<64x32xf32, #tpu.memory_space<vmem>>, vector<16xf32>,
        tpu.vector_store_idx %arg17[%add3A_8, %broadcast_in_dim3A_11, %broadcast_in_dim3A_329], %get3A_341 : memref<32x4x128xf32, #tpu.memory_space<vmem>>[vector<16xi32>, vector<16xi32>, vector<16xi32>], vector<16xf32>,
        %get3A_342 = arith.index_cast %scan3A_326 : i32 to index
        %get3A_343 = arith.constant 0 : index
        %get3A_344 = tpu.vector_load %arg15[%get3A_342, %get3A_343] {strides = array<i32>} : memref<64x32xf32, #tpu.memory_space<vmem>>, vector<16xf32>,
        tpu.vector_store_idx %arg17[%add3A_5, %broadcast_in_dim3A_13, %broadcast_in_dim3A_329], %get3A_344 : memref<32x4x128xf32, #tpu.memory_space<vmem>>[vector<16xi32>, vector<16xi32>, vector<16xi32>], vector<16xf32>,
        %get3A_345 = arith.index_cast %scan3A_326 : i32 to index
        %get3A_346 = arith.constant 16 : index
        %get3A_347 = tpu.vector_load %arg15[%get3A_345, %get3A_346] {strides = array<i32>} : memref<64x32xf32, #tpu.memory_space<vmem>>, vector<16xf32>,
        tpu.vector_store_idx %arg17[%add3A_8, %broadcast_in_dim3A_13, %broadcast_in_dim3A_329], %get3A_347 : memref<32x4x128xf32, #tpu.memory_space<vmem>>[vector<16xi32>, vector<16xi32>, vector<16xi32>], vector<16xf32>,
        %get3A_348 = arith.index_cast %scan3A_326 : i32 to index
        %get3A_349 = arith.constant 0 : index
        %get3A_350 = tpu.vector_load %arg16[%get3A_348, %get3A_349] {strides = array<i32>} : memref<64x32xf32, #tpu.memory_space<vmem>>, vector<16xf32>,
        tpu.vector_store_idx %arg17[%add3A_5, %broadcast_in_dim3A_15, %broadcast_in_dim3A_329], %get3A_350 : memref<32x4x128xf32, #tpu.memory_space<vmem>>[vector<16xi32>, vector<16xi32>, vector<16xi32>], vector<16xf32>,
        %get3A_351 = arith.index_cast %scan3A_326 : i32 to index
        %get3A_352 = arith.constant 16 : index
        %get3A_353 = tpu.vector_load %arg16[%get3A_351, %get3A_352] {strides = array<i32>} : memref<64x32xf32, #tpu.memory_space<vmem>>, vector<16xf32>,
        tpu.vector_store_idx %arg17[%add3A_8, %broadcast_in_dim3A_15, %broadcast_in_dim3A_329], %get3A_353 : memref<32x4x128xf32, #tpu.memory_space<vmem>>[vector<16xi32>, vector<16xi32>, vector<16xi32>], vector<16xf32>,
      }
      %scan3A_172 = arith.constant 64 : i32
      %add3A_173 = arith.constant 0 : i32
      %add3A_174 = arith.addi %add3A_173, %multiple_of3A : i32
      %dma_start3A = arith.constant 0 : i32
      %dma_start3A_175 = arith.constant 0 : i32
      %dma_start3A_176 = arith.constant 0 : i32
      %dma_start3A_177 = tpu.memref_slice %arg17[%dma_start3A_175, %dma_start3A, %dma_start3A_176] : memref<32x4x128xf32, #tpu.memory_space<vmem>> -> memref<32x1x128xf32, #tpu.memory_space<vmem>>
      %dma_start3A_178 = tpu.memref_squeeze %dma_start3A_177 : memref<32x1x128xf32, #tpu.memory_space<vmem>> -> memref<32x128xf32, #tpu.memory_space<vmem>>
      %dma_start3A_179 = arith.constant 0 : i32
      %dma_start3A_180 = tpu.memref_slice %arg7[%scan3A_98, %dma_start3A_179, %add3A_174] : memref<50x32x16384xf32, #tpu.memory_space<hbm>> -> memref<1x32x128xf32, #tpu.memory_space<hbm>>
      %dma_start3A_181 = tpu.memref_squeeze %dma_start3A_180 : memref<1x32x128xf32, #tpu.memory_space<hbm>> -> memref<32x128xf32, #tpu.memory_space<hbm>>
      %dma_start3A_182 = arith.constant 0 : i32
      %dma_start3A_183 = tpu.memref_slice %arg7[%scan3A_98, %dma_start3A_182, %add3A_174] : memref<50x32x16384xf32, #tpu.memory_space<hbm>> -> memref<1x32x128xf32, #tpu.memory_space<hbm>>
      %dma_start3A_184 = tpu.memref_squeeze %dma_start3A_183 : memref<1x32x128xf32, #tpu.memory_space<hbm>> -> memref<32x128xf32, #tpu.memory_space<hbm>>
      %dma_start3A_185 = arith.constant 0 : i32
      %dma_start3A_186 = arith.constant 0 : i32
      %dma_start3A_187 = tpu.memref_slice %arg17[%dma_start3A_185, %dma_start3A, %dma_start3A_186] : memref<32x4x128xf32, #tpu.memory_space<vmem>> -> memref<32x1x128xf32, #tpu.memory_space<vmem>>
      %dma_start3A_188 = tpu.memref_squeeze %dma_start3A_187 : memref<32x1x128xf32, #tpu.memory_space<vmem>> -> memref<32x128xf32, #tpu.memory_space<vmem>>
      tpu.enqueue_dma source(%dma_start3A_188 : memref<32x128xf32, #tpu.memory_space<vmem>>) target(%dma_start3A_184 : memref<32x128xf32, #tpu.memory_space<hbm>>) target_semaphore(%arg20 : memref<!tpu.dma_semaphore, #tpu.memory_space<semaphore_mem>>)
      %add3A_189 = arith.constant 4096 : i32
      %add3A_190 = arith.addi %add3A_189, %multiple_of3A : i32
      %dma_start3A_191 = arith.constant 1 : i32
      %dma_start3A_192 = arith.constant 0 : i32
      %dma_start3A_193 = arith.constant 0 : i32
      %dma_start3A_194 = tpu.memref_slice %arg17[%dma_start3A_192, %dma_start3A_191, %dma_start3A_193] : memref<32x4x128xf32, #tpu.memory_space<vmem>> -> memref<32x1x128xf32, #tpu.memory_space<vmem>>
      %dma_start3A_195 = tpu.memref_squeeze %dma_start3A_194 : memref<32x1x128xf32, #tpu.memory_space<vmem>> -> memref<32x128xf32, #tpu.memory_space<vmem>>
      %dma_start3A_196 = arith.constant 0 : i32
      %dma_start3A_197 = tpu.memref_slice %arg7[%scan3A_98, %dma_start3A_196, %add3A_190] : memref<50x32x16384xf32, #tpu.memory_space<hbm>> -> memref<1x32x128xf32, #tpu.memory_space<hbm>>
      %dma_start3A_198 = tpu.memref_squeeze %dma_start3A_197 : memref<1x32x128xf32, #tpu.memory_space<hbm>> -> memref<32x128xf32, #tpu.memory_space<hbm>>
      %dma_start3A_199 = arith.constant 0 : i32
      %dma_start3A_200 = tpu.memref_slice %arg7[%scan3A_98, %dma_start3A_199, %add3A_190] : memref<50x32x16384xf32, #tpu.memory_space<hbm>> -> memref<1x32x128xf32, #tpu.memory_space<hbm>>
      %dma_start3A_201 = tpu.memref_squeeze %dma_start3A_200 : memref<1x32x128xf32, #tpu.memory_space<hbm>> -> memref<32x128xf32, #tpu.memory_space<hbm>>
      %dma_start3A_202 = arith.constant 0 : i32
      %dma_start3A_203 = arith.constant 0 : i32
      %dma_start3A_204 = tpu.memref_slice %arg17[%dma_start3A_202, %dma_start3A_191, %dma_start3A_203] : memref<32x4x128xf32, #tpu.memory_space<vmem>> -> memref<32x1x128xf32, #tpu.memory_space<vmem>>
      %dma_start3A_205 = tpu.memref_squeeze %dma_start3A_204 : memref<32x1x128xf32, #tpu.memory_space<vmem>> -> memref<32x128xf32, #tpu.memory_space<vmem>>
      tpu.enqueue_dma source(%dma_start3A_205 : memref<32x128xf32, #tpu.memory_space<vmem>>) target(%dma_start3A_201 : memref<32x128xf32, #tpu.memory_space<hbm>>) target_semaphore(%arg20 : memref<!tpu.dma_semaphore, #tpu.memory_space<semaphore_mem>>)
      %add3A_206 = arith.constant 8192 : i32
      %add3A_207 = arith.addi %add3A_206, %multiple_of3A : i32
      %dma_start3A_208 = arith.constant 2 : i32
      %dma_start3A_209 = arith.constant 0 : i32
      %dma_start3A_210 = arith.constant 0 : i32
      %dma_start3A_211 = tpu.memref_slice %arg17[%dma_start3A_209, %dma_start3A_208, %dma_start3A_210] : memref<32x4x128xf32, #tpu.memory_space<vmem>> -> memref<32x1x128xf32, #tpu.memory_space<vmem>>
      %dma_start3A_212 = tpu.memref_squeeze %dma_start3A_211 : memref<32x1x128xf32, #tpu.memory_space<vmem>> -> memref<32x128xf32, #tpu.memory_space<vmem>>
      %dma_start3A_213 = arith.constant 0 : i32
      %dma_start3A_214 = tpu.memref_slice %arg7[%scan3A_98, %dma_start3A_213, %add3A_207] : memref<50x32x16384xf32, #tpu.memory_space<hbm>> -> memref<1x32x128xf32, #tpu.memory_space<hbm>>
      %dma_start3A_215 = tpu.memref_squeeze %dma_start3A_214 : memref<1x32x128xf32, #tpu.memory_space<hbm>> -> memref<32x128xf32, #tpu.memory_space<hbm>>
      %dma_start3A_216 = arith.constant 0 : i32
      %dma_start3A_217 = tpu.memref_slice %arg7[%scan3A_98, %dma_start3A_216, %add3A_207] : memref<50x32x16384xf32, #tpu.memory_space<hbm>> -> memref<1x32x128xf32, #tpu.memory_space<hbm>>
      %dma_start3A_218 = tpu.memref_squeeze %dma_start3A_217 : memref<1x32x128xf32, #tpu.memory_space<hbm>> -> memref<32x128xf32, #tpu.memory_space<hbm>>
      %dma_start3A_219 = arith.constant 0 : i32
      %dma_start3A_220 = arith.constant 0 : i32
      %dma_start3A_221 = tpu.memref_slice %arg17[%dma_start3A_219, %dma_start3A_208, %dma_start3A_220] : memref<32x4x128xf32, #tpu.memory_space<vmem>> -> memref<32x1x128xf32, #tpu.memory_space<vmem>>
      %dma_start3A_222 = tpu.memref_squeeze %dma_start3A_221 : memref<32x1x128xf32, #tpu.memory_space<vmem>> -> memref<32x128xf32, #tpu.memory_space<vmem>>
      tpu.enqueue_dma source(%dma_start3A_222 : memref<32x128xf32, #tpu.memory_space<vmem>>) target(%dma_start3A_218 : memref<32x128xf32, #tpu.memory_space<hbm>>) target_semaphore(%arg20 : memref<!tpu.dma_semaphore, #tpu.memory_space<semaphore_mem>>)
      %add3A_223 = arith.constant 12288 : i32
      %add3A_224 = arith.addi %add3A_223, %multiple_of3A : i32
      %dma_start3A_225 = arith.constant 3 : i32
      %dma_start3A_226 = arith.constant 0 : i32
      %dma_start3A_227 = arith.constant 0 : i32
      %dma_start3A_228 = tpu.memref_slice %arg17[%dma_start3A_226, %dma_start3A_225, %dma_start3A_227] : memref<32x4x128xf32, #tpu.memory_space<vmem>> -> memref<32x1x128xf32, #tpu.memory_space<vmem>>
      %dma_start3A_229 = tpu.memref_squeeze %dma_start3A_228 : memref<32x1x128xf32, #tpu.memory_space<vmem>> -> memref<32x128xf32, #tpu.memory_space<vmem>>
      %dma_start3A_230 = arith.constant 0 : i32
      %dma_start3A_231 = tpu.memref_slice %arg7[%scan3A_98, %dma_start3A_230, %add3A_224] : memref<50x32x16384xf32, #tpu.memory_space<hbm>> -> memref<1x32x128xf32, #tpu.memory_space<hbm>>
      %dma_start3A_232 = tpu.memref_squeeze %dma_start3A_231 : memref<1x32x128xf32, #tpu.memory_space<hbm>> -> memref<32x128xf32, #tpu.memory_space<hbm>>
      %dma_start3A_233 = arith.constant 0 : i32
      %dma_start3A_234 = tpu.memref_slice %arg7[%scan3A_98, %dma_start3A_233, %add3A_224] : memref<50x32x16384xf32, #tpu.memory_space<hbm>> -> memref<1x32x128xf32, #tpu.memory_space<hbm>>
      %dma_start3A_235 = tpu.memref_squeeze %dma_start3A_234 : memref<1x32x128xf32, #tpu.memory_space<hbm>> -> memref<32x128xf32, #tpu.memory_space<hbm>>
      %dma_start3A_236 = arith.constant 0 : i32
      %dma_start3A_237 = arith.constant 0 : i32
      %dma_start3A_238 = tpu.memref_slice %arg17[%dma_start3A_236, %dma_start3A_225, %dma_start3A_237] : memref<32x4x128xf32, #tpu.memory_space<vmem>> -> memref<32x1x128xf32, #tpu.memory_space<vmem>>
      %dma_start3A_239 = tpu.memref_squeeze %dma_start3A_238 : memref<32x1x128xf32, #tpu.memory_space<vmem>> -> memref<32x128xf32, #tpu.memory_space<vmem>>
      tpu.enqueue_dma source(%dma_start3A_239 : memref<32x128xf32, #tpu.memory_space<vmem>>) target(%dma_start3A_235 : memref<32x128xf32, #tpu.memory_space<hbm>>) target_semaphore(%arg20 : memref<!tpu.dma_semaphore, #tpu.memory_space<semaphore_mem>>)
    }
    %scan3A_26 = arith.constant 50 : i32
    %dma_wait3A = arith.constant 0 : i32
    %dma_wait3A_27 = arith.constant 0 : i32
    %dma_wait3A_28 = arith.constant 0 : i32
    %dma_wait3A_29 = arith.constant 0 : i32
    %dma_wait3A_30 = tpu.memref_slice %arg17[%dma_wait3A_28, %dma_wait3A, %dma_wait3A_29] : memref<32x4x128xf32, #tpu.memory_space<vmem>> -> memref<32x1x128xf32, #tpu.memory_space<vmem>>
    %dma_wait3A_31 = tpu.memref_squeeze %dma_wait3A_30 : memref<32x1x128xf32, #tpu.memory_space<vmem>> -> memref<32x128xf32, #tpu.memory_space<vmem>>
    %dma_wait3A_32 = arith.constant 0 : i32
    %dma_wait3A_33 = arith.constant 0 : i32
    %dma_wait3A_34 = tpu.memref_slice %arg7[%dma_wait3A_27, %dma_wait3A_32, %dma_wait3A_33] : memref<50x32x16384xf32, #tpu.memory_space<hbm>> -> memref<1x32x128xf32, #tpu.memory_space<hbm>>
    %dma_wait3A_35 = tpu.memref_squeeze %dma_wait3A_34 : memref<1x32x128xf32, #tpu.memory_space<hbm>> -> memref<32x128xf32, #tpu.memory_space<hbm>>
    %dma_wait3A_36 = arith.constant 0 : i32
    %dma_wait3A_37 = arith.constant 0 : i32
    %dma_wait3A_38 = tpu.memref_slice %arg7[%dma_wait3A_27, %dma_wait3A_36, %dma_wait3A_37] : memref<50x32x16384xf32, #tpu.memory_space<hbm>> -> memref<1x32x128xf32, #tpu.memory_space<hbm>>
    %dma_wait3A_39 = tpu.memref_squeeze %dma_wait3A_38 : memref<1x32x128xf32, #tpu.memory_space<hbm>> -> memref<32x128xf32, #tpu.memory_space<hbm>>
    %dma_wait3A_40 = arith.constant 0 : i32
    %dma_wait3A_41 = arith.constant 0 : i32
    %dma_wait3A_42 = tpu.memref_slice %arg17[%dma_wait3A_40, %dma_wait3A, %dma_wait3A_41] : memref<32x4x128xf32, #tpu.memory_space<vmem>> -> memref<32x1x128xf32, #tpu.memory_space<vmem>>
    %dma_wait3A_43 = tpu.memref_squeeze %dma_wait3A_42 : memref<32x1x128xf32, #tpu.memory_space<vmem>> -> memref<32x128xf32, #tpu.memory_space<vmem>>
    tpu.wait_dma2 semaphore(%arg20 : memref<!tpu.dma_semaphore, #tpu.memory_space<semaphore_mem>>) src(%dma_wait3A_43 : memref<32x128xf32, #tpu.memory_space<vmem>>) dst(%dma_wait3A_39 : memref<32x128xf32, #tpu.memory_space<hbm>>)
    %dma_wait3A_44 = arith.constant 1 : i32
    %dma_wait3A_45 = arith.constant 0 : i32
    %dma_wait3A_46 = arith.constant 0 : i32
    %dma_wait3A_47 = arith.constant 0 : i32
    %dma_wait3A_48 = tpu.memref_slice %arg17[%dma_wait3A_46, %dma_wait3A_44, %dma_wait3A_47] : memref<32x4x128xf32, #tpu.memory_space<vmem>> -> memref<32x1x128xf32, #tpu.memory_space<vmem>>
    %dma_wait3A_49 = tpu.memref_squeeze %dma_wait3A_48 : memref<32x1x128xf32, #tpu.memory_space<vmem>> -> memref<32x128xf32, #tpu.memory_space<vmem>>
    %dma_wait3A_50 = arith.constant 0 : i32
    %dma_wait3A_51 = arith.constant 0 : i32
    %dma_wait3A_52 = tpu.memref_slice %arg7[%dma_wait3A_45, %dma_wait3A_50, %dma_wait3A_51] : memref<50x32x16384xf32, #tpu.memory_space<hbm>> -> memref<1x32x128xf32, #tpu.memory_space<hbm>>
    %dma_wait3A_53 = tpu.memref_squeeze %dma_wait3A_52 : memref<1x32x128xf32, #tpu.memory_space<hbm>> -> memref<32x128xf32, #tpu.memory_space<hbm>>
    %dma_wait3A_54 = arith.constant 0 : i32
    %dma_wait3A_55 = arith.constant 0 : i32
    %dma_wait3A_56 = tpu.memref_slice %arg7[%dma_wait3A_45, %dma_wait3A_54, %dma_wait3A_55] : memref<50x32x16384xf32, #tpu.memory_space<hbm>> -> memref<1x32x128xf32, #tpu.memory_space<hbm>>
    %dma_wait3A_57 = tpu.memref_squeeze %dma_wait3A_56 : memref<1x32x128xf32, #tpu.memory_space<hbm>> -> memref<32x128xf32, #tpu.memory_space<hbm>>
    %dma_wait3A_58 = arith.constant 0 : i32
    %dma_wait3A_59 = arith.constant 0 : i32
    %dma_wait3A_60 = tpu.memref_slice %arg17[%dma_wait3A_58, %dma_wait3A_44, %dma_wait3A_59] : memref<32x4x128xf32, #tpu.memory_space<vmem>> -> memref<32x1x128xf32, #tpu.memory_space<vmem>>
    %dma_wait3A_61 = tpu.memref_squeeze %dma_wait3A_60 : memref<32x1x128xf32, #tpu.memory_space<vmem>> -> memref<32x128xf32, #tpu.memory_space<vmem>>
    tpu.wait_dma2 semaphore(%arg20 : memref<!tpu.dma_semaphore, #tpu.memory_space<semaphore_mem>>) src(%dma_wait3A_61 : memref<32x128xf32, #tpu.memory_space<vmem>>) dst(%dma_wait3A_57 : memref<32x128xf32, #tpu.memory_space<hbm>>)
    %dma_wait3A_62 = arith.constant 2 : i32
    %dma_wait3A_63 = arith.constant 0 : i32
    %dma_wait3A_64 = arith.constant 0 : i32
    %dma_wait3A_65 = arith.constant 0 : i32
    %dma_wait3A_66 = tpu.memref_slice %arg17[%dma_wait3A_64, %dma_wait3A_62, %dma_wait3A_65] : memref<32x4x128xf32, #tpu.memory_space<vmem>> -> memref<32x1x128xf32, #tpu.memory_space<vmem>>
    %dma_wait3A_67 = tpu.memref_squeeze %dma_wait3A_66 : memref<32x1x128xf32, #tpu.memory_space<vmem>> -> memref<32x128xf32, #tpu.memory_space<vmem>>
    %dma_wait3A_68 = arith.constant 0 : i32
    %dma_wait3A_69 = arith.constant 0 : i32
    %dma_wait3A_70 = tpu.memref_slice %arg7[%dma_wait3A_63, %dma_wait3A_68, %dma_wait3A_69] : memref<50x32x16384xf32, #tpu.memory_space<hbm>> -> memref<1x32x128xf32, #tpu.memory_space<hbm>>
    %dma_wait3A_71 = tpu.memref_squeeze %dma_wait3A_70 : memref<1x32x128xf32, #tpu.memory_space<hbm>> -> memref<32x128xf32, #tpu.memory_space<hbm>>
    %dma_wait3A_72 = arith.constant 0 : i32
    %dma_wait3A_73 = arith.constant 0 : i32
    %dma_wait3A_74 = tpu.memref_slice %arg7[%dma_wait3A_63, %dma_wait3A_72, %dma_wait3A_73] : memref<50x32x16384xf32, #tpu.memory_space<hbm>> -> memref<1x32x128xf32, #tpu.memory_space<hbm>>
    %dma_wait3A_75 = tpu.memref_squeeze %dma_wait3A_74 : memref<1x32x128xf32, #tpu.memory_space<hbm>> -> memref<32x128xf32, #tpu.memory_space<hbm>>
    %dma_wait3A_76 = arith.constant 0 : i32
    %dma_wait3A_77 = arith.constant 0 : i32
    %dma_wait3A_78 = tpu.memref_slice %arg17[%dma_wait3A_76, %dma_wait3A_62, %dma_wait3A_77] : memref<32x4x128xf32, #tpu.memory_space<vmem>> -> memref<32x1x128xf32, #tpu.memory_space<vmem>>
    %dma_wait3A_79 = tpu.memref_squeeze %dma_wait3A_78 : memref<32x1x128xf32, #tpu.memory_space<vmem>> -> memref<32x128xf32, #tpu.memory_space<vmem>>
    tpu.wait_dma2 semaphore(%arg20 : memref<!tpu.dma_semaphore, #tpu.memory_space<semaphore_mem>>) src(%dma_wait3A_79 : memref<32x128xf32, #tpu.memory_space<vmem>>) dst(%dma_wait3A_75 : memref<32x128xf32, #tpu.memory_space<hbm>>)
    %dma_wait3A_80 = arith.constant 3 : i32
    %dma_wait3A_81 = arith.constant 0 : i32
    %dma_wait3A_82 = arith.constant 0 : i32
    %dma_wait3A_83 = arith.constant 0 : i32
    %dma_wait3A_84 = tpu.memref_slice %arg17[%dma_wait3A_82, %dma_wait3A_80, %dma_wait3A_83] : memref<32x4x128xf32, #tpu.memory_space<vmem>> -> memref<32x1x128xf32, #tpu.memory_space<vmem>>
    %dma_wait3A_85 = tpu.memref_squeeze %dma_wait3A_84 : memref<32x1x128xf32, #tpu.memory_space<vmem>> -> memref<32x128xf32, #tpu.memory_space<vmem>>
    %dma_wait3A_86 = arith.constant 0 : i32
    %dma_wait3A_87 = arith.constant 0 : i32
    %dma_wait3A_88 = tpu.memref_slice %arg7[%dma_wait3A_81, %dma_wait3A_86, %dma_wait3A_87] : memref<50x32x16384xf32, #tpu.memory_space<hbm>> -> memref<1x32x128xf32, #tpu.memory_space<hbm>>
    %dma_wait3A_89 = tpu.memref_squeeze %dma_wait3A_88 : memref<1x32x128xf32, #tpu.memory_space<hbm>> -> memref<32x128xf32, #tpu.memory_space<hbm>>
    %dma_wait3A_90 = arith.constant 0 : i32
    %dma_wait3A_91 = arith.constant 0 : i32
    %dma_wait3A_92 = tpu.memref_slice %arg7[%dma_wait3A_81, %dma_wait3A_90, %dma_wait3A_91] : memref<50x32x16384xf32, #tpu.memory_space<hbm>> -> memref<1x32x128xf32, #tpu.memory_space<hbm>>
    %dma_wait3A_93 = tpu.memref_squeeze %dma_wait3A_92 : memref<1x32x128xf32, #tpu.memory_space<hbm>> -> memref<32x128xf32, #tpu.memory_space<hbm>>
    %dma_wait3A_94 = arith.constant 0 : i32
    %dma_wait3A_95 = arith.constant 0 : i32
    %dma_wait3A_96 = tpu.memref_slice %arg17[%dma_wait3A_94, %dma_wait3A_80, %dma_wait3A_95] : memref<32x4x128xf32, #tpu.memory_space<vmem>> -> memref<32x1x128xf32, #tpu.memory_space<vmem>>
    %dma_wait3A_97 = tpu.memref_squeeze %dma_wait3A_96 : memref<32x1x128xf32, #tpu.memory_space<vmem>> -> memref<32x128xf32, #tpu.memory_space<vmem>>
    tpu.wait_dma2 semaphore(%arg20 : memref<!tpu.dma_semaphore, #tpu.memory_space<semaphore_mem>>) src(%dma_wait3A_97 : memref<32x128xf32, #tpu.memory_space<vmem>>) dst(%dma_wait3A_93 : memref<32x128xf32, #tpu.memory_space<hbm>>)
    return
  }
}

module attributes {stable_mosaic.version = 14 : i64} {
  func.func @_tr_body(%arg0: i32, %arg1: memref<32x4096xf32, #tpu.memory_space<vmem>>, %arg2: memref<32x4096xf32, #tpu.memory_space<vmem>>, %arg3: memref<32x4096xf32, #tpu.memory_space<vmem>>, %arg4: memref<32x4096xf32, #tpu.memory_space<vmem>>, %arg5: memref<4096x32xf32, #tpu.memory_space<vmem>>, %arg6: memref<4096x32xf32, #tpu.memory_space<vmem>>, %arg7: memref<4096x32xf32, #tpu.memory_space<vmem>>, %arg8: memref<4096x32xf32, #tpu.memory_space<vmem>>) attributes {dimension_semantics = [#tpu.dimension_semantics<arbitrary>], iteration_bounds = array<i64: 245>, scalar_prefetch = 0 : i64, scratch_operands = 0 : i64, tpu.core_type = #tpu.core_type<tc>, window_params = [{transform_indices = @transform_0, window_bounds = array<i64: 32, 4096>}, {transform_indices = @transform_1, window_bounds = array<i64: 32, 4096>}, {transform_indices = @transform_2, window_bounds = array<i64: 32, 4096>}, {transform_indices = @transform_3, window_bounds = array<i64: 32, 4096>}, {transform_indices = @transform_4, window_bounds = array<i64: 4096, 32>}, {transform_indices = @transform_5, window_bounds = array<i64: 4096, 32>}, {transform_indices = @transform_6, window_bounds = array<i64: 4096, 32>}, {transform_indices = @transform_7, window_bounds = array<i64: 4096, 32>}]} {
    %get3A = arith.constant 0 : index
    %get3A_0 = arith.constant 0 : index
    %get3A_1 = vector.load %arg1[%get3A, %get3A_0] : memref<32x4096xf32, #tpu.memory_space<vmem>>, vector<32x4096xf32>
    %transpose3A = tpu.transpose %get3A_1, [1, 0] : vector<32x4096xf32> -> vector<4096x32xf32>
    %swap3A = arith.constant 0 : index
    %swap3A_2 = arith.constant 0 : index
    %swap3A_3 = vector.load %arg5[%swap3A, %swap3A_2] : memref<4096x32xf32, #tpu.memory_space<vmem>>, vector<4096x32xf32>
    tpu.vector_store %arg5[%swap3A, %swap3A_2], %transpose3A {strides = array<i32>} : memref<4096x32xf32, #tpu.memory_space<vmem>>, vector<4096x32xf32>,
    %get3A_4 = arith.constant 0 : index
    %get3A_5 = arith.constant 0 : index
    %get3A_6 = vector.load %arg2[%get3A_4, %get3A_5] : memref<32x4096xf32, #tpu.memory_space<vmem>>, vector<32x4096xf32>
    %transpose3A_7 = tpu.transpose %get3A_6, [1, 0] : vector<32x4096xf32> -> vector<4096x32xf32>
    %swap3A_8 = arith.constant 0 : index
    %swap3A_9 = arith.constant 0 : index
    %swap3A_10 = vector.load %arg6[%swap3A_8, %swap3A_9] : memref<4096x32xf32, #tpu.memory_space<vmem>>, vector<4096x32xf32>
    tpu.vector_store %arg6[%swap3A_8, %swap3A_9], %transpose3A_7 {strides = array<i32>} : memref<4096x32xf32, #tpu.memory_space<vmem>>, vector<4096x32xf32>,
    %get3A_11 = arith.constant 0 : index
    %get3A_12 = arith.constant 0 : index
    %get3A_13 = vector.load %arg3[%get3A_11, %get3A_12] : memref<32x4096xf32, #tpu.memory_space<vmem>>, vector<32x4096xf32>
    %transpose3A_14 = tpu.transpose %get3A_13, [1, 0] : vector<32x4096xf32> -> vector<4096x32xf32>
    %swap3A_15 = arith.constant 0 : index
    %swap3A_16 = arith.constant 0 : index
    %swap3A_17 = vector.load %arg7[%swap3A_15, %swap3A_16] : memref<4096x32xf32, #tpu.memory_space<vmem>>, vector<4096x32xf32>
    tpu.vector_store %arg7[%swap3A_15, %swap3A_16], %transpose3A_14 {strides = array<i32>} : memref<4096x32xf32, #tpu.memory_space<vmem>>, vector<4096x32xf32>,
    %get3A_18 = arith.constant 0 : index
    %get3A_19 = arith.constant 0 : index
    %get3A_20 = vector.load %arg4[%get3A_18, %get3A_19] : memref<32x4096xf32, #tpu.memory_space<vmem>>, vector<32x4096xf32>
    %transpose3A_21 = tpu.transpose %get3A_20, [1, 0] : vector<32x4096xf32> -> vector<4096x32xf32>
    %swap3A_22 = arith.constant 0 : index
    %swap3A_23 = arith.constant 0 : index
    %swap3A_24 = vector.load %arg8[%swap3A_22, %swap3A_23] : memref<4096x32xf32, #tpu.memory_space<vmem>>, vector<4096x32xf32>
    tpu.vector_store %arg8[%swap3A_22, %swap3A_23], %transpose3A_21 {strides = array<i32>} : memref<4096x32xf32, #tpu.memory_space<vmem>>, vector<4096x32xf32>,
    return
  }
  func.func @transform_0(%arg0: i32) -> (i32, i32) {
    %c0_i32 = arith.constant 0 : i32
    %c0_i32_0 = arith.constant 0 : i32
    return %c0_i32, %arg0 : i32, i32
  }
  func.func @transform_1(%arg0: i32) -> (i32, i32) {
    %c0_i32 = arith.constant 0 : i32
    %c0_i32_0 = arith.constant 0 : i32
    return %c0_i32, %arg0 : i32, i32
  }
  func.func @transform_2(%arg0: i32) -> (i32, i32) {
    %c0_i32 = arith.constant 0 : i32
    %c0_i32_0 = arith.constant 0 : i32
    return %c0_i32, %arg0 : i32, i32
  }
  func.func @transform_3(%arg0: i32) -> (i32, i32) {
    %c0_i32 = arith.constant 0 : i32
    %c0_i32_0 = arith.constant 0 : i32
    return %c0_i32, %arg0 : i32, i32
  }
  func.func @transform_4(%arg0: i32) -> (i32, i32) {
    %c0_i32 = arith.constant 0 : i32
    %c0_i32_0 = arith.constant 0 : i32
    return %arg0, %c0_i32 : i32, i32
  }
  func.func @transform_5(%arg0: i32) -> (i32, i32) {
    %c0_i32 = arith.constant 0 : i32
    %c0_i32_0 = arith.constant 0 : i32
    return %arg0, %c0_i32 : i32, i32
  }
  func.func @transform_6(%arg0: i32) -> (i32, i32) {
    %c0_i32 = arith.constant 0 : i32
    %c0_i32_0 = arith.constant 0 : i32
    return %arg0, %c0_i32 : i32, i32
  }
  func.func @transform_7(%arg0: i32) -> (i32, i32) {
    %c0_i32 = arith.constant 0 : i32
    %c0_i32_0 = arith.constant 0 : i32
    return %arg0, %c0_i32 : i32, i32
  }
}

</mosaic_0001>

<sc_bundles>
// kernel: kernel.4.cloned.1.call-start
scs
__scs_entry_jumppad:
0x0: {  	(pc) =	sbr.rel $0x88, $3  }
0x1: {  	(tag) =	ssettag $0x0;
	lr =	simm.s32 $0x1  }
0x2: {  	[smem:$0x3F9C] =	sst lr;
	_ =	strace $0xD0000000  }
0x3: {  	_ = 	snop  }
0x4: {  	_ = 	snop  }
0x5: {  	_ = 	snop  }
0x6: {  	_ = 	snop  }
0x7: {  	_ = 	snop  }
__scs_overlays_trampoline_lowered:
0x8: {  	[smem:$0x3FAB] =	sst s0  }
0x9: {  	[smem:$0x3FAC] =	sst s1  }
0xa: {  	[smem:$0x3FAD] =	sst s2  }
0xb: {  	[smem:$0x3FAE] =	sst s3  }
0xc: {  	[smem:$0x3FAF] =	sst s4  }
0xd: {  	[smem:$0x3FB0] =	sst s5  }
0xe: {  	[smem:$0x3FB1] =	sst s6  }
0xf: {  	[smem:$0x3FB2] =	sst s7  }
0x10: {  	[smem:$0x3FB3] =	sst s8  }
0x11: {  	[smem:$0x3FB4] =	sst s9;
	s0 =	simm.s32 @!p0 $0x0  }
0x12: {  	s1 =	sld [smem:$0x3F9A];
	s0 =	simm.s32 @p0 $0x1  }
0x13: {  	[smem:$0x3FB5] =	sst s0;
	s0 =	simm.s32 @!p1 $0x0  }
0x14: {  	s2 =	sld [smem:$0x3F99];
	s0 =	simm.s32 @p1 $0x1  }
0x15: {  	[smem:$0x3FB6] =	sst s0;
	s0 =	simm.s32 @!p2 $0x0  }
0x16: {  	s3 =	sld [smem:$0x3FDB];
	s0 =	simm.s32 @p2 $0x1  }
0x17: {  	s4 =	simm.s32 $0x1BF5;
	[smem:$0x3FB8] =	sst s0  }
0x18: {  	s0 =	sld [smem:$0x3F9B];
	_ =	swait.ge [sflag:s4], $0x0  }
0x19: {  	s7 =	sld [smem:$0x3F9C]  }
0x1a: {  	s8 =	sadd.s32 $0xFFFFE003, lr  }
0x1b: {  	s9 =	sadd.s32 $0xFFFFFEF7, lr;
	s5 =	simm.s32 $0xFFFFFFFF;
	p2 =	slt.u32 s8, $0xFFFFF086  }
0x1c: {  	p1 =	slt.u32 s9, $0xF7A;
	s5 =	simm.s32 @!p2 $0x0  }
0x1d: {  	s5 =	simm.s32 @p1 $0x1;
	p0 =	seq.s32 s7, s2  }
0x1e: {  	s7 =	smul.u32 @!p0 $0xF7A, s2;
	p2 =	seq.s32 @!p0 s5, $0x0  }
0x1f: {  	s9 =	smul.u32 $0xF7A, s1;
	s8 =	simm.s32 @!p0 $0x1BF5;
	p2 =	por !p2, p0  }
0x20: {  	[sflag:s8] =	ssyncset.s32 @!p0 $0xFFFFF086;
	s6 =	sadd.s32 @!p0 s3, s7;
	s7 =	simm.s32 @!p0 $0x108  }
0x21: {  	s3 =	sadd.s32 s3, s9;
	s6 =	sadd.s32 @!p0 $0x88, s6;
	s7 =	simm.s32 @p2 $0x1082  }
0x22: {  	[simem:s7], [sflag:s8] =	dma.local @!p0 [hbm:s6], $0xF7A  }
0x23: {  	s9 =	sor.u32 $0xD0000000, s2;
	s6 =	simm.s32 $0x108;
	_ =	swait.ge @!p0 [sflag:s8], $0x0  }
0x24: {  	s3 =	sadd.s32 $0x88, s3;
	s6 =	simm.s32 @!p1 $0x1082;
	[sflag:s4] =	ssyncset.s32 $0xFFFFF086  }
0x25: {  	[simem:s6], [sflag:s4] =	dma.local [hbm:s3], $0xF7A  }
0x26: {  	[smem:$0x3F9C] =	sst s1;
	(tag) =	ssettag s2;
	_ =	strace s9  }
0x27: {  	s1 =	sld [smem:$0x3FAC]  }
0x28: {  	s2 =	sld [smem:$0x3FAD]  }
0x29: {  	s4 =	sld [smem:$0x3FAF]  }
0x2a: {  	p0 =	seq.s32 s5, $0x0;
	s5 =	sld [smem:$0x3FB0]  }
0x2b: {  	s6 =	sld [smem:$0x3FB1]  }
0x2c: {  	s7 =	sld [smem:$0x3FB2]  }
0x2d: {  	s3 =	simm.s32 $0x108;
	s8 =	sld [smem:$0x3FB3]  }
0x2e: {  	s3 =	simm.s32 @!p0 $0x1082;
	s9 =	sld [smem:$0x3FB4]  }
0x2f: {  	lr =	sadd.s32 s0, s3;
	s0 =	sld [smem:$0x3FAB]  }
0x30: {  	s3 =	sld [smem:$0x3FAE]  }
0x31: {  	[smem:$0x3FB7] =	sst s10  }
0x32: {  	s10 =	sld [smem:$0x3FB5];
	_ =	sdelay $0x3  }
0x33: {  	p0 =	seq.s32 s10, $0x1;
	s10 =	sld [smem:$0x3FB7];
	_ =	sdelay $0x3  }
0x34: {  	[smem:$0x3FB7] =	sst s10  }
0x35: {  	s10 =	sld [smem:$0x3FB6];
	_ =	sdelay $0x3  }
0x36: {  	p1 =	seq.s32 s10, $0x1;
	s10 =	sld [smem:$0x3FB7];
	_ =	sdelay $0x3  }
0x37: {  	[smem:$0x3FB7] =	sst s10  }
0x38: {  	s10 =	sld [smem:$0x3FB8]  }
0x39: {  	_ = 	snop;
	(pc) =	sbr.ind lr, $3  }
0x3a: {  	_ = 	snop  }
0x3b: {  	_ = 	snop  }
0x3c: {  	p2 =	seq.s32 s10, $0x1;
	s10 =	sld [smem:$0x3FB7]  }
0x3d: {  	_ =	shalt  }
0x3e: {  	_ =	shalt  }
0x3f: {  	_ =	shalt  }
0x40: {  	_ =	shalt  }
0x41: {  	_ =	shalt  }
0x42: {  	_ =	shalt  }
0x43: {  	_ =	shalt  }
0x44: {  	_ =	shalt  }
0x45: {  	_ =	shalt  }
0x46: {  	_ =	shalt  }
0x47: {  	_ =	shalt  }
0x48: {  	_ =	shalt  }
0x49: {  	_ =	shalt  }
0x4a: {  	_ =	shalt  }
0x4b: {  	_ =	shalt  }
0x4c: {  	_ =	shalt  }
0x4d: {  	_ =	shalt  }
0x4e: {  	_ =	shalt  }
0x4f: {  	_ =	shalt  }
0x50: {  	_ =	shalt  }
0x51: {  	_ =	shalt  }
0x52: {  	_ =	shalt  }
0x53: {  	_ =	shalt  }
0x54: {  	_ =	shalt  }
0x55: {  	_ =	shalt  }
0x56: {  	_ =	shalt  }
0x57: {  	_ =	shalt  }
0x58: {  	_ =	shalt  }
0x59: {  	_ =	shalt  }
0x5a: {  	_ =	shalt  }
0x5b: {  	_ =	shalt  }
0x5c: {  	_ =	shalt  }
0x5d: {  	_ =	shalt  }
0x5e: {  	_ =	shalt  }
0x5f: {  	_ =	shalt  }
0x60: {  	_ =	shalt  }
0x61: {  	_ =	shalt  }
0x62: {  	_ =	shalt  }
0x63: {  	_ =	shalt  }
0x64: {  	_ =	shalt  }
0x65: {  	_ =	shalt  }
0x66: {  	_ =	shalt  }
0x67: {  	_ =	shalt  }
0x68: {  	_ =	shalt  }
0x69: {  	_ =	shalt  }
0x6a: {  	_ =	shalt  }
0x6b: {  	_ =	shalt  }
0x6c: {  	_ =	shalt  }
0x6d: {  	_ =	shalt  }
0x6e: {  	_ =	shalt  }
0x6f: {  	_ =	shalt  }
0x70: {  	_ =	shalt  }
0x71: {  	_ =	shalt  }
0x72: {  	_ =	shalt  }
0x73: {  	_ =	shalt  }
0x74: {  	_ =	shalt  }
0x75: {  	_ =	shalt  }
0x76: {  	_ =	shalt  }
0x77: {  	_ =	shalt  }
0x78: {  	_ =	shalt  }
0x79: {  	_ =	shalt  }
0x7a: {  	_ =	shalt  }
0x7b: {  	_ =	shalt  }
0x7c: {  	_ =	shalt  }
0x7d: {  	_ =	shalt  }
0x7e: {  	_ =	shalt  }
0x7f: {  	_ =	shalt  }
0x80: {  	_ =	shalt  }
0x81: {  	_ =	shalt  }
0x82: {  	_ =	shalt  }
0x83: {  	_ =	shalt  }
0x84: {  	_ =	shalt  }
0x85: {  	_ =	shalt  }
0x86: {  	_ =	shalt  }
0x87: {  	_ =	shalt  }
.Lfunc_end0:
.L_simem_size_0:
called_computation_lowered:
.L_overlay_start_0:
0x88: {  	s2 =	sld [smem:$0x3FD9]  }
0x89: {  	s3 =	sld [smem:$0x3FFE];
	_ =	sdelay $0x1  }
0x8a: {  	s1 =	srdreg.scid  }
0x8b: {  	s0 =	sand.u32 $0x1, s1  }
0x8c: {  	s17 =	sshll.u32 s0, $0xA;
	s2 =	sadd.s32 s3, s2  }
0x8d: {  	s2 =	sadd.s32 s2, s17  }
0x8e: {  	[smem:$0x3FC3] =	sst s2  }
0x8f: {  	_ = 	snop  }
0x90: {  	s2 =	sld [smem:$0x3FC9];
	(tm) =	ssettm $0x1  }
0x91: {  	s18 =	sld [smem:$0x3FFB];
	_ =	sdelay $0x3  }
0x92: {  	_ =	strace s18  }
0x93: {  	s3 =	sld [smem:$0x3FFC];
	_ =	sdelay $0x3  }
0x94: {  	_ =	strace s3  }
0x95: {  	s3 =	sld [smem:$0x3FFD];
	_ =	sdelay $0x3  }
0x96: {  	_ =	strace s3  }
0x97: {  	_ =	strace $0x8FFFFFFF  }
0x98: {  	s19 =	sld [smem:$0x3FDB];
	_ =	sdelay $0x1  }
0x99: {  	s4 =	simm.s32 $_scs_section_size  }
0x9a: {  	s5 =	simm.s32 $_size__tile_overlayer_lowered;
	s6 =	simm.s32 $_tile_overlayer_lowered  }
0x9b: {  	s22 =	simm.s32 $0x1BFF;
	s21 =	sshll.u32 s6, $0x1;
	s3 =	sadd.s32 s4, s19  }
0x9c: {  	s7 =	simm.s32 $0x0;
	s20 =	sshll.u32 s5, $0x1;
	s5 =	sadd.s32 s21, s3  }
0x9d: {  	[timem:s7], [sflag:s22] =	dma.local [hbm:s5], s20  }
0x9e: {  	_ =	swait.ge [sflag:s22], s20  }
0x9f: {  	s4 =	ssub.s32 $0x0, s20;
	[sflag:s22] =	ssyncset.done $0x0  }
0xa0: {  	[sflag:s22] =	ssyncadd.s32 s4;
	_ =	sdelay $0x1  }
0xa1: {  	s23 =	simm.s32 $0x1B8B  }
0xa2: {  	_ =	swait.ge [sflag:s23], $0x1  }
0xa3: {  	[sflag:s23] =	ssyncset.done $0x0  }
0xa4: {  	s25 =	simm.s32 $0x1B8E;
	s24 =	sld [smem:$0x3FFE];
	[sflag:s23] =	ssyncadd.s32 $0xFFFFFFFF  }
0xa5: {  	s26 =	simm.s32 $execute0_lowered;
	[smem:$0x3FD2] =	sst s25  }
0xa6: {  	s5 =	sshll.u32 s26, $0x1;
	_ =	strace $0x80000046;
	[dreg:$0x1] =	wrdreg $0xFFFFFFFF  }
0xa7: {  	s28 =	simm.s32 $_size_execute0_lowered;
	s3 =	sadd.s32 s3, s5;
	[dreg:$0x0] =	wrdreg $0x0  }
0xa8: {  	s5 =	sshll.u32 s28, $0x1;
	[dreg:$0x2] =	wrdreg s3  }
0xa9: {  	[dreg:$0x3] =	wrdreg s5  }
0xaa: {  	[dreg:$0x4] =	wrdreg $0xC0  }
0xab: {  	_ =	task [dreg:s7], $0x5FFFF  }
0xac: {  	[dreg:$0x1] =	wrdreg $0xFFFFFFFF  }
0xad: {  	[dreg:$0x0] =	wrdreg $0x60  }
0xae: {  	[dreg:$0x2] =	wrdreg s2  }
0xaf: {  	[dreg:$0x3] =	wrdreg s24  }
0xb0: {  	[dreg:$0x4] =	wrdreg $0x9  }
0xb1: {  	_ =	task.clear_ibuf [dreg:s7], $0x5FFFF;
	_ =	strace $0x90000046  }
0xb2: {  	s29 =	simm.s32 $0x9;
	_ =	strace $0x80000048  }
0xb3: {  	_ =	swait.ge [sflag:s29], $0x1  }
0xb4: {  	[sflag:s29] =	ssyncadd.s32 $0xFFFFFFFF  }
0xb5: {  	_ =	strace $0x90000048  }
0xb6: {  	_ =	sfence  }
0xb7: {  	s30 =	sld [smem:$0x0];
	_ =	sdelay $0x2  }
0xb8: {  	s31 =	sshll.u32 s1, $0xD;
	s1 =	sshrl.u32 s1, $0x2  }
0xb9: {  	s3 =	sand.u32 $0x4000, s31;
	s1 =	sadd.s32 s1, s30  }
0xba: {  	s0 =	sor.u32 s3, s0;
	s1 =	sshll.u32 s1, $0x11  }
0xbb: {  	s0 =	sor.u32 s1, s0  }
0xbc: {  	s0 =	sadd.s32 $0x8F2B, s0  }
0xbd: {  	[sflag:s0] =	ssyncadd.remote.s32 $0x1  }
0xbe: {  	_ =	sfence.sel $0xFFFF  }
0xbf: {  	[dreg:$0x0] =	wrdreg $0xFFFFFFFF;
	(pc) =	sbr.abs _section_cstart, $3  }
0xc0: {  	[dreg:$0x1] =	wrdreg $0xFFFFFFFF  }
0xc1: {  	_ =	task.clear_ibuf [dreg:s7], $0x2FFFF;
	_ =	strace $0x9FFFFFFF  }
0xc2: {  	(tm) =	ssettm $0x7FFFFFFF  }
0xc3: {  	_ =	shalt  }
tec
execute0_lowered:
.L_overlay_start_1:
0x0: {  	(tag) =	ssettag $0x1  }
0x1: {  	s0 =	rddreg [dreg:$0x0]  }
0x2: {  	s7 =	rddreg [dreg:$0x1]  }
0x3: {  	s1 =	simm.s32 $0x0;
	s3 =	srdreg.scid;
	s30 =	stileid.u32  }
0x4: {  	s13 =	simm.s32 $0x1;
	s14 =	simm.s32 $0x10080;
	s15 =	simm.s32 $0x2  }
0x5: {  	s16 =	simm.s32 $0x3;
	s17 =	simm.s32 $0x0;
	[smem:$0x7FF] =	sst s1  }
0x6: {  	v0 =	vlaneseq.u32;
	s2 =	sadd.s32 $0x600, s7;
	s4 =	sadd.s32 $0xF42A00, s7;
	s8 =	sand.u32 $0x1, s3  }
0x7: {  	s5 =	sadd.s32 $0x1E84E00, s7;
	s6 =	sadd.s32 $0x2DC7200, s7;
	v0 =	vmul.u32 $0x200, v0;
	s9 =	ssub.s32 $0x2, s8  }
0x8: {  	s11 =	sshll.u32 s30, $0x8;
	s8 =	sshll.u32 s8, $0x7;
	s10 =	sshrl.u32 s9, $0x1  }
0x9: {  	s7 =	sadd.s32 $0x3D09600, s7;
	s8 =	sor.u32 s8, s11;
	v1 =	vor.u32 $0x2000, v0;
	s12 =	ssub.s32 s9, s10  }
0xa: {  	_ =	strace $0x80000047;
	v2 =	vor.u32 $0x80, v0;
	v3 =	vor.u32 $0x2080, v0;
	v4 =	vor.u32 $0x100, v0;
	s9 =	sadd.s32 s0, s8;
	s31 =	smax.u32 s12, $0x1  }
0xb: {  	v5 =	vor.u32 $0x2100, v0;
	v6 =	vor.u32 $0x180, v0;
	v7 =	vor.u32 $0x2180, v0;
	s10 =	sadd.s32 s7, s8;
	s12 =	simm.s32 $0x4;
	[dreg:$0x3] =	wrdreg s31  }
.LBB2_1:
0xc: {  	[tilespmem:s1], [sflag:$0x4] =	stream.linear.gather [hbm4b:s9+s1], $0x80, $0x38;
	[tilespmem:$0x14080] =	vst v63  }
0xd: {  	_ =	swait.ge [sflag:s12], $0x80  }
0xe: {  	[sflag:s12] =	ssyncset.done $0x0  }
0xf: {  	[sflag:s12] =	ssyncadd.s32 $0xFFFFFF80  }
0x10: {  	v8 =	vld [tilespmem:s1+$0x0];
	_ =	sdelay $0x4  }
0x11: {  	v8 =	vshll.u32 v8, $0x4  }
0x12: {  	(v2sf) =	vpush v8, $0x0;
	_ =	sdelay $0x5  }
0x13: {  	(v2sf) =	vpush v8, $0x1;
	_ =	sdelay $0x7  }
0x14: {  	(v2sf) =	vpush v8, $0x2  }
0x15: {  	s0 =	spop (v2sf)  }
0x16: {  	s0 =	sand.u32 $0x1FFFFFF0, s0  }
0x17: {  	s18 =	simm.s32 $0x80;
	s19 =	sadd.s32 s2, s0  }
0x18: {  	[tilespmem:s18], [sflag:$0x1] =	stream.linear.gather [hbm4b:s19+s1], $0x80, $0x38;
	[tilespmem:$0x14080] =	vst v63  }
0x19: {  	s26 =	simm.s32 $0x2080;
	s28 =	sadd.s32 s4, s0  }
0x1a: {  	(v2sf) =	vpush v8, $0x3;
	[tilespmem:s26], [sflag:$0x1] =	stream.linear.gather [hbm4b:s28+s1], $0x80, $0x38;
	[tilespmem:$0x14080] =	vst v63  }
0x1b: {  	s30 =	simm.s32 $0x4080;
	s29 =	spop (v2sf);
	s20 =	sadd.s32 s5, s0  }
0x1c: {  	[tilespmem:s30], [sflag:$0x1] =	stream.linear.gather [hbm4b:s20+s1], $0x80, $0x38;
	[tilespmem:$0x14080] =	vst v63  }
0x1d: {  	s31 =	simm.s32 $0x6080;
	s0 =	sadd.s32 s6, s0;
	s18 =	sand.u32 $0x1FFFFFF0, s29  }
0x1e: {  	[tilespmem:s31], [sflag:$0x1] =	stream.linear.gather [hbm4b:s0+s1], $0x80, $0x38;
	[tilespmem:$0x14080] =	vst v63  }
0x1f: {  	s3 =	simm.s32 $0x100;
	s11 =	sadd.s32 s2, s18  }
0x20: {  	[tilespmem:s3], [sflag:$0x1] =	stream.linear.gather [hbm4b:s11+s1], $0x80, $0x38;
	[tilespmem:$0x14080] =	vst v63  }
0x21: {  	s19 =	simm.s32 $0x2100;
	s20 =	sadd.s32 s4, s18  }
0x22: {  	[tilespmem:s19], [sflag:$0x1] =	stream.linear.gather [hbm4b:s20+s1], $0x80, $0x38;
	[tilespmem:$0x14080] =	vst v63  }
0x23: {  	s22 =	simm.s32 $0x4100;
	s21 =	spop (v2sf);
	s23 =	sadd.s32 s5, s18  }
0x24: {  	(v2sf) =	vpush v8, $0x4;
	[tilespmem:s22], [sflag:$0x1] =	stream.linear.gather [hbm4b:s23+s1], $0x80, $0x38;
	[tilespmem:$0x14080] =	vst v63  }
0x25: {  	s24 =	simm.s32 $0x6100;
	s18 =	sadd.s32 s6, s18;
	s0 =	sand.u32 $0x1FFFFFF0, s21  }
0x26: {  	[tilespmem:s24], [sflag:$0x1] =	stream.linear.gather [hbm4b:s18+s1], $0x80, $0x38;
	[tilespmem:$0x14080] =	vst v63  }
0x27: {  	s25 =	simm.s32 $0x180;
	s26 =	sadd.s32 s2, s0  }
0x28: {  	[tilespmem:s25], [sflag:$0x1] =	stream.linear.gather [hbm4b:s26+s1], $0x80, $0x38;
	[tilespmem:$0x14080] =	vst v63  }
0x29: {  	s28 =	simm.s32 $0x2180;
	s29 =	sadd.s32 s4, s0;
	s30 =	spop (v2sf)  }
0x2a: {  	(v2sf) =	vpush v8, $0x5;
	[tilespmem:s28], [sflag:$0x1] =	stream.linear.gather [hbm4b:s29+s1], $0x80, $0x38;
	[tilespmem:$0x14080] =	vst v63  }
0x2b: {  	s31 =	simm.s32 $0x4180;
	s3 =	sadd.s32 s5, s0  }
0x2c: {  	[tilespmem:s31], [sflag:$0x1] =	stream.linear.gather [hbm4b:s3+s1], $0x80, $0x38;
	[tilespmem:$0x14080] =	vst v63  }
0x2d: {  	s11 =	simm.s32 $0x6180;
	s0 =	sadd.s32 s6, s0;
	s18 =	sand.u32 $0x1FFFFFF0, s30  }
0x2e: {  	[tilespmem:s11], [sflag:$0x1] =	stream.linear.gather [hbm4b:s0+s1], $0x80, $0x38;
	[tilespmem:$0x14080] =	vst v63  }
0x2f: {  	s20 =	simm.s32 $0x200;
	s21 =	sadd.s32 s2, s18  }
0x30: {  	[tilespmem:s20], [sflag:$0x1] =	stream.linear.gather [hbm4b:s21+s1], $0x80, $0x38;
	[tilespmem:$0x14080] =	vst v63  }
0x31: {  	s22 =	simm.s32 $0x2200;
	s23 =	sadd.s32 s4, s18  }
0x32: {  	[tilespmem:s22], [sflag:$0x1] =	stream.linear.gather [hbm4b:s23+s1], $0x80, $0x38;
	[tilespmem:$0x14080] =	vst v63  }
0x33: {  	s24 =	spop (v2sf);
	s25 =	simm.s32 $0x4200;
	s26 =	sadd.s32 s5, s18  }
0x34: {  	(v2sf) =	vpush v8, $0x6;
	[tilespmem:s25], [sflag:$0x1] =	stream.linear.gather [hbm4b:s26+s1], $0x80, $0x38;
	[tilespmem:$0x14080] =	vst v63  }
0x35: {  	s18 =	sadd.s32 s6, s18;
	s28 =	simm.s32 $0x6200;
	s0 =	sand.u32 $0x1FFFFFF0, s24  }
0x36: {  	[tilespmem:s28], [sflag:$0x1] =	stream.linear.gather [hbm4b:s18+s1], $0x80, $0x38;
	[tilespmem:$0x14080] =	vst v63  }
0x37: {  	s29 =	simm.s32 $0x280;
	s30 =	sadd.s32 s2, s0  }
0x38: {  	[tilespmem:s29], [sflag:$0x1] =	stream.linear.gather [hbm4b:s30+s1], $0x80, $0x38;
	[tilespmem:$0x14080] =	vst v63  }
0x39: {  	s31 =	simm.s32 $0x2280;
	s3 =	sadd.s32 s4, s0;
	s11 =	spop (v2sf)  }
0x3a: {  	(v2sf) =	vpush v8, $0x7;
	[tilespmem:s31], [sflag:$0x1] =	stream.linear.gather [hbm4b:s3+s1], $0x80, $0x38;
	[tilespmem:$0x14080] =	vst v63  }
0x3b: {  	s20 =	simm.s32 $0x4280;
	s21 =	sadd.s32 s5, s0  }
0x3c: {  	[tilespmem:s20], [sflag:$0x1] =	stream.linear.gather [hbm4b:s21+s1], $0x80, $0x38;
	[tilespmem:$0x14080] =	vst v63  }
0x3d: {  	s0 =	sadd.s32 s6, s0;
	s22 =	simm.s32 $0x6280;
	s18 =	sand.u32 $0x1FFFFFF0, s11  }
0x3e: {  	[tilespmem:s22], [sflag:$0x1] =	stream.linear.gather [hbm4b:s0+s1], $0x80, $0x38;
	[tilespmem:$0x14080] =	vst v63  }
0x3f: {  	s23 =	simm.s32 $0x300;
	s24 =	sadd.s32 s2, s18  }
0x40: {  	[tilespmem:s23], [sflag:$0x1] =	stream.linear.gather [hbm4b:s24+s1], $0x80, $0x38;
	[tilespmem:$0x14080] =	vst v63  }
0x41: {  	s25 =	simm.s32 $0x2300;
	s26 =	sadd.s32 s4, s18  }
0x42: {  	[tilespmem:s25], [sflag:$0x1] =	stream.linear.gather [hbm4b:s26+s1], $0x80, $0x38;
	[tilespmem:$0x14080] =	vst v63  }
0x43: {  	s28 =	spop (v2sf);
	s29 =	simm.s32 $0x4300;
	s30 =	sadd.s32 s5, s18  }
0x44: {  	(v2sf) =	vpush v8, $0x8;
	[tilespmem:s29], [sflag:$0x1] =	stream.linear.gather [hbm4b:s30+s1], $0x80, $0x38;
	[tilespmem:$0x14080] =	vst v63  }
0x45: {  	s18 =	sadd.s32 s6, s18;
	s31 =	simm.s32 $0x6300;
	s0 =	sand.u32 $0x1FFFFFF0, s28  }
0x46: {  	[tilespmem:s31], [sflag:$0x1] =	stream.linear.gather [hbm4b:s18+s1], $0x80, $0x38;
	[tilespmem:$0x14080] =	vst v63  }
0x47: {  	s3 =	simm.s32 $0x380;
	s11 =	sadd.s32 s2, s0  }
0x48: {  	[tilespmem:s3], [sflag:$0x1] =	stream.linear.gather [hbm4b:s11+s1], $0x80, $0x38;
	[tilespmem:$0x14080] =	vst v63  }
0x49: {  	s19 =	simm.s32 $0x2380;
	s20 =	sadd.s32 s4, s0;
	s21 =	spop (v2sf)  }
0x4a: {  	(v2sf) =	vpush v8, $0x9;
	[tilespmem:s19], [sflag:$0x1] =	stream.linear.gather [hbm4b:s20+s1], $0x80, $0x38;
	[tilespmem:$0x14080] =	vst v63  }
0x4b: {  	s22 =	simm.s32 $0x4380;
	s23 =	sadd.s32 s5, s0  }
0x4c: {  	[tilespmem:s22], [sflag:$0x1] =	stream.linear.gather [hbm4b:s23+s1], $0x80, $0x38;
	[tilespmem:$0x14080] =	vst v63  }
0x4d: {  	s24 =	simm.s32 $0x6380;
	s0 =	sadd.s32 s6, s0;
	s18 =	sand.u32 $0x1FFFFFF0, s21  }
0x4e: {  	[tilespmem:s24], [sflag:$0x1] =	stream.linear.gather [hbm4b:s0+s1], $0x80, $0x38;
	[tilespmem:$0x14080] =	vst v63  }
0x4f: {  	s25 =	simm.s32 $0x400;
	s26 =	sadd.s32 s2, s18  }
0x50: {  	[tilespmem:s25], [sflag:$0x1] =	stream.linear.gather [hbm4b:s26+s1], $0x80, $0x38;
	[tilespmem:$0x14080] =	vst v63  }
0x51: {  	s28 =	simm.s32 $0x2400;
	s29 =	sadd.s32 s4, s18  }
0x52: {  	[tilespmem:s28], [sflag:$0x1] =	stream.linear.gather [hbm4b:s29+s1], $0x80, $0x38;
	[tilespmem:$0x14080] =	vst v63  }
0x53: {  	s30 =	spop (v2sf);
	s31 =	simm.s32 $0x4400;
	s3 =	sadd.s32 s5, s18  }
0x54: {  	(v2sf) =	vpush v8, $0xA;
	[tilespmem:s31], [sflag:$0x1] =	stream.linear.gather [hbm4b:s3+s1], $0x80, $0x38;
	[tilespmem:$0x14080] =	vst v63  }
0x55: {  	s11 =	simm.s32 $0x6400;
	s18 =	sadd.s32 s6, s18;
	s0 =	sand.u32 $0x1FFFFFF0, s30  }
0x56: {  	[tilespmem:s11], [sflag:$0x1] =	stream.linear.gather [hbm4b:s18+s1], $0x80, $0x38;
	[tilespmem:$0x14080] =	vst v63  }
0x57: {  	s20 =	simm.s32 $0x480;
	s21 =	sadd.s32 s2, s0  }
0x58: {  	[tilespmem:s20], [sflag:$0x1] =	stream.linear.gather [hbm4b:s21+s1], $0x80, $0x38;
	[tilespmem:$0x14080] =	vst v63  }
0x59: {  	s22 =	simm.s32 $0x2480;
	s23 =	sadd.s32 s4, s0;
	s24 =	spop (v2sf)  }
0x5a: {  	(v2sf) =	vpush v8, $0xB;
	[tilespmem:s22], [sflag:$0x1] =	stream.linear.gather [hbm4b:s23+s1], $0x80, $0x38;
	[tilespmem:$0x14080] =	vst v63  }
0x5b: {  	s25 =	simm.s32 $0x4480;
	s26 =	sadd.s32 s5, s0  }
0x5c: {  	[tilespmem:s25], [sflag:$0x1] =	stream.linear.gather [hbm4b:s26+s1], $0x80, $0x38;
	[tilespmem:$0x14080] =	vst v63  }
0x5d: {  	s0 =	sadd.s32 s6, s0;
	s28 =	simm.s32 $0x6480;
	s18 =	sand.u32 $0x1FFFFFF0, s24  }
0x5e: {  	[tilespmem:s28], [sflag:$0x1] =	stream.linear.gather [hbm4b:s0+s1], $0x80, $0x38;
	[tilespmem:$0x14080] =	vst v63  }
0x5f: {  	s29 =	simm.s32 $0x500;
	s30 =	sadd.s32 s2, s18  }
0x60: {  	[tilespmem:s29], [sflag:$0x1] =	stream.linear.gather [hbm4b:s30+s1], $0x80, $0x38;
	[tilespmem:$0x14080] =	vst v63  }
0x61: {  	s31 =	simm.s32 $0x2500;
	s3 =	sadd.s32 s4, s18  }
0x62: {  	[tilespmem:s31], [sflag:$0x1] =	stream.linear.gather [hbm4b:s3+s1], $0x80, $0x38;
	[tilespmem:$0x14080] =	vst v63  }
0x63: {  	s11 =	spop (v2sf);
	s20 =	simm.s32 $0x4500;
	s21 =	sadd.s32 s5, s18  }
0x64: {  	(v2sf) =	vpush v8, $0xC;
	[tilespmem:s20], [sflag:$0x1] =	stream.linear.gather [hbm4b:s21+s1], $0x80, $0x38;
	[tilespmem:$0x14080] =	vst v63  }
0x65: {  	s18 =	sadd.s32 s6, s18;
	s22 =	simm.s32 $0x6500;
	s0 =	sand.u32 $0x1FFFFFF0, s11  }
0x66: {  	[tilespmem:s22], [sflag:$0x1] =	stream.linear.gather [hbm4b:s18+s1], $0x80, $0x38;
	[tilespmem:$0x14080] =	vst v63  }
0x67: {  	s23 =	simm.s32 $0x580;
	s24 =	sadd.s32 s2, s0  }
0x68: {  	[tilespmem:s23], [sflag:$0x1] =	stream.linear.gather [hbm4b:s24+s1], $0x80, $0x38;
	[tilespmem:$0x14080] =	vst v63  }
0x69: {  	s25 =	simm.s32 $0x2580;
	s26 =	sadd.s32 s4, s0;
	s28 =	spop (v2sf)  }
0x6a: {  	(v2sf) =	vpush v8, $0xD;
	[tilespmem:s25], [sflag:$0x1] =	stream.linear.gather [hbm4b:s26+s1], $0x80, $0x38;
	[tilespmem:$0x14080] =	vst v63  }
0x6b: {  	s29 =	simm.s32 $0x4580;
	s30 =	sadd.s32 s5, s0  }
0x6c: {  	[tilespmem:s29], [sflag:$0x1] =	stream.linear.gather [hbm4b:s30+s1], $0x80, $0x38;
	[tilespmem:$0x14080] =	vst v63  }
0x6d: {  	s0 =	sadd.s32 s6, s0;
	s31 =	simm.s32 $0x6580;
	s18 =	sand.u32 $0x1FFFFFF0, s28  }
0x6e: {  	[tilespmem:s31], [sflag:$0x1] =	stream.linear.gather [hbm4b:s0+s1], $0x80, $0x38;
	[tilespmem:$0x14080] =	vst v63  }
0x6f: {  	s3 =	simm.s32 $0x600;
	s11 =	sadd.s32 s2, s18  }
0x70: {  	[tilespmem:s3], [sflag:$0x1] =	stream.linear.gather [hbm4b:s11+s1], $0x80, $0x38;
	[tilespmem:$0x14080] =	vst v63  }
0x71: {  	s19 =	simm.s32 $0x2600;
	s20 =	sadd.s32 s4, s18  }
0x72: {  	[tilespmem:s19], [sflag:$0x1] =	stream.linear.gather [hbm4b:s20+s1], $0x80, $0x38;
	[tilespmem:$0x14080] =	vst v63  }
0x73: {  	s21 =	spop (v2sf);
	s22 =	simm.s32 $0x4600;
	s23 =	sadd.s32 s5, s18  }
0x74: {  	(v2sf) =	vpush v8, $0xE;
	[tilespmem:s22], [sflag:$0x1] =	stream.linear.gather [hbm4b:s23+s1], $0x80, $0x38;
	[tilespmem:$0x14080] =	vst v63  }
0x75: {  	s24 =	simm.s32 $0x6600;
	s18 =	sadd.s32 s6, s18;
	s0 =	sand.u32 $0x1FFFFFF0, s21  }
0x76: {  	[tilespmem:s24], [sflag:$0x1] =	stream.linear.gather [hbm4b:s18+s1], $0x80, $0x38;
	[tilespmem:$0x14080] =	vst v63  }
0x77: {  	s25 =	simm.s32 $0x680;
	s26 =	sadd.s32 s2, s0  }
0x78: {  	[tilespmem:s25], [sflag:$0x1] =	stream.linear.gather [hbm4b:s26+s1], $0x80, $0x38;
	[tilespmem:$0x14080] =	vst v63  }
0x79: {  	s28 =	simm.s32 $0x2680;
	s29 =	sadd.s32 s4, s0;
	s30 =	spop (v2sf)  }
0x7a: {  	(v2sf) =	vpush v8, $0xF;
	[tilespmem:s28], [sflag:$0x1] =	stream.linear.gather [hbm4b:s29+s1], $0x80, $0x38;
	[tilespmem:$0x14080] =	vst v63  }
0x7b: {  	s31 =	simm.s32 $0x4680;
	s3 =	sadd.s32 s5, s0  }
0x7c: {  	[tilespmem:s31], [sflag:$0x1] =	stream.linear.gather [hbm4b:s3+s1], $0x80, $0x38;
	[tilespmem:$0x14080] =	vst v63  }
0x7d: {  	s11 =	simm.s32 $0x6680;
	s0 =	sadd.s32 s6, s0;
	s18 =	sand.u32 $0x1FFFFFF0, s30  }
0x7e: {  	[tilespmem:s11], [sflag:$0x1] =	stream.linear.gather [hbm4b:s0+s1], $0x80, $0x38;
	[tilespmem:$0x14080] =	vst v63  }
0x7f: {  	s20 =	simm.s32 $0x700;
	s21 =	sadd.s32 s2, s18  }
0x80: {  	[tilespmem:s20], [sflag:$0x1] =	stream.linear.gather [hbm4b:s21+s1], $0x80, $0x38;
	[tilespmem:$0x14080] =	vst v63  }
0x81: {  	s22 =	simm.s32 $0x2700;
	s23 =	sadd.s32 s4, s18  }
0x82: {  	[tilespmem:s22], [sflag:$0x1] =	stream.linear.gather [hbm4b:s23+s1], $0x80, $0x38;
	[tilespmem:$0x14080] =	vst v63  }
0x83: {  	s24 =	spop (v2sf);
	s25 =	simm.s32 $0x4700;
	s26 =	sadd.s32 s5, s18  }
0x84: {  	[tilespmem:s25], [sflag:$0x1] =	stream.linear.gather [hbm4b:s26+s1], $0x80, $0x38;
	[tilespmem:$0x14080] =	vst v63  }
0x85: {  	s18 =	sadd.s32 s6, s18;
	s28 =	simm.s32 $0x6700;
	s0 =	sand.u32 $0x1FFFFFF0, s24  }
0x86: {  	[tilespmem:s28], [sflag:$0x1] =	stream.linear.gather [hbm4b:s18+s1], $0x80, $0x38;
	[tilespmem:$0x14080] =	vst v63  }
0x87: {  	s19 =	simm.s32 $0x0;
	s29 =	simm.s32 $0x780;
	s30 =	sadd.s32 s2, s0  }
0x88: {  	[tilespmem:s29], [sflag:$0x1] =	stream.linear.gather [hbm4b:s30+s1], $0x80, $0x38;
	[tilespmem:$0x14080] =	vst v63  }
0x89: {  	s31 =	simm.s32 $0x2780;
	s11 =	spop (v2sf);
	s3 =	sadd.s32 s4, s0  }
0x8a: {  	[tilespmem:s31], [sflag:$0x1] =	stream.linear.gather [hbm4b:s3+s1], $0x80, $0x38;
	[tilespmem:$0x14080] =	vst v63  }
0x8b: {  	s24 =	simm.s32 $0x6780;
	s21 =	simm.s32 $0x4780;
	s22 =	sadd.s32 s5, s0  }
0x8c: {  	[tilespmem:s21], [sflag:$0x1] =	stream.linear.gather [hbm4b:s22+s1], $0x80, $0x38;
	[tilespmem:$0x14080] =	vst v63  }
0x8d: {  	s20 =	simm.s32 $0x10;
	s23 =	sand.u32 $0x1FFFFFF0, s11;
	s0 =	sadd.s32 s6, s0  }
0x8e: {  	[tilespmem:s24], [sflag:$0x1] =	stream.linear.gather [hbm4b:s0+s1], $0x80, $0x38;
	[tilespmem:$0x14080] =	vst v63  }
0x8f: {  	s25 =	simm.s32 $0x800;
	s26 =	sadd.s32 s2, s23;
	s28 =	simm.s32 $0x2800  }
0x90: {  	[tilespmem:s25], [sflag:$0x1] =	stream.linear.gather [hbm4b:s26+s1], $0x80, $0x38;
	[tilespmem:$0x14080] =	vst v63  }
0x91: {  	s18 =	simm.s32 $0x2000;
	s29 =	sadd.s32 s4, s23;
	s30 =	simm.s32 $0x4800  }
0x92: {  	[tilespmem:s28], [sflag:$0x1] =	stream.linear.gather [hbm4b:s29+s1], $0x80, $0x38;
	[tilespmem:$0x14080] =	vst v63  }
0x93: {  	s31 =	sadd.s32 s5, s23;
	s21 =	sadd.s32 s6, s23;
	s0 =	simm.s32 $0x6800  }
0x94: {  	[tilespmem:s30], [sflag:$0x1] =	stream.linear.gather [hbm4b:s31+s1], $0x80, $0x38;
	[tilespmem:$0x14080] =	vst v63  }
.LBB2_2:
0x95: {  	[tilespmem:s0], [sflag:$0x1] =	stream.linear.gather [hbm4b:s21+s19], $0x80, $0x38;
	[tilespmem:$0x14080] =	vst v63  }
0x96: {  	p0 =	seq.s32 s18, $0x6000;
	s0 =	smov.u32 s18;
	s18 =	sadd.s32 $0x2000, s18;
	v8 =	vld [tilespmem:s20+$0x0]  }
0x97: {  	_ =	sdelay $0x3  }
0x98: {  	v8 =	vshll.u32 v8, $0x4  }
0x99: {  	(v2sf) =	vpush v8, $0x0  }
0x9a: {  	(v2sf) =	vpush v8, $0x1  }
0x9b: {  	(v2sf) =	vpush v8, $0x2;
	_ =	sdelay $0x3  }
0x9c: {  	(v2sf) =	vpush v8, $0x3;
	_ =	sdelay $0x5  }
0x9d: {  	(v2sf) =	vpush v8, $0x4;
	_ =	sdelay $0x2  }
0x9e: {  	s19 =	simm.s32 $0x0;
	s22 =	spop (v2sf)  }
0x9f: {  	s21 =	sshra.s32 s0, $0x2;
	s0 =	sand.u32 $0x1FFFFFF0, s22;
	s22 =	spop (v2sf);
	(v2sf) =	vpush v8, $0x5  }
0xa0: {  	s23 =	sadd.s32 $0x80, s21;
	s24 =	sadd.s32 s2, s0;
	s25 =	spop (v2sf)  }
0xa1: {  	[tilespmem:s23], [sflag:$0x1] =	stream.linear.gather [hbm4b:s24+s19], $0x80, $0x38;
	[tilespmem:$0x14080] =	vst v63  }
0xa2: {  	s23 =	sadd.s32 $0x2080, s21;
	s24 =	sadd.s32 s4, s0;
	s25 =	sand.u32 $0x1FFFFFF0, s25  }
0xa3: {  	[tilespmem:s23], [sflag:$0x1] =	stream.linear.gather [hbm4b:s24+s19], $0x80, $0x38;
	(v2sf) =	vpush v8, $0x6;
	[tilespmem:$0x14080] =	vst v63  }
0xa4: {  	s23 =	sadd.s32 $0x4080, s21;
	s24 =	sadd.s32 s5, s0;
	s26 =	spop (v2sf)  }
0xa5: {  	[tilespmem:s23], [sflag:$0x1] =	stream.linear.gather [hbm4b:s24+s19], $0x80, $0x38;
	[tilespmem:$0x14080] =	vst v63  }
0xa6: {  	s22 =	sand.u32 $0x1FFFFFF0, s22;
	s0 =	sadd.s32 s6, s0;
	s23 =	sadd.s32 $0x6080, s21  }
0xa7: {  	[tilespmem:s23], [sflag:$0x1] =	stream.linear.gather [hbm4b:s0+s19], $0x80, $0x38;
	(v2sf) =	vpush v8, $0x7;
	[tilespmem:$0x14080] =	vst v63  }
0xa8: {  	s24 =	sand.u32 $0x1FFFFFF0, s26;
	s0 =	sadd.s32 $0x100, s21;
	s23 =	sadd.s32 s2, s22  }
0xa9: {  	[tilespmem:s0], [sflag:$0x1] =	stream.linear.gather [hbm4b:s23+s19], $0x80, $0x38;
	[tilespmem:$0x14080] =	vst v63  }
0xaa: {  	s0 =	sadd.s32 $0x2100, s21;
	s23 =	sadd.s32 s4, s22;
	s26 =	spop (v2sf)  }
0xab: {  	[tilespmem:s0], [sflag:$0x1] =	stream.linear.gather [hbm4b:s23+s19], $0x80, $0x38;
	(v2sf) =	vpush v8, $0x8;
	[tilespmem:$0x14080] =	vst v63  }
0xac: {  	s28 =	sadd.s32 s5, s22;
	s0 =	sadd.s32 $0x4100, s21;
	s23 =	sand.u32 $0x1FFFFFF0, s26  }
0xad: {  	[tilespmem:s0], [sflag:$0x1] =	stream.linear.gather [hbm4b:s28+s19], $0x80, $0x38;
	[tilespmem:$0x14080] =	vst v63  }
0xae: {  	s22 =	sadd.s32 s6, s22;
	s0 =	sadd.s32 $0x6100, s21;
	s26 =	spop (v2sf)  }
0xaf: {  	[tilespmem:s0], [sflag:$0x1] =	stream.linear.gather [hbm4b:s22+s19], $0x80, $0x38;
	(v2sf) =	vpush v8, $0x9;
	[tilespmem:$0x14080] =	vst v63  }
0xb0: {  	s28 =	sadd.s32 s2, s25;
	s0 =	sadd.s32 $0x180, s21;
	s22 =	sand.u32 $0x1FFFFFF0, s26  }
0xb1: {  	[tilespmem:s0], [sflag:$0x1] =	stream.linear.gather [hbm4b:s28+s19], $0x80, $0x38;
	[tilespmem:$0x14080] =	vst v63  }
0xb2: {  	s26 =	sadd.s32 s4, s25;
	s0 =	sadd.s32 $0x2180, s21;
	s28 =	spop (v2sf)  }
0xb3: {  	[tilespmem:s0], [sflag:$0x1] =	stream.linear.gather [hbm4b:s26+s19], $0x80, $0x38;
	(v2sf) =	vpush v8, $0xA;
	[tilespmem:$0x14080] =	vst v63  }
0xb4: {  	s29 =	sadd.s32 s5, s25;
	s26 =	sadd.s32 $0x4180, s21;
	s0 =	sand.u32 $0x1FFFFFF0, s28  }
0xb5: {  	[tilespmem:s26], [sflag:$0x1] =	stream.linear.gather [hbm4b:s29+s19], $0x80, $0x38;
	[tilespmem:$0x14080] =	vst v63  }
0xb6: {  	s25 =	sadd.s32 s6, s25;
	s26 =	sadd.s32 $0x6180, s21;
	s28 =	spop (v2sf)  }
0xb7: {  	[tilespmem:s26], [sflag:$0x1] =	stream.linear.gather [hbm4b:s25+s19], $0x80, $0x38;
	(v2sf) =	vpush v8, $0xB;
	[tilespmem:$0x14080] =	vst v63  }
0xb8: {  	s25 =	sadd.s32 $0x200, s21;
	s26 =	sadd.s32 s2, s24;
	s31 =	sand.u32 $0x1FFFFFF0, s28  }
0xb9: {  	[tilespmem:s25], [sflag:$0x1] =	stream.linear.gather [hbm4b:s26+s19], $0x80, $0x38;
	[tilespmem:$0x14080] =	vst v63  }
0xba: {  	s25 =	sadd.s32 $0x2200, s21;
	s26 =	sadd.s32 s4, s24;
	s28 =	spop (v2sf)  }
0xbb: {  	[tilespmem:s25], [sflag:$0x1] =	stream.linear.gather [hbm4b:s26+s19], $0x80, $0x38;
	(v2sf) =	vpush v8, $0xC;
	[tilespmem:$0x14080] =	vst v63  }
0xbc: {  	s25 =	sadd.s32 $0x4200, s21;
	s26 =	sadd.s32 s5, s24;
	s30 =	sand.u32 $0x1FFFFFF0, s28  }
0xbd: {  	[tilespmem:s25], [sflag:$0x1] =	stream.linear.gather [hbm4b:s26+s19], $0x80, $0x38;
	[tilespmem:$0x14080] =	vst v63  }
0xbe: {  	s24 =	sadd.s32 s6, s24;
	s25 =	sadd.s32 $0x6200, s21;
	s26 =	spop (v2sf)  }
0xbf: {  	[tilespmem:s25], [sflag:$0x1] =	stream.linear.gather [hbm4b:s24+s19], $0x80, $0x38;
	(v2sf) =	vpush v8, $0xD;
	[tilespmem:$0x14080] =	vst v63  }
0xc0: {  	s24 =	sadd.s32 $0x280, s21;
	s25 =	sadd.s32 s2, s23;
	s29 =	sand.u32 $0x1FFFFFF0, s26  }
0xc1: {  	[tilespmem:s24], [sflag:$0x1] =	stream.linear.gather [hbm4b:s25+s19], $0x80, $0x38;
	[tilespmem:$0x14080] =	vst v63  }
0xc2: {  	s24 =	sadd.s32 $0x2280, s21;
	s25 =	sadd.s32 s4, s23;
	s26 =	spop (v2sf)  }
0xc3: {  	[tilespmem:s24], [sflag:$0x1] =	stream.linear.gather [hbm4b:s25+s19], $0x80, $0x38;
	(v2sf) =	vpush v8, $0xE;
	[tilespmem:$0x14080] =	vst v63  }
0xc4: {  	s24 =	sadd.s32 $0x4280, s21;
	s25 =	sadd.s32 s5, s23;
	s28 =	sand.u32 $0x1FFFFFF0, s26  }
0xc5: {  	[tilespmem:s24], [sflag:$0x1] =	stream.linear.gather [hbm4b:s25+s19], $0x80, $0x38;
	[tilespmem:$0x14080] =	vst v63  }
0xc6: {  	s23 =	sadd.s32 s6, s23;
	s24 =	sadd.s32 $0x6280, s21;
	s25 =	spop (v2sf)  }
0xc7: {  	[tilespmem:s24], [sflag:$0x1] =	stream.linear.gather [hbm4b:s23+s19], $0x80, $0x38;
	(v2sf) =	vpush v8, $0xF;
	[tilespmem:$0x14080] =	vst v63  }
0xc8: {  	s23 =	sadd.s32 $0x300, s21;
	s24 =	sadd.s32 s2, s22;
	s26 =	sand.u32 $0x1FFFFFF0, s25  }
0xc9: {  	[tilespmem:s23], [sflag:$0x1] =	stream.linear.gather [hbm4b:s24+s19], $0x80, $0x38;
	[tilespmem:$0x14080] =	vst v63  }
0xca: {  	s23 =	sadd.s32 $0x2300, s21;
	s24 =	sadd.s32 s4, s22;
	s25 =	spop (v2sf)  }
0xcb: {  	[tilespmem:s23], [sflag:$0x1] =	stream.linear.gather [hbm4b:s24+s19], $0x80, $0x38;
	[tilespmem:$0x14080] =	vst v63  }
0xcc: {  	s23 =	sadd.s32 $0x4300, s21;
	s24 =	sadd.s32 s5, s22;
	s25 =	sand.u32 $0x1FFFFFF0, s25  }
0xcd: {  	[tilespmem:s23], [sflag:$0x1] =	stream.linear.gather [hbm4b:s24+s19], $0x80, $0x38;
	[tilespmem:$0x14080] =	vst v63  }
0xce: {  	s22 =	sadd.s32 s6, s22;
	s23 =	sadd.s32 $0x6300, s21;
	s24 =	spop (v2sf)  }
0xcf: {  	[tilespmem:s23], [sflag:$0x1] =	stream.linear.gather [hbm4b:s22+s19], $0x80, $0x38;
	[tilespmem:$0x14080] =	vst v63  }
0xd0: {  	s22 =	sadd.s32 $0x380, s21;
	s23 =	sadd.s32 s2, s0;
	s24 =	sand.u32 $0x1FFFFFF0, s24  }
0xd1: {  	[tilespmem:s22], [sflag:$0x1] =	stream.linear.gather [hbm4b:s23+s19], $0x80, $0x38;
	[tilespmem:$0x14080] =	vst v63  }
0xd2: {  	s22 =	sadd.s32 $0x2380, s21;
	s23 =	sadd.s32 s4, s0;
	s3 =	spop (v2sf)  }
0xd3: {  	[tilespmem:s22], [sflag:$0x1] =	stream.linear.gather [hbm4b:s23+s19], $0x80, $0x38;
	[tilespmem:$0x14080] =	vst v63  }
0xd4: {  	s11 =	sadd.s32 s5, s0;
	s22 =	sadd.s32 $0x4380, s21;
	s23 =	sand.u32 $0x1FFFFFF0, s3  }
0xd5: {  	[tilespmem:s22], [sflag:$0x1] =	stream.linear.gather [hbm4b:s11+s19], $0x80, $0x38;
	[tilespmem:$0x14080] =	vst v63  }
0xd6: {  	s0 =	sadd.s32 s6, s0;
	s3 =	sadd.s32 $0x6380, s21;
	s11 =	spop (v2sf)  }
0xd7: {  	[tilespmem:s3], [sflag:$0x1] =	stream.linear.gather [hbm4b:s0+s19], $0x80, $0x38;
	[tilespmem:$0x14080] =	vst v63  }
0xd8: {  	s0 =	sadd.s32 $0x400, s21;
	s3 =	sadd.s32 s2, s31;
	s22 =	sand.u32 $0x1FFFFFF0, s11  }
0xd9: {  	[tilespmem:s0], [sflag:$0x1] =	stream.linear.gather [hbm4b:s3+s19], $0x80, $0x38;
	[tilespmem:$0x14080] =	vst v63  }
0xda: {  	s0 =	sadd.s32 $0x2400, s21;
	s3 =	sadd.s32 s4, s31  }
0xdb: {  	[tilespmem:s0], [sflag:$0x1] =	stream.linear.gather [hbm4b:s3+s19], $0x80, $0x38;
	[tilespmem:$0x14080] =	vst v63  }
0xdc: {  	s0 =	sadd.s32 $0x4400, s21;
	s3 =	sadd.s32 s5, s31  }
0xdd: {  	[tilespmem:s0], [sflag:$0x1] =	stream.linear.gather [hbm4b:s3+s19], $0x80, $0x38;
	[tilespmem:$0x14080] =	vst v63  }
0xde: {  	s0 =	sadd.s32 $0x6400, s21;
	s3 =	sadd.s32 s6, s31  }
0xdf: {  	[tilespmem:s0], [sflag:$0x1] =	stream.linear.gather [hbm4b:s3+s19], $0x80, $0x38;
	[tilespmem:$0x14080] =	vst v63  }
0xe0: {  	s0 =	sadd.s32 $0x480, s21;
	s3 =	sadd.s32 s2, s30  }
0xe1: {  	[tilespmem:s0], [sflag:$0x1] =	stream.linear.gather [hbm4b:s3+s19], $0x80, $0x38;
	[tilespmem:$0x14080] =	vst v63  }
0xe2: {  	s0 =	sadd.s32 $0x2480, s21;
	s3 =	sadd.s32 s4, s30  }
0xe3: {  	[tilespmem:s0], [sflag:$0x1] =	stream.linear.gather [hbm4b:s3+s19], $0x80, $0x38;
	[tilespmem:$0x14080] =	vst v63  }
0xe4: {  	s0 =	sadd.s32 $0x4480, s21;
	s3 =	sadd.s32 s5, s30  }
0xe5: {  	[tilespmem:s0], [sflag:$0x1] =	stream.linear.gather [hbm4b:s3+s19], $0x80, $0x38;
	[tilespmem:$0x14080] =	vst v63  }
0xe6: {  	s0 =	sadd.s32 $0x6480, s21;
	s3 =	sadd.s32 s6, s30  }
0xe7: {  	[tilespmem:s0], [sflag:$0x1] =	stream.linear.gather [hbm4b:s3+s19], $0x80, $0x38;
	[tilespmem:$0x14080] =	vst v63  }
0xe8: {  	s0 =	sadd.s32 $0x500, s21;
	s3 =	sadd.s32 s2, s29  }
0xe9: {  	[tilespmem:s0], [sflag:$0x1] =	stream.linear.gather [hbm4b:s3+s19], $0x80, $0x38;
	[tilespmem:$0x14080] =	vst v63  }
0xea: {  	s0 =	sadd.s32 $0x2500, s21;
	s3 =	sadd.s32 s4, s29  }
0xeb: {  	[tilespmem:s0], [sflag:$0x1] =	stream.linear.gather [hbm4b:s3+s19], $0x80, $0x38;
	[tilespmem:$0x14080] =	vst v63  }
0xec: {  	s0 =	sadd.s32 $0x4500, s21;
	s3 =	sadd.s32 s5, s29  }
0xed: {  	[tilespmem:s0], [sflag:$0x1] =	stream.linear.gather [hbm4b:s3+s19], $0x80, $0x38;
	[tilespmem:$0x14080] =	vst v63  }
0xee: {  	s0 =	sadd.s32 $0x6500, s21;
	s3 =	sadd.s32 s6, s29  }
0xef: {  	[tilespmem:s0], [sflag:$0x1] =	stream.linear.gather [hbm4b:s3+s19], $0x80, $0x38;
	[tilespmem:$0x14080] =	vst v63  }
0xf0: {  	s0 =	sadd.s32 $0x580, s21;
	s3 =	sadd.s32 s2, s28  }
0xf1: {  	[tilespmem:s0], [sflag:$0x1] =	stream.linear.gather [hbm4b:s3+s19], $0x80, $0x38;
	[tilespmem:$0x14080] =	vst v63  }
0xf2: {  	s0 =	sadd.s32 $0x2580, s21;
	s3 =	sadd.s32 s4, s28  }
0xf3: {  	[tilespmem:s0], [sflag:$0x1] =	stream.linear.gather [hbm4b:s3+s19], $0x80, $0x38;
	[tilespmem:$0x14080] =	vst v63  }
0xf4: {  	s0 =	sadd.s32 $0x4580, s21;
	s3 =	sadd.s32 s5, s28  }
0xf5: {  	[tilespmem:s0], [sflag:$0x1] =	stream.linear.gather [hbm4b:s3+s19], $0x80, $0x38;
	[tilespmem:$0x14080] =	vst v63  }
0xf6: {  	s0 =	sadd.s32 $0x6580, s21;
	s3 =	sadd.s32 s6, s28  }
0xf7: {  	[tilespmem:s0], [sflag:$0x1] =	stream.linear.gather [hbm4b:s3+s19], $0x80, $0x38;
	[tilespmem:$0x14080] =	vst v63  }
0xf8: {  	s0 =	sadd.s32 $0x600, s21;
	s3 =	sadd.s32 s2, s26  }
0xf9: {  	[tilespmem:s0], [sflag:$0x1] =	stream.linear.gather [hbm4b:s3+s19], $0x80, $0x38;
	[tilespmem:$0x14080] =	vst v63  }
0xfa: {  	s0 =	sadd.s32 $0x2600, s21;
	s3 =	sadd.s32 s4, s26  }
0xfb: {  	[tilespmem:s0], [sflag:$0x1] =	stream.linear.gather [hbm4b:s3+s19], $0x80, $0x38;
	[tilespmem:$0x14080] =	vst v63  }
0xfc: {  	s0 =	sadd.s32 $0x4600, s21;
	s3 =	sadd.s32 s5, s26  }
0xfd: {  	[tilespmem:s0], [sflag:$0x1] =	stream.linear.gather [hbm4b:s3+s19], $0x80, $0x38;
	[tilespmem:$0x14080] =	vst v63  }
0xfe: {  	s0 =	sadd.s32 $0x6600, s21;
	s3 =	sadd.s32 s6, s26  }
0xff: {  	[tilespmem:s0], [sflag:$0x1] =	stream.linear.gather [hbm4b:s3+s19], $0x80, $0x38;
	[tilespmem:$0x14080] =	vst v63  }
0x100: {  	s0 =	sadd.s32 $0x680, s21;
	s3 =	sadd.s32 s2, s25  }
0x101: {  	[tilespmem:s0], [sflag:$0x1] =	stream.linear.gather [hbm4b:s3+s19], $0x80, $0x38;
	[tilespmem:$0x14080] =	vst v63  }
0x102: {  	s0 =	sadd.s32 $0x2680, s21;
	s3 =	sadd.s32 s4, s25  }
0x103: {  	[tilespmem:s0], [sflag:$0x1] =	stream.linear.gather [hbm4b:s3+s19], $0x80, $0x38;
	[tilespmem:$0x14080] =	vst v63  }
0x104: {  	s0 =	sadd.s32 $0x4680, s21;
	s3 =	sadd.s32 s5, s25  }
0x105: {  	[tilespmem:s0], [sflag:$0x1] =	stream.linear.gather [hbm4b:s3+s19], $0x80, $0x38;
	[tilespmem:$0x14080] =	vst v63  }
0x106: {  	s0 =	sadd.s32 $0x6680, s21;
	s3 =	sadd.s32 s6, s25  }
0x107: {  	[tilespmem:s0], [sflag:$0x1] =	stream.linear.gather [hbm4b:s3+s19], $0x80, $0x38;
	[tilespmem:$0x14080] =	vst v63  }
0x108: {  	s0 =	sadd.s32 $0x700, s21;
	s3 =	sadd.s32 s2, s24  }
0x109: {  	[tilespmem:s0], [sflag:$0x1] =	stream.linear.gather [hbm4b:s3+s19], $0x80, $0x38;
	[tilespmem:$0x14080] =	vst v63  }
0x10a: {  	s0 =	sadd.s32 $0x2700, s21;
	s3 =	sadd.s32 s4, s24  }
0x10b: {  	[tilespmem:s0], [sflag:$0x1] =	stream.linear.gather [hbm4b:s3+s19], $0x80, $0x38;
	[tilespmem:$0x14080] =	vst v63  }
0x10c: {  	s0 =	sadd.s32 $0x4700, s21;
	s3 =	sadd.s32 s5, s24  }
0x10d: {  	[tilespmem:s0], [sflag:$0x1] =	stream.linear.gather [hbm4b:s3+s19], $0x80, $0x38;
	[tilespmem:$0x14080] =	vst v63  }
0x10e: {  	s0 =	sadd.s32 $0x6700, s21;
	s3 =	sadd.s32 s6, s24  }
0x10f: {  	[tilespmem:s0], [sflag:$0x1] =	stream.linear.gather [hbm4b:s3+s19], $0x80, $0x38;
	[tilespmem:$0x14080] =	vst v63  }
0x110: {  	s0 =	sadd.s32 $0x780, s21;
	s3 =	sadd.s32 s2, s23  }
0x111: {  	[tilespmem:s0], [sflag:$0x1] =	stream.linear.gather [hbm4b:s3+s19], $0x80, $0x38;
	[tilespmem:$0x14080] =	vst v63  }
0x112: {  	s0 =	sadd.s32 $0x2780, s21;
	s3 =	sadd.s32 s4, s23  }
0x113: {  	[tilespmem:s0], [sflag:$0x1] =	stream.linear.gather [hbm4b:s3+s19], $0x80, $0x38;
	[tilespmem:$0x14080] =	vst v63  }
0x114: {  	s0 =	sadd.s32 $0x4780, s21;
	s3 =	sadd.s32 s5, s23  }
0x115: {  	[tilespmem:s0], [sflag:$0x1] =	stream.linear.gather [hbm4b:s3+s19], $0x80, $0x38;
	[tilespmem:$0x14080] =	vst v63  }
0x116: {  	s0 =	sadd.s32 $0x6780, s21;
	s3 =	sadd.s32 s6, s23  }
0x117: {  	[tilespmem:s0], [sflag:$0x1] =	stream.linear.gather [hbm4b:s3+s19], $0x80, $0x38;
	[tilespmem:$0x14080] =	vst v63  }
0x118: {  	s0 =	sadd.s32 $0x800, s21;
	s3 =	sadd.s32 s2, s22  }
0x119: {  	[tilespmem:s0], [sflag:$0x1] =	stream.linear.gather [hbm4b:s3+s19], $0x80, $0x38;
	[tilespmem:$0x14080] =	vst v63  }
.Ltmp0:
0x11a: {  	s0 =	sadd.s32 $0x2800, s21;
	s3 =	sadd.s32 s4, s22;
	(pc) =	sbr.rel @!p0 .LBB2_2-.Ltmp0, $4  }
0x11b: {  	[tilespmem:s0], [sflag:$0x1] =	stream.linear.gather [hbm4b:s3+s19], $0x80, $0x38;
	[tilespmem:$0x14080] =	vst v63  }
0x11c: {  	s0 =	sadd.s32 $0x4800, s21;
	s3 =	sadd.s32 s5, s22  }
0x11d: {  	[tilespmem:s0], [sflag:$0x1] =	stream.linear.gather [hbm4b:s3+s19], $0x80, $0x38;
	[tilespmem:$0x14080] =	vst v63  }
0x11e: {  	s20 =	sadd.s32 $0x10, s20;
	s0 =	sadd.s32 $0x6800, s21;
	s21 =	sadd.s32 s6, s22  }
0x11f: {  	[tilespmem:s0], [sflag:$0x1] =	stream.linear.gather [hbm4b:s21+s19], $0x80, $0x38;
	[tilespmem:$0x14080] =	vst v63  }
.LBB2_5:
0x120: {  	_ =	swait.ge [sflag:s13], $0x2000  }
0x121: {  	[sflag:s13] =	ssyncset.done $0x0  }
0x122: {  	[sflag:s13] =	ssyncadd.s32 $0xFFFFE000  }
0x123: {  	_ =	swait.ge [sflag:s13], $0x2000  }
0x124: {  	[sflag:s13] =	ssyncset.done $0x0  }
0x125: {  	[sflag:s13] =	ssyncadd.s32 $0xFFFFE000  }
0x126: {  	_ =	swait.ge [sflag:s13], $0x2000  }
0x127: {  	[sflag:s13] =	ssyncset.done $0x0  }
0x128: {  	[sflag:s13] =	ssyncadd.s32 $0xFFFFE000  }
0x129: {  	_ =	swait.ge [sflag:s13], $0x2000  }
0x12a: {  	p0 =	seq.s32 s19, $0x0;
	[sflag:s13] =	ssyncset.done $0x0  }
0x12b: {  	s0 =	simm.s32 @!p0 $0x3;
	[sflag:s13] =	ssyncadd.s32 $0xFFFFE000  }
0x12c: {  	_ =	swait.ge @!p0 [sflag:s0], $0x1000  }
0x12d: {  	[sflag:s0] =	ssyncset.done @!p0 $0x0  }
0x12e: {  	[sflag:s0] =	ssyncadd.s32 @!p0 $0xFFFFF000  }
0x12f: {  	_ =	swait.ge @!p0 [sflag:s0], $0x1000  }
0x130: {  	[sflag:s0] =	ssyncset.done @!p0 $0x0  }
0x131: {  	[sflag:s0] =	ssyncadd.s32 @!p0 $0xFFFFF000  }
0x132: {  	_ =	swait.ge @!p0 [sflag:s0], $0x1000  }
0x133: {  	[sflag:s0] =	ssyncset.done @!p0 $0x0  }
0x134: {  	[sflag:s0] =	ssyncadd.s32 @!p0 $0xFFFFF000  }
0x135: {  	_ =	swait.ge @!p0 [sflag:s0], $0x1000  }
0x136: {  	[sflag:s0] =	ssyncset.done @!p0 $0x0  }
0x137: {  	s25 =	simm.s32 $0x40;
	[sflag:s0] =	ssyncadd.s32 @!p0 $0xFFFFF000  }
0x138: {  	v8 =	vld [tilespmem:s25+$0x0];
	_ =	sdelay $0x4  }
0x139: {  	v8 =	vshll.u32 v8, $0x4  }
0x13a: {  	(v2sf) =	vpush v8, $0x0;
	_ =	sdelay $0x5  }
0x13b: {  	(v2sf) =	vpush v8, $0x1;
	_ =	sdelay $0x7  }
0x13c: {  	(v2sf) =	vpush v8, $0x2  }
0x13d: {  	s26 =	spop (v2sf)  }
0x13e: {  	s18 =	smov.u32 s19;
	s0 =	sand.u32 $0x1FFFFFF0, s26  }
0x13f: {  	s19 =	simm.s32 $0x0;
	s3 =	simm.s32 $0x8080;
	s11 =	sadd.s32 s2, s0  }
0x140: {  	[tilespmem:s3], [sflag:$0x2] =	stream.linear.gather [hbm4b:s11+s19], $0x80, $0x38;
	[tilespmem:$0x14080] =	vst v63  }
0x141: {  	s28 =	simm.s32 $0xA080;
	s29 =	sadd.s32 s4, s0  }
0x142: {  	[tilespmem:s28], [sflag:$0x2] =	stream.linear.gather [hbm4b:s29+s19], $0x80, $0x38;
	[tilespmem:$0x14080] =	vst v63  }
0x143: {  	s31 =	simm.s32 $0xC080;
	s30 =	spop (v2sf);
	s20 =	sadd.s32 s5, s0  }
0x144: {  	(v2sf) =	vpush v8, $0x3;
	[tilespmem:s31], [sflag:$0x2] =	stream.linear.gather [hbm4b:s20+s19], $0x80, $0x38;
	[tilespmem:$0x14080] =	vst v63  }
0x145: {  	s0 =	sadd.s32 s6, s0;
	s3 =	sand.u32 $0x1FFFFFF0, s30;
	s20 =	simm.s32 $0xE080  }
0x146: {  	[tilespmem:s20], [sflag:$0x2] =	stream.linear.gather [hbm4b:s0+s19], $0x80, $0x38;
	[tilespmem:$0x14080] =	vst v63  }
0x147: {  	s21 =	simm.s32 $0x8100;
	s22 =	sadd.s32 s2, s3  }
0x148: {  	[tilespmem:s21], [sflag:$0x2] =	stream.linear.gather [hbm4b:s22+s19], $0x80, $0x38;
	[tilespmem:$0x14080] =	vst v63  }
0x149: {  	s23 =	simm.s32 $0xA100;
	s24 =	sadd.s32 s4, s3  }
0x14a: {  	[tilespmem:s23], [sflag:$0x2] =	stream.linear.gather [hbm4b:s24+s19], $0x80, $0x38;
	[tilespmem:$0x14080] =	vst v63  }
0x14b: {  	s26 =	simm.s32 $0xC100;
	s25 =	spop (v2sf);
	s28 =	sadd.s32 s5, s3  }
0x14c: {  	(v2sf) =	vpush v8, $0x4;
	[tilespmem:s26], [sflag:$0x2] =	stream.linear.gather [hbm4b:s28+s19], $0x80, $0x38;
	[tilespmem:$0x14080] =	vst v63  }
0x14d: {  	s29 =	simm.s32 $0xE100;
	s3 =	sadd.s32 s6, s3;
	s0 =	sand.u32 $0x1FFFFFF0, s25  }
0x14e: {  	[tilespmem:s29], [sflag:$0x2] =	stream.linear.gather [hbm4b:s3+s19], $0x80, $0x38;
	[tilespmem:$0x14080] =	vst v63  }
0x14f: {  	s30 =	simm.s32 $0x8180;
	s31 =	sadd.s32 s2, s0  }
0x150: {  	[tilespmem:s30], [sflag:$0x2] =	stream.linear.gather [hbm4b:s31+s19], $0x80, $0x38;
	[tilespmem:$0x14080] =	vst v63  }
0x151: {  	s20 =	simm.s32 $0xA180;
	s21 =	sadd.s32 s4, s0  }
0x152: {  	[tilespmem:s20], [sflag:$0x2] =	stream.linear.gather [hbm4b:s21+s19], $0x80, $0x38;
	[tilespmem:$0x14080] =	vst v63  }
0x153: {  	s23 =	simm.s32 $0xC180;
	s24 =	sadd.s32 s5, s0;
	s22 =	spop (v2sf)  }
0x154: {  	(v2sf) =	vpush v8, $0x5;
	[tilespmem:s23], [sflag:$0x2] =	stream.linear.gather [hbm4b:s24+s19], $0x80, $0x38;
	[tilespmem:$0x14080] =	vst v63  }
0x155: {  	s25 =	simm.s32 $0xE180;
	s0 =	sadd.s32 s6, s0;
	s3 =	sand.u32 $0x1FFFFFF0, s22  }
0x156: {  	[tilespmem:s25], [sflag:$0x2] =	stream.linear.gather [hbm4b:s0+s19], $0x80, $0x38;
	[tilespmem:$0x14080] =	vst v63  }
0x157: {  	s26 =	simm.s32 $0x8200;
	s28 =	sadd.s32 s2, s3  }
0x158: {  	[tilespmem:s26], [sflag:$0x2] =	stream.linear.gather [hbm4b:s28+s19], $0x80, $0x38;
	[tilespmem:$0x14080] =	vst v63  }
0x159: {  	s29 =	simm.s32 $0xA200;
	s30 =	sadd.s32 s4, s3  }
0x15a: {  	[tilespmem:s29], [sflag:$0x2] =	stream.linear.gather [hbm4b:s30+s19], $0x80, $0x38;
	[tilespmem:$0x14080] =	vst v63  }
0x15b: {  	s22 =	sadd.s32 s5, s3;
	s31 =	spop (v2sf);
	s21 =	simm.s32 $0xC200  }
0x15c: {  	(v2sf) =	vpush v8, $0x6;
	[tilespmem:s21], [sflag:$0x2] =	stream.linear.gather [hbm4b:s22+s19], $0x80, $0x38;
	[tilespmem:$0x14080] =	vst v63  }
0x15d: {  	s3 =	sadd.s32 s6, s3;
	s23 =	simm.s32 $0xE200;
	s0 =	sand.u32 $0x1FFFFFF0, s31  }
0x15e: {  	[tilespmem:s23], [sflag:$0x2] =	stream.linear.gather [hbm4b:s3+s19], $0x80, $0x38;
	[tilespmem:$0x14080] =	vst v63  }
0x15f: {  	s24 =	simm.s32 $0x8280;
	s25 =	sadd.s32 s2, s0  }
0x160: {  	[tilespmem:s24], [sflag:$0x2] =	stream.linear.gather [hbm4b:s25+s19], $0x80, $0x38;
	[tilespmem:$0x14080] =	vst v63  }
0x161: {  	s26 =	simm.s32 $0xA280;
	s28 =	sadd.s32 s4, s0  }
0x162: {  	[tilespmem:s26], [sflag:$0x2] =	stream.linear.gather [hbm4b:s28+s19], $0x80, $0x38;
	[tilespmem:$0x14080] =	vst v63  }
0x163: {  	s31 =	sadd.s32 s5, s0;
	s30 =	simm.s32 $0xC280;
	s29 =	spop (v2sf)  }
0x164: {  	(v2sf) =	vpush v8, $0x7;
	[tilespmem:s30], [sflag:$0x2] =	stream.linear.gather [hbm4b:s31+s19], $0x80, $0x38;
	[tilespmem:$0x14080] =	vst v63  }
0x165: {  	s20 =	simm.s32 $0xE280;
	s0 =	sadd.s32 s6, s0;
	s3 =	sand.u32 $0x1FFFFFF0, s29  }
0x166: {  	[tilespmem:s20], [sflag:$0x2] =	stream.linear.gather [hbm4b:s0+s19], $0x80, $0x38;
	[tilespmem:$0x14080] =	vst v63  }
0x167: {  	s21 =	simm.s32 $0x8300;
	s22 =	sadd.s32 s2, s3  }
0x168: {  	[tilespmem:s21], [sflag:$0x2] =	stream.linear.gather [hbm4b:s22+s19], $0x80, $0x38;
	[tilespmem:$0x14080] =	vst v63  }
0x169: {  	s23 =	simm.s32 $0xA300;
	s24 =	sadd.s32 s4, s3  }
0x16a: {  	[tilespmem:s23], [sflag:$0x2] =	stream.linear.gather [hbm4b:s24+s19], $0x80, $0x38;
	[tilespmem:$0x14080] =	vst v63  }
0x16b: {  	s25 =	spop (v2sf);
	s26 =	simm.s32 $0xC300;
	s28 =	sadd.s32 s5, s3  }
0x16c: {  	(v2sf) =	vpush v8, $0x8;
	[tilespmem:s26], [sflag:$0x2] =	stream.linear.gather [hbm4b:s28+s19], $0x80, $0x38;
	[tilespmem:$0x14080] =	vst v63  }
0x16d: {  	s29 =	simm.s32 $0xE300;
	s3 =	sadd.s32 s6, s3;
	s0 =	sand.u32 $0x1FFFFFF0, s25  }
0x16e: {  	[tilespmem:s29], [sflag:$0x2] =	stream.linear.gather [hbm4b:s3+s19], $0x80, $0x38;
	[tilespmem:$0x14080] =	vst v63  }
0x16f: {  	s30 =	simm.s32 $0x8380;
	s31 =	sadd.s32 s2, s0  }
0x170: {  	[tilespmem:s30], [sflag:$0x2] =	stream.linear.gather [hbm4b:s31+s19], $0x80, $0x38;
	[tilespmem:$0x14080] =	vst v63  }
0x171: {  	s20 =	simm.s32 $0xA380;
	s21 =	sadd.s32 s4, s0  }
0x172: {  	[tilespmem:s20], [sflag:$0x2] =	stream.linear.gather [hbm4b:s21+s19], $0x80, $0x38;
	[tilespmem:$0x14080] =	vst v63  }
0x173: {  	s22 =	spop (v2sf);
	s23 =	simm.s32 $0xC380;
	s24 =	sadd.s32 s5, s0  }
0x174: {  	(v2sf) =	vpush v8, $0x9;
	[tilespmem:s23], [sflag:$0x2] =	stream.linear.gather [hbm4b:s24+s19], $0x80, $0x38;
	[tilespmem:$0x14080] =	vst v63  }
0x175: {  	s25 =	simm.s32 $0xE380;
	s0 =	sadd.s32 s6, s0;
	s3 =	sand.u32 $0x1FFFFFF0, s22  }
0x176: {  	[tilespmem:s25], [sflag:$0x2] =	stream.linear.gather [hbm4b:s0+s19], $0x80, $0x38;
	[tilespmem:$0x14080] =	vst v63  }
0x177: {  	s26 =	simm.s32 $0x8400;
	s28 =	sadd.s32 s2, s3  }
0x178: {  	[tilespmem:s26], [sflag:$0x2] =	stream.linear.gather [hbm4b:s28+s19], $0x80, $0x38;
	[tilespmem:$0x14080] =	vst v63  }
0x179: {  	s29 =	simm.s32 $0xA400;
	s30 =	sadd.s32 s4, s3  }
0x17a: {  	[tilespmem:s29], [sflag:$0x2] =	stream.linear.gather [hbm4b:s30+s19], $0x80, $0x38;
	[tilespmem:$0x14080] =	vst v63  }
0x17b: {  	s22 =	sadd.s32 s5, s3;
	s31 =	spop (v2sf);
	s21 =	simm.s32 $0xC400  }
0x17c: {  	(v2sf) =	vpush v8, $0xA;
	[tilespmem:s21], [sflag:$0x2] =	stream.linear.gather [hbm4b:s22+s19], $0x80, $0x38;
	[tilespmem:$0x14080] =	vst v63  }
0x17d: {  	s3 =	sadd.s32 s6, s3;
	s23 =	simm.s32 $0xE400;
	s0 =	sand.u32 $0x1FFFFFF0, s31  }
0x17e: {  	[tilespmem:s23], [sflag:$0x2] =	stream.linear.gather [hbm4b:s3+s19], $0x80, $0x38;
	[tilespmem:$0x14080] =	vst v63  }
0x17f: {  	s24 =	simm.s32 $0x8480;
	s25 =	sadd.s32 s2, s0  }
0x180: {  	[tilespmem:s24], [sflag:$0x2] =	stream.linear.gather [hbm4b:s25+s19], $0x80, $0x38;
	[tilespmem:$0x14080] =	vst v63  }
0x181: {  	s26 =	simm.s32 $0xA480;
	s28 =	sadd.s32 s4, s0  }
0x182: {  	[tilespmem:s26], [sflag:$0x2] =	stream.linear.gather [hbm4b:s28+s19], $0x80, $0x38;
	[tilespmem:$0x14080] =	vst v63  }
0x183: {  	s31 =	sadd.s32 s5, s0;
	s29 =	spop (v2sf);
	s30 =	simm.s32 $0xC480  }
0x184: {  	(v2sf) =	vpush v8, $0xB;
	[tilespmem:s30], [sflag:$0x2] =	stream.linear.gather [hbm4b:s31+s19], $0x80, $0x38;
	[tilespmem:$0x14080] =	vst v63  }
0x185: {  	s20 =	simm.s32 $0xE480;
	s0 =	sadd.s32 s6, s0;
	s3 =	sand.u32 $0x1FFFFFF0, s29  }
0x186: {  	[tilespmem:s20], [sflag:$0x2] =	stream.linear.gather [hbm4b:s0+s19], $0x80, $0x38;
	[tilespmem:$0x14080] =	vst v63  }
0x187: {  	s21 =	simm.s32 $0x8500;
	s22 =	sadd.s32 s2, s3  }
0x188: {  	[tilespmem:s21], [sflag:$0x2] =	stream.linear.gather [hbm4b:s22+s19], $0x80, $0x38;
	[tilespmem:$0x14080] =	vst v63  }
0x189: {  	s23 =	simm.s32 $0xA500;
	s24 =	sadd.s32 s4, s3  }
0x18a: {  	[tilespmem:s23], [sflag:$0x2] =	stream.linear.gather [hbm4b:s24+s19], $0x80, $0x38;
	[tilespmem:$0x14080] =	vst v63  }
0x18b: {  	s25 =	spop (v2sf);
	s26 =	simm.s32 $0xC500;
	s28 =	sadd.s32 s5, s3  }
0x18c: {  	(v2sf) =	vpush v8, $0xC;
	[tilespmem:s26], [sflag:$0x2] =	stream.linear.gather [hbm4b:s28+s19], $0x80, $0x38;
	[tilespmem:$0x14080] =	vst v63  }
0x18d: {  	s29 =	simm.s32 $0xE500;
	s3 =	sadd.s32 s6, s3;
	s0 =	sand.u32 $0x1FFFFFF0, s25  }
0x18e: {  	[tilespmem:s29], [sflag:$0x2] =	stream.linear.gather [hbm4b:s3+s19], $0x80, $0x38;
	[tilespmem:$0x14080] =	vst v63  }
0x18f: {  	s30 =	simm.s32 $0x8580;
	s31 =	sadd.s32 s2, s0  }
0x190: {  	[tilespmem:s30], [sflag:$0x2] =	stream.linear.gather [hbm4b:s31+s19], $0x80, $0x38;
	[tilespmem:$0x14080] =	vst v63  }
0x191: {  	s20 =	simm.s32 $0xA580;
	s21 =	sadd.s32 s4, s0  }
0x192: {  	[tilespmem:s20], [sflag:$0x2] =	stream.linear.gather [hbm4b:s21+s19], $0x80, $0x38;
	[tilespmem:$0x14080] =	vst v63  }
0x193: {  	s22 =	spop (v2sf);
	s23 =	simm.s32 $0xC580;
	s24 =	sadd.s32 s5, s0  }
0x194: {  	(v2sf) =	vpush v8, $0xD;
	[tilespmem:s23], [sflag:$0x2] =	stream.linear.gather [hbm4b:s24+s19], $0x80, $0x38;
	[tilespmem:$0x14080] =	vst v63  }
0x195: {  	s25 =	simm.s32 $0xE580;
	s0 =	sadd.s32 s6, s0;
	s3 =	sand.u32 $0x1FFFFFF0, s22  }
0x196: {  	[tilespmem:s25], [sflag:$0x2] =	stream.linear.gather [hbm4b:s0+s19], $0x80, $0x38;
	[tilespmem:$0x14080] =	vst v63  }
0x197: {  	s26 =	simm.s32 $0x8600;
	s28 =	sadd.s32 s2, s3  }
0x198: {  	[tilespmem:s26], [sflag:$0x2] =	stream.linear.gather [hbm4b:s28+s19], $0x80, $0x38;
	[tilespmem:$0x14080] =	vst v63  }
0x199: {  	s29 =	simm.s32 $0xA600;
	s30 =	sadd.s32 s4, s3  }
0x19a: {  	[tilespmem:s29], [sflag:$0x2] =	stream.linear.gather [hbm4b:s30+s19], $0x80, $0x38;
	[tilespmem:$0x14080] =	vst v63  }
0x19b: {  	s22 =	sadd.s32 s5, s3;
	s31 =	spop (v2sf);
	s21 =	simm.s32 $0xC600  }
0x19c: {  	(v2sf) =	vpush v8, $0xE;
	[tilespmem:s21], [sflag:$0x2] =	stream.linear.gather [hbm4b:s22+s19], $0x80, $0x38;
	[tilespmem:$0x14080] =	vst v63  }
0x19d: {  	s3 =	sadd.s32 s6, s3;
	s23 =	simm.s32 $0xE600;
	s0 =	sand.u32 $0x1FFFFFF0, s31  }
0x19e: {  	[tilespmem:s23], [sflag:$0x2] =	stream.linear.gather [hbm4b:s3+s19], $0x80, $0x38;
	[tilespmem:$0x14080] =	vst v63  }
0x19f: {  	s24 =	simm.s32 $0x8680;
	s25 =	sadd.s32 s2, s0  }
0x1a0: {  	[tilespmem:s24], [sflag:$0x2] =	stream.linear.gather [hbm4b:s25+s19], $0x80, $0x38;
	[tilespmem:$0x14080] =	vst v63  }
0x1a1: {  	s26 =	simm.s32 $0xA680;
	s28 =	sadd.s32 s4, s0  }
0x1a2: {  	[tilespmem:s26], [sflag:$0x2] =	stream.linear.gather [hbm4b:s28+s19], $0x80, $0x38;
	[tilespmem:$0x14080] =	vst v63  }
0x1a3: {  	s31 =	sadd.s32 s5, s0;
	s29 =	spop (v2sf);
	s30 =	simm.s32 $0xC680  }
0x1a4: {  	(v2sf) =	vpush v8, $0xF;
	[tilespmem:s30], [sflag:$0x2] =	stream.linear.gather [hbm4b:s31+s19], $0x80, $0x38;
	[tilespmem:$0x14080] =	vst v63  }
0x1a5: {  	s20 =	simm.s32 $0xE680;
	s0 =	sadd.s32 s6, s0;
	s3 =	sand.u32 $0x1FFFFFF0, s29  }
0x1a6: {  	[tilespmem:s20], [sflag:$0x2] =	stream.linear.gather [hbm4b:s0+s19], $0x80, $0x38;
	[tilespmem:$0x14080] =	vst v63  }
0x1a7: {  	s21 =	simm.s32 $0x8700;
	s22 =	sadd.s32 s2, s3  }
0x1a8: {  	[tilespmem:s21], [sflag:$0x2] =	stream.linear.gather [hbm4b:s22+s19], $0x80, $0x38;
	[tilespmem:$0x14080] =	vst v63  }
0x1a9: {  	s23 =	simm.s32 $0xA700;
	s24 =	sadd.s32 s4, s3  }
0x1aa: {  	[tilespmem:s23], [sflag:$0x2] =	stream.linear.gather [hbm4b:s24+s19], $0x80, $0x38;
	[tilespmem:$0x14080] =	vst v63  }
0x1ab: {  	s25 =	spop (v2sf);
	s26 =	simm.s32 $0xC700;
	s28 =	sadd.s32 s5, s3  }
0x1ac: {  	[tilespmem:s26], [sflag:$0x2] =	stream.linear.gather [hbm4b:s28+s19], $0x80, $0x38;
	[tilespmem:$0x14080] =	vst v63  }
0x1ad: {  	s29 =	simm.s32 $0xE700;
	s3 =	sadd.s32 s6, s3;
	s0 =	sand.u32 $0x1FFFFFF0, s25  }
0x1ae: {  	[tilespmem:s29], [sflag:$0x2] =	stream.linear.gather [hbm4b:s3+s19], $0x80, $0x38;
	[tilespmem:$0x14080] =	vst v63  }
0x1af: {  	s30 =	simm.s32 $0x8780;
	s31 =	sadd.s32 s2, s0  }
0x1b0: {  	[tilespmem:s30], [sflag:$0x2] =	stream.linear.gather [hbm4b:s31+s19], $0x80, $0x38;
	[tilespmem:$0x14080] =	vst v63  }
0x1b1: {  	s11 =	simm.s32 $0xA780;
	s25 =	simm.s32 $0x8800;
	s20 =	sadd.s32 s4, s0  }
0x1b2: {  	[tilespmem:s11], [sflag:$0x2] =	stream.linear.gather [hbm4b:s20+s19], $0x80, $0x38;
	[tilespmem:$0x14080] =	vst v63  }
0x1b3: {  	s22 =	simm.s32 $0xC780;
	s21 =	spop (v2sf);
	s23 =	sadd.s32 s5, s0  }
0x1b4: {  	[tilespmem:s22], [sflag:$0x2] =	stream.linear.gather [hbm4b:s23+s19], $0x80, $0x38;
	[tilespmem:$0x14080] =	vst v63  }
0x1b5: {  	s24 =	simm.s32 $0xE780;
	s0 =	sadd.s32 s6, s0;
	s3 =	sand.u32 $0x1FFFFFF0, s21  }
0x1b6: {  	[tilespmem:s24], [sflag:$0x2] =	stream.linear.gather [hbm4b:s0+s19], $0x80, $0x38;
	[tilespmem:$0x14080] =	vst v63  }
0x1b7: {  	s28 =	simm.s32 $0xA800;
	s21 =	simm.s32 $0x50;
	s26 =	sadd.s32 s2, s3  }
0x1b8: {  	[tilespmem:s25], [sflag:$0x2] =	stream.linear.gather [hbm4b:s26+s19], $0x80, $0x38;
	[tilespmem:$0x14080] =	vst v63  }
0x1b9: {  	s29 =	sadd.s32 s4, s3;
	s30 =	simm.s32 $0xC800;
	s31 =	sadd.s32 s5, s3  }
0x1ba: {  	[tilespmem:s28], [sflag:$0x2] =	stream.linear.gather [hbm4b:s29+s19], $0x80, $0x38;
	[tilespmem:$0x14080] =	vst v63  }
0x1bb: {  	s20 =	simm.s32 $0x2000;
	s22 =	sadd.s32 s6, s3;
	s0 =	simm.s32 $0xE800  }
0x1bc: {  	[tilespmem:s30], [sflag:$0x2] =	stream.linear.gather [hbm4b:s31+s19], $0x80, $0x38;
	[tilespmem:$0x14080] =	vst v63  }
.LBB2_6:
0x1bd: {  	[tilespmem:s0], [sflag:$0x2] =	stream.linear.gather [hbm4b:s22+s19], $0x80, $0x38;
	[tilespmem:$0x14080] =	vst v63  }
0x1be: {  	p0 =	sne.s32 s20, $0x6000;
	s0 =	smov.u32 s20;
	s20 =	sadd.s32 $0x2000, s20;
	v8 =	vld [tilespmem:s21+$0x0]  }
0x1bf: {  	_ =	sdelay $0x3  }
0x1c0: {  	v8 =	vshll.u32 v8, $0x4  }
0x1c1: {  	(v2sf) =	vpush v8, $0x0  }
0x1c2: {  	(v2sf) =	vpush v8, $0x1  }
0x1c3: {  	(v2sf) =	vpush v8, $0x2;
	_ =	sdelay $0x3  }
0x1c4: {  	(v2sf) =	vpush v8, $0x3;
	_ =	sdelay $0x5  }
0x1c5: {  	(v2sf) =	vpush v8, $0x4;
	_ =	sdelay $0x2  }
0x1c6: {  	s3 =	spop (v2sf)  }
0x1c7: {  	s22 =	sshra.s32 s0, $0x2;
	s3 =	sand.u32 $0x1FFFFFF0, s3;
	s11 =	spop (v2sf);
	(v2sf) =	vpush v8, $0x5  }
0x1c8: {  	s0 =	sadd.s32 $0x8080, s22;
	s23 =	sadd.s32 s2, s3;
	s24 =	spop (v2sf)  }
0x1c9: {  	[tilespmem:s0], [sflag:$0x2] =	stream.linear.gather [hbm4b:s23+s19], $0x80, $0x38;
	[tilespmem:$0x14080] =	vst v63  }
0x1ca: {  	s25 =	sadd.s32 s4, s3;
	s23 =	sadd.s32 $0xA080, s22;
	s0 =	sand.u32 $0x1FFFFFF0, s24  }
0x1cb: {  	[tilespmem:s23], [sflag:$0x2] =	stream.linear.gather [hbm4b:s25+s19], $0x80, $0x38;
	(v2sf) =	vpush v8, $0x6;
	[tilespmem:$0x14080] =	vst v63  }
0x1cc: {  	s24 =	sadd.s32 s5, s3;
	s23 =	sadd.s32 $0xC080, s22;
	s25 =	spop (v2sf)  }
0x1cd: {  	[tilespmem:s23], [sflag:$0x2] =	stream.linear.gather [hbm4b:s24+s19], $0x80, $0x38;
	[tilespmem:$0x14080] =	vst v63  }
0x1ce: {  	s11 =	sand.u32 $0x1FFFFFF0, s11;
	s3 =	sadd.s32 s6, s3;
	s23 =	sadd.s32 $0xE080, s22  }
0x1cf: {  	[tilespmem:s23], [sflag:$0x2] =	stream.linear.gather [hbm4b:s3+s19], $0x80, $0x38;
	(v2sf) =	vpush v8, $0x7;
	[tilespmem:$0x14080] =	vst v63  }
0x1d0: {  	s26 =	sand.u32 $0x1FFFFFF0, s25;
	s3 =	sadd.s32 $0x8100, s22;
	s23 =	sadd.s32 s2, s11  }
0x1d1: {  	[tilespmem:s3], [sflag:$0x2] =	stream.linear.gather [hbm4b:s23+s19], $0x80, $0x38;
	[tilespmem:$0x14080] =	vst v63  }
0x1d2: {  	s3 =	sadd.s32 $0xA100, s22;
	s23 =	sadd.s32 s4, s11;
	s24 =	spop (v2sf)  }
0x1d3: {  	[tilespmem:s3], [sflag:$0x2] =	stream.linear.gather [hbm4b:s23+s19], $0x80, $0x38;
	(v2sf) =	vpush v8, $0x8;
	[tilespmem:$0x14080] =	vst v63  }
0x1d4: {  	s3 =	sadd.s32 $0xC100, s22;
	s23 =	sadd.s32 s5, s11;
	s25 =	sand.u32 $0x1FFFFFF0, s24  }
0x1d5: {  	[tilespmem:s3], [sflag:$0x2] =	stream.linear.gather [hbm4b:s23+s19], $0x80, $0x38;
	[tilespmem:$0x14080] =	vst v63  }
0x1d6: {  	s11 =	sadd.s32 s6, s11;
	s3 =	sadd.s32 $0xE100, s22;
	s23 =	spop (v2sf)  }
0x1d7: {  	[tilespmem:s3], [sflag:$0x2] =	stream.linear.gather [hbm4b:s11+s19], $0x80, $0x38;
	(v2sf) =	vpush v8, $0x9;
	[tilespmem:$0x14080] =	vst v63  }
0x1d8: {  	s3 =	sadd.s32 $0x8180, s22;
	s11 =	sadd.s32 s2, s0;
	s24 =	sand.u32 $0x1FFFFFF0, s23  }
0x1d9: {  	[tilespmem:s3], [sflag:$0x2] =	stream.linear.gather [hbm4b:s11+s19], $0x80, $0x38;
	[tilespmem:$0x14080] =	vst v63  }
0x1da: {  	s3 =	sadd.s32 $0xA180, s22;
	s11 =	sadd.s32 s4, s0;
	s23 =	spop (v2sf)  }
0x1db: {  	[tilespmem:s3], [sflag:$0x2] =	stream.linear.gather [hbm4b:s11+s19], $0x80, $0x38;
	(v2sf) =	vpush v8, $0xA;
	[tilespmem:$0x14080] =	vst v63  }
0x1dc: {  	s3 =	sadd.s32 $0xC180, s22;
	s11 =	sadd.s32 s5, s0;
	s23 =	sand.u32 $0x1FFFFFF0, s23  }
0x1dd: {  	[tilespmem:s3], [sflag:$0x2] =	stream.linear.gather [hbm4b:s11+s19], $0x80, $0x38;
	[tilespmem:$0x14080] =	vst v63  }
0x1de: {  	s0 =	sadd.s32 s6, s0;
	s3 =	sadd.s32 $0xE180, s22;
	s11 =	spop (v2sf)  }
0x1df: {  	[tilespmem:s3], [sflag:$0x2] =	stream.linear.gather [hbm4b:s0+s19], $0x80, $0x38;
	(v2sf) =	vpush v8, $0xB;
	[tilespmem:$0x14080] =	vst v63  }
0x1e0: {  	s28 =	sadd.s32 s2, s26;
	s3 =	sadd.s32 $0x8200, s22;
	s0 =	sand.u32 $0x1FFFFFF0, s11  }
0x1e1: {  	[tilespmem:s3], [sflag:$0x2] =	stream.linear.gather [hbm4b:s28+s19], $0x80, $0x38;
	[tilespmem:$0x14080] =	vst v63  }
0x1e2: {  	s11 =	sadd.s32 s4, s26;
	s3 =	sadd.s32 $0xA200, s22;
	s28 =	spop (v2sf)  }
0x1e3: {  	[tilespmem:s3], [sflag:$0x2] =	stream.linear.gather [hbm4b:s11+s19], $0x80, $0x38;
	(v2sf) =	vpush v8, $0xC;
	[tilespmem:$0x14080] =	vst v63  }
0x1e4: {  	s3 =	sadd.s32 $0xC200, s22;
	s11 =	sadd.s32 s5, s26;
	s31 =	sand.u32 $0x1FFFFFF0, s28  }
0x1e5: {  	[tilespmem:s3], [sflag:$0x2] =	stream.linear.gather [hbm4b:s11+s19], $0x80, $0x38;
	[tilespmem:$0x14080] =	vst v63  }
0x1e6: {  	s3 =	sadd.s32 $0xE200, s22;
	s11 =	sadd.s32 s6, s26;
	s26 =	spop (v2sf)  }
0x1e7: {  	[tilespmem:s3], [sflag:$0x2] =	stream.linear.gather [hbm4b:s11+s19], $0x80, $0x38;
	(v2sf) =	vpush v8, $0xD;
	[tilespmem:$0x14080] =	vst v63  }
0x1e8: {  	s3 =	sadd.s32 $0x8280, s22;
	s11 =	sadd.s32 s2, s25;
	s30 =	sand.u32 $0x1FFFFFF0, s26  }
0x1e9: {  	[tilespmem:s3], [sflag:$0x2] =	stream.linear.gather [hbm4b:s11+s19], $0x80, $0x38;
	[tilespmem:$0x14080] =	vst v63  }
0x1ea: {  	s3 =	sadd.s32 $0xA280, s22;
	s11 =	sadd.s32 s4, s25;
	s26 =	spop (v2sf)  }
0x1eb: {  	[tilespmem:s3], [sflag:$0x2] =	stream.linear.gather [hbm4b:s11+s19], $0x80, $0x38;
	(v2sf) =	vpush v8, $0xE;
	[tilespmem:$0x14080] =	vst v63  }
0x1ec: {  	s3 =	sadd.s32 $0xC280, s22;
	s11 =	sadd.s32 s5, s25;
	s29 =	sand.u32 $0x1FFFFFF0, s26  }
0x1ed: {  	[tilespmem:s3], [sflag:$0x2] =	stream.linear.gather [hbm4b:s11+s19], $0x80, $0x38;
	[tilespmem:$0x14080] =	vst v63  }
0x1ee: {  	s3 =	sadd.s32 $0xE280, s22;
	s11 =	sadd.s32 s6, s25;
	s25 =	spop (v2sf)  }
0x1ef: {  	[tilespmem:s3], [sflag:$0x2] =	stream.linear.gather [hbm4b:s11+s19], $0x80, $0x38;
	(v2sf) =	vpush v8, $0xF;
	[tilespmem:$0x14080] =	vst v63  }
0x1f0: {  	s3 =	sadd.s32 $0x8300, s22;
	s11 =	sadd.s32 s2, s24;
	s28 =	sand.u32 $0x1FFFFFF0, s25  }
0x1f1: {  	[tilespmem:s3], [sflag:$0x2] =	stream.linear.gather [hbm4b:s11+s19], $0x80, $0x38;
	[tilespmem:$0x14080] =	vst v63  }
0x1f2: {  	s3 =	sadd.s32 $0xA300, s22;
	s11 =	sadd.s32 s4, s24;
	s25 =	spop (v2sf)  }
0x1f3: {  	[tilespmem:s3], [sflag:$0x2] =	stream.linear.gather [hbm4b:s11+s19], $0x80, $0x38;
	[tilespmem:$0x14080] =	vst v63  }
0x1f4: {  	s3 =	sadd.s32 $0xC300, s22;
	s11 =	sadd.s32 s5, s24;
	s26 =	sand.u32 $0x1FFFFFF0, s25  }
0x1f5: {  	[tilespmem:s3], [sflag:$0x2] =	stream.linear.gather [hbm4b:s11+s19], $0x80, $0x38;
	[tilespmem:$0x14080] =	vst v63  }
0x1f6: {  	s3 =	sadd.s32 $0xE300, s22;
	s11 =	sadd.s32 s6, s24;
	s24 =	spop (v2sf)  }
0x1f7: {  	[tilespmem:s3], [sflag:$0x2] =	stream.linear.gather [hbm4b:s11+s19], $0x80, $0x38;
	[tilespmem:$0x14080] =	vst v63  }
0x1f8: {  	s3 =	sadd.s32 $0x8380, s22;
	s11 =	sadd.s32 s2, s23;
	s25 =	sand.u32 $0x1FFFFFF0, s24  }
0x1f9: {  	[tilespmem:s3], [sflag:$0x2] =	stream.linear.gather [hbm4b:s11+s19], $0x80, $0x38;
	[tilespmem:$0x14080] =	vst v63  }
0x1fa: {  	s3 =	sadd.s32 $0xA380, s22;
	s11 =	sadd.s32 s4, s23;
	s24 =	spop (v2sf)  }
0x1fb: {  	[tilespmem:s3], [sflag:$0x2] =	stream.linear.gather [hbm4b:s11+s19], $0x80, $0x38;
	[tilespmem:$0x14080] =	vst v63  }
0x1fc: {  	s3 =	sadd.s32 $0xC380, s22;
	s11 =	sadd.s32 s5, s23;
	s24 =	sand.u32 $0x1FFFFFF0, s24  }
0x1fd: {  	[tilespmem:s3], [sflag:$0x2] =	stream.linear.gather [hbm4b:s11+s19], $0x80, $0x38;
	[tilespmem:$0x14080] =	vst v63  }
0x1fe: {  	s3 =	sadd.s32 $0xE380, s22;
	s11 =	sadd.s32 s6, s23;
	s23 =	spop (v2sf)  }
0x1ff: {  	[tilespmem:s3], [sflag:$0x2] =	stream.linear.gather [hbm4b:s11+s19], $0x80, $0x38;
	[tilespmem:$0x14080] =	vst v63  }
0x200: {  	s3 =	sadd.s32 $0x8400, s22;
	s11 =	sadd.s32 s2, s0;
	s23 =	sand.u32 $0x1FFFFFF0, s23  }
0x201: {  	[tilespmem:s3], [sflag:$0x2] =	stream.linear.gather [hbm4b:s11+s19], $0x80, $0x38;
	[tilespmem:$0x14080] =	vst v63  }
0x202: {  	s3 =	sadd.s32 $0xA400, s22;
	s11 =	sadd.s32 s4, s0  }
0x203: {  	[tilespmem:s3], [sflag:$0x2] =	stream.linear.gather [hbm4b:s11+s19], $0x80, $0x38;
	[tilespmem:$0x14080] =	vst v63  }
0x204: {  	s3 =	sadd.s32 $0xC400, s22;
	s11 =	sadd.s32 s5, s0  }
0x205: {  	[tilespmem:s3], [sflag:$0x2] =	stream.linear.gather [hbm4b:s11+s19], $0x80, $0x38;
	[tilespmem:$0x14080] =	vst v63  }
0x206: {  	s0 =	sadd.s32 s6, s0;
	s3 =	sadd.s32 $0xE400, s22  }
0x207: {  	[tilespmem:s3], [sflag:$0x2] =	stream.linear.gather [hbm4b:s0+s19], $0x80, $0x38;
	[tilespmem:$0x14080] =	vst v63  }
0x208: {  	s0 =	sadd.s32 $0x8480, s22;
	s3 =	sadd.s32 s2, s31  }
0x209: {  	[tilespmem:s0], [sflag:$0x2] =	stream.linear.gather [hbm4b:s3+s19], $0x80, $0x38;
	[tilespmem:$0x14080] =	vst v63  }
0x20a: {  	s0 =	sadd.s32 $0xA480, s22;
	s3 =	sadd.s32 s4, s31  }
0x20b: {  	[tilespmem:s0], [sflag:$0x2] =	stream.linear.gather [hbm4b:s3+s19], $0x80, $0x38;
	[tilespmem:$0x14080] =	vst v63  }
0x20c: {  	s0 =	sadd.s32 $0xC480, s22;
	s3 =	sadd.s32 s5, s31  }
0x20d: {  	[tilespmem:s0], [sflag:$0x2] =	stream.linear.gather [hbm4b:s3+s19], $0x80, $0x38;
	[tilespmem:$0x14080] =	vst v63  }
0x20e: {  	s0 =	sadd.s32 $0xE480, s22;
	s3 =	sadd.s32 s6, s31  }
0x20f: {  	[tilespmem:s0], [sflag:$0x2] =	stream.linear.gather [hbm4b:s3+s19], $0x80, $0x38;
	[tilespmem:$0x14080] =	vst v63  }
0x210: {  	s0 =	sadd.s32 $0x8500, s22;
	s3 =	sadd.s32 s2, s30  }
0x211: {  	[tilespmem:s0], [sflag:$0x2] =	stream.linear.gather [hbm4b:s3+s19], $0x80, $0x38;
	[tilespmem:$0x14080] =	vst v63  }
0x212: {  	s0 =	sadd.s32 $0xA500, s22;
	s3 =	sadd.s32 s4, s30  }
0x213: {  	[tilespmem:s0], [sflag:$0x2] =	stream.linear.gather [hbm4b:s3+s19], $0x80, $0x38;
	[tilespmem:$0x14080] =	vst v63  }
0x214: {  	s0 =	sadd.s32 $0xC500, s22;
	s3 =	sadd.s32 s5, s30  }
0x215: {  	[tilespmem:s0], [sflag:$0x2] =	stream.linear.gather [hbm4b:s3+s19], $0x80, $0x38;
	[tilespmem:$0x14080] =	vst v63  }
0x216: {  	s0 =	sadd.s32 $0xE500, s22;
	s3 =	sadd.s32 s6, s30  }
0x217: {  	[tilespmem:s0], [sflag:$0x2] =	stream.linear.gather [hbm4b:s3+s19], $0x80, $0x38;
	[tilespmem:$0x14080] =	vst v63  }
0x218: {  	s0 =	sadd.s32 $0x8580, s22;
	s3 =	sadd.s32 s2, s29  }
0x219: {  	[tilespmem:s0], [sflag:$0x2] =	stream.linear.gather [hbm4b:s3+s19], $0x80, $0x38;
	[tilespmem:$0x14080] =	vst v63  }
0x21a: {  	s0 =	sadd.s32 $0xA580, s22;
	s3 =	sadd.s32 s4, s29  }
0x21b: {  	[tilespmem:s0], [sflag:$0x2] =	stream.linear.gather [hbm4b:s3+s19], $0x80, $0x38;
	[tilespmem:$0x14080] =	vst v63  }
0x21c: {  	s0 =	sadd.s32 $0xC580, s22;
	s3 =	sadd.s32 s5, s29  }
0x21d: {  	[tilespmem:s0], [sflag:$0x2] =	stream.linear.gather [hbm4b:s3+s19], $0x80, $0x38;
	[tilespmem:$0x14080] =	vst v63  }
0x21e: {  	s0 =	sadd.s32 $0xE580, s22;
	s3 =	sadd.s32 s6, s29  }
0x21f: {  	[tilespmem:s0], [sflag:$0x2] =	stream.linear.gather [hbm4b:s3+s19], $0x80, $0x38;
	[tilespmem:$0x14080] =	vst v63  }
0x220: {  	s0 =	sadd.s32 $0x8600, s22;
	s3 =	sadd.s32 s2, s28  }
0x221: {  	[tilespmem:s0], [sflag:$0x2] =	stream.linear.gather [hbm4b:s3+s19], $0x80, $0x38;
	[tilespmem:$0x14080] =	vst v63  }
0x222: {  	s0 =	sadd.s32 $0xA600, s22;
	s3 =	sadd.s32 s4, s28  }
0x223: {  	[tilespmem:s0], [sflag:$0x2] =	stream.linear.gather [hbm4b:s3+s19], $0x80, $0x38;
	[tilespmem:$0x14080] =	vst v63  }
0x224: {  	s0 =	sadd.s32 $0xC600, s22;
	s3 =	sadd.s32 s5, s28  }
0x225: {  	[tilespmem:s0], [sflag:$0x2] =	stream.linear.gather [hbm4b:s3+s19], $0x80, $0x38;
	[tilespmem:$0x14080] =	vst v63  }
0x226: {  	s0 =	sadd.s32 $0xE600, s22;
	s3 =	sadd.s32 s6, s28  }
0x227: {  	[tilespmem:s0], [sflag:$0x2] =	stream.linear.gather [hbm4b:s3+s19], $0x80, $0x38;
	[tilespmem:$0x14080] =	vst v63  }
0x228: {  	s0 =	sadd.s32 $0x8680, s22;
	s3 =	sadd.s32 s2, s26  }
0x229: {  	[tilespmem:s0], [sflag:$0x2] =	stream.linear.gather [hbm4b:s3+s19], $0x80, $0x38;
	[tilespmem:$0x14080] =	vst v63  }
0x22a: {  	s0 =	sadd.s32 $0xA680, s22;
	s3 =	sadd.s32 s4, s26  }
0x22b: {  	[tilespmem:s0], [sflag:$0x2] =	stream.linear.gather [hbm4b:s3+s19], $0x80, $0x38;
	[tilespmem:$0x14080] =	vst v63  }
0x22c: {  	s0 =	sadd.s32 $0xC680, s22;
	s3 =	sadd.s32 s5, s26  }
0x22d: {  	[tilespmem:s0], [sflag:$0x2] =	stream.linear.gather [hbm4b:s3+s19], $0x80, $0x38;
	[tilespmem:$0x14080] =	vst v63  }
0x22e: {  	s0 =	sadd.s32 $0xE680, s22;
	s3 =	sadd.s32 s6, s26  }
0x22f: {  	[tilespmem:s0], [sflag:$0x2] =	stream.linear.gather [hbm4b:s3+s19], $0x80, $0x38;
	[tilespmem:$0x14080] =	vst v63  }
0x230: {  	s0 =	sadd.s32 $0x8700, s22;
	s3 =	sadd.s32 s2, s25  }
0x231: {  	[tilespmem:s0], [sflag:$0x2] =	stream.linear.gather [hbm4b:s3+s19], $0x80, $0x38;
	[tilespmem:$0x14080] =	vst v63  }
0x232: {  	s0 =	sadd.s32 $0xA700, s22;
	s3 =	sadd.s32 s4, s25  }
0x233: {  	[tilespmem:s0], [sflag:$0x2] =	stream.linear.gather [hbm4b:s3+s19], $0x80, $0x38;
	[tilespmem:$0x14080] =	vst v63  }
0x234: {  	s0 =	sadd.s32 $0xC700, s22;
	s3 =	sadd.s32 s5, s25  }
0x235: {  	[tilespmem:s0], [sflag:$0x2] =	stream.linear.gather [hbm4b:s3+s19], $0x80, $0x38;
	[tilespmem:$0x14080] =	vst v63  }
0x236: {  	s0 =	sadd.s32 $0xE700, s22;
	s3 =	sadd.s32 s6, s25  }
0x237: {  	[tilespmem:s0], [sflag:$0x2] =	stream.linear.gather [hbm4b:s3+s19], $0x80, $0x38;
	[tilespmem:$0x14080] =	vst v63  }
0x238: {  	s0 =	sadd.s32 $0x8780, s22;
	s3 =	sadd.s32 s2, s24  }
0x239: {  	[tilespmem:s0], [sflag:$0x2] =	stream.linear.gather [hbm4b:s3+s19], $0x80, $0x38;
	[tilespmem:$0x14080] =	vst v63  }
0x23a: {  	s0 =	sadd.s32 $0xA780, s22;
	s3 =	sadd.s32 s4, s24  }
0x23b: {  	[tilespmem:s0], [sflag:$0x2] =	stream.linear.gather [hbm4b:s3+s19], $0x80, $0x38;
	[tilespmem:$0x14080] =	vst v63  }
0x23c: {  	s0 =	sadd.s32 $0xC780, s22;
	s3 =	sadd.s32 s5, s24  }
0x23d: {  	[tilespmem:s0], [sflag:$0x2] =	stream.linear.gather [hbm4b:s3+s19], $0x80, $0x38;
	[tilespmem:$0x14080] =	vst v63  }
0x23e: {  	s0 =	sadd.s32 $0xE780, s22;
	s3 =	sadd.s32 s6, s24  }
0x23f: {  	[tilespmem:s0], [sflag:$0x2] =	stream.linear.gather [hbm4b:s3+s19], $0x80, $0x38;
	[tilespmem:$0x14080] =	vst v63  }
0x240: {  	s0 =	sadd.s32 $0x8800, s22;
	s3 =	sadd.s32 s2, s23  }
0x241: {  	[tilespmem:s0], [sflag:$0x2] =	stream.linear.gather [hbm4b:s3+s19], $0x80, $0x38;
	[tilespmem:$0x14080] =	vst v63  }
.Ltmp1:
0x242: {  	s0 =	sadd.s32 $0xA800, s22;
	s3 =	sadd.s32 s4, s23;
	(pc) =	sbr.rel @p0 .LBB2_6-.Ltmp1, $4  }
0x243: {  	[tilespmem:s0], [sflag:$0x2] =	stream.linear.gather [hbm4b:s3+s19], $0x80, $0x38;
	[tilespmem:$0x14080] =	vst v63  }
0x244: {  	s0 =	sadd.s32 $0xC800, s22;
	s3 =	sadd.s32 s5, s23  }
0x245: {  	[tilespmem:s0], [sflag:$0x2] =	stream.linear.gather [hbm4b:s3+s19], $0x80, $0x38;
	[tilespmem:$0x14080] =	vst v63  }
0x246: {  	s21 =	sadd.s32 $0x10, s21;
	s0 =	sadd.s32 $0xE800, s22;
	s22 =	sadd.s32 s6, s23  }
0x247: {  	v8 =	vmov s19  }
0x248: {  	v8 =	vand.u32 $0x7C, v8  }
0x249: {  	[tilespmem:s0], [sflag:$0x2] =	stream.linear.gather [hbm4b:s22+s19], $0x80, $0x38;
	v8 =	vbroadcast v8, $0x0;
	[tilespmem:$0x14080] =	vst v63  }
0x24a: {  	s22 =	simm.s32 $0x180  }
0x24b: {  	v9 =	vld [tilespmem:s22+$0xFFFFFF00];
	v10 =	vor.u32 v0, v8;
	_ =	sdelay $0x4  }
0x24c: {  	[tilespmem:v10+s14+$0x0] =	vst.idx.msk $0xffff, v9  }
0x24d: {  	v10 =	vor.u32 v1, v8;
	v9 =	vld [tilespmem:s22+$0xFFFFFF10];
	_ =	sdelay $0x4  }
0x24e: {  	s19 =	simm.s32 $0x2180;
	[tilespmem:v10+s14+$0x0] =	vst.idx.msk $0xffff, v9  }
0x24f: {  	v10 =	vor.u32 v2, v8;
	v9 =	vld [tilespmem:s19+$0xFFFFFF00];
	_ =	sdelay $0x4  }
0x250: {  	[tilespmem:v10+s14+$0x0] =	vst.idx.msk $0xffff, v9  }
0x251: {  	v10 =	vor.u32 v3, v8;
	v9 =	vld [tilespmem:s19+$0xFFFFFF10];
	_ =	sdelay $0x4  }
0x252: {  	s20 =	simm.s32 $0x4180;
	[tilespmem:v10+s14+$0x0] =	vst.idx.msk $0xffff, v9  }
0x253: {  	v10 =	vor.u32 v4, v8;
	v9 =	vld [tilespmem:s20+$0xFFFFFF00];
	_ =	sdelay $0x4  }
0x254: {  	[tilespmem:v10+s14+$0x0] =	vst.idx.msk $0xffff, v9  }
0x255: {  	v10 =	vor.u32 v5, v8;
	v9 =	vld [tilespmem:s20+$0xFFFFFF10];
	_ =	sdelay $0x4  }
0x256: {  	s21 =	simm.s32 $0x6180;
	[tilespmem:v10+s14+$0x0] =	vst.idx.msk $0xffff, v9  }
0x257: {  	v10 =	vor.u32 v6, v8;
	v9 =	vld [tilespmem:s21+$0xFFFFFF00];
	_ =	sdelay $0x4  }
0x258: {  	[tilespmem:v10+s14+$0x0] =	vst.idx.msk $0xffff, v9  }
0x259: {  	v8 =	vor.u32 v7, v8;
	v9 =	vld [tilespmem:s21+$0xFFFFFF10]  }
0x25a: {  	s29 =	simm.s32 $0x1  }
0x25b: {  	v10 =	vmov s29  }
0x25c: {  	v10 =	vand.u32 $0x7D, v10  }
0x25d: {  	v10 =	vbroadcast v10, $0x0  }
0x25e: {  	[tilespmem:v8+s14+$0x0] =	vst.idx.msk $0xffff, v9  }
0x25f: {  	v9 =	vor.u32 v0, v10;
	v8 =	vld [tilespmem:s22+$0xFFFFFF80];
	_ =	sdelay $0x4  }
0x260: {  	[tilespmem:v9+s14+$0x0] =	vst.idx.msk $0xffff, v8  }
0x261: {  	v9 =	vor.u32 v1, v10;
	v8 =	vld [tilespmem:s22+$0xFFFFFF90];
	_ =	sdelay $0x4  }
0x262: {  	[tilespmem:v9+s14+$0x0] =	vst.idx.msk $0xffff, v8  }
0x263: {  	v9 =	vor.u32 v2, v10;
	v8 =	vld [tilespmem:s19+$0xFFFFFF80];
	_ =	sdelay $0x4  }
0x264: {  	[tilespmem:v9+s14+$0x0] =	vst.idx.msk $0xffff, v8  }
0x265: {  	v9 =	vor.u32 v3, v10;
	v8 =	vld [tilespmem:s19+$0xFFFFFF90];
	_ =	sdelay $0x4  }
0x266: {  	[tilespmem:v9+s14+$0x0] =	vst.idx.msk $0xffff, v8  }
0x267: {  	v9 =	vor.u32 v4, v10;
	v8 =	vld [tilespmem:s20+$0xFFFFFF80];
	_ =	sdelay $0x4  }
0x268: {  	[tilespmem:v9+s14+$0x0] =	vst.idx.msk $0xffff, v8  }
0x269: {  	v9 =	vor.u32 v5, v10;
	v8 =	vld [tilespmem:s20+$0xFFFFFF90];
	_ =	sdelay $0x4  }
0x26a: {  	[tilespmem:v9+s14+$0x0] =	vst.idx.msk $0xffff, v8  }
0x26b: {  	v9 =	vor.u32 v6, v10;
	v8 =	vld [tilespmem:s21+$0xFFFFFF80];
	_ =	sdelay $0x4  }
0x26c: {  	[tilespmem:v9+s14+$0x0] =	vst.idx.msk $0xffff, v8  }
0x26d: {  	v9 =	vor.u32 v7, v10;
	v8 =	vld [tilespmem:s21+$0xFFFFFF90]  }
0x26e: {  	s30 =	simm.s32 $0x2  }
0x26f: {  	v10 =	vmov s30  }
0x270: {  	v10 =	vand.u32 $0x7E, v10  }
0x271: {  	v10 =	vbroadcast v10, $0x0  }
0x272: {  	[tilespmem:v9+s14+$0x0] =	vst.idx.msk $0xffff, v8  }
0x273: {  	v9 =	vor.u32 v0, v10;
	v8 =	vld [tilespmem:s22+$0x0];
	_ =	sdelay $0x4  }
0x274: {  	[tilespmem:v9+s14+$0x0] =	vst.idx.msk $0xffff, v8  }
0x275: {  	v9 =	vor.u32 v1, v10;
	v8 =	vld [tilespmem:s22+$0x10];
	_ =	sdelay $0x4  }
0x276: {  	[tilespmem:v9+s14+$0x0] =	vst.idx.msk $0xffff, v8  }
0x277: {  	v9 =	vor.u32 v2, v10;
	v8 =	vld [tilespmem:s19+$0x0];
	_ =	sdelay $0x4  }
0x278: {  	[tilespmem:v9+s14+$0x0] =	vst.idx.msk $0xffff, v8  }
0x279: {  	v9 =	vor.u32 v3, v10;
	v8 =	vld [tilespmem:s19+$0x10];
	_ =	sdelay $0x4  }
0x27a: {  	[tilespmem:v9+s14+$0x0] =	vst.idx.msk $0xffff, v8  }
0x27b: {  	v9 =	vor.u32 v4, v10;
	v8 =	vld [tilespmem:s20+$0x0];
	_ =	sdelay $0x4  }
0x27c: {  	[tilespmem:v9+s14+$0x0] =	vst.idx.msk $0xffff, v8  }
0x27d: {  	v9 =	vor.u32 v5, v10;
	v8 =	vld [tilespmem:s20+$0x10];
	_ =	sdelay $0x4  }
0x27e: {  	[tilespmem:v9+s14+$0x0] =	vst.idx.msk $0xffff, v8  }
0x27f: {  	v9 =	vor.u32 v6, v10;
	v8 =	vld [tilespmem:s21+$0x0];
	_ =	sdelay $0x4  }
0x280: {  	[tilespmem:v9+s14+$0x0] =	vst.idx.msk $0xffff, v8  }
0x281: {  	v9 =	vor.u32 v7, v10;
	v8 =	vld [tilespmem:s21+$0x10]  }
0x282: {  	s31 =	simm.s32 $0x3  }
0x283: {  	v10 =	vmov s31  }
0x284: {  	v10 =	vand.u32 $0x7F, v10  }
0x285: {  	v10 =	vbroadcast v10, $0x0  }
0x286: {  	[tilespmem:v9+s14+$0x0] =	vst.idx.msk $0xffff, v8  }
0x287: {  	v9 =	vor.u32 v0, v10;
	v8 =	vld [tilespmem:s22+$0x80];
	_ =	sdelay $0x4  }
0x288: {  	[tilespmem:v9+s14+$0x0] =	vst.idx.msk $0xffff, v8  }
0x289: {  	v9 =	vor.u32 v1, v10;
	v8 =	vld [tilespmem:s22+$0x90];
	_ =	sdelay $0x4  }
0x28a: {  	[tilespmem:v9+s14+$0x0] =	vst.idx.msk $0xffff, v8  }
0x28b: {  	v9 =	vor.u32 v2, v10;
	v8 =	vld [tilespmem:s19+$0x80];
	_ =	sdelay $0x4  }
0x28c: {  	[tilespmem:v9+s14+$0x0] =	vst.idx.msk $0xffff, v8  }
0x28d: {  	v9 =	vor.u32 v3, v10;
	v8 =	vld [tilespmem:s19+$0x90];
	_ =	sdelay $0x4  }
0x28e: {  	[tilespmem:v9+s14+$0x0] =	vst.idx.msk $0xffff, v8  }
0x28f: {  	v9 =	vor.u32 v4, v10;
	v8 =	vld [tilespmem:s20+$0x80];
	_ =	sdelay $0x4  }
0x290: {  	[tilespmem:v9+s14+$0x0] =	vst.idx.msk $0xffff, v8  }
0x291: {  	v9 =	vor.u32 v5, v10;
	v8 =	vld [tilespmem:s20+$0x90];
	_ =	sdelay $0x4  }
0x292: {  	[tilespmem:v9+s14+$0x0] =	vst.idx.msk $0xffff, v8  }
0x293: {  	v9 =	vor.u32 v6, v10;
	v8 =	vld [tilespmem:s21+$0x80];
	_ =	sdelay $0x4  }
0x294: {  	[tilespmem:v9+s14+$0x0] =	vst.idx.msk $0xffff, v8  }
0x295: {  	v9 =	vor.u32 v7, v10;
	v8 =	vld [tilespmem:s21+$0x90]  }
0x296: {  	s23 =	simm.s32 $0x4  }
0x297: {  	s24 =	simm.s32 $0x8;
	v10 =	vmov s23  }
.LBB2_8:
0x298: {  	p0 =	slt.u32 s24, $0x3C;
	v10 =	vand.u32 $0x7C, v10  }
0x299: {  	v10 =	vbroadcast v10, $0x0  }
0x29a: {  	s22 =	sadd.s32 $0x200, s22;
	[tilespmem:v9+s14+$0x0] =	vst.idx.msk $0xffff, v8  }
0x29b: {  	v8 =	vld [tilespmem:s22+$0xFFFFFF00];
	v9 =	vor.u32 v0, v10;
	_ =	sdelay $0x4  }
0x29c: {  	[tilespmem:v9+s14+$0x0] =	vst.idx.msk $0xffff, v8  }
0x29d: {  	v9 =	vor.u32 v1, v10;
	v8 =	vld [tilespmem:s22+$0xFFFFFF10];
	_ =	sdelay $0x4  }
0x29e: {  	s19 =	sadd.s32 $0x200, s19;
	[tilespmem:v9+s14+$0x0] =	vst.idx.msk $0xffff, v8  }
0x29f: {  	v9 =	vor.u32 v2, v10;
	v8 =	vld [tilespmem:s19+$0xFFFFFF00];
	_ =	sdelay $0x4  }
0x2a0: {  	[tilespmem:v9+s14+$0x0] =	vst.idx.msk $0xffff, v8  }
0x2a1: {  	v9 =	vor.u32 v3, v10;
	v8 =	vld [tilespmem:s19+$0xFFFFFF10];
	_ =	sdelay $0x4  }
0x2a2: {  	s20 =	sadd.s32 $0x200, s20;
	[tilespmem:v9+s14+$0x0] =	vst.idx.msk $0xffff, v8  }
0x2a3: {  	v9 =	vor.u32 v4, v10;
	v8 =	vld [tilespmem:s20+$0xFFFFFF00];
	_ =	sdelay $0x4  }
0x2a4: {  	[tilespmem:v9+s14+$0x0] =	vst.idx.msk $0xffff, v8  }
0x2a5: {  	v9 =	vor.u32 v5, v10;
	v8 =	vld [tilespmem:s20+$0xFFFFFF10];
	_ =	sdelay $0x4  }
0x2a6: {  	s21 =	sadd.s32 $0x200, s21;
	[tilespmem:v9+s14+$0x0] =	vst.idx.msk $0xffff, v8  }
0x2a7: {  	v9 =	vor.u32 v6, v10;
	v8 =	vld [tilespmem:s21+$0xFFFFFF00];
	_ =	sdelay $0x4  }
0x2a8: {  	[tilespmem:v9+s14+$0x0] =	vst.idx.msk $0xffff, v8  }
0x2a9: {  	v9 =	vor.u32 v7, v10;
	v8 =	vld [tilespmem:s21+$0xFFFFFF10]  }
0x2aa: {  	s0 =	sadd.s32 $0x1, s23  }
0x2ab: {  	v10 =	vmov s0  }
0x2ac: {  	v10 =	vand.u32 $0x7D, v10  }
0x2ad: {  	v10 =	vbroadcast v10, $0x0  }
0x2ae: {  	[tilespmem:v9+s14+$0x0] =	vst.idx.msk $0xffff, v8  }
0x2af: {  	v9 =	vor.u32 v0, v10;
	v8 =	vld [tilespmem:s22+$0xFFFFFF80];
	_ =	sdelay $0x4  }
0x2b0: {  	[tilespmem:v9+s14+$0x0] =	vst.idx.msk $0xffff, v8  }
0x2b1: {  	v9 =	vor.u32 v1, v10;
	v8 =	vld [tilespmem:s22+$0xFFFFFF90];
	_ =	sdelay $0x4  }
0x2b2: {  	[tilespmem:v9+s14+$0x0] =	vst.idx.msk $0xffff, v8  }
0x2b3: {  	v9 =	vor.u32 v2, v10;
	v8 =	vld [tilespmem:s19+$0xFFFFFF80];
	_ =	sdelay $0x4  }
0x2b4: {  	[tilespmem:v9+s14+$0x0] =	vst.idx.msk $0xffff, v8  }
0x2b5: {  	v9 =	vor.u32 v3, v10;
	v8 =	vld [tilespmem:s19+$0xFFFFFF90];
	_ =	sdelay $0x4  }
0x2b6: {  	[tilespmem:v9+s14+$0x0] =	vst.idx.msk $0xffff, v8  }
0x2b7: {  	v9 =	vor.u32 v4, v10;
	v8 =	vld [tilespmem:s20+$0xFFFFFF80];
	_ =	sdelay $0x4  }
0x2b8: {  	[tilespmem:v9+s14+$0x0] =	vst.idx.msk $0xffff, v8  }
0x2b9: {  	v9 =	vor.u32 v5, v10;
	v8 =	vld [tilespmem:s20+$0xFFFFFF90];
	_ =	sdelay $0x4  }
0x2ba: {  	[tilespmem:v9+s14+$0x0] =	vst.idx.msk $0xffff, v8  }
0x2bb: {  	v9 =	vor.u32 v6, v10;
	v8 =	vld [tilespmem:s21+$0xFFFFFF80];
	_ =	sdelay $0x4  }
0x2bc: {  	[tilespmem:v9+s14+$0x0] =	vst.idx.msk $0xffff, v8  }
0x2bd: {  	v9 =	vor.u32 v7, v10;
	v8 =	vld [tilespmem:s21+$0xFFFFFF90]  }
0x2be: {  	s0 =	sadd.s32 $0x2, s23  }
0x2bf: {  	v10 =	vmov s0  }
0x2c0: {  	v10 =	vand.u32 $0x7E, v10  }
0x2c1: {  	v10 =	vbroadcast v10, $0x0  }
0x2c2: {  	[tilespmem:v9+s14+$0x0] =	vst.idx.msk $0xffff, v8  }
0x2c3: {  	v9 =	vor.u32 v0, v10;
	v8 =	vld [tilespmem:s22+$0x0];
	_ =	sdelay $0x4  }
0x2c4: {  	[tilespmem:v9+s14+$0x0] =	vst.idx.msk $0xffff, v8  }
0x2c5: {  	v9 =	vor.u32 v1, v10;
	v8 =	vld [tilespmem:s22+$0x10];
	_ =	sdelay $0x4  }
0x2c6: {  	[tilespmem:v9+s14+$0x0] =	vst.idx.msk $0xffff, v8  }
0x2c7: {  	v9 =	vor.u32 v2, v10;
	v8 =	vld [tilespmem:s19+$0x0];
	_ =	sdelay $0x4  }
0x2c8: {  	[tilespmem:v9+s14+$0x0] =	vst.idx.msk $0xffff, v8  }
0x2c9: {  	v9 =	vor.u32 v3, v10;
	v8 =	vld [tilespmem:s19+$0x10];
	_ =	sdelay $0x4  }
0x2ca: {  	[tilespmem:v9+s14+$0x0] =	vst.idx.msk $0xffff, v8  }
0x2cb: {  	v9 =	vor.u32 v4, v10;
	v8 =	vld [tilespmem:s20+$0x0];
	_ =	sdelay $0x4  }
0x2cc: {  	[tilespmem:v9+s14+$0x0] =	vst.idx.msk $0xffff, v8  }
0x2cd: {  	v9 =	vor.u32 v5, v10;
	v8 =	vld [tilespmem:s20+$0x10];
	_ =	sdelay $0x4  }
0x2ce: {  	[tilespmem:v9+s14+$0x0] =	vst.idx.msk $0xffff, v8  }
0x2cf: {  	v9 =	vor.u32 v6, v10;
	v8 =	vld [tilespmem:s21+$0x0];
	_ =	sdelay $0x4  }
0x2d0: {  	[tilespmem:v9+s14+$0x0] =	vst.idx.msk $0xffff, v8  }
0x2d1: {  	v9 =	vor.u32 v7, v10;
	v8 =	vld [tilespmem:s21+$0x10]  }
0x2d2: {  	s0 =	sadd.s32 $0x3, s23;
	s23 =	smov.u32 s24  }
0x2d3: {  	v10 =	vmov s0  }
0x2d4: {  	v10 =	vand.u32 $0x7F, v10  }
0x2d5: {  	v10 =	vbroadcast v10, $0x0  }
0x2d6: {  	[tilespmem:v9+s14+$0x0] =	vst.idx.msk $0xffff, v8  }
0x2d7: {  	v9 =	vor.u32 v0, v10;
	v8 =	vld [tilespmem:s22+$0x80];
	_ =	sdelay $0x4  }
0x2d8: {  	[tilespmem:v9+s14+$0x0] =	vst.idx.msk $0xffff, v8  }
0x2d9: {  	v9 =	vor.u32 v1, v10;
	v8 =	vld [tilespmem:s22+$0x90];
	_ =	sdelay $0x4  }
0x2da: {  	[tilespmem:v9+s14+$0x0] =	vst.idx.msk $0xffff, v8  }
0x2db: {  	v9 =	vor.u32 v2, v10;
	v8 =	vld [tilespmem:s19+$0x80];
	_ =	sdelay $0x4  }
0x2dc: {  	[tilespmem:v9+s14+$0x0] =	vst.idx.msk $0xffff, v8  }
0x2dd: {  	v9 =	vor.u32 v3, v10;
	v8 =	vld [tilespmem:s19+$0x90];
	_ =	sdelay $0x4  }
0x2de: {  	[tilespmem:v9+s14+$0x0] =	vst.idx.msk $0xffff, v8  }
0x2df: {  	v9 =	vor.u32 v4, v10;
	v8 =	vld [tilespmem:s20+$0x80];
	_ =	sdelay $0x4  }
0x2e0: {  	[tilespmem:v9+s14+$0x0] =	vst.idx.msk $0xffff, v8  }
0x2e1: {  	v9 =	vor.u32 v5, v10;
	v8 =	vld [tilespmem:s20+$0x90];
	_ =	sdelay $0x4  }
0x2e2: {  	[tilespmem:v9+s14+$0x0] =	vst.idx.msk $0xffff, v8  }
0x2e3: {  	v9 =	vor.u32 v6, v10;
	v8 =	vld [tilespmem:s21+$0x80];
	_ =	sdelay $0x3  }
.Ltmp2:
0x2e4: {  	(pc) =	sbr.rel @p0 .LBB2_8-.Ltmp2, $3  }
0x2e5: {  	[tilespmem:v9+s14+$0x0] =	vst.idx.msk $0xffff, v8  }
0x2e6: {  	v9 =	vor.u32 v7, v10;
	v8 =	vld [tilespmem:s21+$0x90];
	_ =	sdelay $0x1  }
0x2e7: {  	s24 =	sadd.s32 $0x4, s24;
	v10 =	vmov s23  }
0x2e8: {  	_ =	sdelay $0x1  }
0x2e9: {  	v10 =	vand.u32 $0x7C, v10  }
0x2ea: {  	v10 =	vbroadcast v10, $0x0  }
0x2eb: {  	s0 =	sadd.s32 $0x200, s22;
	[tilespmem:v9+s14+$0x0] =	vst.idx.msk $0xffff, v8  }
0x2ec: {  	v8 =	vld [tilespmem:s0+$0xFFFFFF00];
	v29 =	vor.u32 v0, v10;
	_ =	sdelay $0x4  }
0x2ed: {  	[tilespmem:v29+s14+$0x0] =	vst.idx.msk $0xffff, v8  }
0x2ee: {  	v30 =	vor.u32 v1, v10;
	v8 =	vld [tilespmem:s0+$0xFFFFFF10];
	_ =	sdelay $0x4  }
0x2ef: {  	s19 =	sadd.s32 $0x200, s19;
	[tilespmem:v30+s14+$0x0] =	vst.idx.msk $0xffff, v8  }
0x2f0: {  	v31 =	vor.u32 v2, v10;
	v8 =	vld [tilespmem:s19+$0xFFFFFF00];
	_ =	sdelay $0x4  }
0x2f1: {  	[tilespmem:v31+s14+$0x0] =	vst.idx.msk $0xffff, v8  }
0x2f2: {  	v32 =	vor.u32 v3, v10;
	v8 =	vld [tilespmem:s19+$0xFFFFFF10];
	_ =	sdelay $0x4  }
0x2f3: {  	s20 =	sadd.s32 $0x200, s20;
	[tilespmem:v32+s14+$0x0] =	vst.idx.msk $0xffff, v8  }
0x2f4: {  	v33 =	vor.u32 v4, v10;
	v8 =	vld [tilespmem:s20+$0xFFFFFF00];
	_ =	sdelay $0x4  }
0x2f5: {  	[tilespmem:v33+s14+$0x0] =	vst.idx.msk $0xffff, v8  }
0x2f6: {  	v34 =	vor.u32 v5, v10;
	v8 =	vld [tilespmem:s20+$0xFFFFFF10];
	_ =	sdelay $0x4  }
0x2f7: {  	s21 =	sadd.s32 $0x200, s21;
	[tilespmem:v34+s14+$0x0] =	vst.idx.msk $0xffff, v8  }
0x2f8: {  	v35 =	vor.u32 v6, v10;
	v8 =	vld [tilespmem:s21+$0xFFFFFF00];
	_ =	sdelay $0x4  }
0x2f9: {  	[tilespmem:v35+s14+$0x0] =	vst.idx.msk $0xffff, v8  }
0x2fa: {  	v36 =	vor.u32 v7, v10;
	v8 =	vld [tilespmem:s21+$0xFFFFFF10]  }
0x2fb: {  	s3 =	sadd.s32 $0x1, s23  }
0x2fc: {  	v37 =	vmov s3  }
0x2fd: {  	v10 =	vand.u32 $0x7D, v37  }
0x2fe: {  	v10 =	vbroadcast v10, $0x0  }
0x2ff: {  	[tilespmem:v36+s14+$0x0] =	vst.idx.msk $0xffff, v8  }
0x300: {  	v38 =	vor.u32 v0, v10;
	v8 =	vld [tilespmem:s0+$0xFFFFFF80];
	_ =	sdelay $0x4  }
0x301: {  	[tilespmem:v38+s14+$0x0] =	vst.idx.msk $0xffff, v8  }
0x302: {  	v39 =	vor.u32 v1, v10;
	v8 =	vld [tilespmem:s0+$0xFFFFFF90];
	_ =	sdelay $0x4  }
0x303: {  	[tilespmem:v39+s14+$0x0] =	vst.idx.msk $0xffff, v8  }
0x304: {  	v40 =	vor.u32 v2, v10;
	v8 =	vld [tilespmem:s19+$0xFFFFFF80];
	_ =	sdelay $0x4  }
0x305: {  	[tilespmem:v40+s14+$0x0] =	vst.idx.msk $0xffff, v8  }
0x306: {  	v41 =	vor.u32 v3, v10;
	v8 =	vld [tilespmem:s19+$0xFFFFFF90];
	_ =	sdelay $0x4  }
0x307: {  	[tilespmem:v41+s14+$0x0] =	vst.idx.msk $0xffff, v8  }
0x308: {  	v42 =	vor.u32 v4, v10;
	v8 =	vld [tilespmem:s20+$0xFFFFFF80];
	_ =	sdelay $0x4  }
0x309: {  	[tilespmem:v42+s14+$0x0] =	vst.idx.msk $0xffff, v8  }
0x30a: {  	v43 =	vor.u32 v5, v10;
	v8 =	vld [tilespmem:s20+$0xFFFFFF90];
	_ =	sdelay $0x4  }
0x30b: {  	[tilespmem:v43+s14+$0x0] =	vst.idx.msk $0xffff, v8  }
0x30c: {  	v44 =	vor.u32 v6, v10;
	v8 =	vld [tilespmem:s21+$0xFFFFFF80];
	_ =	sdelay $0x4  }
0x30d: {  	[tilespmem:v44+s14+$0x0] =	vst.idx.msk $0xffff, v8  }
0x30e: {  	v45 =	vor.u32 v7, v10;
	v8 =	vld [tilespmem:s21+$0xFFFFFF90]  }
0x30f: {  	s30 =	sadd.s32 $0x2, s23  }
0x310: {  	v46 =	vmov s30  }
0x311: {  	v10 =	vand.u32 $0x7E, v46  }
0x312: {  	v10 =	vbroadcast v10, $0x0  }
0x313: {  	[tilespmem:v45+s14+$0x0] =	vst.idx.msk $0xffff, v8  }
0x314: {  	v47 =	vor.u32 v0, v10;
	v8 =	vld [tilespmem:s0+$0x0];
	_ =	sdelay $0x4  }
0x315: {  	[tilespmem:v47+s14+$0x0] =	vst.idx.msk $0xffff, v8  }
0x316: {  	v48 =	vor.u32 v1, v10;
	v8 =	vld [tilespmem:s0+$0x10];
	_ =	sdelay $0x4  }
0x317: {  	[tilespmem:v48+s14+$0x0] =	vst.idx.msk $0xffff, v8  }
0x318: {  	v49 =	vor.u32 v2, v10;
	v8 =	vld [tilespmem:s19+$0x0];
	_ =	sdelay $0x4  }
0x319: {  	[tilespmem:v49+s14+$0x0] =	vst.idx.msk $0xffff, v8  }
0x31a: {  	v50 =	vor.u32 v3, v10;
	v8 =	vld [tilespmem:s19+$0x10];
	_ =	sdelay $0x4  }
0x31b: {  	[tilespmem:v50+s14+$0x0] =	vst.idx.msk $0xffff, v8  }
0x31c: {  	v51 =	vor.u32 v4, v10;
	v8 =	vld [tilespmem:s20+$0x0];
	_ =	sdelay $0x4  }
0x31d: {  	[tilespmem:v51+s14+$0x0] =	vst.idx.msk $0xffff, v8  }
0x31e: {  	v52 =	vor.u32 v5, v10;
	v8 =	vld [tilespmem:s20+$0x10];
	_ =	sdelay $0x4  }
0x31f: {  	[tilespmem:v52+s14+$0x0] =	vst.idx.msk $0xffff, v8  }
0x320: {  	v53 =	vor.u32 v6, v10;
	v8 =	vld [tilespmem:s21+$0x0];
	_ =	sdelay $0x4  }
0x321: {  	[tilespmem:v53+s14+$0x0] =	vst.idx.msk $0xffff, v8  }
0x322: {  	v54 =	vor.u32 v7, v10;
	v8 =	vld [tilespmem:s21+$0x10]  }
0x323: {  	s31 =	sadd.s32 $0x3, s23  }
0x324: {  	v55 =	vmov s31  }
0x325: {  	v10 =	vand.u32 $0x7F, v55  }
0x326: {  	v10 =	vbroadcast v10, $0x0  }
0x327: {  	[tilespmem:v54+s14+$0x0] =	vst.idx.msk $0xffff, v8  }
0x328: {  	v56 =	vor.u32 v0, v10;
	v8 =	vld [tilespmem:s0+$0x80];
	_ =	sdelay $0x4  }
0x329: {  	[tilespmem:v56+s14+$0x0] =	vst.idx.msk $0xffff, v8  }
0x32a: {  	v57 =	vor.u32 v1, v10;
	v8 =	vld [tilespmem:s0+$0x90];
	_ =	sdelay $0x4  }
0x32b: {  	[tilespmem:v57+s14+$0x0] =	vst.idx.msk $0xffff, v8  }
0x32c: {  	v58 =	vor.u32 v2, v10;
	v8 =	vld [tilespmem:s19+$0x80];
	_ =	sdelay $0x4  }
0x32d: {  	[tilespmem:v58+s14+$0x0] =	vst.idx.msk $0xffff, v8  }
0x32e: {  	v59 =	vor.u32 v3, v10;
	v8 =	vld [tilespmem:s19+$0x90];
	_ =	sdelay $0x4  }
0x32f: {  	[tilespmem:v59+s14+$0x0] =	vst.idx.msk $0xffff, v8  }
0x330: {  	v60 =	vor.u32 v4, v10;
	v8 =	vld [tilespmem:s20+$0x80];
	_ =	sdelay $0x4  }
0x331: {  	[tilespmem:v60+s14+$0x0] =	vst.idx.msk $0xffff, v8  }
0x332: {  	v61 =	vor.u32 v5, v10;
	v8 =	vld [tilespmem:s20+$0x90];
	_ =	sdelay $0x4  }
0x333: {  	[tilespmem:v61+s14+$0x0] =	vst.idx.msk $0xffff, v8  }
0x334: {  	v62 =	vor.u32 v6, v10;
	v8 =	vld [tilespmem:s21+$0x80];
	_ =	sdelay $0x4  }
0x335: {  	[tilespmem:v62+s14+$0x0] =	vst.idx.msk $0xffff, v8  }
0x336: {  	v63 =	vor.u32 v7, v10;
	v8 =	vld [tilespmem:s21+$0x90];
	_ =	sdelay $0x4  }
0x337: {  	[tilespmem:v63+s14+$0x0] =	vst.idx.msk $0xffff, v8  }
0x338: {  	_ =	swait.ge [sflag:s15], $0x2000  }
0x339: {  	[sflag:s15] =	ssyncset.done $0x0  }
0x33a: {  	[sflag:s15] =	ssyncadd.s32 $0xFFFFE000  }
0x33b: {  	_ =	swait.ge [sflag:s15], $0x2000  }
0x33c: {  	[sflag:s15] =	ssyncset.done $0x0  }
0x33d: {  	[sflag:s15] =	ssyncadd.s32 $0xFFFFE000  }
0x33e: {  	p0 =	seq.s32 s18, $0x31;
	_ =	swait.ge [sflag:s15], $0x2000  }
.Ltmp3:
0x33f: {  	[sflag:s15] =	ssyncset.done $0x0;
	(pc) =	sbr.rel @p0 .LBB2_13-.Ltmp3, $4  }
0x340: {  	[sflag:s15] =	ssyncadd.s32 $0xFFFFE000  }
0x341: {  	_ =	swait.ge [sflag:s15], $0x2000  }
0x342: {  	[sflag:s15] =	ssyncset.done $0x0  }
0x343: {  	s19 =	sadd.s32 $0x1, s18;
	[sflag:s15] =	ssyncadd.s32 $0xFFFFE000  }
0x344: {  	s0 =	sshll.u32 s19, $0x4;
	s3 =	sshll.u32 s19, $0x9  }
0x345: {  	s0 =	sand.u32 $0x70, s0;
	s3 =	sand.u32 $0xF000, s3  }
0x346: {  	s0 =	sor.u32 s0, s3  }
0x347: {  	s24 =	simm.s32 $0x0;
	s0 =	sadd.s32 s0, s9  }
0x348: {  	[tilespmem:s24], [sflag:$0x4] =	stream.linear.gather [hbm4b:s0+s24], $0x80, $0x38;
	[tilespmem:$0x14080] =	vst v63  }
0x349: {  	_ =	swait.ge [sflag:s12], $0x80  }
0x34a: {  	[sflag:s12] =	ssyncset.done $0x0  }
0x34b: {  	[sflag:s12] =	ssyncadd.s32 $0xFFFFFF80  }
0x34c: {  	v8 =	vld [tilespmem:s24+$0x0];
	_ =	sdelay $0x4  }
0x34d: {  	v8 =	vshll.u32 v8, $0x4  }
0x34e: {  	(v2sf) =	vpush v8, $0x0;
	_ =	sdelay $0x5  }
0x34f: {  	(v2sf) =	vpush v8, $0x1;
	_ =	sdelay $0x7  }
0x350: {  	(v2sf) =	vpush v8, $0x2  }
0x351: {  	s25 =	spop (v2sf)  }
0x352: {  	s0 =	sand.u32 $0x1FFFFFF0, s25  }
0x353: {  	s26 =	simm.s32 $0x80;
	s11 =	sadd.s32 s2, s0  }
0x354: {  	[tilespmem:s26], [sflag:$0x1] =	stream.linear.gather [hbm4b:s11+s1], $0x80, $0x38;
	[tilespmem:$0x14080] =	vst v63  }
0x355: {  	s28 =	simm.s32 $0x2080;
	s29 =	sadd.s32 s4, s0  }
0x356: {  	[tilespmem:s28], [sflag:$0x1] =	stream.linear.gather [hbm4b:s29+s1], $0x80, $0x38;
	[tilespmem:$0x14080] =	vst v63  }
0x357: {  	s31 =	simm.s32 $0x4080;
	s30 =	spop (v2sf);
	s20 =	sadd.s32 s5, s0  }
0x358: {  	(v2sf) =	vpush v8, $0x3;
	[tilespmem:s31], [sflag:$0x1] =	stream.linear.gather [hbm4b:s20+s1], $0x80, $0x38;
	[tilespmem:$0x14080] =	vst v63  }
0x359: {  	s0 =	sadd.s32 s6, s0;
	s3 =	sand.u32 $0x1FFFFFF0, s30;
	s20 =	simm.s32 $0x6080  }
0x35a: {  	[tilespmem:s20], [sflag:$0x1] =	stream.linear.gather [hbm4b:s0+s1], $0x80, $0x38;
	[tilespmem:$0x14080] =	vst v63  }
0x35b: {  	s21 =	simm.s32 $0x100;
	s22 =	sadd.s32 s2, s3  }
0x35c: {  	[tilespmem:s21], [sflag:$0x1] =	stream.linear.gather [hbm4b:s22+s1], $0x80, $0x38;
	[tilespmem:$0x14080] =	vst v63  }
0x35d: {  	s23 =	simm.s32 $0x2100;
	s24 =	sadd.s32 s4, s3  }
0x35e: {  	[tilespmem:s23], [sflag:$0x1] =	stream.linear.gather [hbm4b:s24+s1], $0x80, $0x38;
	[tilespmem:$0x14080] =	vst v63  }
0x35f: {  	s25 =	spop (v2sf);
	s26 =	simm.s32 $0x4100;
	s28 =	sadd.s32 s5, s3  }
0x360: {  	(v2sf) =	vpush v8, $0x4;
	[tilespmem:s26], [sflag:$0x1] =	stream.linear.gather [hbm4b:s28+s1], $0x80, $0x38;
	[tilespmem:$0x14080] =	vst v63  }
0x361: {  	s29 =	simm.s32 $0x6100;
	s3 =	sadd.s32 s6, s3;
	s0 =	sand.u32 $0x1FFFFFF0, s25  }
0x362: {  	[tilespmem:s29], [sflag:$0x1] =	stream.linear.gather [hbm4b:s3+s1], $0x80, $0x38;
	[tilespmem:$0x14080] =	vst v63  }
0x363: {  	s30 =	simm.s32 $0x180;
	s31 =	sadd.s32 s2, s0  }
0x364: {  	[tilespmem:s30], [sflag:$0x1] =	stream.linear.gather [hbm4b:s31+s1], $0x80, $0x38;
	[tilespmem:$0x14080] =	vst v63  }
0x365: {  	s20 =	simm.s32 $0x2180;
	s21 =	sadd.s32 s4, s0  }
0x366: {  	[tilespmem:s20], [sflag:$0x1] =	stream.linear.gather [hbm4b:s21+s1], $0x80, $0x38;
	[tilespmem:$0x14080] =	vst v63  }
0x367: {  	s23 =	simm.s32 $0x4180;
	s24 =	sadd.s32 s5, s0;
	s22 =	spop (v2sf)  }
0x368: {  	(v2sf) =	vpush v8, $0x5;
	[tilespmem:s23], [sflag:$0x1] =	stream.linear.gather [hbm4b:s24+s1], $0x80, $0x38;
	[tilespmem:$0x14080] =	vst v63  }
0x369: {  	s25 =	simm.s32 $0x6180;
	s0 =	sadd.s32 s6, s0;
	s3 =	sand.u32 $0x1FFFFFF0, s22  }
0x36a: {  	[tilespmem:s25], [sflag:$0x1] =	stream.linear.gather [hbm4b:s0+s1], $0x80, $0x38;
	[tilespmem:$0x14080] =	vst v63  }
0x36b: {  	s26 =	simm.s32 $0x200;
	s28 =	sadd.s32 s2, s3  }
0x36c: {  	[tilespmem:s26], [sflag:$0x1] =	stream.linear.gather [hbm4b:s28+s1], $0x80, $0x38;
	[tilespmem:$0x14080] =	vst v63  }
0x36d: {  	s29 =	simm.s32 $0x2200;
	s30 =	sadd.s32 s4, s3  }
0x36e: {  	[tilespmem:s29], [sflag:$0x1] =	stream.linear.gather [hbm4b:s30+s1], $0x80, $0x38;
	[tilespmem:$0x14080] =	vst v63  }
0x36f: {  	s22 =	sadd.s32 s5, s3;
	s31 =	spop (v2sf);
	s21 =	simm.s32 $0x4200  }
0x370: {  	(v2sf) =	vpush v8, $0x6;
	[tilespmem:s21], [sflag:$0x1] =	stream.linear.gather [hbm4b:s22+s1], $0x80, $0x38;
	[tilespmem:$0x14080] =	vst v63  }
0x371: {  	s3 =	sadd.s32 s6, s3;
	s23 =	simm.s32 $0x6200;
	s0 =	sand.u32 $0x1FFFFFF0, s31  }
0x372: {  	[tilespmem:s23], [sflag:$0x1] =	stream.linear.gather [hbm4b:s3+s1], $0x80, $0x38;
	[tilespmem:$0x14080] =	vst v63  }
0x373: {  	s24 =	simm.s32 $0x280;
	s25 =	sadd.s32 s2, s0  }
0x374: {  	[tilespmem:s24], [sflag:$0x1] =	stream.linear.gather [hbm4b:s25+s1], $0x80, $0x38;
	[tilespmem:$0x14080] =	vst v63  }
0x375: {  	s26 =	simm.s32 $0x2280;
	s28 =	sadd.s32 s4, s0  }
0x376: {  	[tilespmem:s26], [sflag:$0x1] =	stream.linear.gather [hbm4b:s28+s1], $0x80, $0x38;
	[tilespmem:$0x14080] =	vst v63  }
0x377: {  	s31 =	sadd.s32 s5, s0;
	s30 =	simm.s32 $0x4280;
	s29 =	spop (v2sf)  }
0x378: {  	(v2sf) =	vpush v8, $0x7;
	[tilespmem:s30], [sflag:$0x1] =	stream.linear.gather [hbm4b:s31+s1], $0x80, $0x38;
	[tilespmem:$0x14080] =	vst v63  }
0x379: {  	s20 =	simm.s32 $0x6280;
	s0 =	sadd.s32 s6, s0;
	s3 =	sand.u32 $0x1FFFFFF0, s29  }
0x37a: {  	[tilespmem:s20], [sflag:$0x1] =	stream.linear.gather [hbm4b:s0+s1], $0x80, $0x38;
	[tilespmem:$0x14080] =	vst v63  }
0x37b: {  	s21 =	simm.s32 $0x300;
	s22 =	sadd.s32 s2, s3  }
0x37c: {  	[tilespmem:s21], [sflag:$0x1] =	stream.linear.gather [hbm4b:s22+s1], $0x80, $0x38;
	[tilespmem:$0x14080] =	vst v63  }
0x37d: {  	s23 =	simm.s32 $0x2300;
	s24 =	sadd.s32 s4, s3  }
0x37e: {  	[tilespmem:s23], [sflag:$0x1] =	stream.linear.gather [hbm4b:s24+s1], $0x80, $0x38;
	[tilespmem:$0x14080] =	vst v63  }
0x37f: {  	s25 =	spop (v2sf);
	s26 =	simm.s32 $0x4300;
	s28 =	sadd.s32 s5, s3  }
0x380: {  	(v2sf) =	vpush v8, $0x8;
	[tilespmem:s26], [sflag:$0x1] =	stream.linear.gather [hbm4b:s28+s1], $0x80, $0x38;
	[tilespmem:$0x14080] =	vst v63  }
0x381: {  	s29 =	simm.s32 $0x6300;
	s3 =	sadd.s32 s6, s3;
	s0 =	sand.u32 $0x1FFFFFF0, s25  }
0x382: {  	[tilespmem:s29], [sflag:$0x1] =	stream.linear.gather [hbm4b:s3+s1], $0x80, $0x38;
	[tilespmem:$0x14080] =	vst v63  }
0x383: {  	s30 =	simm.s32 $0x380;
	s31 =	sadd.s32 s2, s0  }
0x384: {  	[tilespmem:s30], [sflag:$0x1] =	stream.linear.gather [hbm4b:s31+s1], $0x80, $0x38;
	[tilespmem:$0x14080] =	vst v63  }
0x385: {  	s20 =	simm.s32 $0x2380;
	s21 =	sadd.s32 s4, s0  }
0x386: {  	[tilespmem:s20], [sflag:$0x1] =	stream.linear.gather [hbm4b:s21+s1], $0x80, $0x38;
	[tilespmem:$0x14080] =	vst v63  }
0x387: {  	s22 =	spop (v2sf);
	s23 =	simm.s32 $0x4380;
	s24 =	sadd.s32 s5, s0  }
0x388: {  	(v2sf) =	vpush v8, $0x9;
	[tilespmem:s23], [sflag:$0x1] =	stream.linear.gather [hbm4b:s24+s1], $0x80, $0x38;
	[tilespmem:$0x14080] =	vst v63  }
0x389: {  	s25 =	simm.s32 $0x6380;
	s0 =	sadd.s32 s6, s0;
	s3 =	sand.u32 $0x1FFFFFF0, s22  }
0x38a: {  	[tilespmem:s25], [sflag:$0x1] =	stream.linear.gather [hbm4b:s0+s1], $0x80, $0x38;
	[tilespmem:$0x14080] =	vst v63  }
0x38b: {  	s26 =	simm.s32 $0x400;
	s28 =	sadd.s32 s2, s3  }
0x38c: {  	[tilespmem:s26], [sflag:$0x1] =	stream.linear.gather [hbm4b:s28+s1], $0x80, $0x38;
	[tilespmem:$0x14080] =	vst v63  }
0x38d: {  	s29 =	simm.s32 $0x2400;
	s30 =	sadd.s32 s4, s3  }
0x38e: {  	[tilespmem:s29], [sflag:$0x1] =	stream.linear.gather [hbm4b:s30+s1], $0x80, $0x38;
	[tilespmem:$0x14080] =	vst v63  }
0x38f: {  	s22 =	sadd.s32 s5, s3;
	s31 =	spop (v2sf);
	s21 =	simm.s32 $0x4400  }
0x390: {  	(v2sf) =	vpush v8, $0xA;
	[tilespmem:s21], [sflag:$0x1] =	stream.linear.gather [hbm4b:s22+s1], $0x80, $0x38;
	[tilespmem:$0x14080] =	vst v63  }
0x391: {  	s3 =	sadd.s32 s6, s3;
	s23 =	simm.s32 $0x6400;
	s0 =	sand.u32 $0x1FFFFFF0, s31  }
0x392: {  	[tilespmem:s23], [sflag:$0x1] =	stream.linear.gather [hbm4b:s3+s1], $0x80, $0x38;
	[tilespmem:$0x14080] =	vst v63  }
0x393: {  	s24 =	simm.s32 $0x480;
	s25 =	sadd.s32 s2, s0  }
0x394: {  	[tilespmem:s24], [sflag:$0x1] =	stream.linear.gather [hbm4b:s25+s1], $0x80, $0x38;
	[tilespmem:$0x14080] =	vst v63  }
0x395: {  	s26 =	simm.s32 $0x2480;
	s28 =	sadd.s32 s4, s0  }
0x396: {  	[tilespmem:s26], [sflag:$0x1] =	stream.linear.gather [hbm4b:s28+s1], $0x80, $0x38;
	[tilespmem:$0x14080] =	vst v63  }
0x397: {  	s31 =	sadd.s32 s5, s0;
	s29 =	spop (v2sf);
	s30 =	simm.s32 $0x4480  }
0x398: {  	(v2sf) =	vpush v8, $0xB;
	[tilespmem:s30], [sflag:$0x1] =	stream.linear.gather [hbm4b:s31+s1], $0x80, $0x38;
	[tilespmem:$0x14080] =	vst v63  }
0x399: {  	s20 =	simm.s32 $0x6480;
	s0 =	sadd.s32 s6, s0;
	s3 =	sand.u32 $0x1FFFFFF0, s29  }
0x39a: {  	[tilespmem:s20], [sflag:$0x1] =	stream.linear.gather [hbm4b:s0+s1], $0x80, $0x38;
	[tilespmem:$0x14080] =	vst v63  }
0x39b: {  	s21 =	simm.s32 $0x500;
	s22 =	sadd.s32 s2, s3  }
0x39c: {  	[tilespmem:s21], [sflag:$0x1] =	stream.linear.gather [hbm4b:s22+s1], $0x80, $0x38;
	[tilespmem:$0x14080] =	vst v63  }
0x39d: {  	s23 =	simm.s32 $0x2500;
	s24 =	sadd.s32 s4, s3  }
0x39e: {  	[tilespmem:s23], [sflag:$0x1] =	stream.linear.gather [hbm4b:s24+s1], $0x80, $0x38;
	[tilespmem:$0x14080] =	vst v63  }
0x39f: {  	s25 =	spop (v2sf);
	s26 =	simm.s32 $0x4500;
	s28 =	sadd.s32 s5, s3  }
0x3a0: {  	(v2sf) =	vpush v8, $0xC;
	[tilespmem:s26], [sflag:$0x1] =	stream.linear.gather [hbm4b:s28+s1], $0x80, $0x38;
	[tilespmem:$0x14080] =	vst v63  }
0x3a1: {  	s29 =	simm.s32 $0x6500;
	s3 =	sadd.s32 s6, s3;
	s0 =	sand.u32 $0x1FFFFFF0, s25  }
0x3a2: {  	[tilespmem:s29], [sflag:$0x1] =	stream.linear.gather [hbm4b:s3+s1], $0x80, $0x38;
	[tilespmem:$0x14080] =	vst v63  }
0x3a3: {  	s30 =	simm.s32 $0x580;
	s31 =	sadd.s32 s2, s0  }
0x3a4: {  	[tilespmem:s30], [sflag:$0x1] =	stream.linear.gather [hbm4b:s31+s1], $0x80, $0x38;
	[tilespmem:$0x14080] =	vst v63  }
0x3a5: {  	s20 =	simm.s32 $0x2580;
	s21 =	sadd.s32 s4, s0  }
0x3a6: {  	[tilespmem:s20], [sflag:$0x1] =	stream.linear.gather [hbm4b:s21+s1], $0x80, $0x38;
	[tilespmem:$0x14080] =	vst v63  }
0x3a7: {  	s22 =	spop (v2sf);
	s23 =	simm.s32 $0x4580;
	s24 =	sadd.s32 s5, s0  }
0x3a8: {  	(v2sf) =	vpush v8, $0xD;
	[tilespmem:s23], [sflag:$0x1] =	stream.linear.gather [hbm4b:s24+s1], $0x80, $0x38;
	[tilespmem:$0x14080] =	vst v63  }
0x3a9: {  	s25 =	simm.s32 $0x6580;
	s0 =	sadd.s32 s6, s0;
	s3 =	sand.u32 $0x1FFFFFF0, s22  }
0x3aa: {  	[tilespmem:s25], [sflag:$0x1] =	stream.linear.gather [hbm4b:s0+s1], $0x80, $0x38;
	[tilespmem:$0x14080] =	vst v63  }
0x3ab: {  	s26 =	simm.s32 $0x600;
	s28 =	sadd.s32 s2, s3  }
0x3ac: {  	[tilespmem:s26], [sflag:$0x1] =	stream.linear.gather [hbm4b:s28+s1], $0x80, $0x38;
	[tilespmem:$0x14080] =	vst v63  }
0x3ad: {  	s29 =	simm.s32 $0x2600;
	s30 =	sadd.s32 s4, s3  }
0x3ae: {  	[tilespmem:s29], [sflag:$0x1] =	stream.linear.gather [hbm4b:s30+s1], $0x80, $0x38;
	[tilespmem:$0x14080] =	vst v63  }
0x3af: {  	s22 =	sadd.s32 s5, s3;
	s31 =	spop (v2sf);
	s21 =	simm.s32 $0x4600  }
0x3b0: {  	(v2sf) =	vpush v8, $0xE;
	[tilespmem:s21], [sflag:$0x1] =	stream.linear.gather [hbm4b:s22+s1], $0x80, $0x38;
	[tilespmem:$0x14080] =	vst v63  }
0x3b1: {  	s3 =	sadd.s32 s6, s3;
	s23 =	simm.s32 $0x6600;
	s0 =	sand.u32 $0x1FFFFFF0, s31  }
0x3b2: {  	[tilespmem:s23], [sflag:$0x1] =	stream.linear.gather [hbm4b:s3+s1], $0x80, $0x38;
	[tilespmem:$0x14080] =	vst v63  }
0x3b3: {  	s24 =	simm.s32 $0x680;
	s25 =	sadd.s32 s2, s0  }
0x3b4: {  	[tilespmem:s24], [sflag:$0x1] =	stream.linear.gather [hbm4b:s25+s1], $0x80, $0x38;
	[tilespmem:$0x14080] =	vst v63  }
0x3b5: {  	s26 =	simm.s32 $0x2680;
	s28 =	sadd.s32 s4, s0  }
0x3b6: {  	[tilespmem:s26], [sflag:$0x1] =	stream.linear.gather [hbm4b:s28+s1], $0x80, $0x38;
	[tilespmem:$0x14080] =	vst v63  }
0x3b7: {  	s31 =	sadd.s32 s5, s0;
	s29 =	spop (v2sf);
	s30 =	simm.s32 $0x4680  }
0x3b8: {  	(v2sf) =	vpush v8, $0xF;
	[tilespmem:s30], [sflag:$0x1] =	stream.linear.gather [hbm4b:s31+s1], $0x80, $0x38;
	[tilespmem:$0x14080] =	vst v63  }
0x3b9: {  	s20 =	simm.s32 $0x6680;
	s0 =	sadd.s32 s6, s0;
	s3 =	sand.u32 $0x1FFFFFF0, s29  }
0x3ba: {  	[tilespmem:s20], [sflag:$0x1] =	stream.linear.gather [hbm4b:s0+s1], $0x80, $0x38;
	[tilespmem:$0x14080] =	vst v63  }
0x3bb: {  	s21 =	simm.s32 $0x700;
	s22 =	sadd.s32 s2, s3  }
0x3bc: {  	[tilespmem:s21], [sflag:$0x1] =	stream.linear.gather [hbm4b:s22+s1], $0x80, $0x38;
	[tilespmem:$0x14080] =	vst v63  }
0x3bd: {  	s23 =	simm.s32 $0x2700;
	s24 =	sadd.s32 s4, s3  }
0x3be: {  	[tilespmem:s23], [sflag:$0x1] =	stream.linear.gather [hbm4b:s24+s1], $0x80, $0x38;
	[tilespmem:$0x14080] =	vst v63  }
0x3bf: {  	s25 =	spop (v2sf);
	s26 =	simm.s32 $0x4700;
	s28 =	sadd.s32 s5, s3  }
0x3c0: {  	[tilespmem:s26], [sflag:$0x1] =	stream.linear.gather [hbm4b:s28+s1], $0x80, $0x38;
	[tilespmem:$0x14080] =	vst v63  }
0x3c1: {  	s29 =	simm.s32 $0x6700;
	s3 =	sadd.s32 s6, s3;
	s0 =	sand.u32 $0x1FFFFFF0, s25  }
0x3c2: {  	[tilespmem:s29], [sflag:$0x1] =	stream.linear.gather [hbm4b:s3+s1], $0x80, $0x38;
	[tilespmem:$0x14080] =	vst v63  }
0x3c3: {  	s30 =	simm.s32 $0x780;
	s31 =	sadd.s32 s2, s0  }
0x3c4: {  	[tilespmem:s30], [sflag:$0x1] =	stream.linear.gather [hbm4b:s31+s1], $0x80, $0x38;
	[tilespmem:$0x14080] =	vst v63  }
0x3c5: {  	s11 =	simm.s32 $0x2780;
	s25 =	simm.s32 $0x800;
	s20 =	sadd.s32 s4, s0  }
0x3c6: {  	[tilespmem:s11], [sflag:$0x1] =	stream.linear.gather [hbm4b:s20+s1], $0x80, $0x38;
	[tilespmem:$0x14080] =	vst v63  }
0x3c7: {  	s22 =	simm.s32 $0x4780;
	s21 =	spop (v2sf);
	s23 =	sadd.s32 s5, s0  }
0x3c8: {  	[tilespmem:s22], [sflag:$0x1] =	stream.linear.gather [hbm4b:s23+s1], $0x80, $0x38;
	[tilespmem:$0x14080] =	vst v63  }
0x3c9: {  	s24 =	simm.s32 $0x6780;
	s0 =	sadd.s32 s6, s0;
	s3 =	sand.u32 $0x1FFFFFF0, s21  }
0x3ca: {  	[tilespmem:s24], [sflag:$0x1] =	stream.linear.gather [hbm4b:s0+s1], $0x80, $0x38;
	[tilespmem:$0x14080] =	vst v63  }
0x3cb: {  	s28 =	simm.s32 $0x2800;
	s21 =	simm.s32 $0x10;
	s26 =	sadd.s32 s2, s3  }
0x3cc: {  	[tilespmem:s25], [sflag:$0x1] =	stream.linear.gather [hbm4b:s26+s1], $0x80, $0x38;
	[tilespmem:$0x14080] =	vst v63  }
0x3cd: {  	s29 =	sadd.s32 s4, s3;
	s30 =	simm.s32 $0x4800;
	s31 =	sadd.s32 s5, s3  }
0x3ce: {  	[tilespmem:s28], [sflag:$0x1] =	stream.linear.gather [hbm4b:s29+s1], $0x80, $0x38;
	[tilespmem:$0x14080] =	vst v63  }
0x3cf: {  	s20 =	simm.s32 $0x2000;
	s22 =	sadd.s32 s6, s3;
	s0 =	simm.s32 $0x6800  }
0x3d0: {  	[tilespmem:s30], [sflag:$0x1] =	stream.linear.gather [hbm4b:s31+s1], $0x80, $0x38;
	[tilespmem:$0x14080] =	vst v63  }
.LBB2_11:
0x3d1: {  	[tilespmem:s0], [sflag:$0x1] =	stream.linear.gather [hbm4b:s22+s1], $0x80, $0x38;
	[tilespmem:$0x14080] =	vst v63  }
0x3d2: {  	p0 =	sne.s32 s20, $0x6000;
	s0 =	smov.u32 s20;
	s20 =	sadd.s32 $0x2000, s20;
	v8 =	vld [tilespmem:s21+$0x0]  }
0x3d3: {  	_ =	sdelay $0x3  }
0x3d4: {  	v8 =	vshll.u32 v8, $0x4  }
0x3d5: {  	(v2sf) =	vpush v8, $0x0  }
0x3d6: {  	(v2sf) =	vpush v8, $0x1  }
0x3d7: {  	(v2sf) =	vpush v8, $0x2;
	_ =	sdelay $0x3  }
0x3d8: {  	(v2sf) =	vpush v8, $0x3;
	_ =	sdelay $0x5  }
0x3d9: {  	(v2sf) =	vpush v8, $0x4;
	_ =	sdelay $0x2  }
0x3da: {  	s3 =	spop (v2sf)  }
0x3db: {  	s22 =	sshra.s32 s0, $0x2;
	s3 =	sand.u32 $0x1FFFFFF0, s3;
	s11 =	spop (v2sf);
	(v2sf) =	vpush v8, $0x5  }
0x3dc: {  	s0 =	sadd.s32 $0x80, s22;
	s23 =	sadd.s32 s2, s3;
	s24 =	spop (v2sf)  }
0x3dd: {  	[tilespmem:s0], [sflag:$0x1] =	stream.linear.gather [hbm4b:s23+s1], $0x80, $0x38;
	[tilespmem:$0x14080] =	vst v63  }
0x3de: {  	s25 =	sadd.s32 s4, s3;
	s23 =	sadd.s32 $0x2080, s22;
	s0 =	sand.u32 $0x1FFFFFF0, s24  }
0x3df: {  	[tilespmem:s23], [sflag:$0x1] =	stream.linear.gather [hbm4b:s25+s1], $0x80, $0x38;
	(v2sf) =	vpush v8, $0x6;
	[tilespmem:$0x14080] =	vst v63  }
0x3e0: {  	s24 =	sadd.s32 s5, s3;
	s23 =	sadd.s32 $0x4080, s22;
	s25 =	spop (v2sf)  }
0x3e1: {  	[tilespmem:s23], [sflag:$0x1] =	stream.linear.gather [hbm4b:s24+s1], $0x80, $0x38;
	[tilespmem:$0x14080] =	vst v63  }
0x3e2: {  	s11 =	sand.u32 $0x1FFFFFF0, s11;
	s3 =	sadd.s32 s6, s3;
	s23 =	sadd.s32 $0x6080, s22  }
0x3e3: {  	[tilespmem:s23], [sflag:$0x1] =	stream.linear.gather [hbm4b:s3+s1], $0x80, $0x38;
	(v2sf) =	vpush v8, $0x7;
	[tilespmem:$0x14080] =	vst v63  }
0x3e4: {  	s26 =	sand.u32 $0x1FFFFFF0, s25;
	s3 =	sadd.s32 $0x100, s22;
	s23 =	sadd.s32 s2, s11  }
0x3e5: {  	[tilespmem:s3], [sflag:$0x1] =	stream.linear.gather [hbm4b:s23+s1], $0x80, $0x38;
	[tilespmem:$0x14080] =	vst v63  }
0x3e6: {  	s3 =	sadd.s32 $0x2100, s22;
	s23 =	sadd.s32 s4, s11;
	s24 =	spop (v2sf)  }
0x3e7: {  	[tilespmem:s3], [sflag:$0x1] =	stream.linear.gather [hbm4b:s23+s1], $0x80, $0x38;
	(v2sf) =	vpush v8, $0x8;
	[tilespmem:$0x14080] =	vst v63  }
0x3e8: {  	s3 =	sadd.s32 $0x4100, s22;
	s23 =	sadd.s32 s5, s11;
	s25 =	sand.u32 $0x1FFFFFF0, s24  }
0x3e9: {  	[tilespmem:s3], [sflag:$0x1] =	stream.linear.gather [hbm4b:s23+s1], $0x80, $0x38;
	[tilespmem:$0x14080] =	vst v63  }
0x3ea: {  	s11 =	sadd.s32 s6, s11;
	s3 =	sadd.s32 $0x6100, s22;
	s23 =	spop (v2sf)  }
0x3eb: {  	[tilespmem:s3], [sflag:$0x1] =	stream.linear.gather [hbm4b:s11+s1], $0x80, $0x38;
	(v2sf) =	vpush v8, $0x9;
	[tilespmem:$0x14080] =	vst v63  }
0x3ec: {  	s3 =	sadd.s32 $0x180, s22;
	s11 =	sadd.s32 s2, s0;
	s24 =	sand.u32 $0x1FFFFFF0, s23  }
0x3ed: {  	[tilespmem:s3], [sflag:$0x1] =	stream.linear.gather [hbm4b:s11+s1], $0x80, $0x38;
	[tilespmem:$0x14080] =	vst v63  }
0x3ee: {  	s3 =	sadd.s32 $0x2180, s22;
	s11 =	sadd.s32 s4, s0;
	s23 =	spop (v2sf)  }
0x3ef: {  	[tilespmem:s3], [sflag:$0x1] =	stream.linear.gather [hbm4b:s11+s1], $0x80, $0x38;
	(v2sf) =	vpush v8, $0xA;
	[tilespmem:$0x14080] =	vst v63  }
0x3f0: {  	s3 =	sadd.s32 $0x4180, s22;
	s11 =	sadd.s32 s5, s0;
	s23 =	sand.u32 $0x1FFFFFF0, s23  }
0x3f1: {  	[tilespmem:s3], [sflag:$0x1] =	stream.linear.gather [hbm4b:s11+s1], $0x80, $0x38;
	[tilespmem:$0x14080] =	vst v63  }
0x3f2: {  	s0 =	sadd.s32 s6, s0;
	s3 =	sadd.s32 $0x6180, s22;
	s11 =	spop (v2sf)  }
0x3f3: {  	[tilespmem:s3], [sflag:$0x1] =	stream.linear.gather [hbm4b:s0+s1], $0x80, $0x38;
	(v2sf) =	vpush v8, $0xB;
	[tilespmem:$0x14080] =	vst v63  }
0x3f4: {  	s28 =	sadd.s32 s2, s26;
	s3 =	sadd.s32 $0x200, s22;
	s0 =	sand.u32 $0x1FFFFFF0, s11  }
0x3f5: {  	[tilespmem:s3], [sflag:$0x1] =	stream.linear.gather [hbm4b:s28+s1], $0x80, $0x38;
	[tilespmem:$0x14080] =	vst v63  }
0x3f6: {  	s11 =	sadd.s32 s4, s26;
	s3 =	sadd.s32 $0x2200, s22;
	s28 =	spop (v2sf)  }
0x3f7: {  	[tilespmem:s3], [sflag:$0x1] =	stream.linear.gather [hbm4b:s11+s1], $0x80, $0x38;
	(v2sf) =	vpush v8, $0xC;
	[tilespmem:$0x14080] =	vst v63  }
0x3f8: {  	s3 =	sadd.s32 $0x4200, s22;
	s11 =	sadd.s32 s5, s26;
	s31 =	sand.u32 $0x1FFFFFF0, s28  }
0x3f9: {  	[tilespmem:s3], [sflag:$0x1] =	stream.linear.gather [hbm4b:s11+s1], $0x80, $0x38;
	[tilespmem:$0x14080] =	vst v63  }
0x3fa: {  	s3 =	sadd.s32 $0x6200, s22;
	s11 =	sadd.s32 s6, s26;
	s26 =	spop (v2sf)  }
0x3fb: {  	[tilespmem:s3], [sflag:$0x1] =	stream.linear.gather [hbm4b:s11+s1], $0x80, $0x38;
	(v2sf) =	vpush v8, $0xD;
	[tilespmem:$0x14080] =	vst v63  }
0x3fc: {  	s3 =	sadd.s32 $0x280, s22;
	s11 =	sadd.s32 s2, s25;
	s30 =	sand.u32 $0x1FFFFFF0, s26  }
0x3fd: {  	[tilespmem:s3], [sflag:$0x1] =	stream.linear.gather [hbm4b:s11+s1], $0x80, $0x38;
	[tilespmem:$0x14080] =	vst v63  }
0x3fe: {  	s3 =	sadd.s32 $0x2280, s22;
	s11 =	sadd.s32 s4, s25;
	s26 =	spop (v2sf)  }
0x3ff: {  	[tilespmem:s3], [sflag:$0x1] =	stream.linear.gather [hbm4b:s11+s1], $0x80, $0x38;
	(v2sf) =	vpush v8, $0xE;
	[tilespmem:$0x14080] =	vst v63  }
0x400: {  	s3 =	sadd.s32 $0x4280, s22;
	s11 =	sadd.s32 s5, s25;
	s29 =	sand.u32 $0x1FFFFFF0, s26  }
0x401: {  	[tilespmem:s3], [sflag:$0x1] =	stream.linear.gather [hbm4b:s11+s1], $0x80, $0x38;
	[tilespmem:$0x14080] =	vst v63  }
0x402: {  	s3 =	sadd.s32 $0x6280, s22;
	s11 =	sadd.s32 s6, s25;
	s25 =	spop (v2sf)  }
0x403: {  	[tilespmem:s3], [sflag:$0x1] =	stream.linear.gather [hbm4b:s11+s1], $0x80, $0x38;
	(v2sf) =	vpush v8, $0xF;
	[tilespmem:$0x14080] =	vst v63  }
0x404: {  	s3 =	sadd.s32 $0x300, s22;
	s11 =	sadd.s32 s2, s24;
	s28 =	sand.u32 $0x1FFFFFF0, s25  }
0x405: {  	[tilespmem:s3], [sflag:$0x1] =	stream.linear.gather [hbm4b:s11+s1], $0x80, $0x38;
	[tilespmem:$0x14080] =	vst v63  }
0x406: {  	s3 =	sadd.s32 $0x2300, s22;
	s11 =	sadd.s32 s4, s24;
	s25 =	spop (v2sf)  }
0x407: {  	[tilespmem:s3], [sflag:$0x1] =	stream.linear.gather [hbm4b:s11+s1], $0x80, $0x38;
	[tilespmem:$0x14080] =	vst v63  }
0x408: {  	s3 =	sadd.s32 $0x4300, s22;
	s11 =	sadd.s32 s5, s24;
	s26 =	sand.u32 $0x1FFFFFF0, s25  }
0x409: {  	[tilespmem:s3], [sflag:$0x1] =	stream.linear.gather [hbm4b:s11+s1], $0x80, $0x38;
	[tilespmem:$0x14080] =	vst v63  }
0x40a: {  	s3 =	sadd.s32 $0x6300, s22;
	s11 =	sadd.s32 s6, s24;
	s24 =	spop (v2sf)  }
0x40b: {  	[tilespmem:s3], [sflag:$0x1] =	stream.linear.gather [hbm4b:s11+s1], $0x80, $0x38;
	[tilespmem:$0x14080] =	vst v63  }
0x40c: {  	s3 =	sadd.s32 $0x380, s22;
	s11 =	sadd.s32 s2, s23;
	s25 =	sand.u32 $0x1FFFFFF0, s24  }
0x40d: {  	[tilespmem:s3], [sflag:$0x1] =	stream.linear.gather [hbm4b:s11+s1], $0x80, $0x38;
	[tilespmem:$0x14080] =	vst v63  }
0x40e: {  	s3 =	sadd.s32 $0x2380, s22;
	s11 =	sadd.s32 s4, s23;
	s24 =	spop (v2sf)  }
0x40f: {  	[tilespmem:s3], [sflag:$0x1] =	stream.linear.gather [hbm4b:s11+s1], $0x80, $0x38;
	[tilespmem:$0x14080] =	vst v63  }
0x410: {  	s3 =	sadd.s32 $0x4380, s22;
	s11 =	sadd.s32 s5, s23;
	s24 =	sand.u32 $0x1FFFFFF0, s24  }
0x411: {  	[tilespmem:s3], [sflag:$0x1] =	stream.linear.gather [hbm4b:s11+s1], $0x80, $0x38;
	[tilespmem:$0x14080] =	vst v63  }
0x412: {  	s3 =	sadd.s32 $0x6380, s22;
	s11 =	sadd.s32 s6, s23;
	s23 =	spop (v2sf)  }
0x413: {  	[tilespmem:s3], [sflag:$0x1] =	stream.linear.gather [hbm4b:s11+s1], $0x80, $0x38;
	[tilespmem:$0x14080] =	vst v63  }
0x414: {  	s3 =	sadd.s32 $0x400, s22;
	s11 =	sadd.s32 s2, s0;
	s23 =	sand.u32 $0x1FFFFFF0, s23  }
0x415: {  	[tilespmem:s3], [sflag:$0x1] =	stream.linear.gather [hbm4b:s11+s1], $0x80, $0x38;
	[tilespmem:$0x14080] =	vst v63  }
0x416: {  	s3 =	sadd.s32 $0x2400, s22;
	s11 =	sadd.s32 s4, s0  }
0x417: {  	[tilespmem:s3], [sflag:$0x1] =	stream.linear.gather [hbm4b:s11+s1], $0x80, $0x38;
	[tilespmem:$0x14080] =	vst v63  }
0x418: {  	s3 =	sadd.s32 $0x4400, s22;
	s11 =	sadd.s32 s5, s0  }
0x419: {  	[tilespmem:s3], [sflag:$0x1] =	stream.linear.gather [hbm4b:s11+s1], $0x80, $0x38;
	[tilespmem:$0x14080] =	vst v63  }
0x41a: {  	s0 =	sadd.s32 s6, s0;
	s3 =	sadd.s32 $0x6400, s22  }
0x41b: {  	[tilespmem:s3], [sflag:$0x1] =	stream.linear.gather [hbm4b:s0+s1], $0x80, $0x38;
	[tilespmem:$0x14080] =	vst v63  }
0x41c: {  	s0 =	sadd.s32 $0x480, s22;
	s3 =	sadd.s32 s2, s31  }
0x41d: {  	[tilespmem:s0], [sflag:$0x1] =	stream.linear.gather [hbm4b:s3+s1], $0x80, $0x38;
	[tilespmem:$0x14080] =	vst v63  }
0x41e: {  	s0 =	sadd.s32 $0x2480, s22;
	s3 =	sadd.s32 s4, s31  }
0x41f: {  	[tilespmem:s0], [sflag:$0x1] =	stream.linear.gather [hbm4b:s3+s1], $0x80, $0x38;
	[tilespmem:$0x14080] =	vst v63  }
0x420: {  	s0 =	sadd.s32 $0x4480, s22;
	s3 =	sadd.s32 s5, s31  }
0x421: {  	[tilespmem:s0], [sflag:$0x1] =	stream.linear.gather [hbm4b:s3+s1], $0x80, $0x38;
	[tilespmem:$0x14080] =	vst v63  }
0x422: {  	s0 =	sadd.s32 $0x6480, s22;
	s3 =	sadd.s32 s6, s31  }
0x423: {  	[tilespmem:s0], [sflag:$0x1] =	stream.linear.gather [hbm4b:s3+s1], $0x80, $0x38;
	[tilespmem:$0x14080] =	vst v63  }
0x424: {  	s0 =	sadd.s32 $0x500, s22;
	s3 =	sadd.s32 s2, s30  }
0x425: {  	[tilespmem:s0], [sflag:$0x1] =	stream.linear.gather [hbm4b:s3+s1], $0x80, $0x38;
	[tilespmem:$0x14080] =	vst v63  }
0x426: {  	s0 =	sadd.s32 $0x2500, s22;
	s3 =	sadd.s32 s4, s30  }
0x427: {  	[tilespmem:s0], [sflag:$0x1] =	stream.linear.gather [hbm4b:s3+s1], $0x80, $0x38;
	[tilespmem:$0x14080] =	vst v63  }
0x428: {  	s0 =	sadd.s32 $0x4500, s22;
	s3 =	sadd.s32 s5, s30  }
0x429: {  	[tilespmem:s0], [sflag:$0x1] =	stream.linear.gather [hbm4b:s3+s1], $0x80, $0x38;
	[tilespmem:$0x14080] =	vst v63  }
0x42a: {  	s0 =	sadd.s32 $0x6500, s22;
	s3 =	sadd.s32 s6, s30  }
0x42b: {  	[tilespmem:s0], [sflag:$0x1] =	stream.linear.gather [hbm4b:s3+s1], $0x80, $0x38;
	[tilespmem:$0x14080] =	vst v63  }
0x42c: {  	s0 =	sadd.s32 $0x580, s22;
	s3 =	sadd.s32 s2, s29  }
0x42d: {  	[tilespmem:s0], [sflag:$0x1] =	stream.linear.gather [hbm4b:s3+s1], $0x80, $0x38;
	[tilespmem:$0x14080] =	vst v63  }
0x42e: {  	s0 =	sadd.s32 $0x2580, s22;
	s3 =	sadd.s32 s4, s29  }
0x42f: {  	[tilespmem:s0], [sflag:$0x1] =	stream.linear.gather [hbm4b:s3+s1], $0x80, $0x38;
	[tilespmem:$0x14080] =	vst v63  }
0x430: {  	s0 =	sadd.s32 $0x4580, s22;
	s3 =	sadd.s32 s5, s29  }
0x431: {  	[tilespmem:s0], [sflag:$0x1] =	stream.linear.gather [hbm4b:s3+s1], $0x80, $0x38;
	[tilespmem:$0x14080] =	vst v63  }
0x432: {  	s0 =	sadd.s32 $0x6580, s22;
	s3 =	sadd.s32 s6, s29  }
0x433: {  	[tilespmem:s0], [sflag:$0x1] =	stream.linear.gather [hbm4b:s3+s1], $0x80, $0x38;
	[tilespmem:$0x14080] =	vst v63  }
0x434: {  	s0 =	sadd.s32 $0x600, s22;
	s3 =	sadd.s32 s2, s28  }
0x435: {  	[tilespmem:s0], [sflag:$0x1] =	stream.linear.gather [hbm4b:s3+s1], $0x80, $0x38;
	[tilespmem:$0x14080] =	vst v63  }
0x436: {  	s0 =	sadd.s32 $0x2600, s22;
	s3 =	sadd.s32 s4, s28  }
0x437: {  	[tilespmem:s0], [sflag:$0x1] =	stream.linear.gather [hbm4b:s3+s1], $0x80, $0x38;
	[tilespmem:$0x14080] =	vst v63  }
0x438: {  	s0 =	sadd.s32 $0x4600, s22;
	s3 =	sadd.s32 s5, s28  }
0x439: {  	[tilespmem:s0], [sflag:$0x1] =	stream.linear.gather [hbm4b:s3+s1], $0x80, $0x38;
	[tilespmem:$0x14080] =	vst v63  }
0x43a: {  	s0 =	sadd.s32 $0x6600, s22;
	s3 =	sadd.s32 s6, s28  }
0x43b: {  	[tilespmem:s0], [sflag:$0x1] =	stream.linear.gather [hbm4b:s3+s1], $0x80, $0x38;
	[tilespmem:$0x14080] =	vst v63  }
0x43c: {  	s0 =	sadd.s32 $0x680, s22;
	s3 =	sadd.s32 s2, s26  }
0x43d: {  	[tilespmem:s0], [sflag:$0x1] =	stream.linear.gather [hbm4b:s3+s1], $0x80, $0x38;
	[tilespmem:$0x14080] =	vst v63  }
0x43e: {  	s0 =	sadd.s32 $0x2680, s22;
	s3 =	sadd.s32 s4, s26  }
0x43f: {  	[tilespmem:s0], [sflag:$0x1] =	stream.linear.gather [hbm4b:s3+s1], $0x80, $0x38;
	[tilespmem:$0x14080] =	vst v63  }
0x440: {  	s0 =	sadd.s32 $0x4680, s22;
	s3 =	sadd.s32 s5, s26  }
0x441: {  	[tilespmem:s0], [sflag:$0x1] =	stream.linear.gather [hbm4b:s3+s1], $0x80, $0x38;
	[tilespmem:$0x14080] =	vst v63  }
0x442: {  	s0 =	sadd.s32 $0x6680, s22;
	s3 =	sadd.s32 s6, s26  }
0x443: {  	[tilespmem:s0], [sflag:$0x1] =	stream.linear.gather [hbm4b:s3+s1], $0x80, $0x38;
	[tilespmem:$0x14080] =	vst v63  }
0x444: {  	s0 =	sadd.s32 $0x700, s22;
	s3 =	sadd.s32 s2, s25  }
0x445: {  	[tilespmem:s0], [sflag:$0x1] =	stream.linear.gather [hbm4b:s3+s1], $0x80, $0x38;
	[tilespmem:$0x14080] =	vst v63  }
0x446: {  	s0 =	sadd.s32 $0x2700, s22;
	s3 =	sadd.s32 s4, s25  }
0x447: {  	[tilespmem:s0], [sflag:$0x1] =	stream.linear.gather [hbm4b:s3+s1], $0x80, $0x38;
	[tilespmem:$0x14080] =	vst v63  }
0x448: {  	s0 =	sadd.s32 $0x4700, s22;
	s3 =	sadd.s32 s5, s25  }
0x449: {  	[tilespmem:s0], [sflag:$0x1] =	stream.linear.gather [hbm4b:s3+s1], $0x80, $0x38;
	[tilespmem:$0x14080] =	vst v63  }
0x44a: {  	s0 =	sadd.s32 $0x6700, s22;
	s3 =	sadd.s32 s6, s25  }
0x44b: {  	[tilespmem:s0], [sflag:$0x1] =	stream.linear.gather [hbm4b:s3+s1], $0x80, $0x38;
	[tilespmem:$0x14080] =	vst v63  }
0x44c: {  	s0 =	sadd.s32 $0x780, s22;
	s3 =	sadd.s32 s2, s24  }
0x44d: {  	[tilespmem:s0], [sflag:$0x1] =	stream.linear.gather [hbm4b:s3+s1], $0x80, $0x38;
	[tilespmem:$0x14080] =	vst v63  }
0x44e: {  	s0 =	sadd.s32 $0x2780, s22;
	s3 =	sadd.s32 s4, s24  }
0x44f: {  	[tilespmem:s0], [sflag:$0x1] =	stream.linear.gather [hbm4b:s3+s1], $0x80, $0x38;
	[tilespmem:$0x14080] =	vst v63  }
0x450: {  	s0 =	sadd.s32 $0x4780, s22;
	s3 =	sadd.s32 s5, s24  }
0x451: {  	[tilespmem:s0], [sflag:$0x1] =	stream.linear.gather [hbm4b:s3+s1], $0x80, $0x38;
	[tilespmem:$0x14080] =	vst v63  }
0x452: {  	s0 =	sadd.s32 $0x6780, s22;
	s3 =	sadd.s32 s6, s24  }
0x453: {  	[tilespmem:s0], [sflag:$0x1] =	stream.linear.gather [hbm4b:s3+s1], $0x80, $0x38;
	[tilespmem:$0x14080] =	vst v63  }
0x454: {  	s0 =	sadd.s32 $0x800, s22;
	s3 =	sadd.s32 s2, s23  }
0x455: {  	[tilespmem:s0], [sflag:$0x1] =	stream.linear.gather [hbm4b:s3+s1], $0x80, $0x38;
	[tilespmem:$0x14080] =	vst v63  }
.Ltmp4:
0x456: {  	s0 =	sadd.s32 $0x2800, s22;
	s3 =	sadd.s32 s4, s23;
	(pc) =	sbr.rel @p0 .LBB2_11-.Ltmp4, $4  }
0x457: {  	[tilespmem:s0], [sflag:$0x1] =	stream.linear.gather [hbm4b:s3+s1], $0x80, $0x38;
	[tilespmem:$0x14080] =	vst v63  }
0x458: {  	s0 =	sadd.s32 $0x4800, s22;
	s3 =	sadd.s32 s5, s23  }
0x459: {  	[tilespmem:s0], [sflag:$0x1] =	stream.linear.gather [hbm4b:s3+s1], $0x80, $0x38;
	[tilespmem:$0x14080] =	vst v63  }
0x45a: {  	s21 =	sadd.s32 $0x10, s21;
	s0 =	sadd.s32 $0x6800, s22;
	s22 =	sadd.s32 s6, s23  }
0x45b: {  	[tilespmem:s0], [sflag:$0x1] =	stream.linear.gather [hbm4b:s22+s1], $0x80, $0x38;
	[tilespmem:$0x14080] =	vst v63  }
.LBB2_13:
0x45c: {  	s0 =	simm.s32 $0x40  }
0x45d: {  	v8 =	vmov s0  }
0x45e: {  	v8 =	vand.u32 $0x7C, v8  }
0x45f: {  	v8 =	vbroadcast v8, $0x0  }
0x460: {  	s20 =	simm.s32 $0x8180  }
0x461: {  	v9 =	vld [tilespmem:s20+$0xFFFFFF00];
	v10 =	vor.u32 v0, v8;
	_ =	sdelay $0x4  }
0x462: {  	[tilespmem:v10+s14+$0x0] =	vst.idx.msk $0xffff, v9  }
0x463: {  	v10 =	vor.u32 v1, v8;
	v9 =	vld [tilespmem:s20+$0xFFFFFF10];
	_ =	sdelay $0x4  }
0x464: {  	s21 =	simm.s32 $0xA180;
	[tilespmem:v10+s14+$0x0] =	vst.idx.msk $0xffff, v9  }
0x465: {  	v10 =	vor.u32 v2, v8;
	v9 =	vld [tilespmem:s21+$0xFFFFFF00];
	_ =	sdelay $0x4  }
0x466: {  	[tilespmem:v10+s14+$0x0] =	vst.idx.msk $0xffff, v9  }
0x467: {  	v10 =	vor.u32 v3, v8;
	v9 =	vld [tilespmem:s21+$0xFFFFFF10];
	_ =	sdelay $0x4  }
0x468: {  	s22 =	simm.s32 $0xC180;
	[tilespmem:v10+s14+$0x0] =	vst.idx.msk $0xffff, v9  }
0x469: {  	v10 =	vor.u32 v4, v8;
	v9 =	vld [tilespmem:s22+$0xFFFFFF00];
	_ =	sdelay $0x4  }
0x46a: {  	[tilespmem:v10+s14+$0x0] =	vst.idx.msk $0xffff, v9  }
0x46b: {  	v10 =	vor.u32 v5, v8;
	v9 =	vld [tilespmem:s22+$0xFFFFFF10];
	_ =	sdelay $0x4  }
0x46c: {  	s23 =	simm.s32 $0xE180;
	[tilespmem:v10+s14+$0x0] =	vst.idx.msk $0xffff, v9  }
0x46d: {  	v10 =	vor.u32 v6, v8;
	v9 =	vld [tilespmem:s23+$0xFFFFFF00];
	_ =	sdelay $0x4  }
0x46e: {  	[tilespmem:v10+s14+$0x0] =	vst.idx.msk $0xffff, v9  }
0x46f: {  	v8 =	vor.u32 v7, v8;
	v9 =	vld [tilespmem:s23+$0xFFFFFF10]  }
0x470: {  	s29 =	simm.s32 $0x41  }
0x471: {  	v10 =	vmov s29  }
0x472: {  	v10 =	vand.u32 $0x7D, v10  }
0x473: {  	v10 =	vbroadcast v10, $0x0  }
0x474: {  	[tilespmem:v8+s14+$0x0] =	vst.idx.msk $0xffff, v9  }
0x475: {  	v9 =	vor.u32 v0, v10;
	v8 =	vld [tilespmem:s20+$0xFFFFFF80];
	_ =	sdelay $0x4  }
0x476: {  	[tilespmem:v9+s14+$0x0] =	vst.idx.msk $0xffff, v8  }
0x477: {  	v9 =	vor.u32 v1, v10;
	v8 =	vld [tilespmem:s20+$0xFFFFFF90];
	_ =	sdelay $0x4  }
0x478: {  	[tilespmem:v9+s14+$0x0] =	vst.idx.msk $0xffff, v8  }
0x479: {  	v9 =	vor.u32 v2, v10;
	v8 =	vld [tilespmem:s21+$0xFFFFFF80];
	_ =	sdelay $0x4  }
0x47a: {  	[tilespmem:v9+s14+$0x0] =	vst.idx.msk $0xffff, v8  }
0x47b: {  	v9 =	vor.u32 v3, v10;
	v8 =	vld [tilespmem:s21+$0xFFFFFF90];
	_ =	sdelay $0x4  }
0x47c: {  	[tilespmem:v9+s14+$0x0] =	vst.idx.msk $0xffff, v8  }
0x47d: {  	v9 =	vor.u32 v4, v10;
	v8 =	vld [tilespmem:s22+$0xFFFFFF80];
	_ =	sdelay $0x4  }
0x47e: {  	[tilespmem:v9+s14+$0x0] =	vst.idx.msk $0xffff, v8  }
0x47f: {  	v9 =	vor.u32 v5, v10;
	v8 =	vld [tilespmem:s22+$0xFFFFFF90];
	_ =	sdelay $0x4  }
0x480: {  	[tilespmem:v9+s14+$0x0] =	vst.idx.msk $0xffff, v8  }
0x481: {  	v9 =	vor.u32 v6, v10;
	v8 =	vld [tilespmem:s23+$0xFFFFFF80];
	_ =	sdelay $0x4  }
0x482: {  	[tilespmem:v9+s14+$0x0] =	vst.idx.msk $0xffff, v8  }
0x483: {  	v9 =	vor.u32 v7, v10;
	v8 =	vld [tilespmem:s23+$0xFFFFFF90]  }
0x484: {  	s30 =	simm.s32 $0x42  }
0x485: {  	v10 =	vmov s30  }
0x486: {  	v10 =	vand.u32 $0x7E, v10  }
0x487: {  	v10 =	vbroadcast v10, $0x0  }
0x488: {  	[tilespmem:v9+s14+$0x0] =	vst.idx.msk $0xffff, v8  }
0x489: {  	v9 =	vor.u32 v0, v10;
	v8 =	vld [tilespmem:s20+$0x0];
	_ =	sdelay $0x4  }
0x48a: {  	[tilespmem:v9+s14+$0x0] =	vst.idx.msk $0xffff, v8  }
0x48b: {  	v9 =	vor.u32 v1, v10;
	v8 =	vld [tilespmem:s20+$0x10];
	_ =	sdelay $0x4  }
0x48c: {  	[tilespmem:v9+s14+$0x0] =	vst.idx.msk $0xffff, v8  }
0x48d: {  	v9 =	vor.u32 v2, v10;
	v8 =	vld [tilespmem:s21+$0x0];
	_ =	sdelay $0x4  }
0x48e: {  	[tilespmem:v9+s14+$0x0] =	vst.idx.msk $0xffff, v8  }
0x48f: {  	v9 =	vor.u32 v3, v10;
	v8 =	vld [tilespmem:s21+$0x10];
	_ =	sdelay $0x4  }
0x490: {  	[tilespmem:v9+s14+$0x0] =	vst.idx.msk $0xffff, v8  }
0x491: {  	v9 =	vor.u32 v4, v10;
	v8 =	vld [tilespmem:s22+$0x0];
	_ =	sdelay $0x4  }
0x492: {  	[tilespmem:v9+s14+$0x0] =	vst.idx.msk $0xffff, v8  }
0x493: {  	v9 =	vor.u32 v5, v10;
	v8 =	vld [tilespmem:s22+$0x10];
	_ =	sdelay $0x4  }
0x494: {  	[tilespmem:v9+s14+$0x0] =	vst.idx.msk $0xffff, v8  }
0x495: {  	v9 =	vor.u32 v6, v10;
	v8 =	vld [tilespmem:s23+$0x0];
	_ =	sdelay $0x4  }
0x496: {  	[tilespmem:v9+s14+$0x0] =	vst.idx.msk $0xffff, v8  }
0x497: {  	v9 =	vor.u32 v7, v10;
	v8 =	vld [tilespmem:s23+$0x10]  }
0x498: {  	s31 =	simm.s32 $0x43  }
0x499: {  	v10 =	vmov s31  }
0x49a: {  	v10 =	vand.u32 $0x7F, v10  }
0x49b: {  	v10 =	vbroadcast v10, $0x0  }
0x49c: {  	[tilespmem:v9+s14+$0x0] =	vst.idx.msk $0xffff, v8  }
0x49d: {  	v9 =	vor.u32 v0, v10;
	v8 =	vld [tilespmem:s20+$0x80];
	_ =	sdelay $0x4  }
0x49e: {  	[tilespmem:v9+s14+$0x0] =	vst.idx.msk $0xffff, v8  }
0x49f: {  	v9 =	vor.u32 v1, v10;
	v8 =	vld [tilespmem:s20+$0x90];
	_ =	sdelay $0x4  }
0x4a0: {  	[tilespmem:v9+s14+$0x0] =	vst.idx.msk $0xffff, v8  }
0x4a1: {  	v9 =	vor.u32 v2, v10;
	v8 =	vld [tilespmem:s21+$0x80];
	_ =	sdelay $0x4  }
0x4a2: {  	[tilespmem:v9+s14+$0x0] =	vst.idx.msk $0xffff, v8  }
0x4a3: {  	v9 =	vor.u32 v3, v10;
	v8 =	vld [tilespmem:s21+$0x90];
	_ =	sdelay $0x4  }
0x4a4: {  	[tilespmem:v9+s14+$0x0] =	vst.idx.msk $0xffff, v8  }
0x4a5: {  	v9 =	vor.u32 v4, v10;
	v8 =	vld [tilespmem:s22+$0x80];
	_ =	sdelay $0x4  }
0x4a6: {  	[tilespmem:v9+s14+$0x0] =	vst.idx.msk $0xffff, v8  }
0x4a7: {  	v9 =	vor.u32 v5, v10;
	v8 =	vld [tilespmem:s22+$0x90];
	_ =	sdelay $0x4  }
0x4a8: {  	[tilespmem:v9+s14+$0x0] =	vst.idx.msk $0xffff, v8  }
0x4a9: {  	v9 =	vor.u32 v6, v10;
	v8 =	vld [tilespmem:s23+$0x80];
	_ =	sdelay $0x4  }
0x4aa: {  	[tilespmem:v9+s14+$0x0] =	vst.idx.msk $0xffff, v8  }
0x4ab: {  	s24 =	simm.s32 $0x0;
	v9 =	vor.u32 v7, v10;
	v8 =	vld [tilespmem:s23+$0x90]  }
.LBB2_14:
0x4ac: {  	s0 =	sadd.s32 $0x44, s24;
	s25 =	smov.u32 s24;
	s24 =	sadd.s32 $0x4, s24  }
0x4ad: {  	v10 =	vmov s0;
	p0 =	slt.u32 s24, $0x3C  }
0x4ae: {  	v10 =	vand.u32 $0x7C, v10  }
0x4af: {  	v10 =	vbroadcast v10, $0x0  }
0x4b0: {  	s20 =	sadd.s32 $0x200, s20;
	[tilespmem:v9+s14+$0x0] =	vst.idx.msk $0xffff, v8  }
0x4b1: {  	v8 =	vld [tilespmem:s20+$0xFFFFFF00];
	v9 =	vor.u32 v0, v10;
	_ =	sdelay $0x4  }
0x4b2: {  	[tilespmem:v9+s14+$0x0] =	vst.idx.msk $0xffff, v8  }
0x4b3: {  	v9 =	vor.u32 v1, v10;
	v8 =	vld [tilespmem:s20+$0xFFFFFF10];
	_ =	sdelay $0x4  }
0x4b4: {  	s21 =	sadd.s32 $0x200, s21;
	[tilespmem:v9+s14+$0x0] =	vst.idx.msk $0xffff, v8  }
0x4b5: {  	v9 =	vor.u32 v2, v10;
	v8 =	vld [tilespmem:s21+$0xFFFFFF00];
	_ =	sdelay $0x4  }
0x4b6: {  	[tilespmem:v9+s14+$0x0] =	vst.idx.msk $0xffff, v8  }
0x4b7: {  	v9 =	vor.u32 v3, v10;
	v8 =	vld [tilespmem:s21+$0xFFFFFF10];
	_ =	sdelay $0x4  }
0x4b8: {  	s22 =	sadd.s32 $0x200, s22;
	[tilespmem:v9+s14+$0x0] =	vst.idx.msk $0xffff, v8  }
0x4b9: {  	v9 =	vor.u32 v4, v10;
	v8 =	vld [tilespmem:s22+$0xFFFFFF00];
	_ =	sdelay $0x4  }
0x4ba: {  	[tilespmem:v9+s14+$0x0] =	vst.idx.msk $0xffff, v8  }
0x4bb: {  	v9 =	vor.u32 v5, v10;
	v8 =	vld [tilespmem:s22+$0xFFFFFF10];
	_ =	sdelay $0x4  }
0x4bc: {  	s23 =	sadd.s32 $0x200, s23;
	[tilespmem:v9+s14+$0x0] =	vst.idx.msk $0xffff, v8  }
0x4bd: {  	v9 =	vor.u32 v6, v10;
	v8 =	vld [tilespmem:s23+$0xFFFFFF00];
	_ =	sdelay $0x4  }
0x4be: {  	[tilespmem:v9+s14+$0x0] =	vst.idx.msk $0xffff, v8  }
0x4bf: {  	v9 =	vor.u32 v7, v10;
	v8 =	vld [tilespmem:s23+$0xFFFFFF10]  }
0x4c0: {  	s0 =	sadd.s32 $0x45, s25  }
0x4c1: {  	v10 =	vmov s0  }
0x4c2: {  	v10 =	vand.u32 $0x7D, v10  }
0x4c3: {  	v10 =	vbroadcast v10, $0x0  }
0x4c4: {  	[tilespmem:v9+s14+$0x0] =	vst.idx.msk $0xffff, v8  }
0x4c5: {  	v9 =	vor.u32 v0, v10;
	v8 =	vld [tilespmem:s20+$0xFFFFFF80];
	_ =	sdelay $0x4  }
0x4c6: {  	[tilespmem:v9+s14+$0x0] =	vst.idx.msk $0xffff, v8  }
0x4c7: {  	v9 =	vor.u32 v1, v10;
	v8 =	vld [tilespmem:s20+$0xFFFFFF90];
	_ =	sdelay $0x4  }
0x4c8: {  	[tilespmem:v9+s14+$0x0] =	vst.idx.msk $0xffff, v8  }
0x4c9: {  	v9 =	vor.u32 v2, v10;
	v8 =	vld [tilespmem:s21+$0xFFFFFF80];
	_ =	sdelay $0x4  }
0x4ca: {  	[tilespmem:v9+s14+$0x0] =	vst.idx.msk $0xffff, v8  }
0x4cb: {  	v9 =	vor.u32 v3, v10;
	v8 =	vld [tilespmem:s21+$0xFFFFFF90];
	_ =	sdelay $0x4  }
0x4cc: {  	[tilespmem:v9+s14+$0x0] =	vst.idx.msk $0xffff, v8  }
0x4cd: {  	v9 =	vor.u32 v4, v10;
	v8 =	vld [tilespmem:s22+$0xFFFFFF80];
	_ =	sdelay $0x4  }
0x4ce: {  	[tilespmem:v9+s14+$0x0] =	vst.idx.msk $0xffff, v8  }
0x4cf: {  	v9 =	vor.u32 v5, v10;
	v8 =	vld [tilespmem:s22+$0xFFFFFF90];
	_ =	sdelay $0x4  }
0x4d0: {  	[tilespmem:v9+s14+$0x0] =	vst.idx.msk $0xffff, v8  }
0x4d1: {  	v9 =	vor.u32 v6, v10;
	v8 =	vld [tilespmem:s23+$0xFFFFFF80];
	_ =	sdelay $0x4  }
0x4d2: {  	[tilespmem:v9+s14+$0x0] =	vst.idx.msk $0xffff, v8  }
0x4d3: {  	v9 =	vor.u32 v7, v10;
	v8 =	vld [tilespmem:s23+$0xFFFFFF90]  }
0x4d4: {  	s0 =	sadd.s32 $0x46, s25  }
0x4d5: {  	v10 =	vmov s0  }
0x4d6: {  	v10 =	vand.u32 $0x7E, v10  }
0x4d7: {  	v10 =	vbroadcast v10, $0x0  }
0x4d8: {  	[tilespmem:v9+s14+$0x0] =	vst.idx.msk $0xffff, v8  }
0x4d9: {  	v9 =	vor.u32 v0, v10;
	v8 =	vld [tilespmem:s20+$0x0];
	_ =	sdelay $0x4  }
0x4da: {  	[tilespmem:v9+s14+$0x0] =	vst.idx.msk $0xffff, v8  }
0x4db: {  	v9 =	vor.u32 v1, v10;
	v8 =	vld [tilespmem:s20+$0x10];
	_ =	sdelay $0x4  }
0x4dc: {  	[tilespmem:v9+s14+$0x0] =	vst.idx.msk $0xffff, v8  }
0x4dd: {  	v9 =	vor.u32 v2, v10;
	v8 =	vld [tilespmem:s21+$0x0];
	_ =	sdelay $0x4  }
0x4de: {  	[tilespmem:v9+s14+$0x0] =	vst.idx.msk $0xffff, v8  }
0x4df: {  	v9 =	vor.u32 v3, v10;
	v8 =	vld [tilespmem:s21+$0x10];
	_ =	sdelay $0x4  }
0x4e0: {  	[tilespmem:v9+s14+$0x0] =	vst.idx.msk $0xffff, v8  }
0x4e1: {  	v9 =	vor.u32 v4, v10;
	v8 =	vld [tilespmem:s22+$0x0];
	_ =	sdelay $0x4  }
0x4e2: {  	[tilespmem:v9+s14+$0x0] =	vst.idx.msk $0xffff, v8  }
0x4e3: {  	v9 =	vor.u32 v5, v10;
	v8 =	vld [tilespmem:s22+$0x10];
	_ =	sdelay $0x4  }
0x4e4: {  	[tilespmem:v9+s14+$0x0] =	vst.idx.msk $0xffff, v8  }
0x4e5: {  	v9 =	vor.u32 v6, v10;
	v8 =	vld [tilespmem:s23+$0x0];
	_ =	sdelay $0x4  }
0x4e6: {  	[tilespmem:v9+s14+$0x0] =	vst.idx.msk $0xffff, v8  }
0x4e7: {  	v9 =	vor.u32 v7, v10;
	v8 =	vld [tilespmem:s23+$0x10]  }
0x4e8: {  	s0 =	sadd.s32 $0x47, s25  }
0x4e9: {  	v10 =	vmov s0  }
0x4ea: {  	v10 =	vand.u32 $0x7F, v10  }
0x4eb: {  	v10 =	vbroadcast v10, $0x0  }
0x4ec: {  	[tilespmem:v9+s14+$0x0] =	vst.idx.msk $0xffff, v8  }
0x4ed: {  	v9 =	vor.u32 v0, v10;
	v8 =	vld [tilespmem:s20+$0x80];
	_ =	sdelay $0x4  }
0x4ee: {  	[tilespmem:v9+s14+$0x0] =	vst.idx.msk $0xffff, v8  }
0x4ef: {  	v9 =	vor.u32 v1, v10;
	v8 =	vld [tilespmem:s20+$0x90];
	_ =	sdelay $0x4  }
0x4f0: {  	[tilespmem:v9+s14+$0x0] =	vst.idx.msk $0xffff, v8  }
0x4f1: {  	v9 =	vor.u32 v2, v10;
	v8 =	vld [tilespmem:s21+$0x80];
	_ =	sdelay $0x4  }
0x4f2: {  	[tilespmem:v9+s14+$0x0] =	vst.idx.msk $0xffff, v8  }
0x4f3: {  	v9 =	vor.u32 v3, v10;
	v8 =	vld [tilespmem:s21+$0x90];
	_ =	sdelay $0x4  }
0x4f4: {  	[tilespmem:v9+s14+$0x0] =	vst.idx.msk $0xffff, v8  }
0x4f5: {  	v9 =	vor.u32 v4, v10;
	v8 =	vld [tilespmem:s22+$0x80];
	_ =	sdelay $0x4  }
0x4f6: {  	[tilespmem:v9+s14+$0x0] =	vst.idx.msk $0xffff, v8  }
0x4f7: {  	v9 =	vor.u32 v5, v10;
	v8 =	vld [tilespmem:s22+$0x90];
	_ =	sdelay $0x4  }
0x4f8: {  	[tilespmem:v9+s14+$0x0] =	vst.idx.msk $0xffff, v8  }
0x4f9: {  	v9 =	vor.u32 v6, v10;
	v8 =	vld [tilespmem:s23+$0x80];
	_ =	sdelay $0x1  }
.Ltmp5:
0x4fa: {  	(pc) =	sbr.rel @p0 .LBB2_14-.Ltmp5, $3  }
0x4fb: {  	_ =	sdelay $0x1  }
0x4fc: {  	[tilespmem:v9+s14+$0x0] =	vst.idx.msk $0xffff, v8  }
0x4fd: {  	v9 =	vor.u32 v7, v10;
	v8 =	vld [tilespmem:s23+$0x90]  }
0x4fe: {  	_ =	sdelay $0x1  }
0x4ff: {  	s0 =	sshll.u32 s18, $0x10  }
0x500: {  	s18 =	sadd.s32 s0, s10  }
0x501: {  	s11 =	simm.s32 $0x10080;
	s3 =	sadd.s32 $0x0, s18;
	[tilespmem:v9+s14+$0x0] =	vst.idx.msk $0xffff, v8  }
0x502: {  	[hbm4b:s3+s1] =	stream.linear.scatter [tilespmem:s11], [sflag:$0x3], $0x80, $0x38;
	[tilespmem:$0x14080] =	vst v63  }
0x503: {  	s31 =	simm.s32 $0x10280;
	s20 =	sadd.s32 $0x10, s3  }
0x504: {  	[hbm4b:s20+s1] =	stream.linear.scatter [tilespmem:s31], [sflag:$0x3], $0x80, $0x38;
	[tilespmem:$0x14080] =	vst v63  }
0x505: {  	s21 =	simm.s32 $0x10480;
	s23 =	simm.s32 $0x10680;
	s22 =	sadd.s32 $0x20, s3  }
0x506: {  	[hbm4b:s22+s1] =	stream.linear.scatter [tilespmem:s21], [sflag:$0x3], $0x80, $0x38;
	[tilespmem:$0x14080] =	vst v63  }
0x507: {  	s25 =	simm.s32 $0x10880;
	s28 =	simm.s32 $0x10A80;
	s24 =	sadd.s32 $0x30, s3  }
0x508: {  	[hbm4b:s24+s1] =	stream.linear.scatter [tilespmem:s23], [sflag:$0x3], $0x80, $0x38;
	[tilespmem:$0x14080] =	vst v63  }
0x509: {  	s30 =	simm.s32 $0x10C80;
	s26 =	sadd.s32 $0x40, s3;
	s29 =	sadd.s32 $0x50, s3  }
0x50a: {  	[hbm4b:s26+s1] =	stream.linear.scatter [tilespmem:s25], [sflag:$0x3], $0x80, $0x38;
	[tilespmem:$0x14080] =	vst v63  }
0x50b: {  	s31 =	sadd.s32 $0x60, s3;
	s20 =	simm.s32 $0x1000;
	s22 =	simm.s32 $0x10E80  }
0x50c: {  	[hbm4b:s29+s1] =	stream.linear.scatter [tilespmem:s28], [sflag:$0x3], $0x80, $0x38;
	[tilespmem:$0x14080] =	vst v63  }
0x50d: {  	s21 =	sadd.s32 $0x4000, s18;
	s23 =	simm.s32 $0x8000;
	s24 =	sadd.s32 $0x70, s3  }
0x50e: {  	[hbm4b:s31+s1] =	stream.linear.scatter [tilespmem:s30], [sflag:$0x3], $0x80, $0x38;
	[tilespmem:$0x14080] =	vst v63  }
.LBB2_16:
0x50f: {  	[hbm4b:s24+s1] =	stream.linear.scatter [tilespmem:s22], [sflag:$0x3], $0x80, $0x38;
	[tilespmem:$0x14080] =	vst v63  }
0x510: {  	s3 =	smov.u32 s23  }
0x511: {  	s11 =	sadd.s32 $0x10080, s20;
	s24 =	sadd.s32 $0x10280, s20;
	s25 =	sadd.s32 $0x10680, s20  }
0x512: {  	[hbm4b:s21+s1] =	stream.linear.scatter [tilespmem:s11], [sflag:$0x3], $0x80, $0x38;
	[tilespmem:$0x14080] =	vst v63  }
0x513: {  	s26 =	sadd.s32 $0x10, s21;
	s22 =	sadd.s32 $0x10E80, s20;
	s11 =	sshra.s32 s23, $0x2  }
0x514: {  	[hbm4b:s26+s1] =	stream.linear.scatter [tilespmem:s24], [sflag:$0x3], $0x80, $0x38;
	[tilespmem:$0x14080] =	vst v63  }
0x515: {  	s28 =	sadd.s32 $0x20, s21;
	s26 =	sadd.s32 $0x4000, s23;
	s24 =	sadd.s32 $0x10480, s20  }
0x516: {  	[hbm4b:s28+s1] =	stream.linear.scatter [tilespmem:s24], [sflag:$0x3], $0x80, $0x38;
	[tilespmem:$0x14080] =	vst v63  }
0x517: {  	p0 =	sne.s32 s23, $0xC000;
	s23 =	sadd.s32 $0x30, s21  }
0x518: {  	[hbm4b:s23+s1] =	stream.linear.scatter [tilespmem:s25], [sflag:$0x3], $0x80, $0x38;
	[tilespmem:$0x14080] =	vst v63  }
0x519: {  	s24 =	sadd.s32 $0x40, s21;
	s23 =	sadd.s32 $0x10880, s20  }
0x51a: {  	[hbm4b:s24+s1] =	stream.linear.scatter [tilespmem:s23], [sflag:$0x3], $0x80, $0x38;
	[tilespmem:$0x14080] =	vst v63  }
.Ltmp6:
0x51b: {  	s23 =	sadd.s32 $0x10A80, s20;
	s24 =	sadd.s32 $0x50, s21;
	(pc) =	sbr.rel @p0 .LBB2_16-.Ltmp6, $4  }
0x51c: {  	[hbm4b:s24+s1] =	stream.linear.scatter [tilespmem:s23], [sflag:$0x3], $0x80, $0x38;
	[tilespmem:$0x14080] =	vst v63  }
0x51d: {  	s23 =	sadd.s32 $0x10C80, s20;
	s24 =	sadd.s32 $0x60, s21;
	s20 =	smov.u32 s11  }
0x51e: {  	[hbm4b:s24+s1] =	stream.linear.scatter [tilespmem:s23], [sflag:$0x3], $0x80, $0x38;
	[tilespmem:$0x14080] =	vst v63  }
0x51f: {  	s24 =	sadd.s32 $0x70, s21;
	s21 =	sadd.s32 s3, s18;
	s23 =	smov.u32 s26  }
0x520: {  	[hbm4b:s24+s1] =	stream.linear.scatter [tilespmem:s22], [sflag:$0x3], $0x80, $0x38;
	[tilespmem:$0x14080] =	vst v63  }
0x521: {  	s3 =	sadd.s32 $0x10080, s20  }
0x522: {  	[hbm4b:s21+s1] =	stream.linear.scatter [tilespmem:s3], [sflag:$0x3], $0x80, $0x38;
	[tilespmem:$0x14080] =	vst v63  }
0x523: {  	s26 =	sadd.s32 $0x10280, s20;
	s11 =	sadd.s32 $0x10, s21  }
0x524: {  	[hbm4b:s11+s1] =	stream.linear.scatter [tilespmem:s26], [sflag:$0x3], $0x80, $0x38;
	[tilespmem:$0x14080] =	vst v63  }
0x525: {  	s28 =	sadd.s32 $0x10480, s20;
	s29 =	sadd.s32 $0x20, s21  }
0x526: {  	[hbm4b:s29+s1] =	stream.linear.scatter [tilespmem:s28], [sflag:$0x3], $0x80, $0x38;
	[tilespmem:$0x14080] =	vst v63  }
0x527: {  	s30 =	sadd.s32 $0x10680, s20;
	s31 =	sadd.s32 $0x30, s21  }
0x528: {  	[hbm4b:s31+s1] =	stream.linear.scatter [tilespmem:s30], [sflag:$0x3], $0x80, $0x38;
	[tilespmem:$0x14080] =	vst v63  }
0x529: {  	s18 =	sadd.s32 $0x40, s21;
	s11 =	sadd.s32 $0x10880, s20  }
0x52a: {  	[hbm4b:s18+s1] =	stream.linear.scatter [tilespmem:s11], [sflag:$0x3], $0x80, $0x38;
	[tilespmem:$0x14080] =	vst v63  }
0x52b: {  	s22 =	sadd.s32 $0x10A80, s20;
	s23 =	sadd.s32 $0x50, s21;
	s0 =	sor.u32 s8, s0  }
0x52c: {  	[hbm4b:s23+s1] =	stream.linear.scatter [tilespmem:s22], [sflag:$0x3], $0x80, $0x38;
	[tilespmem:$0x14080] =	vst v63  }
0x52d: {  	s24 =	sadd.s32 $0x10C80, s20;
	s25 =	sadd.s32 $0x60, s21;
	s18 =	sadd.s32 s0, s7  }
0x52e: {  	[hbm4b:s25+s1] =	stream.linear.scatter [tilespmem:s24], [sflag:$0x3], $0x80, $0x38;
	[tilespmem:$0x14080] =	vst v63  }
0x52f: {  	s26 =	sadd.s32 $0x10E80, s20;
	s28 =	sadd.s32 $0x70, s21;
	s0 =	sadd.s32 $0x1000, s18  }
0x530: {  	[hbm4b:s28+s1] =	stream.linear.scatter [tilespmem:s26], [sflag:$0x3], $0x80, $0x38;
	[tilespmem:$0x14080] =	vst v63  }
0x531: {  	s29 =	simm.s32 $0x10100;
	s3 =	sadd.s32 $0x0, s0  }
0x532: {  	[hbm4b:s3+s1] =	stream.linear.scatter [tilespmem:s29], [sflag:$0x3], $0x80, $0x38;
	[tilespmem:$0x14080] =	vst v63  }
0x533: {  	s30 =	simm.s32 $0x10300;
	s31 =	sadd.s32 $0x10, s3  }
0x534: {  	[hbm4b:s31+s1] =	stream.linear.scatter [tilespmem:s30], [sflag:$0x3], $0x80, $0x38;
	[tilespmem:$0x14080] =	vst v63  }
0x535: {  	s20 =	simm.s32 $0x1000;
	s21 =	simm.s32 $0x10500;
	s22 =	sadd.s32 $0x20, s3  }
0x536: {  	[hbm4b:s22+s1] =	stream.linear.scatter [tilespmem:s21], [sflag:$0x3], $0x80, $0x38;
	[tilespmem:$0x14080] =	vst v63  }
0x537: {  	s23 =	simm.s32 $0x10700;
	s24 =	sadd.s32 $0x30, s3;
	s25 =	simm.s32 $0x10900  }
0x538: {  	[hbm4b:s24+s1] =	stream.linear.scatter [tilespmem:s23], [sflag:$0x3], $0x80, $0x38;
	[tilespmem:$0x14080] =	vst v63  }
0x539: {  	s26 =	sadd.s32 $0x40, s3;
	s28 =	simm.s32 $0x10B00;
	s29 =	sadd.s32 $0x50, s3  }
0x53a: {  	[hbm4b:s26+s1] =	stream.linear.scatter [tilespmem:s25], [sflag:$0x3], $0x80, $0x38;
	[tilespmem:$0x14080] =	vst v63  }
0x53b: {  	s30 =	simm.s32 $0x10D00;
	s31 =	sadd.s32 $0x60, s3;
	s22 =	simm.s32 $0x10F00  }
0x53c: {  	[hbm4b:s29+s1] =	stream.linear.scatter [tilespmem:s28], [sflag:$0x3], $0x80, $0x38;
	[tilespmem:$0x14080] =	vst v63  }
0x53d: {  	s21 =	sadd.s32 $0x4000, s0;
	s23 =	simm.s32 $0x8000;
	s24 =	sadd.s32 $0x70, s3  }
0x53e: {  	[hbm4b:s31+s1] =	stream.linear.scatter [tilespmem:s30], [sflag:$0x3], $0x80, $0x38;
	[tilespmem:$0x14080] =	vst v63  }
.LBB2_18:
0x53f: {  	[hbm4b:s24+s1] =	stream.linear.scatter [tilespmem:s22], [sflag:$0x3], $0x80, $0x38;
	[tilespmem:$0x14080] =	vst v63  }
0x540: {  	s3 =	smov.u32 s23  }
0x541: {  	s11 =	sadd.s32 $0x10100, s20;
	s24 =	sadd.s32 $0x10300, s20;
	s25 =	sadd.s32 $0x10700, s20  }
0x542: {  	[hbm4b:s21+s1] =	stream.linear.scatter [tilespmem:s11], [sflag:$0x3], $0x80, $0x38;
	[tilespmem:$0x14080] =	vst v63  }
0x543: {  	s26 =	sadd.s32 $0x10, s21;
	s22 =	sadd.s32 $0x10F00, s20;
	s11 =	sshra.s32 s23, $0x2  }
0x544: {  	[hbm4b:s26+s1] =	stream.linear.scatter [tilespmem:s24], [sflag:$0x3], $0x80, $0x38;
	[tilespmem:$0x14080] =	vst v63  }
0x545: {  	s28 =	sadd.s32 $0x20, s21;
	s26 =	sadd.s32 $0x4000, s23;
	s24 =	sadd.s32 $0x10500, s20  }
0x546: {  	[hbm4b:s28+s1] =	stream.linear.scatter [tilespmem:s24], [sflag:$0x3], $0x80, $0x38;
	[tilespmem:$0x14080] =	vst v63  }
0x547: {  	p0 =	sne.s32 s23, $0xC000;
	s23 =	sadd.s32 $0x30, s21  }
0x548: {  	[hbm4b:s23+s1] =	stream.linear.scatter [tilespmem:s25], [sflag:$0x3], $0x80, $0x38;
	[tilespmem:$0x14080] =	vst v63  }
0x549: {  	s24 =	sadd.s32 $0x40, s21;
	s23 =	sadd.s32 $0x10900, s20  }
0x54a: {  	[hbm4b:s24+s1] =	stream.linear.scatter [tilespmem:s23], [sflag:$0x3], $0x80, $0x38;
	[tilespmem:$0x14080] =	vst v63  }
.Ltmp7:
0x54b: {  	s23 =	sadd.s32 $0x10B00, s20;
	s24 =	sadd.s32 $0x50, s21;
	(pc) =	sbr.rel @p0 .LBB2_18-.Ltmp7, $4  }
0x54c: {  	[hbm4b:s24+s1] =	stream.linear.scatter [tilespmem:s23], [sflag:$0x3], $0x80, $0x38;
	[tilespmem:$0x14080] =	vst v63  }
0x54d: {  	s23 =	sadd.s32 $0x10D00, s20;
	s24 =	sadd.s32 $0x60, s21;
	s20 =	smov.u32 s11  }
0x54e: {  	[hbm4b:s24+s1] =	stream.linear.scatter [tilespmem:s23], [sflag:$0x3], $0x80, $0x38;
	[tilespmem:$0x14080] =	vst v63  }
0x54f: {  	s24 =	sadd.s32 $0x70, s21;
	s21 =	sadd.s32 s3, s0;
	s23 =	smov.u32 s26  }
0x550: {  	[hbm4b:s24+s1] =	stream.linear.scatter [tilespmem:s22], [sflag:$0x3], $0x80, $0x38;
	[tilespmem:$0x14080] =	vst v63  }
0x551: {  	s0 =	sadd.s32 $0x10100, s20  }
0x552: {  	[hbm4b:s21+s1] =	stream.linear.scatter [tilespmem:s0], [sflag:$0x3], $0x80, $0x38;
	[tilespmem:$0x14080] =	vst v63  }
0x553: {  	s26 =	sadd.s32 $0x10300, s20;
	s3 =	sadd.s32 $0x10, s21  }
0x554: {  	[hbm4b:s3+s1] =	stream.linear.scatter [tilespmem:s26], [sflag:$0x3], $0x80, $0x38;
	[tilespmem:$0x14080] =	vst v63  }
0x555: {  	s28 =	sadd.s32 $0x10500, s20;
	s29 =	sadd.s32 $0x20, s21  }
0x556: {  	[hbm4b:s29+s1] =	stream.linear.scatter [tilespmem:s28], [sflag:$0x3], $0x80, $0x38;
	[tilespmem:$0x14080] =	vst v63  }
0x557: {  	s30 =	sadd.s32 $0x10700, s20;
	s31 =	sadd.s32 $0x30, s21  }
0x558: {  	[hbm4b:s31+s1] =	stream.linear.scatter [tilespmem:s30], [sflag:$0x3], $0x80, $0x38;
	[tilespmem:$0x14080] =	vst v63  }
0x559: {  	s11 =	sadd.s32 $0x10900, s20;
	s22 =	sadd.s32 $0x40, s21  }
0x55a: {  	[hbm4b:s22+s1] =	stream.linear.scatter [tilespmem:s11], [sflag:$0x3], $0x80, $0x38;
	[tilespmem:$0x14080] =	vst v63  }
0x55b: {  	s23 =	sadd.s32 $0x10B00, s20;
	s24 =	sadd.s32 $0x50, s21  }
0x55c: {  	[hbm4b:s24+s1] =	stream.linear.scatter [tilespmem:s23], [sflag:$0x3], $0x80, $0x38;
	[tilespmem:$0x14080] =	vst v63  }
0x55d: {  	s25 =	sadd.s32 $0x10D00, s20;
	s26 =	sadd.s32 $0x60, s21  }
0x55e: {  	[hbm4b:s26+s1] =	stream.linear.scatter [tilespmem:s25], [sflag:$0x3], $0x80, $0x38;
	[tilespmem:$0x14080] =	vst v63  }
0x55f: {  	s0 =	sadd.s32 $0x2000, s18;
	s28 =	sadd.s32 $0x10F00, s20;
	s29 =	sadd.s32 $0x70, s21  }
0x560: {  	[hbm4b:s29+s1] =	stream.linear.scatter [tilespmem:s28], [sflag:$0x3], $0x80, $0x38;
	[tilespmem:$0x14080] =	vst v63  }
0x561: {  	s3 =	sadd.s32 $0x0, s0;
	s11 =	simm.s32 $0x10180  }
0x562: {  	[hbm4b:s3+s1] =	stream.linear.scatter [tilespmem:s11], [sflag:$0x3], $0x80, $0x38;
	[tilespmem:$0x14080] =	vst v63  }
0x563: {  	s30 =	simm.s32 $0x10380;
	s31 =	sadd.s32 $0x10, s3  }
0x564: {  	[hbm4b:s31+s1] =	stream.linear.scatter [tilespmem:s30], [sflag:$0x3], $0x80, $0x38;
	[tilespmem:$0x14080] =	vst v63  }
0x565: {  	s21 =	simm.s32 $0x10580;
	s20 =	simm.s32 $0x1000;
	s22 =	sadd.s32 $0x20, s3  }
0x566: {  	[hbm4b:s22+s1] =	stream.linear.scatter [tilespmem:s21], [sflag:$0x3], $0x80, $0x38;
	[tilespmem:$0x14080] =	vst v63  }
0x567: {  	s23 =	simm.s32 $0x10780;
	s24 =	sadd.s32 $0x30, s3;
	s25 =	simm.s32 $0x10980  }
0x568: {  	[hbm4b:s24+s1] =	stream.linear.scatter [tilespmem:s23], [sflag:$0x3], $0x80, $0x38;
	[tilespmem:$0x14080] =	vst v63  }
0x569: {  	s26 =	sadd.s32 $0x40, s3;
	s28 =	simm.s32 $0x10B80;
	s29 =	sadd.s32 $0x50, s3  }
0x56a: {  	[hbm4b:s26+s1] =	stream.linear.scatter [tilespmem:s25], [sflag:$0x3], $0x80, $0x38;
	[tilespmem:$0x14080] =	vst v63  }
0x56b: {  	s30 =	simm.s32 $0x10D80;
	s31 =	sadd.s32 $0x60, s3;
	s22 =	simm.s32 $0x10F80  }
0x56c: {  	[hbm4b:s29+s1] =	stream.linear.scatter [tilespmem:s28], [sflag:$0x3], $0x80, $0x38;
	[tilespmem:$0x14080] =	vst v63  }
0x56d: {  	s21 =	sadd.s32 $0x4000, s0;
	s23 =	simm.s32 $0x8000;
	s24 =	sadd.s32 $0x70, s3  }
0x56e: {  	[hbm4b:s31+s1] =	stream.linear.scatter [tilespmem:s30], [sflag:$0x3], $0x80, $0x38;
	[tilespmem:$0x14080] =	vst v63  }
.LBB2_20:
0x56f: {  	[hbm4b:s24+s1] =	stream.linear.scatter [tilespmem:s22], [sflag:$0x3], $0x80, $0x38;
	[tilespmem:$0x14080] =	vst v63  }
0x570: {  	s3 =	smov.u32 s23  }
0x571: {  	s11 =	sadd.s32 $0x10180, s20;
	s24 =	sadd.s32 $0x10380, s20;
	s25 =	sadd.s32 $0x10780, s20  }
0x572: {  	[hbm4b:s21+s1] =	stream.linear.scatter [tilespmem:s11], [sflag:$0x3], $0x80, $0x38;
	[tilespmem:$0x14080] =	vst v63  }
0x573: {  	s26 =	sadd.s32 $0x10, s21;
	s22 =	sadd.s32 $0x10F80, s20;
	s11 =	sshra.s32 s23, $0x2  }
0x574: {  	[hbm4b:s26+s1] =	stream.linear.scatter [tilespmem:s24], [sflag:$0x3], $0x80, $0x38;
	[tilespmem:$0x14080] =	vst v63  }
0x575: {  	s28 =	sadd.s32 $0x20, s21;
	s26 =	sadd.s32 $0x4000, s23;
	s24 =	sadd.s32 $0x10580, s20  }
0x576: {  	[hbm4b:s28+s1] =	stream.linear.scatter [tilespmem:s24], [sflag:$0x3], $0x80, $0x38;
	[tilespmem:$0x14080] =	vst v63  }
0x577: {  	p0 =	sne.s32 s23, $0xC000;
	s23 =	sadd.s32 $0x30, s21  }
0x578: {  	[hbm4b:s23+s1] =	stream.linear.scatter [tilespmem:s25], [sflag:$0x3], $0x80, $0x38;
	[tilespmem:$0x14080] =	vst v63  }
0x579: {  	s24 =	sadd.s32 $0x40, s21;
	s23 =	sadd.s32 $0x10980, s20  }
0x57a: {  	[hbm4b:s24+s1] =	stream.linear.scatter [tilespmem:s23], [sflag:$0x3], $0x80, $0x38;
	[tilespmem:$0x14080] =	vst v63  }
.Ltmp8:
0x57b: {  	s23 =	sadd.s32 $0x10B80, s20;
	s24 =	sadd.s32 $0x50, s21;
	(pc) =	sbr.rel @p0 .LBB2_20-.Ltmp8, $4  }
0x57c: {  	[hbm4b:s24+s1] =	stream.linear.scatter [tilespmem:s23], [sflag:$0x3], $0x80, $0x38;
	[tilespmem:$0x14080] =	vst v63  }
0x57d: {  	s23 =	sadd.s32 $0x10D80, s20;
	s24 =	sadd.s32 $0x60, s21;
	s20 =	smov.u32 s11  }
0x57e: {  	[hbm4b:s24+s1] =	stream.linear.scatter [tilespmem:s23], [sflag:$0x3], $0x80, $0x38;
	[tilespmem:$0x14080] =	vst v63  }
0x57f: {  	s24 =	sadd.s32 $0x70, s21;
	s21 =	sadd.s32 s3, s0;
	s23 =	smov.u32 s26  }
0x580: {  	[hbm4b:s24+s1] =	stream.linear.scatter [tilespmem:s22], [sflag:$0x3], $0x80, $0x38;
	[tilespmem:$0x14080] =	vst v63  }
0x581: {  	s0 =	sadd.s32 $0x10180, s20  }
0x582: {  	[hbm4b:s21+s1] =	stream.linear.scatter [tilespmem:s0], [sflag:$0x3], $0x80, $0x38;
	[tilespmem:$0x14080] =	vst v63  }
0x583: {  	s31 =	sadd.s32 $0x10380, s20;
	s3 =	sadd.s32 $0x10, s21  }
0x584: {  	[hbm4b:s3+s1] =	stream.linear.scatter [tilespmem:s31], [sflag:$0x3], $0x80, $0x38;
	[tilespmem:$0x14080] =	vst v63  }
0x585: {  	s11 =	sadd.s32 $0x10580, s20;
	s22 =	sadd.s32 $0x20, s21  }
0x586: {  	[hbm4b:s22+s1] =	stream.linear.scatter [tilespmem:s11], [sflag:$0x3], $0x80, $0x38;
	[tilespmem:$0x14080] =	vst v63  }
0x587: {  	s23 =	sadd.s32 $0x10780, s20;
	s24 =	sadd.s32 $0x30, s21  }
0x588: {  	[hbm4b:s24+s1] =	stream.linear.scatter [tilespmem:s23], [sflag:$0x3], $0x80, $0x38;
	[tilespmem:$0x14080] =	vst v63  }
0x589: {  	s25 =	sadd.s32 $0x10980, s20;
	s26 =	sadd.s32 $0x40, s21  }
0x58a: {  	[hbm4b:s26+s1] =	stream.linear.scatter [tilespmem:s25], [sflag:$0x3], $0x80, $0x38;
	[tilespmem:$0x14080] =	vst v63  }
0x58b: {  	s28 =	sadd.s32 $0x10B80, s20;
	s29 =	sadd.s32 $0x50, s21  }
0x58c: {  	[hbm4b:s29+s1] =	stream.linear.scatter [tilespmem:s28], [sflag:$0x3], $0x80, $0x38;
	[tilespmem:$0x14080] =	vst v63  }
0x58d: {  	s30 =	sadd.s32 $0x10D80, s20;
	s31 =	sadd.s32 $0x60, s21  }
0x58e: {  	[hbm4b:s31+s1] =	stream.linear.scatter [tilespmem:s30], [sflag:$0x3], $0x80, $0x38;
	[tilespmem:$0x14080] =	vst v63  }
0x58f: {  	s0 =	sadd.s32 $0x3000, s18;
	s3 =	sadd.s32 $0x10F80, s20;
	s11 =	sadd.s32 $0x70, s21  }
0x590: {  	[hbm4b:s11+s1] =	stream.linear.scatter [tilespmem:s3], [sflag:$0x3], $0x80, $0x38;
	[tilespmem:$0x14080] =	vst v63  }
0x591: {  	s3 =	sadd.s32 $0x0, s0;
	s11 =	simm.s32 $0x10200  }
0x592: {  	[hbm4b:s3+s1] =	stream.linear.scatter [tilespmem:s11], [sflag:$0x3], $0x80, $0x38;
	[tilespmem:$0x14080] =	vst v63  }
0x593: {  	s18 =	simm.s32 $0x10400;
	s20 =	sadd.s32 $0x10, s3  }
0x594: {  	[hbm4b:s20+s1] =	stream.linear.scatter [tilespmem:s18], [sflag:$0x3], $0x80, $0x38;
	[tilespmem:$0x14080] =	vst v63  }
0x595: {  	s21 =	simm.s32 $0x10600;
	s23 =	simm.s32 $0x10800;
	s22 =	sadd.s32 $0x20, s3  }
0x596: {  	[hbm4b:s22+s1] =	stream.linear.scatter [tilespmem:s21], [sflag:$0x3], $0x80, $0x38;
	[tilespmem:$0x14080] =	vst v63  }
0x597: {  	s25 =	simm.s32 $0x10A00;
	s28 =	simm.s32 $0x10C00;
	s24 =	sadd.s32 $0x30, s3  }
0x598: {  	[hbm4b:s24+s1] =	stream.linear.scatter [tilespmem:s23], [sflag:$0x3], $0x80, $0x38;
	[tilespmem:$0x14080] =	vst v63  }
0x599: {  	s30 =	simm.s32 $0x10E00;
	s26 =	sadd.s32 $0x40, s3;
	s29 =	sadd.s32 $0x50, s3  }
0x59a: {  	[hbm4b:s26+s1] =	stream.linear.scatter [tilespmem:s25], [sflag:$0x3], $0x80, $0x38;
	[tilespmem:$0x14080] =	vst v63  }
0x59b: {  	s31 =	sadd.s32 $0x60, s3;
	s18 =	simm.s32 $0x1000;
	s20 =	sadd.s32 $0x4000, s0  }
0x59c: {  	[hbm4b:s29+s1] =	stream.linear.scatter [tilespmem:s28], [sflag:$0x3], $0x80, $0x38;
	[tilespmem:$0x14080] =	vst v63  }
0x59d: {  	s21 =	simm.s32 $0x11000;
	s22 =	simm.s32 $0x8000;
	s23 =	sadd.s32 $0x70, s3  }
0x59e: {  	[hbm4b:s31+s1] =	stream.linear.scatter [tilespmem:s30], [sflag:$0x3], $0x80, $0x38;
	[tilespmem:$0x14080] =	vst v63  }
.LBB2_22:
0x59f: {  	[hbm4b:s23+s1] =	stream.linear.scatter [tilespmem:s21], [sflag:$0x3], $0x80, $0x38;
	[tilespmem:$0x14080] =	vst v63  }
0x5a0: {  	s3 =	smov.u32 s22  }
0x5a1: {  	s11 =	sadd.s32 $0x10200, s18;
	s23 =	sadd.s32 $0x10400, s18;
	s24 =	sadd.s32 $0x10800, s18  }
0x5a2: {  	[hbm4b:s20+s1] =	stream.linear.scatter [tilespmem:s11], [sflag:$0x3], $0x80, $0x38;
	[tilespmem:$0x14080] =	vst v63  }
0x5a3: {  	s25 =	sadd.s32 $0x10, s20;
	s21 =	sadd.s32 $0x11000, s18;
	s11 =	sshra.s32 s22, $0x2  }
0x5a4: {  	[hbm4b:s25+s1] =	stream.linear.scatter [tilespmem:s23], [sflag:$0x3], $0x80, $0x38;
	[tilespmem:$0x14080] =	vst v63  }
0x5a5: {  	s26 =	sadd.s32 $0x20, s20;
	s25 =	sadd.s32 $0x4000, s22;
	s23 =	sadd.s32 $0x10600, s18  }
0x5a6: {  	[hbm4b:s26+s1] =	stream.linear.scatter [tilespmem:s23], [sflag:$0x3], $0x80, $0x38;
	[tilespmem:$0x14080] =	vst v63  }
0x5a7: {  	p0 =	seq.s32 s22, $0xC000;
	s22 =	sadd.s32 $0x30, s20  }
0x5a8: {  	[hbm4b:s22+s1] =	stream.linear.scatter [tilespmem:s24], [sflag:$0x3], $0x80, $0x38;
	[tilespmem:$0x14080] =	vst v63  }
0x5a9: {  	s23 =	sadd.s32 $0x40, s20;
	s22 =	sadd.s32 $0x10A00, s18  }
0x5aa: {  	[hbm4b:s23+s1] =	stream.linear.scatter [tilespmem:s22], [sflag:$0x3], $0x80, $0x38;
	[tilespmem:$0x14080] =	vst v63  }
.Ltmp9:
0x5ab: {  	s22 =	sadd.s32 $0x10C00, s18;
	s23 =	sadd.s32 $0x50, s20;
	(pc) =	sbr.rel @!p0 .LBB2_22-.Ltmp9, $4  }
0x5ac: {  	[hbm4b:s23+s1] =	stream.linear.scatter [tilespmem:s22], [sflag:$0x3], $0x80, $0x38;
	[tilespmem:$0x14080] =	vst v63  }
0x5ad: {  	s22 =	sadd.s32 $0x10E00, s18;
	s23 =	sadd.s32 $0x60, s20;
	s18 =	smov.u32 s11  }
0x5ae: {  	[hbm4b:s23+s1] =	stream.linear.scatter [tilespmem:s22], [sflag:$0x3], $0x80, $0x38;
	[tilespmem:$0x14080] =	vst v63  }
0x5af: {  	s23 =	sadd.s32 $0x70, s20;
	s20 =	sadd.s32 s3, s0;
	s22 =	smov.u32 s25  }
0x5b0: {  	[hbm4b:s23+s1] =	stream.linear.scatter [tilespmem:s21], [sflag:$0x3], $0x80, $0x38;
	[tilespmem:$0x14080] =	vst v63  }
0x5b1: {  	s0 =	sadd.s32 $0x10200, s18  }
0x5b2: {  	[hbm4b:s20+s1] =	stream.linear.scatter [tilespmem:s0], [sflag:$0x3], $0x80, $0x38;
	[tilespmem:$0x14080] =	vst v63  }
0x5b3: {  	s31 =	sadd.s32 $0x10400, s18;
	s3 =	sadd.s32 $0x10, s20  }
0x5b4: {  	[hbm4b:s3+s1] =	stream.linear.scatter [tilespmem:s31], [sflag:$0x3], $0x80, $0x38;
	[tilespmem:$0x14080] =	vst v63  }
0x5b5: {  	s11 =	sadd.s32 $0x20, s20;
	s3 =	sadd.s32 $0x10600, s18  }
0x5b6: {  	[hbm4b:s11+s1] =	stream.linear.scatter [tilespmem:s3], [sflag:$0x3], $0x80, $0x38;
	[tilespmem:$0x14080] =	vst v63  }
0x5b7: {  	s21 =	sadd.s32 $0x10800, s18;
	s22 =	sadd.s32 $0x30, s20  }
0x5b8: {  	[hbm4b:s22+s1] =	stream.linear.scatter [tilespmem:s21], [sflag:$0x3], $0x80, $0x38;
	[tilespmem:$0x14080] =	vst v63  }
0x5b9: {  	s23 =	sadd.s32 $0x10A00, s18;
	s24 =	sadd.s32 $0x40, s20  }
0x5ba: {  	[hbm4b:s24+s1] =	stream.linear.scatter [tilespmem:s23], [sflag:$0x3], $0x80, $0x38;
	[tilespmem:$0x14080] =	vst v63  }
0x5bb: {  	s25 =	sadd.s32 $0x10C00, s18;
	s26 =	sadd.s32 $0x50, s20  }
0x5bc: {  	[hbm4b:s26+s1] =	stream.linear.scatter [tilespmem:s25], [sflag:$0x3], $0x80, $0x38;
	[tilespmem:$0x14080] =	vst v63  }
0x5bd: {  	s28 =	sadd.s32 $0x10E00, s18;
	s29 =	sadd.s32 $0x60, s20  }
0x5be: {  	[hbm4b:s29+s1] =	stream.linear.scatter [tilespmem:s28], [sflag:$0x3], $0x80, $0x38;
	[tilespmem:$0x14080] =	vst v63  }
0x5bf: {  	s30 =	sadd.s32 $0x11000, s18;
	s31 =	sadd.s32 $0x70, s20  }
0x5c0: {  	[hbm4b:s31+s1] =	stream.linear.scatter [tilespmem:s30], [sflag:$0x3], $0x80, $0x38;
	[tilespmem:$0x14080] =	vst v63  }
0x5c1: {  	p0 =	seq.s32 s19, $0x32  }
.Ltmp10:
0x5c2: {  	_ = 	snop;
	(pc) =	sbr.rel @!p0 .LBB2_5-.Ltmp10, $1  }
0x5c3: {  	_ =	sdelay $0x3  }
0x5c4: {  	_ =	swait.ge [sflag:s16], $0x1000  }
0x5c5: {  	[sflag:s16] =	ssyncset.done $0x0  }
0x5c6: {  	[sflag:s16] =	ssyncadd.s32 $0xFFFFF000  }
0x5c7: {  	_ =	swait.ge [sflag:s16], $0x1000  }
0x5c8: {  	[sflag:s16] =	ssyncset.done $0x0  }
0x5c9: {  	[sflag:s16] =	ssyncadd.s32 $0xFFFFF000  }
0x5ca: {  	_ =	swait.ge [sflag:s16], $0x1000  }
0x5cb: {  	[sflag:s16] =	ssyncset.done $0x0  }
0x5cc: {  	[sflag:s16] =	ssyncadd.s32 $0xFFFFF000  }
0x5cd: {  	_ =	swait.ge [sflag:s16], $0x1000  }
0x5ce: {  	s17 =	sadd.s32 $0x1, s17;
	s0 =	rddreg [dreg:$0x3]  }
0x5cf: {  	p0 =	sne.s32 s17, s0  }
.Ltmp11:
0x5d0: {  	_ = 	snop;
	(pc) =	sbr.rel @p0 .LBB2_1-.Ltmp11, $3  }
0x5d1: {  	_ =	sdelay $0x1  }
0x5d2: {  	[sflag:s16] =	ssyncset.done $0x0  }
0x5d3: {  	[sflag:s16] =	ssyncadd.s32 $0xFFFFF000  }
0x5d4: {  	_ =	sfence.sel $0x180000  }
0x5d5: {  	[bflag:$0x0] =	sbarrier.arrive $0xFFFF  }
0x5d6: {  	_ =	strace $0x90000047  }
0x5d7: {  	s0 =	stileid.u32;
	[bflag:$0x2] =	sbarrier.arrive $0xFFFF  }
0x5d8: {  	p0 =	sne.s32 s0, $0x0;
	s0 =	rddreg [dreg:$0x2]  }
0x5d9: {  	s0 =	sadd.s32 @!p0 $0x100000, s0  }
0x5da: {  	[sflag:s0] =	ssyncadd.tile.s32 @!p0 $0x1;
	_ =	shalt  }
.Lfunc_end2:
_tile_overlayer_lowered:
.L_overlay_start_2:
0x5db: {  	(tag) =	ssettag $0x2  }
0x5dc: {  	s0 =	rddreg [dreg:$0x0];
	s2 =	stileid.u32  }
0x5dd: {  	s1 =	rddreg [dreg:$0x1];
	p0 =	sne.s32 s2, $0x0  }
0x5de: {  	s3 =	rddreg [dreg:$0x2];
	[bflag:$0x3] =	sbarrier.arrive $0xFFFF;
	s2 =	simm.s32 @!p0 $0x1C04  }
0x5df: {  	[timem:s3], [sflag:s2] =	dma.local @!p0 [hbm:s0], s1  }
0x5e0: {  	s0 =	simm.s32 @!p0 $0x4  }
0x5e1: {  	_ =	swait.ge @!p0 [sflag:s0], s1  }
0x5e2: {  	s1 =	ssub.s32 @!p0 $0x0, s1;
	[sflag:s0] =	ssyncset.done @!p0 $0x0  }
0x5e3: {  	[sflag:s0] =	ssyncadd.s32 @!p0 s1  }
0x5e4: {  	[bflag:$0x3] =	sbarrier.arrive $0xFFFF  }
0x5e5: {  	_ =	shalt  }

</sc_bundles>
